<compile_context>
chip_gen: v7x
topology: tpu7x:2x2x1
jax: 0.10.2.dev20260603
libtpu: 0.0.44.dev20260713+nightly
codegen_flags: <defaults>
</compile_context>

<pallas_src>
import functools

import jax
import jax.numpy as jnp
from jax import lax
from jax.experimental import pallas as pl
from jax.experimental.pallas import tpu as pltpu
from jax.experimental.pallas import tpu_sc as plsc

_BINS = 32
_EMBED = 16
_BATCH = 16384
_L = 200
_NUM_EMB = 2 * _BINS + 2

_NUM_CORES = 2
_NUM_SUBCORES = 16
_NUM_WORKERS = _NUM_CORES * _NUM_SUBCORES
_NBHI = _BATCH // 128
_BHI_PER_W = _NBHI // _NUM_WORKERS
_LC = 10
_NCHUNK = _L // _LC


def _sc_body(q_hbm, key_hbm, tab_hbm, out_hbm,
             tab_v, tabr_v, q_v, qrep_v, key_v, idxt_v, st0, st1, sem0, sem1):
    wid = lax.axis_index("s") * _NUM_CORES + lax.axis_index("c")
    iota = lax.iota(jnp.int32, 16)
    sts = (st0, st1)
    sems = (sem0, sem1)

    pltpu.sync_copy(tab_hbm, tab_v)

    def build_rep(r, carry):
        row = tab_v[r, pl.ds(0, 16)]
        for e in range(_EMBED):
            tabr_v[pl.ds((r * 16 + e) * 16, 16)] = jnp.broadcast_to(
                row[e], (16,))
        return carry

    lax.fori_loop(0, _NUM_EMB, build_rep, 0)

    def out_slice(bhi, c):
        return out_hbm.at[pl.ds(c * _LC, _LC), :, pl.ds(bhi * 128, 128)]

    def bhi_body(h, carry):
        bhi = wid * _BHI_PER_W + h
        b0 = bhi * 128
        pltpu.sync_copy(q_hbm.at[pl.ds(b0, 128)], q_v)
        pltpu.sync_copy(key_hbm.at[pl.ds(b0, 128), :], key_v)

        def qrep_body(b16, c1):
            q16 = q_v[pl.ds(b16 * 16, 16)]
            for j in range(16):
                qrep_v[pl.ds((b16 * 16 + j) * 16, 16)] = jnp.broadcast_to(
                    q16[j], (16,))
            return c1

        lax.fori_loop(0, 8, qrep_body, 0)

        @plsc.parallel_loop(0, 128, unroll=2)
        def row_body(r):
            q_spl = qrep_v[pl.ds(r << 4, 16)]
            for g in range(13):
                l0 = min(g * 16, _L - 16)
                kv = key_v[r, pl.ds(l0, 16)]
                d = jnp.clip(kv - q_spl, -_BINS, _BINS)
                lvec = l0 + iota
                addr = (lvec << 7) + ((r + lvec) & 127)
                plsc.store_scatter(idxt_v, [addr], d)

        abase = (_BINS + 1) * 256 + iota

        def chunk_pair(cp, c4):
            for h2 in range(2):
                c = cp * 2 + h2
                l0 = c * _LC

                @pl.when(cp > 0)
                def _wait_prev():
                    pltpu.make_async_copy(
                        sts[h2], out_slice(bhi, c - 2), sems[h2]).wait()

                st = sts[h2]

                @plsc.parallel_loop(0, _LC * 8, unroll=4)
                def unit(u):
                    l = l0 + (u >> 3)
                    b16 = (u & 7) * 16
                    lane_b = b16 + iota
                    idx16 = plsc.load_gather(
                        idxt_v, [(l << 7) + ((lane_b + l) & 127)])
                    a0 = (idx16 << 8) + abase
                    ll = u >> 3
                    for e in range(_EMBED):
                        colv = plsc.load_gather(tabr_v, [a0 + e * 16])
                        st[ll, e, pl.ds(b16, 16)] = colv

                pltpu.async_copy(st, out_slice(bhi, c), sems[h2])
            return c4

        lax.fori_loop(0, _NCHUNK // 2, chunk_pair, 0)
        for h2 in range(2):
            pltpu.make_async_copy(
                sts[h2], out_slice(bhi, _NCHUNK - 2 + h2), sems[h2]).wait()
        return carry

    lax.fori_loop(0, _BHI_PER_W, bhi_body, 0)


@functools.partial(jax.jit, static_argnames=())
def kernel(query_residue_index, key_residue_index, embedding_weight):
    q = query_residue_index.astype(jnp.int32)
    k = key_residue_index.astype(jnp.int32)
    w = embedding_weight.astype(jnp.float32)
    f = pl.kernel(
        _sc_body,
        mesh=plsc.VectorSubcoreMesh(core_axis_name="c", subcore_axis_name="s"),
        compiler_params=pltpu.CompilerParams(
            needs_layout_passes=False, use_tc_tiling_on_sc=True
        ),
        out_type=jax.ShapeDtypeStruct((_L, _EMBED, _BATCH), jnp.float32),
        scratch_types=[
            pltpu.VMEM((_NUM_EMB, _EMBED), jnp.float32),
            pltpu.VMEM((_NUM_EMB * _EMBED * 16,), jnp.float32),
            pltpu.VMEM((128,), jnp.int32),
            pltpu.VMEM((128 * 16,), jnp.int32),
            pltpu.VMEM((128, _L), jnp.int32),
            pltpu.VMEM((128 * _L,), jnp.int32),
            pltpu.VMEM((_LC, _EMBED, 128), jnp.float32),
            pltpu.VMEM((_LC, _EMBED, 128), jnp.float32),
            pltpu.SemaphoreType.DMA,
            pltpu.SemaphoreType.DMA,
        ],
    )
    p = f(q, k, w)
    return p.transpose(2, 0, 1)

# --- scband reference (transcript-rebuilt; emitter-appended) ---
"""Pipeline reference for scband-complex-relative-position-embedding-7241314861530 (READ-ONLY COPY).

The authoritative reference and input builder live on the scoring server;
editing this copy changes nothing except your own understanding.
"""

import jax, jax.numpy as jnp
import numpy as np

BINS = 32
EMBED_DIM = 16
BATCH = 16384
L = 200
NUM_EMB = 2 * BINS + 2
INIT_STD = 0.02


def setup_inputs(seed: int = 0) -> dict:
    key = jax.random.key(seed)
    k1, k2, k3 = jax.random.split(key, 3)
    query_residue_index = jax.random.randint(k1, (BATCH,), 0, 1024)
    key_residue_index = jax.random.randint(k2, (BATCH, L), 0, 1024)
    embedding_weight = jax.random.normal(k3, (NUM_EMB, EMBED_DIM), dtype=jnp.float32) * INIT_STD
    return {
        "query_residue_index": query_residue_index,
        "key_residue_index": key_residue_index,
        "embedding_weight": embedding_weight,
    }


def reference(query_residue_index, key_residue_index, embedding_weight):
    # diff = key - query.unsqueeze(1)
    diff = key_residue_index - query_residue_index[:, None]
    # clamp to [-bins, bins], then shift to [1, 2*bins+1]
    diff = jnp.clip(diff, -BINS, BINS)
    diff = diff + BINS + 1
    # embedding lookup -> (B, L, embedding_dim)
    output = jnp.take(embedding_weight, diff, axis=0)
    return output

if __name__ == "__main__":
    import jax
    _d = setup_inputs()
    print(jax.jit(kernel)(*tuple(_d.values())))

</pallas_src>

<mosaic_0001>
#map = affine_map<(d0, d1) -> (0)>
#map1 = affine_map<(d0, d1) -> (0, 0)>
#map2 = affine_map<(d0, d1) -> (0, 0, 0)>
module attributes {stable_mosaic.version = 14 : i64} {
  func.func @_sc_body(%arg0: i32, %arg1: i32, %arg2: memref<16384xi32, #tpu.memory_space<hbm>>, %arg3: memref<16384x200xi32, #tpu.memory_space<hbm>>, %arg4: memref<66x16xf32, #tpu.memory_space<hbm>>, %arg5: memref<200x16x16384xf32, #tpu.memory_space<hbm>>, %arg6: memref<66x16xf32, #tpu.memory_space<vmem>>, %arg7: memref<16896xf32, #tpu.memory_space<vmem>>, %arg8: memref<128xi32, #tpu.memory_space<vmem>>, %arg9: memref<2048xi32, #tpu.memory_space<vmem>>, %arg10: memref<128x200xi32, #tpu.memory_space<vmem>>, %arg11: memref<25600xi32, #tpu.memory_space<vmem>>, %arg12: memref<10x16x128xf32, #tpu.memory_space<vmem>>, %arg13: memref<10x16x128xf32, #tpu.memory_space<vmem>>, %arg14: memref<!tpu.dma_semaphore, #tpu.memory_space<semaphore_mem>>, %arg15: memref<!tpu.dma_semaphore, #tpu.memory_space<semaphore_mem>>) attributes {dimension_semantics = [#tpu.dimension_semantics<core_parallel>, #tpu.dimension_semantics<subcore_parallel>], iteration_bounds = array<i64: 2, 16>, scalar_prefetch = 0 : i64, scratch_operands = 10 : i64, tpu.core_type = #tpu.core_type<sc_vector_subcore>, window_params = [{transform_indices = #map}, {transform_indices = #map1}, {transform_indices = #map1}, {transform_indices = #map2}]} {
    %mul3A = arith.constant 2 : i32
    %mul3A_0 = arith.muli %arg1, %mul3A : i32
    %add3A = arith.addi %mul3A_0, %arg0 : i32
    %iota3A = tpu.iota {dimensions = array<i32: 0>} : vector<16xi32>
    "tpu.region"() ({
      %run_scoped3A = tpu.sem_alloc : memref<!tpu.dma_semaphore, #tpu.memory_space<semaphore_mem>>
      tpu.enqueue_dma source(%arg4 : memref<66x16xf32, #tpu.memory_space<hbm>>) target(%arg6 : memref<66x16xf32, #tpu.memory_space<vmem>>) target_semaphore(%run_scoped3A : memref<!tpu.dma_semaphore, #tpu.memory_space<semaphore_mem>>)
      tpu.wait_dma2 semaphore(%run_scoped3A : memref<!tpu.dma_semaphore, #tpu.memory_space<semaphore_mem>>) src(%arg4 : memref<66x16xf32, #tpu.memory_space<hbm>>) dst(%arg6 : memref<66x16xf32, #tpu.memory_space<vmem>>)
      tpu.yield
    }) : () -> ()
    %scan3A = arith.constant 0 : i32
    %scan3A_1 = arith.constant 0 : i32
    %scan3A_2 = arith.constant 66 : i32
    %scan3A_3 = arith.addi %scan3A_1, %scan3A_2 : i32
    %scan3A_4 = arith.constant 1 : i32
    scf.for %scan3A_12 = %scan3A_1 to %scan3A_3 step %scan3A_4  : i32 {
      %get3A = arith.index_cast %scan3A_12 : i32 to index
      %get3A_13 = arith.constant 0 : index
      %get3A_14 = tpu.vector_load %arg6[%get3A, %get3A_13] {strides = array<i32>} : memref<66x16xf32, #tpu.memory_space<vmem>>, vector<16xf32>,
      %slice3A = vector.extract_strided_slice %get3A_14 {offsets = [0], sizes = [1], strides = [1]} : vector<16xf32> to vector<1xf32>
      %squeeze3A = vector.extract %slice3A[0] : f32 from vector<1xf32>
      %broadcast_in_dim3A = vector.broadcast %squeeze3A : f32 to vector<16xf32>
      %mul3A_15 = arith.constant 16 : i32
      %mul3A_16 = arith.muli %scan3A_12, %mul3A_15 : i32
      %add3A_17 = arith.constant 0 : i32
      %add3A_18 = arith.addi %mul3A_16, %add3A_17 : i32
      %mul3A_19 = arith.constant 16 : i32
      %mul3A_20 = arith.muli %add3A_18, %mul3A_19 : i32
      %swap3A = arith.index_cast %mul3A_20 : i32 to index
      %swap3A_21 = tpu.vector_load %arg7[%swap3A] {strides = array<i32>} : memref<16896xf32, #tpu.memory_space<vmem>>, vector<16xf32>,
      tpu.vector_store %arg7[%swap3A], %broadcast_in_dim3A {strides = array<i32>} : memref<16896xf32, #tpu.memory_space<vmem>>, vector<16xf32>,
      %slice3A_22 = vector.extract_strided_slice %get3A_14 {offsets = [1], sizes = [1], strides = [1]} : vector<16xf32> to vector<1xf32>
      %squeeze3A_23 = vector.extract %slice3A_22[0] : f32 from vector<1xf32>
      %broadcast_in_dim3A_24 = vector.broadcast %squeeze3A_23 : f32 to vector<16xf32>
      %mul3A_25 = arith.constant 16 : i32
      %mul3A_26 = arith.muli %scan3A_12, %mul3A_25 : i32
      %add3A_27 = arith.constant 1 : i32
      %add3A_28 = arith.addi %mul3A_26, %add3A_27 : i32
      %mul3A_29 = arith.constant 16 : i32
      %mul3A_30 = arith.muli %add3A_28, %mul3A_29 : i32
      %swap3A_31 = arith.index_cast %mul3A_30 : i32 to index
      %swap3A_32 = tpu.vector_load %arg7[%swap3A_31] {strides = array<i32>} : memref<16896xf32, #tpu.memory_space<vmem>>, vector<16xf32>,
      tpu.vector_store %arg7[%swap3A_31], %broadcast_in_dim3A_24 {strides = array<i32>} : memref<16896xf32, #tpu.memory_space<vmem>>, vector<16xf32>,
      %slice3A_33 = vector.extract_strided_slice %get3A_14 {offsets = [2], sizes = [1], strides = [1]} : vector<16xf32> to vector<1xf32>
      %squeeze3A_34 = vector.extract %slice3A_33[0] : f32 from vector<1xf32>
      %broadcast_in_dim3A_35 = vector.broadcast %squeeze3A_34 : f32 to vector<16xf32>
      %mul3A_36 = arith.constant 16 : i32
      %mul3A_37 = arith.muli %scan3A_12, %mul3A_36 : i32
      %add3A_38 = arith.constant 2 : i32
      %add3A_39 = arith.addi %mul3A_37, %add3A_38 : i32
      %mul3A_40 = arith.constant 16 : i32
      %mul3A_41 = arith.muli %add3A_39, %mul3A_40 : i32
      %swap3A_42 = arith.index_cast %mul3A_41 : i32 to index
      %swap3A_43 = tpu.vector_load %arg7[%swap3A_42] {strides = array<i32>} : memref<16896xf32, #tpu.memory_space<vmem>>, vector<16xf32>,
      tpu.vector_store %arg7[%swap3A_42], %broadcast_in_dim3A_35 {strides = array<i32>} : memref<16896xf32, #tpu.memory_space<vmem>>, vector<16xf32>,
      %slice3A_44 = vector.extract_strided_slice %get3A_14 {offsets = [3], sizes = [1], strides = [1]} : vector<16xf32> to vector<1xf32>
      %squeeze3A_45 = vector.extract %slice3A_44[0] : f32 from vector<1xf32>
      %broadcast_in_dim3A_46 = vector.broadcast %squeeze3A_45 : f32 to vector<16xf32>
      %mul3A_47 = arith.constant 16 : i32
      %mul3A_48 = arith.muli %scan3A_12, %mul3A_47 : i32
      %add3A_49 = arith.constant 3 : i32
      %add3A_50 = arith.addi %mul3A_48, %add3A_49 : i32
      %mul3A_51 = arith.constant 16 : i32
      %mul3A_52 = arith.muli %add3A_50, %mul3A_51 : i32
      %swap3A_53 = arith.index_cast %mul3A_52 : i32 to index
      %swap3A_54 = tpu.vector_load %arg7[%swap3A_53] {strides = array<i32>} : memref<16896xf32, #tpu.memory_space<vmem>>, vector<16xf32>,
      tpu.vector_store %arg7[%swap3A_53], %broadcast_in_dim3A_46 {strides = array<i32>} : memref<16896xf32, #tpu.memory_space<vmem>>, vector<16xf32>,
      %slice3A_55 = vector.extract_strided_slice %get3A_14 {offsets = [4], sizes = [1], strides = [1]} : vector<16xf32> to vector<1xf32>
      %squeeze3A_56 = vector.extract %slice3A_55[0] : f32 from vector<1xf32>
      %broadcast_in_dim3A_57 = vector.broadcast %squeeze3A_56 : f32 to vector<16xf32>
      %mul3A_58 = arith.constant 16 : i32
      %mul3A_59 = arith.muli %scan3A_12, %mul3A_58 : i32
      %add3A_60 = arith.constant 4 : i32
      %add3A_61 = arith.addi %mul3A_59, %add3A_60 : i32
      %mul3A_62 = arith.constant 16 : i32
      %mul3A_63 = arith.muli %add3A_61, %mul3A_62 : i32
      %swap3A_64 = arith.index_cast %mul3A_63 : i32 to index
      %swap3A_65 = tpu.vector_load %arg7[%swap3A_64] {strides = array<i32>} : memref<16896xf32, #tpu.memory_space<vmem>>, vector<16xf32>,
      tpu.vector_store %arg7[%swap3A_64], %broadcast_in_dim3A_57 {strides = array<i32>} : memref<16896xf32, #tpu.memory_space<vmem>>, vector<16xf32>,
      %slice3A_66 = vector.extract_strided_slice %get3A_14 {offsets = [5], sizes = [1], strides = [1]} : vector<16xf32> to vector<1xf32>
      %squeeze3A_67 = vector.extract %slice3A_66[0] : f32 from vector<1xf32>
      %broadcast_in_dim3A_68 = vector.broadcast %squeeze3A_67 : f32 to vector<16xf32>
      %mul3A_69 = arith.constant 16 : i32
      %mul3A_70 = arith.muli %scan3A_12, %mul3A_69 : i32
      %add3A_71 = arith.constant 5 : i32
      %add3A_72 = arith.addi %mul3A_70, %add3A_71 : i32
      %mul3A_73 = arith.constant 16 : i32
      %mul3A_74 = arith.muli %add3A_72, %mul3A_73 : i32
      %swap3A_75 = arith.index_cast %mul3A_74 : i32 to index
      %swap3A_76 = tpu.vector_load %arg7[%swap3A_75] {strides = array<i32>} : memref<16896xf32, #tpu.memory_space<vmem>>, vector<16xf32>,
      tpu.vector_store %arg7[%swap3A_75], %broadcast_in_dim3A_68 {strides = array<i32>} : memref<16896xf32, #tpu.memory_space<vmem>>, vector<16xf32>,
      %slice3A_77 = vector.extract_strided_slice %get3A_14 {offsets = [6], sizes = [1], strides = [1]} : vector<16xf32> to vector<1xf32>
      %squeeze3A_78 = vector.extract %slice3A_77[0] : f32 from vector<1xf32>
      %broadcast_in_dim3A_79 = vector.broadcast %squeeze3A_78 : f32 to vector<16xf32>
      %mul3A_80 = arith.constant 16 : i32
      %mul3A_81 = arith.muli %scan3A_12, %mul3A_80 : i32
      %add3A_82 = arith.constant 6 : i32
      %add3A_83 = arith.addi %mul3A_81, %add3A_82 : i32
      %mul3A_84 = arith.constant 16 : i32
      %mul3A_85 = arith.muli %add3A_83, %mul3A_84 : i32
      %swap3A_86 = arith.index_cast %mul3A_85 : i32 to index
      %swap3A_87 = tpu.vector_load %arg7[%swap3A_86] {strides = array<i32>} : memref<16896xf32, #tpu.memory_space<vmem>>, vector<16xf32>,
      tpu.vector_store %arg7[%swap3A_86], %broadcast_in_dim3A_79 {strides = array<i32>} : memref<16896xf32, #tpu.memory_space<vmem>>, vector<16xf32>,
      %slice3A_88 = vector.extract_strided_slice %get3A_14 {offsets = [7], sizes = [1], strides = [1]} : vector<16xf32> to vector<1xf32>
      %squeeze3A_89 = vector.extract %slice3A_88[0] : f32 from vector<1xf32>
      %broadcast_in_dim3A_90 = vector.broadcast %squeeze3A_89 : f32 to vector<16xf32>
      %mul3A_91 = arith.constant 16 : i32
      %mul3A_92 = arith.muli %scan3A_12, %mul3A_91 : i32
      %add3A_93 = arith.constant 7 : i32
      %add3A_94 = arith.addi %mul3A_92, %add3A_93 : i32
      %mul3A_95 = arith.constant 16 : i32
      %mul3A_96 = arith.muli %add3A_94, %mul3A_95 : i32
      %swap3A_97 = arith.index_cast %mul3A_96 : i32 to index
      %swap3A_98 = tpu.vector_load %arg7[%swap3A_97] {strides = array<i32>} : memref<16896xf32, #tpu.memory_space<vmem>>, vector<16xf32>,
      tpu.vector_store %arg7[%swap3A_97], %broadcast_in_dim3A_90 {strides = array<i32>} : memref<16896xf32, #tpu.memory_space<vmem>>, vector<16xf32>,
      %slice3A_99 = vector.extract_strided_slice %get3A_14 {offsets = [8], sizes = [1], strides = [1]} : vector<16xf32> to vector<1xf32>
      %squeeze3A_100 = vector.extract %slice3A_99[0] : f32 from vector<1xf32>
      %broadcast_in_dim3A_101 = vector.broadcast %squeeze3A_100 : f32 to vector<16xf32>
      %mul3A_102 = arith.constant 16 : i32
      %mul3A_103 = arith.muli %scan3A_12, %mul3A_102 : i32
      %add3A_104 = arith.constant 8 : i32
      %add3A_105 = arith.addi %mul3A_103, %add3A_104 : i32
      %mul3A_106 = arith.constant 16 : i32
      %mul3A_107 = arith.muli %add3A_105, %mul3A_106 : i32
      %swap3A_108 = arith.index_cast %mul3A_107 : i32 to index
      %swap3A_109 = tpu.vector_load %arg7[%swap3A_108] {strides = array<i32>} : memref<16896xf32, #tpu.memory_space<vmem>>, vector<16xf32>,
      tpu.vector_store %arg7[%swap3A_108], %broadcast_in_dim3A_101 {strides = array<i32>} : memref<16896xf32, #tpu.memory_space<vmem>>, vector<16xf32>,
      %slice3A_110 = vector.extract_strided_slice %get3A_14 {offsets = [9], sizes = [1], strides = [1]} : vector<16xf32> to vector<1xf32>
      %squeeze3A_111 = vector.extract %slice3A_110[0] : f32 from vector<1xf32>
      %broadcast_in_dim3A_112 = vector.broadcast %squeeze3A_111 : f32 to vector<16xf32>
      %mul3A_113 = arith.constant 16 : i32
      %mul3A_114 = arith.muli %scan3A_12, %mul3A_113 : i32
      %add3A_115 = arith.constant 9 : i32
      %add3A_116 = arith.addi %mul3A_114, %add3A_115 : i32
      %mul3A_117 = arith.constant 16 : i32
      %mul3A_118 = arith.muli %add3A_116, %mul3A_117 : i32
      %swap3A_119 = arith.index_cast %mul3A_118 : i32 to index
      %swap3A_120 = tpu.vector_load %arg7[%swap3A_119] {strides = array<i32>} : memref<16896xf32, #tpu.memory_space<vmem>>, vector<16xf32>,
      tpu.vector_store %arg7[%swap3A_119], %broadcast_in_dim3A_112 {strides = array<i32>} : memref<16896xf32, #tpu.memory_space<vmem>>, vector<16xf32>,
      %slice3A_121 = vector.extract_strided_slice %get3A_14 {offsets = [10], sizes = [1], strides = [1]} : vector<16xf32> to vector<1xf32>
      %squeeze3A_122 = vector.extract %slice3A_121[0] : f32 from vector<1xf32>
      %broadcast_in_dim3A_123 = vector.broadcast %squeeze3A_122 : f32 to vector<16xf32>
      %mul3A_124 = arith.constant 16 : i32
      %mul3A_125 = arith.muli %scan3A_12, %mul3A_124 : i32
      %add3A_126 = arith.constant 10 : i32
      %add3A_127 = arith.addi %mul3A_125, %add3A_126 : i32
      %mul3A_128 = arith.constant 16 : i32
      %mul3A_129 = arith.muli %add3A_127, %mul3A_128 : i32
      %swap3A_130 = arith.index_cast %mul3A_129 : i32 to index
      %swap3A_131 = tpu.vector_load %arg7[%swap3A_130] {strides = array<i32>} : memref<16896xf32, #tpu.memory_space<vmem>>, vector<16xf32>,
      tpu.vector_store %arg7[%swap3A_130], %broadcast_in_dim3A_123 {strides = array<i32>} : memref<16896xf32, #tpu.memory_space<vmem>>, vector<16xf32>,
      %slice3A_132 = vector.extract_strided_slice %get3A_14 {offsets = [11], sizes = [1], strides = [1]} : vector<16xf32> to vector<1xf32>
      %squeeze3A_133 = vector.extract %slice3A_132[0] : f32 from vector<1xf32>
      %broadcast_in_dim3A_134 = vector.broadcast %squeeze3A_133 : f32 to vector<16xf32>
      %mul3A_135 = arith.constant 16 : i32
      %mul3A_136 = arith.muli %scan3A_12, %mul3A_135 : i32
      %add3A_137 = arith.constant 11 : i32
      %add3A_138 = arith.addi %mul3A_136, %add3A_137 : i32
      %mul3A_139 = arith.constant 16 : i32
      %mul3A_140 = arith.muli %add3A_138, %mul3A_139 : i32
      %swap3A_141 = arith.index_cast %mul3A_140 : i32 to index
      %swap3A_142 = tpu.vector_load %arg7[%swap3A_141] {strides = array<i32>} : memref<16896xf32, #tpu.memory_space<vmem>>, vector<16xf32>,
      tpu.vector_store %arg7[%swap3A_141], %broadcast_in_dim3A_134 {strides = array<i32>} : memref<16896xf32, #tpu.memory_space<vmem>>, vector<16xf32>,
      %slice3A_143 = vector.extract_strided_slice %get3A_14 {offsets = [12], sizes = [1], strides = [1]} : vector<16xf32> to vector<1xf32>
      %squeeze3A_144 = vector.extract %slice3A_143[0] : f32 from vector<1xf32>
      %broadcast_in_dim3A_145 = vector.broadcast %squeeze3A_144 : f32 to vector<16xf32>
      %mul3A_146 = arith.constant 16 : i32
      %mul3A_147 = arith.muli %scan3A_12, %mul3A_146 : i32
      %add3A_148 = arith.constant 12 : i32
      %add3A_149 = arith.addi %mul3A_147, %add3A_148 : i32
      %mul3A_150 = arith.constant 16 : i32
      %mul3A_151 = arith.muli %add3A_149, %mul3A_150 : i32
      %swap3A_152 = arith.index_cast %mul3A_151 : i32 to index
      %swap3A_153 = tpu.vector_load %arg7[%swap3A_152] {strides = array<i32>} : memref<16896xf32, #tpu.memory_space<vmem>>, vector<16xf32>,
      tpu.vector_store %arg7[%swap3A_152], %broadcast_in_dim3A_145 {strides = array<i32>} : memref<16896xf32, #tpu.memory_space<vmem>>, vector<16xf32>,
      %slice3A_154 = vector.extract_strided_slice %get3A_14 {offsets = [13], sizes = [1], strides = [1]} : vector<16xf32> to vector<1xf32>
      %squeeze3A_155 = vector.extract %slice3A_154[0] : f32 from vector<1xf32>
      %broadcast_in_dim3A_156 = vector.broadcast %squeeze3A_155 : f32 to vector<16xf32>
      %mul3A_157 = arith.constant 16 : i32
      %mul3A_158 = arith.muli %scan3A_12, %mul3A_157 : i32
      %add3A_159 = arith.constant 13 : i32
      %add3A_160 = arith.addi %mul3A_158, %add3A_159 : i32
      %mul3A_161 = arith.constant 16 : i32
      %mul3A_162 = arith.muli %add3A_160, %mul3A_161 : i32
      %swap3A_163 = arith.index_cast %mul3A_162 : i32 to index
      %swap3A_164 = tpu.vector_load %arg7[%swap3A_163] {strides = array<i32>} : memref<16896xf32, #tpu.memory_space<vmem>>, vector<16xf32>,
      tpu.vector_store %arg7[%swap3A_163], %broadcast_in_dim3A_156 {strides = array<i32>} : memref<16896xf32, #tpu.memory_space<vmem>>, vector<16xf32>,
      %slice3A_165 = vector.extract_strided_slice %get3A_14 {offsets = [14], sizes = [1], strides = [1]} : vector<16xf32> to vector<1xf32>
      %squeeze3A_166 = vector.extract %slice3A_165[0] : f32 from vector<1xf32>
      %broadcast_in_dim3A_167 = vector.broadcast %squeeze3A_166 : f32 to vector<16xf32>
      %mul3A_168 = arith.constant 16 : i32
      %mul3A_169 = arith.muli %scan3A_12, %mul3A_168 : i32
      %add3A_170 = arith.constant 14 : i32
      %add3A_171 = arith.addi %mul3A_169, %add3A_170 : i32
      %mul3A_172 = arith.constant 16 : i32
      %mul3A_173 = arith.muli %add3A_171, %mul3A_172 : i32
      %swap3A_174 = arith.index_cast %mul3A_173 : i32 to index
      %swap3A_175 = tpu.vector_load %arg7[%swap3A_174] {strides = array<i32>} : memref<16896xf32, #tpu.memory_space<vmem>>, vector<16xf32>,
      tpu.vector_store %arg7[%swap3A_174], %broadcast_in_dim3A_167 {strides = array<i32>} : memref<16896xf32, #tpu.memory_space<vmem>>, vector<16xf32>,
      %slice3A_176 = vector.extract_strided_slice %get3A_14 {offsets = [15], sizes = [1], strides = [1]} : vector<16xf32> to vector<1xf32>
      %squeeze3A_177 = vector.extract %slice3A_176[0] : f32 from vector<1xf32>
      %broadcast_in_dim3A_178 = vector.broadcast %squeeze3A_177 : f32 to vector<16xf32>
      %mul3A_179 = arith.constant 16 : i32
      %mul3A_180 = arith.muli %scan3A_12, %mul3A_179 : i32
      %add3A_181 = arith.constant 15 : i32
      %add3A_182 = arith.addi %mul3A_180, %add3A_181 : i32
      %mul3A_183 = arith.constant 16 : i32
      %mul3A_184 = arith.muli %add3A_182, %mul3A_183 : i32
      %swap3A_185 = arith.index_cast %mul3A_184 : i32 to index
      %swap3A_186 = tpu.vector_load %arg7[%swap3A_185] {strides = array<i32>} : memref<16896xf32, #tpu.memory_space<vmem>>, vector<16xf32>,
      tpu.vector_store %arg7[%swap3A_185], %broadcast_in_dim3A_178 {strides = array<i32>} : memref<16896xf32, #tpu.memory_space<vmem>>, vector<16xf32>,
    }
    %scan3A_5 = arith.constant 66 : i32
    %scan3A_6 = arith.constant 0 : i32
    %scan3A_7 = arith.constant 0 : i32
    %scan3A_8 = arith.constant 4 : i32
    %scan3A_9 = arith.addi %scan3A_7, %scan3A_8 : i32
    %scan3A_10 = arith.constant 1 : i32
    scf.for %scan3A_12 = %scan3A_7 to %scan3A_9 step %scan3A_10  : i32 {
      %mul3A_13 = arith.constant 4 : i32
      %mul3A_14 = arith.muli %add3A, %mul3A_13 : i32
      %add3A_15 = arith.addi %mul3A_14, %scan3A_12 : i32
      %mul3A_16 = arith.constant 128 : i32
      %mul3A_17 = arith.muli %add3A_15, %mul3A_16 : i32
      "tpu.region"() ({
        %run_scoped3A = tpu.sem_alloc : memref<!tpu.dma_semaphore, #tpu.memory_space<semaphore_mem>>
        %dma_start3A = tpu.memref_slice %arg2[%mul3A_17] : memref<16384xi32, #tpu.memory_space<hbm>> -> memref<128xi32, #tpu.memory_space<hbm>>
        %dma_start3A_50 = tpu.memref_slice %arg2[%mul3A_17] : memref<16384xi32, #tpu.memory_space<hbm>> -> memref<128xi32, #tpu.memory_space<hbm>>
        tpu.enqueue_dma source(%dma_start3A_50 : memref<128xi32, #tpu.memory_space<hbm>>) target(%arg8 : memref<128xi32, #tpu.memory_space<vmem>>) target_semaphore(%run_scoped3A : memref<!tpu.dma_semaphore, #tpu.memory_space<semaphore_mem>>)
        %dma_wait3A_51 = tpu.memref_slice %arg2[%mul3A_17] : memref<16384xi32, #tpu.memory_space<hbm>> -> memref<128xi32, #tpu.memory_space<hbm>>
        %dma_wait3A_52 = tpu.memref_slice %arg2[%mul3A_17] : memref<16384xi32, #tpu.memory_space<hbm>> -> memref<128xi32, #tpu.memory_space<hbm>>
        tpu.wait_dma2 semaphore(%run_scoped3A : memref<!tpu.dma_semaphore, #tpu.memory_space<semaphore_mem>>) src(%dma_wait3A_52 : memref<128xi32, #tpu.memory_space<hbm>>) dst(%arg8 : memref<128xi32, #tpu.memory_space<vmem>>)
        tpu.yield
      }) : () -> ()
      "tpu.region"() ({
        %run_scoped3A = tpu.sem_alloc : memref<!tpu.dma_semaphore, #tpu.memory_space<semaphore_mem>>
        %dma_start3A = arith.constant 0 : i32
        %dma_start3A_50 = tpu.memref_slice %arg3[%mul3A_17, %dma_start3A] : memref<16384x200xi32, #tpu.memory_space<hbm>> -> memref<128x200xi32, #tpu.memory_space<hbm>>
        %dma_start3A_51 = arith.constant 0 : i32
        %dma_start3A_52 = tpu.memref_slice %arg3[%mul3A_17, %dma_start3A_51] : memref<16384x200xi32, #tpu.memory_space<hbm>> -> memref<128x200xi32, #tpu.memory_space<hbm>>
        tpu.enqueue_dma source(%dma_start3A_52 : memref<128x200xi32, #tpu.memory_space<hbm>>) target(%arg10 : memref<128x200xi32, #tpu.memory_space<vmem>>) target_semaphore(%run_scoped3A : memref<!tpu.dma_semaphore, #tpu.memory_space<semaphore_mem>>)
        %dma_wait3A_53 = arith.constant 0 : i32
        %dma_wait3A_54 = tpu.memref_slice %arg3[%mul3A_17, %dma_wait3A_53] : memref<16384x200xi32, #tpu.memory_space<hbm>> -> memref<128x200xi32, #tpu.memory_space<hbm>>
        %dma_wait3A_55 = arith.constant 0 : i32
        %dma_wait3A_56 = tpu.memref_slice %arg3[%mul3A_17, %dma_wait3A_55] : memref<16384x200xi32, #tpu.memory_space<hbm>> -> memref<128x200xi32, #tpu.memory_space<hbm>>
        tpu.wait_dma2 semaphore(%run_scoped3A : memref<!tpu.dma_semaphore, #tpu.memory_space<semaphore_mem>>) src(%dma_wait3A_56 : memref<128x200xi32, #tpu.memory_space<hbm>>) dst(%arg10 : memref<128x200xi32, #tpu.memory_space<vmem>>)
        tpu.yield
      }) : () -> ()
      %scan3A_18 = arith.constant 0 : i32
      %scan3A_19 = arith.constant 0 : i32
      %scan3A_20 = arith.constant 8 : i32
      %scan3A_21 = arith.addi %scan3A_19, %scan3A_20 : i32
      %scan3A_22 = arith.constant 1 : i32
      scf.for %scan3A_50 = %scan3A_19 to %scan3A_21 step %scan3A_22  : i32 {
        %mul3A_51 = arith.constant 16 : i32
        %mul3A_52 = arith.muli %scan3A_50, %mul3A_51 : i32
        %get3A = arith.index_cast %mul3A_52 : i32 to index
        %get3A_53 = tpu.vector_load %arg8[%get3A] {strides = array<i32>} : memref<128xi32, #tpu.memory_space<vmem>>, vector<16xi32>,
        %slice3A = vector.extract_strided_slice %get3A_53 {offsets = [0], sizes = [1], strides = [1]} : vector<16xi32> to vector<1xi32>
        %squeeze3A = vector.extract %slice3A[0] : i32 from vector<1xi32>
        %broadcast_in_dim3A = vector.broadcast %squeeze3A : i32 to vector<16xi32>
        %mul3A_54 = arith.constant 16 : i32
        %mul3A_55 = arith.muli %scan3A_50, %mul3A_54 : i32
        %add3A_56 = arith.constant 0 : i32
        %add3A_57 = arith.addi %mul3A_55, %add3A_56 : i32
        %mul3A_58 = arith.constant 16 : i32
        %mul3A_59 = arith.muli %add3A_57, %mul3A_58 : i32
        %swap3A = arith.index_cast %mul3A_59 : i32 to index
        %swap3A_60 = tpu.vector_load %arg9[%swap3A] {strides = array<i32>} : memref<2048xi32, #tpu.memory_space<vmem>>, vector<16xi32>,
        tpu.vector_store %arg9[%swap3A], %broadcast_in_dim3A {strides = array<i32>} : memref<2048xi32, #tpu.memory_space<vmem>>, vector<16xi32>,
        %slice3A_61 = vector.extract_strided_slice %get3A_53 {offsets = [1], sizes = [1], strides = [1]} : vector<16xi32> to vector<1xi32>
        %squeeze3A_62 = vector.extract %slice3A_61[0] : i32 from vector<1xi32>
        %broadcast_in_dim3A_63 = vector.broadcast %squeeze3A_62 : i32 to vector<16xi32>
        %mul3A_64 = arith.constant 16 : i32
        %mul3A_65 = arith.muli %scan3A_50, %mul3A_64 : i32
        %add3A_66 = arith.constant 1 : i32
        %add3A_67 = arith.addi %mul3A_65, %add3A_66 : i32
        %mul3A_68 = arith.constant 16 : i32
        %mul3A_69 = arith.muli %add3A_67, %mul3A_68 : i32
        %swap3A_70 = arith.index_cast %mul3A_69 : i32 to index
        %swap3A_71 = tpu.vector_load %arg9[%swap3A_70] {strides = array<i32>} : memref<2048xi32, #tpu.memory_space<vmem>>, vector<16xi32>,
        tpu.vector_store %arg9[%swap3A_70], %broadcast_in_dim3A_63 {strides = array<i32>} : memref<2048xi32, #tpu.memory_space<vmem>>, vector<16xi32>,
        %slice3A_72 = vector.extract_strided_slice %get3A_53 {offsets = [2], sizes = [1], strides = [1]} : vector<16xi32> to vector<1xi32>
        %squeeze3A_73 = vector.extract %slice3A_72[0] : i32 from vector<1xi32>
        %broadcast_in_dim3A_74 = vector.broadcast %squeeze3A_73 : i32 to vector<16xi32>
        %mul3A_75 = arith.constant 16 : i32
        %mul3A_76 = arith.muli %scan3A_50, %mul3A_75 : i32
        %add3A_77 = arith.constant 2 : i32
        %add3A_78 = arith.addi %mul3A_76, %add3A_77 : i32
        %mul3A_79 = arith.constant 16 : i32
        %mul3A_80 = arith.muli %add3A_78, %mul3A_79 : i32
        %swap3A_81 = arith.index_cast %mul3A_80 : i32 to index
        %swap3A_82 = tpu.vector_load %arg9[%swap3A_81] {strides = array<i32>} : memref<2048xi32, #tpu.memory_space<vmem>>, vector<16xi32>,
        tpu.vector_store %arg9[%swap3A_81], %broadcast_in_dim3A_74 {strides = array<i32>} : memref<2048xi32, #tpu.memory_space<vmem>>, vector<16xi32>,
        %slice3A_83 = vector.extract_strided_slice %get3A_53 {offsets = [3], sizes = [1], strides = [1]} : vector<16xi32> to vector<1xi32>
        %squeeze3A_84 = vector.extract %slice3A_83[0] : i32 from vector<1xi32>
        %broadcast_in_dim3A_85 = vector.broadcast %squeeze3A_84 : i32 to vector<16xi32>
        %mul3A_86 = arith.constant 16 : i32
        %mul3A_87 = arith.muli %scan3A_50, %mul3A_86 : i32
        %add3A_88 = arith.constant 3 : i32
        %add3A_89 = arith.addi %mul3A_87, %add3A_88 : i32
        %mul3A_90 = arith.constant 16 : i32
        %mul3A_91 = arith.muli %add3A_89, %mul3A_90 : i32
        %swap3A_92 = arith.index_cast %mul3A_91 : i32 to index
        %swap3A_93 = tpu.vector_load %arg9[%swap3A_92] {strides = array<i32>} : memref<2048xi32, #tpu.memory_space<vmem>>, vector<16xi32>,
        tpu.vector_store %arg9[%swap3A_92], %broadcast_in_dim3A_85 {strides = array<i32>} : memref<2048xi32, #tpu.memory_space<vmem>>, vector<16xi32>,
        %slice3A_94 = vector.extract_strided_slice %get3A_53 {offsets = [4], sizes = [1], strides = [1]} : vector<16xi32> to vector<1xi32>
        %squeeze3A_95 = vector.extract %slice3A_94[0] : i32 from vector<1xi32>
        %broadcast_in_dim3A_96 = vector.broadcast %squeeze3A_95 : i32 to vector<16xi32>
        %mul3A_97 = arith.constant 16 : i32
        %mul3A_98 = arith.muli %scan3A_50, %mul3A_97 : i32
        %add3A_99 = arith.constant 4 : i32
        %add3A_100 = arith.addi %mul3A_98, %add3A_99 : i32
        %mul3A_101 = arith.constant 16 : i32
        %mul3A_102 = arith.muli %add3A_100, %mul3A_101 : i32
        %swap3A_103 = arith.index_cast %mul3A_102 : i32 to index
        %swap3A_104 = tpu.vector_load %arg9[%swap3A_103] {strides = array<i32>} : memref<2048xi32, #tpu.memory_space<vmem>>, vector<16xi32>,
        tpu.vector_store %arg9[%swap3A_103], %broadcast_in_dim3A_96 {strides = array<i32>} : memref<2048xi32, #tpu.memory_space<vmem>>, vector<16xi32>,
        %slice3A_105 = vector.extract_strided_slice %get3A_53 {offsets = [5], sizes = [1], strides = [1]} : vector<16xi32> to vector<1xi32>
        %squeeze3A_106 = vector.extract %slice3A_105[0] : i32 from vector<1xi32>
        %broadcast_in_dim3A_107 = vector.broadcast %squeeze3A_106 : i32 to vector<16xi32>
        %mul3A_108 = arith.constant 16 : i32
        %mul3A_109 = arith.muli %scan3A_50, %mul3A_108 : i32
        %add3A_110 = arith.constant 5 : i32
        %add3A_111 = arith.addi %mul3A_109, %add3A_110 : i32
        %mul3A_112 = arith.constant 16 : i32
        %mul3A_113 = arith.muli %add3A_111, %mul3A_112 : i32
        %swap3A_114 = arith.index_cast %mul3A_113 : i32 to index
        %swap3A_115 = tpu.vector_load %arg9[%swap3A_114] {strides = array<i32>} : memref<2048xi32, #tpu.memory_space<vmem>>, vector<16xi32>,
        tpu.vector_store %arg9[%swap3A_114], %broadcast_in_dim3A_107 {strides = array<i32>} : memref<2048xi32, #tpu.memory_space<vmem>>, vector<16xi32>,
        %slice3A_116 = vector.extract_strided_slice %get3A_53 {offsets = [6], sizes = [1], strides = [1]} : vector<16xi32> to vector<1xi32>
        %squeeze3A_117 = vector.extract %slice3A_116[0] : i32 from vector<1xi32>
        %broadcast_in_dim3A_118 = vector.broadcast %squeeze3A_117 : i32 to vector<16xi32>
        %mul3A_119 = arith.constant 16 : i32
        %mul3A_120 = arith.muli %scan3A_50, %mul3A_119 : i32
        %add3A_121 = arith.constant 6 : i32
        %add3A_122 = arith.addi %mul3A_120, %add3A_121 : i32
        %mul3A_123 = arith.constant 16 : i32
        %mul3A_124 = arith.muli %add3A_122, %mul3A_123 : i32
        %swap3A_125 = arith.index_cast %mul3A_124 : i32 to index
        %swap3A_126 = tpu.vector_load %arg9[%swap3A_125] {strides = array<i32>} : memref<2048xi32, #tpu.memory_space<vmem>>, vector<16xi32>,
        tpu.vector_store %arg9[%swap3A_125], %broadcast_in_dim3A_118 {strides = array<i32>} : memref<2048xi32, #tpu.memory_space<vmem>>, vector<16xi32>,
        %slice3A_127 = vector.extract_strided_slice %get3A_53 {offsets = [7], sizes = [1], strides = [1]} : vector<16xi32> to vector<1xi32>
        %squeeze3A_128 = vector.extract %slice3A_127[0] : i32 from vector<1xi32>
        %broadcast_in_dim3A_129 = vector.broadcast %squeeze3A_128 : i32 to vector<16xi32>
        %mul3A_130 = arith.constant 16 : i32
        %mul3A_131 = arith.muli %scan3A_50, %mul3A_130 : i32
        %add3A_132 = arith.constant 7 : i32
        %add3A_133 = arith.addi %mul3A_131, %add3A_132 : i32
        %mul3A_134 = arith.constant 16 : i32
        %mul3A_135 = arith.muli %add3A_133, %mul3A_134 : i32
        %swap3A_136 = arith.index_cast %mul3A_135 : i32 to index
        %swap3A_137 = tpu.vector_load %arg9[%swap3A_136] {strides = array<i32>} : memref<2048xi32, #tpu.memory_space<vmem>>, vector<16xi32>,
        tpu.vector_store %arg9[%swap3A_136], %broadcast_in_dim3A_129 {strides = array<i32>} : memref<2048xi32, #tpu.memory_space<vmem>>, vector<16xi32>,
        %slice3A_138 = vector.extract_strided_slice %get3A_53 {offsets = [8], sizes = [1], strides = [1]} : vector<16xi32> to vector<1xi32>
        %squeeze3A_139 = vector.extract %slice3A_138[0] : i32 from vector<1xi32>
        %broadcast_in_dim3A_140 = vector.broadcast %squeeze3A_139 : i32 to vector<16xi32>
        %mul3A_141 = arith.constant 16 : i32
        %mul3A_142 = arith.muli %scan3A_50, %mul3A_141 : i32
        %add3A_143 = arith.constant 8 : i32
        %add3A_144 = arith.addi %mul3A_142, %add3A_143 : i32
        %mul3A_145 = arith.constant 16 : i32
        %mul3A_146 = arith.muli %add3A_144, %mul3A_145 : i32
        %swap3A_147 = arith.index_cast %mul3A_146 : i32 to index
        %swap3A_148 = tpu.vector_load %arg9[%swap3A_147] {strides = array<i32>} : memref<2048xi32, #tpu.memory_space<vmem>>, vector<16xi32>,
        tpu.vector_store %arg9[%swap3A_147], %broadcast_in_dim3A_140 {strides = array<i32>} : memref<2048xi32, #tpu.memory_space<vmem>>, vector<16xi32>,
        %slice3A_149 = vector.extract_strided_slice %get3A_53 {offsets = [9], sizes = [1], strides = [1]} : vector<16xi32> to vector<1xi32>
        %squeeze3A_150 = vector.extract %slice3A_149[0] : i32 from vector<1xi32>
        %broadcast_in_dim3A_151 = vector.broadcast %squeeze3A_150 : i32 to vector<16xi32>
        %mul3A_152 = arith.constant 16 : i32
        %mul3A_153 = arith.muli %scan3A_50, %mul3A_152 : i32
        %add3A_154 = arith.constant 9 : i32
        %add3A_155 = arith.addi %mul3A_153, %add3A_154 : i32
        %mul3A_156 = arith.constant 16 : i32
        %mul3A_157 = arith.muli %add3A_155, %mul3A_156 : i32
        %swap3A_158 = arith.index_cast %mul3A_157 : i32 to index
        %swap3A_159 = tpu.vector_load %arg9[%swap3A_158] {strides = array<i32>} : memref<2048xi32, #tpu.memory_space<vmem>>, vector<16xi32>,
        tpu.vector_store %arg9[%swap3A_158], %broadcast_in_dim3A_151 {strides = array<i32>} : memref<2048xi32, #tpu.memory_space<vmem>>, vector<16xi32>,
        %slice3A_160 = vector.extract_strided_slice %get3A_53 {offsets = [10], sizes = [1], strides = [1]} : vector<16xi32> to vector<1xi32>
        %squeeze3A_161 = vector.extract %slice3A_160[0] : i32 from vector<1xi32>
        %broadcast_in_dim3A_162 = vector.broadcast %squeeze3A_161 : i32 to vector<16xi32>
        %mul3A_163 = arith.constant 16 : i32
        %mul3A_164 = arith.muli %scan3A_50, %mul3A_163 : i32
        %add3A_165 = arith.constant 10 : i32
        %add3A_166 = arith.addi %mul3A_164, %add3A_165 : i32
        %mul3A_167 = arith.constant 16 : i32
        %mul3A_168 = arith.muli %add3A_166, %mul3A_167 : i32
        %swap3A_169 = arith.index_cast %mul3A_168 : i32 to index
        %swap3A_170 = tpu.vector_load %arg9[%swap3A_169] {strides = array<i32>} : memref<2048xi32, #tpu.memory_space<vmem>>, vector<16xi32>,
        tpu.vector_store %arg9[%swap3A_169], %broadcast_in_dim3A_162 {strides = array<i32>} : memref<2048xi32, #tpu.memory_space<vmem>>, vector<16xi32>,
        %slice3A_171 = vector.extract_strided_slice %get3A_53 {offsets = [11], sizes = [1], strides = [1]} : vector<16xi32> to vector<1xi32>
        %squeeze3A_172 = vector.extract %slice3A_171[0] : i32 from vector<1xi32>
        %broadcast_in_dim3A_173 = vector.broadcast %squeeze3A_172 : i32 to vector<16xi32>
        %mul3A_174 = arith.constant 16 : i32
        %mul3A_175 = arith.muli %scan3A_50, %mul3A_174 : i32
        %add3A_176 = arith.constant 11 : i32
        %add3A_177 = arith.addi %mul3A_175, %add3A_176 : i32
        %mul3A_178 = arith.constant 16 : i32
        %mul3A_179 = arith.muli %add3A_177, %mul3A_178 : i32
        %swap3A_180 = arith.index_cast %mul3A_179 : i32 to index
        %swap3A_181 = tpu.vector_load %arg9[%swap3A_180] {strides = array<i32>} : memref<2048xi32, #tpu.memory_space<vmem>>, vector<16xi32>,
        tpu.vector_store %arg9[%swap3A_180], %broadcast_in_dim3A_173 {strides = array<i32>} : memref<2048xi32, #tpu.memory_space<vmem>>, vector<16xi32>,
        %slice3A_182 = vector.extract_strided_slice %get3A_53 {offsets = [12], sizes = [1], strides = [1]} : vector<16xi32> to vector<1xi32>
        %squeeze3A_183 = vector.extract %slice3A_182[0] : i32 from vector<1xi32>
        %broadcast_in_dim3A_184 = vector.broadcast %squeeze3A_183 : i32 to vector<16xi32>
        %mul3A_185 = arith.constant 16 : i32
        %mul3A_186 = arith.muli %scan3A_50, %mul3A_185 : i32
        %add3A_187 = arith.constant 12 : i32
        %add3A_188 = arith.addi %mul3A_186, %add3A_187 : i32
        %mul3A_189 = arith.constant 16 : i32
        %mul3A_190 = arith.muli %add3A_188, %mul3A_189 : i32
        %swap3A_191 = arith.index_cast %mul3A_190 : i32 to index
        %swap3A_192 = tpu.vector_load %arg9[%swap3A_191] {strides = array<i32>} : memref<2048xi32, #tpu.memory_space<vmem>>, vector<16xi32>,
        tpu.vector_store %arg9[%swap3A_191], %broadcast_in_dim3A_184 {strides = array<i32>} : memref<2048xi32, #tpu.memory_space<vmem>>, vector<16xi32>,
        %slice3A_193 = vector.extract_strided_slice %get3A_53 {offsets = [13], sizes = [1], strides = [1]} : vector<16xi32> to vector<1xi32>
        %squeeze3A_194 = vector.extract %slice3A_193[0] : i32 from vector<1xi32>
        %broadcast_in_dim3A_195 = vector.broadcast %squeeze3A_194 : i32 to vector<16xi32>
        %mul3A_196 = arith.constant 16 : i32
        %mul3A_197 = arith.muli %scan3A_50, %mul3A_196 : i32
        %add3A_198 = arith.constant 13 : i32
        %add3A_199 = arith.addi %mul3A_197, %add3A_198 : i32
        %mul3A_200 = arith.constant 16 : i32
        %mul3A_201 = arith.muli %add3A_199, %mul3A_200 : i32
        %swap3A_202 = arith.index_cast %mul3A_201 : i32 to index
        %swap3A_203 = tpu.vector_load %arg9[%swap3A_202] {strides = array<i32>} : memref<2048xi32, #tpu.memory_space<vmem>>, vector<16xi32>,
        tpu.vector_store %arg9[%swap3A_202], %broadcast_in_dim3A_195 {strides = array<i32>} : memref<2048xi32, #tpu.memory_space<vmem>>, vector<16xi32>,
        %slice3A_204 = vector.extract_strided_slice %get3A_53 {offsets = [14], sizes = [1], strides = [1]} : vector<16xi32> to vector<1xi32>
        %squeeze3A_205 = vector.extract %slice3A_204[0] : i32 from vector<1xi32>
        %broadcast_in_dim3A_206 = vector.broadcast %squeeze3A_205 : i32 to vector<16xi32>
        %mul3A_207 = arith.constant 16 : i32
        %mul3A_208 = arith.muli %scan3A_50, %mul3A_207 : i32
        %add3A_209 = arith.constant 14 : i32
        %add3A_210 = arith.addi %mul3A_208, %add3A_209 : i32
        %mul3A_211 = arith.constant 16 : i32
        %mul3A_212 = arith.muli %add3A_210, %mul3A_211 : i32
        %swap3A_213 = arith.index_cast %mul3A_212 : i32 to index
        %swap3A_214 = tpu.vector_load %arg9[%swap3A_213] {strides = array<i32>} : memref<2048xi32, #tpu.memory_space<vmem>>, vector<16xi32>,
        tpu.vector_store %arg9[%swap3A_213], %broadcast_in_dim3A_206 {strides = array<i32>} : memref<2048xi32, #tpu.memory_space<vmem>>, vector<16xi32>,
        %slice3A_215 = vector.extract_strided_slice %get3A_53 {offsets = [15], sizes = [1], strides = [1]} : vector<16xi32> to vector<1xi32>
        %squeeze3A_216 = vector.extract %slice3A_215[0] : i32 from vector<1xi32>
        %broadcast_in_dim3A_217 = vector.broadcast %squeeze3A_216 : i32 to vector<16xi32>
        %mul3A_218 = arith.constant 16 : i32
        %mul3A_219 = arith.muli %scan3A_50, %mul3A_218 : i32
        %add3A_220 = arith.constant 15 : i32
        %add3A_221 = arith.addi %mul3A_219, %add3A_220 : i32
        %mul3A_222 = arith.constant 16 : i32
        %mul3A_223 = arith.muli %add3A_221, %mul3A_222 : i32
        %swap3A_224 = arith.index_cast %mul3A_223 : i32 to index
        %swap3A_225 = tpu.vector_load %arg9[%swap3A_224] {strides = array<i32>} : memref<2048xi32, #tpu.memory_space<vmem>>, vector<16xi32>,
        tpu.vector_store %arg9[%swap3A_224], %broadcast_in_dim3A_217 {strides = array<i32>} : memref<2048xi32, #tpu.memory_space<vmem>>, vector<16xi32>,
      }
      %scan3A_23 = arith.constant 8 : i32
      %parallel_loop3A = arith.constant 0 : i32
      %parallel_loop3A_24 = arith.constant 128 : i32
      %parallel_loop3A_25 = arith.constant 1 : i32
      scf.for %parallel_loop3A_50 = %parallel_loop3A to %parallel_loop3A_24 step %parallel_loop3A_25  : i32 {
        %parallel_loop3A_51 = arith.constant 4 : i32
        %parallel_loop3A_52 = arith.shli %parallel_loop3A_50, %parallel_loop3A_51 : i32
        %parallel_loop3A_53 = arith.index_cast %parallel_loop3A_52 : i32 to index
        %parallel_loop3A_54 = tpu.vector_load %arg9[%parallel_loop3A_53] {strides = array<i32>} : memref<2048xi32, #tpu.memory_space<vmem>>, vector<16xi32>,
        %parallel_loop3A_55 = arith.index_cast %parallel_loop3A_50 : i32 to index
        %parallel_loop3A_56 = arith.constant 0 : index
        %parallel_loop3A_57 = tpu.vector_load %arg10[%parallel_loop3A_55, %parallel_loop3A_56] {strides = array<i32>} : memref<128x200xi32, #tpu.memory_space<vmem>>, vector<16xi32>,
        %parallel_loop3A_58 = arith.subi %parallel_loop3A_57, %parallel_loop3A_54 : vector<16xi32>
        %parallel_loop3A_59 = arith.constant -32 : i32
        %parallel_loop3A_60 = arith.constant 32 : i32
        %parallel_loop3A_61 = vector.broadcast %parallel_loop3A_59 : i32 to vector<16xi32>
        %parallel_loop3A_62 = arith.maxsi %parallel_loop3A_61, %parallel_loop3A_58 : vector<16xi32>
        %parallel_loop3A_63 = vector.broadcast %parallel_loop3A_60 : i32 to vector<16xi32>
        %parallel_loop3A_64 = arith.minsi %parallel_loop3A_63, %parallel_loop3A_62 : vector<16xi32>
        %parallel_loop3A_65 = arith.constant 0 : i32
        %parallel_loop3A_66 = vector.broadcast %parallel_loop3A_65 : i32 to vector<16xi32>
        %parallel_loop3A_67 = arith.addi %parallel_loop3A_66, %iota3A : vector<16xi32>
        %parallel_loop3A_68 = arith.constant 7 : i32
        %parallel_loop3A_69 = vector.broadcast %parallel_loop3A_68 : i32 to vector<16xi32>
        %parallel_loop3A_70 = arith.shli %parallel_loop3A_67, %parallel_loop3A_69 : vector<16xi32>
        %parallel_loop3A_71 = vector.broadcast %parallel_loop3A_50 : i32 to vector<16xi32>
        %parallel_loop3A_72 = arith.addi %parallel_loop3A_71, %parallel_loop3A_67 : vector<16xi32>
        %parallel_loop3A_73 = arith.constant 127 : i32
        %parallel_loop3A_74 = vector.broadcast %parallel_loop3A_73 : i32 to vector<16xi32>
        %parallel_loop3A_75 = arith.andi %parallel_loop3A_72, %parallel_loop3A_74 : vector<16xi32>
        %parallel_loop3A_76 = arith.addi %parallel_loop3A_70, %parallel_loop3A_75 : vector<16xi32>
        tpu.vector_store_idx %arg11[%parallel_loop3A_76], %parallel_loop3A_64 : memref<25600xi32, #tpu.memory_space<vmem>>[vector<16xi32>], vector<16xi32>,
        %parallel_loop3A_77 = arith.index_cast %parallel_loop3A_50 : i32 to index
        %parallel_loop3A_78 = arith.constant 16 : index
        %parallel_loop3A_79 = tpu.vector_load %arg10[%parallel_loop3A_77, %parallel_loop3A_78] {strides = array<i32>} : memref<128x200xi32, #tpu.memory_space<vmem>>, vector<16xi32>,
        %parallel_loop3A_80 = arith.subi %parallel_loop3A_79, %parallel_loop3A_54 : vector<16xi32>
        %parallel_loop3A_81 = arith.constant -32 : i32
        %parallel_loop3A_82 = arith.constant 32 : i32
        %parallel_loop3A_83 = vector.broadcast %parallel_loop3A_81 : i32 to vector<16xi32>
        %parallel_loop3A_84 = arith.maxsi %parallel_loop3A_83, %parallel_loop3A_80 : vector<16xi32>
        %parallel_loop3A_85 = vector.broadcast %parallel_loop3A_82 : i32 to vector<16xi32>
        %parallel_loop3A_86 = arith.minsi %parallel_loop3A_85, %parallel_loop3A_84 : vector<16xi32>
        %parallel_loop3A_87 = arith.constant 16 : i32
        %parallel_loop3A_88 = vector.broadcast %parallel_loop3A_87 : i32 to vector<16xi32>
        %parallel_loop3A_89 = arith.addi %parallel_loop3A_88, %iota3A : vector<16xi32>
        %parallel_loop3A_90 = arith.constant 7 : i32
        %parallel_loop3A_91 = vector.broadcast %parallel_loop3A_90 : i32 to vector<16xi32>
        %parallel_loop3A_92 = arith.shli %parallel_loop3A_89, %parallel_loop3A_91 : vector<16xi32>
        %parallel_loop3A_93 = vector.broadcast %parallel_loop3A_50 : i32 to vector<16xi32>
        %parallel_loop3A_94 = arith.addi %parallel_loop3A_93, %parallel_loop3A_89 : vector<16xi32>
        %parallel_loop3A_95 = arith.constant 127 : i32
        %parallel_loop3A_96 = vector.broadcast %parallel_loop3A_95 : i32 to vector<16xi32>
        %parallel_loop3A_97 = arith.andi %parallel_loop3A_94, %parallel_loop3A_96 : vector<16xi32>
        %parallel_loop3A_98 = arith.addi %parallel_loop3A_92, %parallel_loop3A_97 : vector<16xi32>
        tpu.vector_store_idx %arg11[%parallel_loop3A_98], %parallel_loop3A_86 : memref<25600xi32, #tpu.memory_space<vmem>>[vector<16xi32>], vector<16xi32>,
        %parallel_loop3A_99 = arith.index_cast %parallel_loop3A_50 : i32 to index
        %parallel_loop3A_100 = arith.constant 32 : index
        %parallel_loop3A_101 = tpu.vector_load %arg10[%parallel_loop3A_99, %parallel_loop3A_100] {strides = array<i32>} : memref<128x200xi32, #tpu.memory_space<vmem>>, vector<16xi32>,
        %parallel_loop3A_102 = arith.subi %parallel_loop3A_101, %parallel_loop3A_54 : vector<16xi32>
        %parallel_loop3A_103 = arith.constant -32 : i32
        %parallel_loop3A_104 = arith.constant 32 : i32
        %parallel_loop3A_105 = vector.broadcast %parallel_loop3A_103 : i32 to vector<16xi32>
        %parallel_loop3A_106 = arith.maxsi %parallel_loop3A_105, %parallel_loop3A_102 : vector<16xi32>
        %parallel_loop3A_107 = vector.broadcast %parallel_loop3A_104 : i32 to vector<16xi32>
        %parallel_loop3A_108 = arith.minsi %parallel_loop3A_107, %parallel_loop3A_106 : vector<16xi32>
        %parallel_loop3A_109 = arith.constant 32 : i32
        %parallel_loop3A_110 = vector.broadcast %parallel_loop3A_109 : i32 to vector<16xi32>
        %parallel_loop3A_111 = arith.addi %parallel_loop3A_110, %iota3A : vector<16xi32>
        %parallel_loop3A_112 = arith.constant 7 : i32
        %parallel_loop3A_113 = vector.broadcast %parallel_loop3A_112 : i32 to vector<16xi32>
        %parallel_loop3A_114 = arith.shli %parallel_loop3A_111, %parallel_loop3A_113 : vector<16xi32>
        %parallel_loop3A_115 = vector.broadcast %parallel_loop3A_50 : i32 to vector<16xi32>
        %parallel_loop3A_116 = arith.addi %parallel_loop3A_115, %parallel_loop3A_111 : vector<16xi32>
        %parallel_loop3A_117 = arith.constant 127 : i32
        %parallel_loop3A_118 = vector.broadcast %parallel_loop3A_117 : i32 to vector<16xi32>
        %parallel_loop3A_119 = arith.andi %parallel_loop3A_116, %parallel_loop3A_118 : vector<16xi32>
        %parallel_loop3A_120 = arith.addi %parallel_loop3A_114, %parallel_loop3A_119 : vector<16xi32>
        tpu.vector_store_idx %arg11[%parallel_loop3A_120], %parallel_loop3A_108 : memref<25600xi32, #tpu.memory_space<vmem>>[vector<16xi32>], vector<16xi32>,
        %parallel_loop3A_121 = arith.index_cast %parallel_loop3A_50 : i32 to index
        %parallel_loop3A_122 = arith.constant 48 : index
        %parallel_loop3A_123 = tpu.vector_load %arg10[%parallel_loop3A_121, %parallel_loop3A_122] {strides = array<i32>} : memref<128x200xi32, #tpu.memory_space<vmem>>, vector<16xi32>,
        %parallel_loop3A_124 = arith.subi %parallel_loop3A_123, %parallel_loop3A_54 : vector<16xi32>
        %parallel_loop3A_125 = arith.constant -32 : i32
        %parallel_loop3A_126 = arith.constant 32 : i32
        %parallel_loop3A_127 = vector.broadcast %parallel_loop3A_125 : i32 to vector<16xi32>
        %parallel_loop3A_128 = arith.maxsi %parallel_loop3A_127, %parallel_loop3A_124 : vector<16xi32>
        %parallel_loop3A_129 = vector.broadcast %parallel_loop3A_126 : i32 to vector<16xi32>
        %parallel_loop3A_130 = arith.minsi %parallel_loop3A_129, %parallel_loop3A_128 : vector<16xi32>
        %parallel_loop3A_131 = arith.constant 48 : i32
        %parallel_loop3A_132 = vector.broadcast %parallel_loop3A_131 : i32 to vector<16xi32>
        %parallel_loop3A_133 = arith.addi %parallel_loop3A_132, %iota3A : vector<16xi32>
        %parallel_loop3A_134 = arith.constant 7 : i32
        %parallel_loop3A_135 = vector.broadcast %parallel_loop3A_134 : i32 to vector<16xi32>
        %parallel_loop3A_136 = arith.shli %parallel_loop3A_133, %parallel_loop3A_135 : vector<16xi32>
        %parallel_loop3A_137 = vector.broadcast %parallel_loop3A_50 : i32 to vector<16xi32>
        %parallel_loop3A_138 = arith.addi %parallel_loop3A_137, %parallel_loop3A_133 : vector<16xi32>
        %parallel_loop3A_139 = arith.constant 127 : i32
        %parallel_loop3A_140 = vector.broadcast %parallel_loop3A_139 : i32 to vector<16xi32>
        %parallel_loop3A_141 = arith.andi %parallel_loop3A_138, %parallel_loop3A_140 : vector<16xi32>
        %parallel_loop3A_142 = arith.addi %parallel_loop3A_136, %parallel_loop3A_141 : vector<16xi32>
        tpu.vector_store_idx %arg11[%parallel_loop3A_142], %parallel_loop3A_130 : memref<25600xi32, #tpu.memory_space<vmem>>[vector<16xi32>], vector<16xi32>,
        %parallel_loop3A_143 = arith.index_cast %parallel_loop3A_50 : i32 to index
        %parallel_loop3A_144 = arith.constant 64 : index
        %parallel_loop3A_145 = tpu.vector_load %arg10[%parallel_loop3A_143, %parallel_loop3A_144] {strides = array<i32>} : memref<128x200xi32, #tpu.memory_space<vmem>>, vector<16xi32>,
        %parallel_loop3A_146 = arith.subi %parallel_loop3A_145, %parallel_loop3A_54 : vector<16xi32>
        %parallel_loop3A_147 = arith.constant -32 : i32
        %parallel_loop3A_148 = arith.constant 32 : i32
        %parallel_loop3A_149 = vector.broadcast %parallel_loop3A_147 : i32 to vector<16xi32>
        %parallel_loop3A_150 = arith.maxsi %parallel_loop3A_149, %parallel_loop3A_146 : vector<16xi32>
        %parallel_loop3A_151 = vector.broadcast %parallel_loop3A_148 : i32 to vector<16xi32>
        %parallel_loop3A_152 = arith.minsi %parallel_loop3A_151, %parallel_loop3A_150 : vector<16xi32>
        %parallel_loop3A_153 = arith.constant 64 : i32
        %parallel_loop3A_154 = vector.broadcast %parallel_loop3A_153 : i32 to vector<16xi32>
        %parallel_loop3A_155 = arith.addi %parallel_loop3A_154, %iota3A : vector<16xi32>
        %parallel_loop3A_156 = arith.constant 7 : i32
        %parallel_loop3A_157 = vector.broadcast %parallel_loop3A_156 : i32 to vector<16xi32>
        %parallel_loop3A_158 = arith.shli %parallel_loop3A_155, %parallel_loop3A_157 : vector<16xi32>
        %parallel_loop3A_159 = vector.broadcast %parallel_loop3A_50 : i32 to vector<16xi32>
        %parallel_loop3A_160 = arith.addi %parallel_loop3A_159, %parallel_loop3A_155 : vector<16xi32>
        %parallel_loop3A_161 = arith.constant 127 : i32
        %parallel_loop3A_162 = vector.broadcast %parallel_loop3A_161 : i32 to vector<16xi32>
        %parallel_loop3A_163 = arith.andi %parallel_loop3A_160, %parallel_loop3A_162 : vector<16xi32>
        %parallel_loop3A_164 = arith.addi %parallel_loop3A_158, %parallel_loop3A_163 : vector<16xi32>
        tpu.vector_store_idx %arg11[%parallel_loop3A_164], %parallel_loop3A_152 : memref<25600xi32, #tpu.memory_space<vmem>>[vector<16xi32>], vector<16xi32>,
        %parallel_loop3A_165 = arith.index_cast %parallel_loop3A_50 : i32 to index
        %parallel_loop3A_166 = arith.constant 80 : index
        %parallel_loop3A_167 = tpu.vector_load %arg10[%parallel_loop3A_165, %parallel_loop3A_166] {strides = array<i32>} : memref<128x200xi32, #tpu.memory_space<vmem>>, vector<16xi32>,
        %parallel_loop3A_168 = arith.subi %parallel_loop3A_167, %parallel_loop3A_54 : vector<16xi32>
        %parallel_loop3A_169 = arith.constant -32 : i32
        %parallel_loop3A_170 = arith.constant 32 : i32
        %parallel_loop3A_171 = vector.broadcast %parallel_loop3A_169 : i32 to vector<16xi32>
        %parallel_loop3A_172 = arith.maxsi %parallel_loop3A_171, %parallel_loop3A_168 : vector<16xi32>
        %parallel_loop3A_173 = vector.broadcast %parallel_loop3A_170 : i32 to vector<16xi32>
        %parallel_loop3A_174 = arith.minsi %parallel_loop3A_173, %parallel_loop3A_172 : vector<16xi32>
        %parallel_loop3A_175 = arith.constant 80 : i32
        %parallel_loop3A_176 = vector.broadcast %parallel_loop3A_175 : i32 to vector<16xi32>
        %parallel_loop3A_177 = arith.addi %parallel_loop3A_176, %iota3A : vector<16xi32>
        %parallel_loop3A_178 = arith.constant 7 : i32
        %parallel_loop3A_179 = vector.broadcast %parallel_loop3A_178 : i32 to vector<16xi32>
        %parallel_loop3A_180 = arith.shli %parallel_loop3A_177, %parallel_loop3A_179 : vector<16xi32>
        %parallel_loop3A_181 = vector.broadcast %parallel_loop3A_50 : i32 to vector<16xi32>
        %parallel_loop3A_182 = arith.addi %parallel_loop3A_181, %parallel_loop3A_177 : vector<16xi32>
        %parallel_loop3A_183 = arith.constant 127 : i32
        %parallel_loop3A_184 = vector.broadcast %parallel_loop3A_183 : i32 to vector<16xi32>
        %parallel_loop3A_185 = arith.andi %parallel_loop3A_182, %parallel_loop3A_184 : vector<16xi32>
        %parallel_loop3A_186 = arith.addi %parallel_loop3A_180, %parallel_loop3A_185 : vector<16xi32>
        tpu.vector_store_idx %arg11[%parallel_loop3A_186], %parallel_loop3A_174 : memref<25600xi32, #tpu.memory_space<vmem>>[vector<16xi32>], vector<16xi32>,
        %parallel_loop3A_187 = arith.index_cast %parallel_loop3A_50 : i32 to index
        %parallel_loop3A_188 = arith.constant 96 : index
        %parallel_loop3A_189 = tpu.vector_load %arg10[%parallel_loop3A_187, %parallel_loop3A_188] {strides = array<i32>} : memref<128x200xi32, #tpu.memory_space<vmem>>, vector<16xi32>,
        %parallel_loop3A_190 = arith.subi %parallel_loop3A_189, %parallel_loop3A_54 : vector<16xi32>
        %parallel_loop3A_191 = arith.constant -32 : i32
        %parallel_loop3A_192 = arith.constant 32 : i32
        %parallel_loop3A_193 = vector.broadcast %parallel_loop3A_191 : i32 to vector<16xi32>
        %parallel_loop3A_194 = arith.maxsi %parallel_loop3A_193, %parallel_loop3A_190 : vector<16xi32>
        %parallel_loop3A_195 = vector.broadcast %parallel_loop3A_192 : i32 to vector<16xi32>
        %parallel_loop3A_196 = arith.minsi %parallel_loop3A_195, %parallel_loop3A_194 : vector<16xi32>
        %parallel_loop3A_197 = arith.constant 96 : i32
        %parallel_loop3A_198 = vector.broadcast %parallel_loop3A_197 : i32 to vector<16xi32>
        %parallel_loop3A_199 = arith.addi %parallel_loop3A_198, %iota3A : vector<16xi32>
        %parallel_loop3A_200 = arith.constant 7 : i32
        %parallel_loop3A_201 = vector.broadcast %parallel_loop3A_200 : i32 to vector<16xi32>
        %parallel_loop3A_202 = arith.shli %parallel_loop3A_199, %parallel_loop3A_201 : vector<16xi32>
        %parallel_loop3A_203 = vector.broadcast %parallel_loop3A_50 : i32 to vector<16xi32>
        %parallel_loop3A_204 = arith.addi %parallel_loop3A_203, %parallel_loop3A_199 : vector<16xi32>
        %parallel_loop3A_205 = arith.constant 127 : i32
        %parallel_loop3A_206 = vector.broadcast %parallel_loop3A_205 : i32 to vector<16xi32>
        %parallel_loop3A_207 = arith.andi %parallel_loop3A_204, %parallel_loop3A_206 : vector<16xi32>
        %parallel_loop3A_208 = arith.addi %parallel_loop3A_202, %parallel_loop3A_207 : vector<16xi32>
        tpu.vector_store_idx %arg11[%parallel_loop3A_208], %parallel_loop3A_196 : memref<25600xi32, #tpu.memory_space<vmem>>[vector<16xi32>], vector<16xi32>,
        %parallel_loop3A_209 = arith.index_cast %parallel_loop3A_50 : i32 to index
        %parallel_loop3A_210 = arith.constant 112 : index
        %parallel_loop3A_211 = tpu.vector_load %arg10[%parallel_loop3A_209, %parallel_loop3A_210] {strides = array<i32>} : memref<128x200xi32, #tpu.memory_space<vmem>>, vector<16xi32>,
        %parallel_loop3A_212 = arith.subi %parallel_loop3A_211, %parallel_loop3A_54 : vector<16xi32>
        %parallel_loop3A_213 = arith.constant -32 : i32
        %parallel_loop3A_214 = arith.constant 32 : i32
        %parallel_loop3A_215 = vector.broadcast %parallel_loop3A_213 : i32 to vector<16xi32>
        %parallel_loop3A_216 = arith.maxsi %parallel_loop3A_215, %parallel_loop3A_212 : vector<16xi32>
        %parallel_loop3A_217 = vector.broadcast %parallel_loop3A_214 : i32 to vector<16xi32>
        %parallel_loop3A_218 = arith.minsi %parallel_loop3A_217, %parallel_loop3A_216 : vector<16xi32>
        %parallel_loop3A_219 = arith.constant 112 : i32
        %parallel_loop3A_220 = vector.broadcast %parallel_loop3A_219 : i32 to vector<16xi32>
        %parallel_loop3A_221 = arith.addi %parallel_loop3A_220, %iota3A : vector<16xi32>
        %parallel_loop3A_222 = arith.constant 7 : i32
        %parallel_loop3A_223 = vector.broadcast %parallel_loop3A_222 : i32 to vector<16xi32>
        %parallel_loop3A_224 = arith.shli %parallel_loop3A_221, %parallel_loop3A_223 : vector<16xi32>
        %parallel_loop3A_225 = vector.broadcast %parallel_loop3A_50 : i32 to vector<16xi32>
        %parallel_loop3A_226 = arith.addi %parallel_loop3A_225, %parallel_loop3A_221 : vector<16xi32>
        %parallel_loop3A_227 = arith.constant 127 : i32
        %parallel_loop3A_228 = vector.broadcast %parallel_loop3A_227 : i32 to vector<16xi32>
        %parallel_loop3A_229 = arith.andi %parallel_loop3A_226, %parallel_loop3A_228 : vector<16xi32>
        %parallel_loop3A_230 = arith.addi %parallel_loop3A_224, %parallel_loop3A_229 : vector<16xi32>
        tpu.vector_store_idx %arg11[%parallel_loop3A_230], %parallel_loop3A_218 : memref<25600xi32, #tpu.memory_space<vmem>>[vector<16xi32>], vector<16xi32>,
        %parallel_loop3A_231 = arith.index_cast %parallel_loop3A_50 : i32 to index
        %parallel_loop3A_232 = arith.constant 128 : index
        %parallel_loop3A_233 = tpu.vector_load %arg10[%parallel_loop3A_231, %parallel_loop3A_232] {strides = array<i32>} : memref<128x200xi32, #tpu.memory_space<vmem>>, vector<16xi32>,
        %parallel_loop3A_234 = arith.subi %parallel_loop3A_233, %parallel_loop3A_54 : vector<16xi32>
        %parallel_loop3A_235 = arith.constant -32 : i32
        %parallel_loop3A_236 = arith.constant 32 : i32
        %parallel_loop3A_237 = vector.broadcast %parallel_loop3A_235 : i32 to vector<16xi32>
        %parallel_loop3A_238 = arith.maxsi %parallel_loop3A_237, %parallel_loop3A_234 : vector<16xi32>
        %parallel_loop3A_239 = vector.broadcast %parallel_loop3A_236 : i32 to vector<16xi32>
        %parallel_loop3A_240 = arith.minsi %parallel_loop3A_239, %parallel_loop3A_238 : vector<16xi32>
        %parallel_loop3A_241 = arith.constant 128 : i32
        %parallel_loop3A_242 = vector.broadcast %parallel_loop3A_241 : i32 to vector<16xi32>
        %parallel_loop3A_243 = arith.addi %parallel_loop3A_242, %iota3A : vector<16xi32>
        %parallel_loop3A_244 = arith.constant 7 : i32
        %parallel_loop3A_245 = vector.broadcast %parallel_loop3A_244 : i32 to vector<16xi32>
        %parallel_loop3A_246 = arith.shli %parallel_loop3A_243, %parallel_loop3A_245 : vector<16xi32>
        %parallel_loop3A_247 = vector.broadcast %parallel_loop3A_50 : i32 to vector<16xi32>
        %parallel_loop3A_248 = arith.addi %parallel_loop3A_247, %parallel_loop3A_243 : vector<16xi32>
        %parallel_loop3A_249 = arith.constant 127 : i32
        %parallel_loop3A_250 = vector.broadcast %parallel_loop3A_249 : i32 to vector<16xi32>
        %parallel_loop3A_251 = arith.andi %parallel_loop3A_248, %parallel_loop3A_250 : vector<16xi32>
        %parallel_loop3A_252 = arith.addi %parallel_loop3A_246, %parallel_loop3A_251 : vector<16xi32>
        tpu.vector_store_idx %arg11[%parallel_loop3A_252], %parallel_loop3A_240 : memref<25600xi32, #tpu.memory_space<vmem>>[vector<16xi32>], vector<16xi32>,
        %parallel_loop3A_253 = arith.index_cast %parallel_loop3A_50 : i32 to index
        %parallel_loop3A_254 = arith.constant 144 : index
        %parallel_loop3A_255 = tpu.vector_load %arg10[%parallel_loop3A_253, %parallel_loop3A_254] {strides = array<i32>} : memref<128x200xi32, #tpu.memory_space<vmem>>, vector<16xi32>,
        %parallel_loop3A_256 = arith.subi %parallel_loop3A_255, %parallel_loop3A_54 : vector<16xi32>
        %parallel_loop3A_257 = arith.constant -32 : i32
        %parallel_loop3A_258 = arith.constant 32 : i32
        %parallel_loop3A_259 = vector.broadcast %parallel_loop3A_257 : i32 to vector<16xi32>
        %parallel_loop3A_260 = arith.maxsi %parallel_loop3A_259, %parallel_loop3A_256 : vector<16xi32>
        %parallel_loop3A_261 = vector.broadcast %parallel_loop3A_258 : i32 to vector<16xi32>
        %parallel_loop3A_262 = arith.minsi %parallel_loop3A_261, %parallel_loop3A_260 : vector<16xi32>
        %parallel_loop3A_263 = arith.constant 144 : i32
        %parallel_loop3A_264 = vector.broadcast %parallel_loop3A_263 : i32 to vector<16xi32>
        %parallel_loop3A_265 = arith.addi %parallel_loop3A_264, %iota3A : vector<16xi32>
        %parallel_loop3A_266 = arith.constant 7 : i32
        %parallel_loop3A_267 = vector.broadcast %parallel_loop3A_266 : i32 to vector<16xi32>
        %parallel_loop3A_268 = arith.shli %parallel_loop3A_265, %parallel_loop3A_267 : vector<16xi32>
        %parallel_loop3A_269 = vector.broadcast %parallel_loop3A_50 : i32 to vector<16xi32>
        %parallel_loop3A_270 = arith.addi %parallel_loop3A_269, %parallel_loop3A_265 : vector<16xi32>
        %parallel_loop3A_271 = arith.constant 127 : i32
        %parallel_loop3A_272 = vector.broadcast %parallel_loop3A_271 : i32 to vector<16xi32>
        %parallel_loop3A_273 = arith.andi %parallel_loop3A_270, %parallel_loop3A_272 : vector<16xi32>
        %parallel_loop3A_274 = arith.addi %parallel_loop3A_268, %parallel_loop3A_273 : vector<16xi32>
        tpu.vector_store_idx %arg11[%parallel_loop3A_274], %parallel_loop3A_262 : memref<25600xi32, #tpu.memory_space<vmem>>[vector<16xi32>], vector<16xi32>,
        %parallel_loop3A_275 = arith.index_cast %parallel_loop3A_50 : i32 to index
        %parallel_loop3A_276 = arith.constant 160 : index
        %parallel_loop3A_277 = tpu.vector_load %arg10[%parallel_loop3A_275, %parallel_loop3A_276] {strides = array<i32>} : memref<128x200xi32, #tpu.memory_space<vmem>>, vector<16xi32>,
        %parallel_loop3A_278 = arith.subi %parallel_loop3A_277, %parallel_loop3A_54 : vector<16xi32>
        %parallel_loop3A_279 = arith.constant -32 : i32
        %parallel_loop3A_280 = arith.constant 32 : i32
        %parallel_loop3A_281 = vector.broadcast %parallel_loop3A_279 : i32 to vector<16xi32>
        %parallel_loop3A_282 = arith.maxsi %parallel_loop3A_281, %parallel_loop3A_278 : vector<16xi32>
        %parallel_loop3A_283 = vector.broadcast %parallel_loop3A_280 : i32 to vector<16xi32>
        %parallel_loop3A_284 = arith.minsi %parallel_loop3A_283, %parallel_loop3A_282 : vector<16xi32>
        %parallel_loop3A_285 = arith.constant 160 : i32
        %parallel_loop3A_286 = vector.broadcast %parallel_loop3A_285 : i32 to vector<16xi32>
        %parallel_loop3A_287 = arith.addi %parallel_loop3A_286, %iota3A : vector<16xi32>
        %parallel_loop3A_288 = arith.constant 7 : i32
        %parallel_loop3A_289 = vector.broadcast %parallel_loop3A_288 : i32 to vector<16xi32>
        %parallel_loop3A_290 = arith.shli %parallel_loop3A_287, %parallel_loop3A_289 : vector<16xi32>
        %parallel_loop3A_291 = vector.broadcast %parallel_loop3A_50 : i32 to vector<16xi32>
        %parallel_loop3A_292 = arith.addi %parallel_loop3A_291, %parallel_loop3A_287 : vector<16xi32>
        %parallel_loop3A_293 = arith.constant 127 : i32
        %parallel_loop3A_294 = vector.broadcast %parallel_loop3A_293 : i32 to vector<16xi32>
        %parallel_loop3A_295 = arith.andi %parallel_loop3A_292, %parallel_loop3A_294 : vector<16xi32>
        %parallel_loop3A_296 = arith.addi %parallel_loop3A_290, %parallel_loop3A_295 : vector<16xi32>
        tpu.vector_store_idx %arg11[%parallel_loop3A_296], %parallel_loop3A_284 : memref<25600xi32, #tpu.memory_space<vmem>>[vector<16xi32>], vector<16xi32>,
        %parallel_loop3A_297 = arith.index_cast %parallel_loop3A_50 : i32 to index
        %parallel_loop3A_298 = arith.constant 176 : index
        %parallel_loop3A_299 = tpu.vector_load %arg10[%parallel_loop3A_297, %parallel_loop3A_298] {strides = array<i32>} : memref<128x200xi32, #tpu.memory_space<vmem>>, vector<16xi32>,
        %parallel_loop3A_300 = arith.subi %parallel_loop3A_299, %parallel_loop3A_54 : vector<16xi32>
        %parallel_loop3A_301 = arith.constant -32 : i32
        %parallel_loop3A_302 = arith.constant 32 : i32
        %parallel_loop3A_303 = vector.broadcast %parallel_loop3A_301 : i32 to vector<16xi32>
        %parallel_loop3A_304 = arith.maxsi %parallel_loop3A_303, %parallel_loop3A_300 : vector<16xi32>
        %parallel_loop3A_305 = vector.broadcast %parallel_loop3A_302 : i32 to vector<16xi32>
        %parallel_loop3A_306 = arith.minsi %parallel_loop3A_305, %parallel_loop3A_304 : vector<16xi32>
        %parallel_loop3A_307 = arith.constant 176 : i32
        %parallel_loop3A_308 = vector.broadcast %parallel_loop3A_307 : i32 to vector<16xi32>
        %parallel_loop3A_309 = arith.addi %parallel_loop3A_308, %iota3A : vector<16xi32>
        %parallel_loop3A_310 = arith.constant 7 : i32
        %parallel_loop3A_311 = vector.broadcast %parallel_loop3A_310 : i32 to vector<16xi32>
        %parallel_loop3A_312 = arith.shli %parallel_loop3A_309, %parallel_loop3A_311 : vector<16xi32>
        %parallel_loop3A_313 = vector.broadcast %parallel_loop3A_50 : i32 to vector<16xi32>
        %parallel_loop3A_314 = arith.addi %parallel_loop3A_313, %parallel_loop3A_309 : vector<16xi32>
        %parallel_loop3A_315 = arith.constant 127 : i32
        %parallel_loop3A_316 = vector.broadcast %parallel_loop3A_315 : i32 to vector<16xi32>
        %parallel_loop3A_317 = arith.andi %parallel_loop3A_314, %parallel_loop3A_316 : vector<16xi32>
        %parallel_loop3A_318 = arith.addi %parallel_loop3A_312, %parallel_loop3A_317 : vector<16xi32>
        tpu.vector_store_idx %arg11[%parallel_loop3A_318], %parallel_loop3A_306 : memref<25600xi32, #tpu.memory_space<vmem>>[vector<16xi32>], vector<16xi32>,
        %parallel_loop3A_319 = arith.index_cast %parallel_loop3A_50 : i32 to index
        %parallel_loop3A_320 = arith.constant 184 : index
        %parallel_loop3A_321 = tpu.vector_load %arg10[%parallel_loop3A_319, %parallel_loop3A_320] {strides = array<i32>} : memref<128x200xi32, #tpu.memory_space<vmem>>, vector<16xi32>,
        %parallel_loop3A_322 = arith.subi %parallel_loop3A_321, %parallel_loop3A_54 : vector<16xi32>
        %parallel_loop3A_323 = arith.constant -32 : i32
        %parallel_loop3A_324 = arith.constant 32 : i32
        %parallel_loop3A_325 = vector.broadcast %parallel_loop3A_323 : i32 to vector<16xi32>
        %parallel_loop3A_326 = arith.maxsi %parallel_loop3A_325, %parallel_loop3A_322 : vector<16xi32>
        %parallel_loop3A_327 = vector.broadcast %parallel_loop3A_324 : i32 to vector<16xi32>
        %parallel_loop3A_328 = arith.minsi %parallel_loop3A_327, %parallel_loop3A_326 : vector<16xi32>
        %parallel_loop3A_329 = arith.constant 184 : i32
        %parallel_loop3A_330 = vector.broadcast %parallel_loop3A_329 : i32 to vector<16xi32>
        %parallel_loop3A_331 = arith.addi %parallel_loop3A_330, %iota3A : vector<16xi32>
        %parallel_loop3A_332 = arith.constant 7 : i32
        %parallel_loop3A_333 = vector.broadcast %parallel_loop3A_332 : i32 to vector<16xi32>
        %parallel_loop3A_334 = arith.shli %parallel_loop3A_331, %parallel_loop3A_333 : vector<16xi32>
        %parallel_loop3A_335 = vector.broadcast %parallel_loop3A_50 : i32 to vector<16xi32>
        %parallel_loop3A_336 = arith.addi %parallel_loop3A_335, %parallel_loop3A_331 : vector<16xi32>
        %parallel_loop3A_337 = arith.constant 127 : i32
        %parallel_loop3A_338 = vector.broadcast %parallel_loop3A_337 : i32 to vector<16xi32>
        %parallel_loop3A_339 = arith.andi %parallel_loop3A_336, %parallel_loop3A_338 : vector<16xi32>
        %parallel_loop3A_340 = arith.addi %parallel_loop3A_334, %parallel_loop3A_339 : vector<16xi32>
        tpu.vector_store_idx %arg11[%parallel_loop3A_340], %parallel_loop3A_328 : memref<25600xi32, #tpu.memory_space<vmem>>[vector<16xi32>], vector<16xi32>,
      } {sc.loop_unroll_factor = 2 : i64, sc.parallel_access}
      %add3A_26 = arith.constant 8448 : i32
      %add3A_27 = vector.broadcast %add3A_26 : i32 to vector<16xi32>
      %add3A_28 = arith.addi %add3A_27, %iota3A : vector<16xi32>
      %scan3A_29 = arith.constant 0 : i32
      %scan3A_30 = arith.constant 0 : i32
      %scan3A_31 = arith.constant 10 : i32
      %scan3A_32 = arith.addi %scan3A_30, %scan3A_31 : i32
      %scan3A_33 = arith.constant 1 : i32
      scf.for %scan3A_50 = %scan3A_30 to %scan3A_32 step %scan3A_33  : i32 {
        %mul3A_51 = arith.constant 2 : i32
        %mul3A_52 = arith.muli %scan3A_50, %mul3A_51 : i32
        %add3A_53 = arith.constant 0 : i32
        %add3A_54 = arith.addi %mul3A_52, %add3A_53 : i32
        %mul3A_55 = arith.constant 10 : i32
        %mul3A_56 = arith.muli %add3A_54, %mul3A_55 : i32
        %gt3A = arith.constant 0 : i32
        %gt3A_57 = arith.cmpi sgt, %scan3A_50, %gt3A : i32
        %convert_element_type3A = arith.extui %gt3A_57 : i1 to i32
        %cond3A = arith.constant 0 : i32
        %cond3A_58 = arith.cmpi ne, %convert_element_type3A, %cond3A : i32
        scf.if %cond3A_58 {
          %sub3A = arith.constant 2 : i32
          %sub3A_91 = arith.subi %add3A_54, %sub3A : i32
          %mul3A_92 = arith.constant 10 : i32
          %mul3A_93 = arith.muli %sub3A_91, %mul3A_92 : i32
          %mul3A_94 = arith.constant 128 : i32
          %mul3A_95 = arith.muli %add3A_15, %mul3A_94 : i32
          %dma_wait3A_96 = arith.constant 0 : i32
          %dma_wait3A_97 = tpu.memref_slice %arg5[%mul3A_93, %dma_wait3A_96, %mul3A_95] : memref<200x16x16384xf32, #tpu.memory_space<hbm>> -> memref<10x16x128xf32, #tpu.memory_space<hbm>>
          %dma_wait3A_98 = arith.constant 0 : i32
          %dma_wait3A_99 = tpu.memref_slice %arg5[%mul3A_93, %dma_wait3A_98, %mul3A_95] : memref<200x16x16384xf32, #tpu.memory_space<hbm>> -> memref<10x16x128xf32, #tpu.memory_space<hbm>>
          tpu.wait_dma2 semaphore(%arg14 : memref<!tpu.dma_semaphore, #tpu.memory_space<semaphore_mem>>) src(%arg12 : memref<10x16x128xf32, #tpu.memory_space<vmem>>) dst(%dma_wait3A_99 : memref<10x16x128xf32, #tpu.memory_space<hbm>>)
        } else {
        }
        %parallel_loop3A_59 = arith.constant 0 : i32
        %parallel_loop3A_60 = arith.constant 80 : i32
        %parallel_loop3A_61 = arith.constant 1 : i32
        scf.for %parallel_loop3A_91 = %parallel_loop3A_59 to %parallel_loop3A_60 step %parallel_loop3A_61  : i32 {
          %parallel_loop3A_92 = arith.constant 3 : i32
          %parallel_loop3A_93 = arith.shrsi %parallel_loop3A_91, %parallel_loop3A_92 : i32
          %parallel_loop3A_94 = arith.addi %mul3A_56, %parallel_loop3A_93 : i32
          %parallel_loop3A_95 = arith.constant 7 : i32
          %parallel_loop3A_96 = arith.andi %parallel_loop3A_91, %parallel_loop3A_95 : i32
          %parallel_loop3A_97 = arith.constant 16 : i32
          %parallel_loop3A_98 = arith.muli %parallel_loop3A_96, %parallel_loop3A_97 : i32
          %parallel_loop3A_99 = vector.broadcast %parallel_loop3A_98 : i32 to vector<16xi32>
          %parallel_loop3A_100 = arith.addi %parallel_loop3A_99, %iota3A : vector<16xi32>
          %parallel_loop3A_101 = arith.constant 7 : i32
          %parallel_loop3A_102 = arith.shli %parallel_loop3A_94, %parallel_loop3A_101 : i32
          %parallel_loop3A_103 = vector.broadcast %parallel_loop3A_94 : i32 to vector<16xi32>
          %parallel_loop3A_104 = arith.addi %parallel_loop3A_100, %parallel_loop3A_103 : vector<16xi32>
          %parallel_loop3A_105 = arith.constant 127 : i32
          %parallel_loop3A_106 = vector.broadcast %parallel_loop3A_105 : i32 to vector<16xi32>
          %parallel_loop3A_107 = arith.andi %parallel_loop3A_104, %parallel_loop3A_106 : vector<16xi32>
          %parallel_loop3A_108 = vector.broadcast %parallel_loop3A_102 : i32 to vector<16xi32>
          %parallel_loop3A_109 = arith.addi %parallel_loop3A_108, %parallel_loop3A_107 : vector<16xi32>
          %parallel_loop3A_110 = tpu.vector_load_idx %arg11[%parallel_loop3A_109] : memref<25600xi32, #tpu.memory_space<vmem>>[vector<16xi32>], vector<16xi32>,
          %parallel_loop3A_111 = arith.constant 8 : i32
          %parallel_loop3A_112 = vector.broadcast %parallel_loop3A_111 : i32 to vector<16xi32>
          %parallel_loop3A_113 = arith.shli %parallel_loop3A_110, %parallel_loop3A_112 : vector<16xi32>
          %parallel_loop3A_114 = arith.addi %parallel_loop3A_113, %add3A_28 : vector<16xi32>
          %parallel_loop3A_115 = arith.constant 3 : i32
          %parallel_loop3A_116 = arith.shrsi %parallel_loop3A_91, %parallel_loop3A_115 : i32
          %parallel_loop3A_117 = arith.constant 0 : i32
          %parallel_loop3A_118 = vector.broadcast %parallel_loop3A_117 : i32 to vector<16xi32>
          %parallel_loop3A_119 = arith.addi %parallel_loop3A_114, %parallel_loop3A_118 : vector<16xi32>
          %parallel_loop3A_120 = tpu.vector_load_idx %arg7[%parallel_loop3A_119] : memref<16896xf32, #tpu.memory_space<vmem>>[vector<16xi32>], vector<16xf32>,
          %parallel_loop3A_121 = arith.constant 0 : i32
          %parallel_loop3A_122 = arith.index_cast %parallel_loop3A_116 : i32 to index
          %parallel_loop3A_123 = arith.index_cast %parallel_loop3A_121 : i32 to index
          %parallel_loop3A_124 = arith.index_cast %parallel_loop3A_98 : i32 to index
          %parallel_loop3A_125 = tpu.vector_load %arg12[%parallel_loop3A_122, %parallel_loop3A_123, %parallel_loop3A_124] {strides = array<i32>} : memref<10x16x128xf32, #tpu.memory_space<vmem>>, vector<16xf32>,
          tpu.vector_store %arg12[%parallel_loop3A_122, %parallel_loop3A_123, %parallel_loop3A_124], %parallel_loop3A_120 {strides = array<i32>} : memref<10x16x128xf32, #tpu.memory_space<vmem>>, vector<16xf32>,
          %parallel_loop3A_126 = arith.constant 16 : i32
          %parallel_loop3A_127 = vector.broadcast %parallel_loop3A_126 : i32 to vector<16xi32>
          %parallel_loop3A_128 = arith.addi %parallel_loop3A_114, %parallel_loop3A_127 : vector<16xi32>
          %parallel_loop3A_129 = tpu.vector_load_idx %arg7[%parallel_loop3A_128] : memref<16896xf32, #tpu.memory_space<vmem>>[vector<16xi32>], vector<16xf32>,
          %parallel_loop3A_130 = arith.constant 1 : i32
          %parallel_loop3A_131 = arith.index_cast %parallel_loop3A_116 : i32 to index
          %parallel_loop3A_132 = arith.index_cast %parallel_loop3A_130 : i32 to index
          %parallel_loop3A_133 = arith.index_cast %parallel_loop3A_98 : i32 to index
          %parallel_loop3A_134 = tpu.vector_load %arg12[%parallel_loop3A_131, %parallel_loop3A_132, %parallel_loop3A_133] {strides = array<i32>} : memref<10x16x128xf32, #tpu.memory_space<vmem>>, vector<16xf32>,
          tpu.vector_store %arg12[%parallel_loop3A_131, %parallel_loop3A_132, %parallel_loop3A_133], %parallel_loop3A_129 {strides = array<i32>} : memref<10x16x128xf32, #tpu.memory_space<vmem>>, vector<16xf32>,
          %parallel_loop3A_135 = arith.constant 32 : i32
          %parallel_loop3A_136 = vector.broadcast %parallel_loop3A_135 : i32 to vector<16xi32>
          %parallel_loop3A_137 = arith.addi %parallel_loop3A_114, %parallel_loop3A_136 : vector<16xi32>
          %parallel_loop3A_138 = tpu.vector_load_idx %arg7[%parallel_loop3A_137] : memref<16896xf32, #tpu.memory_space<vmem>>[vector<16xi32>], vector<16xf32>,
          %parallel_loop3A_139 = arith.constant 2 : i32
          %parallel_loop3A_140 = arith.index_cast %parallel_loop3A_116 : i32 to index
          %parallel_loop3A_141 = arith.index_cast %parallel_loop3A_139 : i32 to index
          %parallel_loop3A_142 = arith.index_cast %parallel_loop3A_98 : i32 to index
          %parallel_loop3A_143 = tpu.vector_load %arg12[%parallel_loop3A_140, %parallel_loop3A_141, %parallel_loop3A_142] {strides = array<i32>} : memref<10x16x128xf32, #tpu.memory_space<vmem>>, vector<16xf32>,
          tpu.vector_store %arg12[%parallel_loop3A_140, %parallel_loop3A_141, %parallel_loop3A_142], %parallel_loop3A_138 {strides = array<i32>} : memref<10x16x128xf32, #tpu.memory_space<vmem>>, vector<16xf32>,
          %parallel_loop3A_144 = arith.constant 48 : i32
          %parallel_loop3A_145 = vector.broadcast %parallel_loop3A_144 : i32 to vector<16xi32>
          %parallel_loop3A_146 = arith.addi %parallel_loop3A_114, %parallel_loop3A_145 : vector<16xi32>
          %parallel_loop3A_147 = tpu.vector_load_idx %arg7[%parallel_loop3A_146] : memref<16896xf32, #tpu.memory_space<vmem>>[vector<16xi32>], vector<16xf32>,
          %parallel_loop3A_148 = arith.constant 3 : i32
          %parallel_loop3A_149 = arith.index_cast %parallel_loop3A_116 : i32 to index
          %parallel_loop3A_150 = arith.index_cast %parallel_loop3A_148 : i32 to index
          %parallel_loop3A_151 = arith.index_cast %parallel_loop3A_98 : i32 to index
          %parallel_loop3A_152 = tpu.vector_load %arg12[%parallel_loop3A_149, %parallel_loop3A_150, %parallel_loop3A_151] {strides = array<i32>} : memref<10x16x128xf32, #tpu.memory_space<vmem>>, vector<16xf32>,
          tpu.vector_store %arg12[%parallel_loop3A_149, %parallel_loop3A_150, %parallel_loop3A_151], %parallel_loop3A_147 {strides = array<i32>} : memref<10x16x128xf32, #tpu.memory_space<vmem>>, vector<16xf32>,
          %parallel_loop3A_153 = arith.constant 64 : i32
          %parallel_loop3A_154 = vector.broadcast %parallel_loop3A_153 : i32 to vector<16xi32>
          %parallel_loop3A_155 = arith.addi %parallel_loop3A_114, %parallel_loop3A_154 : vector<16xi32>
          %parallel_loop3A_156 = tpu.vector_load_idx %arg7[%parallel_loop3A_155] : memref<16896xf32, #tpu.memory_space<vmem>>[vector<16xi32>], vector<16xf32>,
          %parallel_loop3A_157 = arith.constant 4 : i32
          %parallel_loop3A_158 = arith.index_cast %parallel_loop3A_116 : i32 to index
          %parallel_loop3A_159 = arith.index_cast %parallel_loop3A_157 : i32 to index
          %parallel_loop3A_160 = arith.index_cast %parallel_loop3A_98 : i32 to index
          %parallel_loop3A_161 = tpu.vector_load %arg12[%parallel_loop3A_158, %parallel_loop3A_159, %parallel_loop3A_160] {strides = array<i32>} : memref<10x16x128xf32, #tpu.memory_space<vmem>>, vector<16xf32>,
          tpu.vector_store %arg12[%parallel_loop3A_158, %parallel_loop3A_159, %parallel_loop3A_160], %parallel_loop3A_156 {strides = array<i32>} : memref<10x16x128xf32, #tpu.memory_space<vmem>>, vector<16xf32>,
          %parallel_loop3A_162 = arith.constant 80 : i32
          %parallel_loop3A_163 = vector.broadcast %parallel_loop3A_162 : i32 to vector<16xi32>
          %parallel_loop3A_164 = arith.addi %parallel_loop3A_114, %parallel_loop3A_163 : vector<16xi32>
          %parallel_loop3A_165 = tpu.vector_load_idx %arg7[%parallel_loop3A_164] : memref<16896xf32, #tpu.memory_space<vmem>>[vector<16xi32>], vector<16xf32>,
          %parallel_loop3A_166 = arith.constant 5 : i32
          %parallel_loop3A_167 = arith.index_cast %parallel_loop3A_116 : i32 to index
          %parallel_loop3A_168 = arith.index_cast %parallel_loop3A_166 : i32 to index
          %parallel_loop3A_169 = arith.index_cast %parallel_loop3A_98 : i32 to index
          %parallel_loop3A_170 = tpu.vector_load %arg12[%parallel_loop3A_167, %parallel_loop3A_168, %parallel_loop3A_169] {strides = array<i32>} : memref<10x16x128xf32, #tpu.memory_space<vmem>>, vector<16xf32>,
          tpu.vector_store %arg12[%parallel_loop3A_167, %parallel_loop3A_168, %parallel_loop3A_169], %parallel_loop3A_165 {strides = array<i32>} : memref<10x16x128xf32, #tpu.memory_space<vmem>>, vector<16xf32>,
          %parallel_loop3A_171 = arith.constant 96 : i32
          %parallel_loop3A_172 = vector.broadcast %parallel_loop3A_171 : i32 to vector<16xi32>
          %parallel_loop3A_173 = arith.addi %parallel_loop3A_114, %parallel_loop3A_172 : vector<16xi32>
          %parallel_loop3A_174 = tpu.vector_load_idx %arg7[%parallel_loop3A_173] : memref<16896xf32, #tpu.memory_space<vmem>>[vector<16xi32>], vector<16xf32>,
          %parallel_loop3A_175 = arith.constant 6 : i32
          %parallel_loop3A_176 = arith.index_cast %parallel_loop3A_116 : i32 to index
          %parallel_loop3A_177 = arith.index_cast %parallel_loop3A_175 : i32 to index
          %parallel_loop3A_178 = arith.index_cast %parallel_loop3A_98 : i32 to index
          %parallel_loop3A_179 = tpu.vector_load %arg12[%parallel_loop3A_176, %parallel_loop3A_177, %parallel_loop3A_178] {strides = array<i32>} : memref<10x16x128xf32, #tpu.memory_space<vmem>>, vector<16xf32>,
          tpu.vector_store %arg12[%parallel_loop3A_176, %parallel_loop3A_177, %parallel_loop3A_178], %parallel_loop3A_174 {strides = array<i32>} : memref<10x16x128xf32, #tpu.memory_space<vmem>>, vector<16xf32>,
          %parallel_loop3A_180 = arith.constant 112 : i32
          %parallel_loop3A_181 = vector.broadcast %parallel_loop3A_180 : i32 to vector<16xi32>
          %parallel_loop3A_182 = arith.addi %parallel_loop3A_114, %parallel_loop3A_181 : vector<16xi32>
          %parallel_loop3A_183 = tpu.vector_load_idx %arg7[%parallel_loop3A_182] : memref<16896xf32, #tpu.memory_space<vmem>>[vector<16xi32>], vector<16xf32>,
          %parallel_loop3A_184 = arith.constant 7 : i32
          %parallel_loop3A_185 = arith.index_cast %parallel_loop3A_116 : i32 to index
          %parallel_loop3A_186 = arith.index_cast %parallel_loop3A_184 : i32 to index
          %parallel_loop3A_187 = arith.index_cast %parallel_loop3A_98 : i32 to index
          %parallel_loop3A_188 = tpu.vector_load %arg12[%parallel_loop3A_185, %parallel_loop3A_186, %parallel_loop3A_187] {strides = array<i32>} : memref<10x16x128xf32, #tpu.memory_space<vmem>>, vector<16xf32>,
          tpu.vector_store %arg12[%parallel_loop3A_185, %parallel_loop3A_186, %parallel_loop3A_187], %parallel_loop3A_183 {strides = array<i32>} : memref<10x16x128xf32, #tpu.memory_space<vmem>>, vector<16xf32>,
          %parallel_loop3A_189 = arith.constant 128 : i32
          %parallel_loop3A_190 = vector.broadcast %parallel_loop3A_189 : i32 to vector<16xi32>
          %parallel_loop3A_191 = arith.addi %parallel_loop3A_114, %parallel_loop3A_190 : vector<16xi32>
          %parallel_loop3A_192 = tpu.vector_load_idx %arg7[%parallel_loop3A_191] : memref<16896xf32, #tpu.memory_space<vmem>>[vector<16xi32>], vector<16xf32>,
          %parallel_loop3A_193 = arith.constant 8 : i32
          %parallel_loop3A_194 = arith.index_cast %parallel_loop3A_116 : i32 to index
          %parallel_loop3A_195 = arith.index_cast %parallel_loop3A_193 : i32 to index
          %parallel_loop3A_196 = arith.index_cast %parallel_loop3A_98 : i32 to index
          %parallel_loop3A_197 = tpu.vector_load %arg12[%parallel_loop3A_194, %parallel_loop3A_195, %parallel_loop3A_196] {strides = array<i32>} : memref<10x16x128xf32, #tpu.memory_space<vmem>>, vector<16xf32>,
          tpu.vector_store %arg12[%parallel_loop3A_194, %parallel_loop3A_195, %parallel_loop3A_196], %parallel_loop3A_192 {strides = array<i32>} : memref<10x16x128xf32, #tpu.memory_space<vmem>>, vector<16xf32>,
          %parallel_loop3A_198 = arith.constant 144 : i32
          %parallel_loop3A_199 = vector.broadcast %parallel_loop3A_198 : i32 to vector<16xi32>
          %parallel_loop3A_200 = arith.addi %parallel_loop3A_114, %parallel_loop3A_199 : vector<16xi32>
          %parallel_loop3A_201 = tpu.vector_load_idx %arg7[%parallel_loop3A_200] : memref<16896xf32, #tpu.memory_space<vmem>>[vector<16xi32>], vector<16xf32>,
          %parallel_loop3A_202 = arith.constant 9 : i32
          %parallel_loop3A_203 = arith.index_cast %parallel_loop3A_116 : i32 to index
          %parallel_loop3A_204 = arith.index_cast %parallel_loop3A_202 : i32 to index
          %parallel_loop3A_205 = arith.index_cast %parallel_loop3A_98 : i32 to index
          %parallel_loop3A_206 = tpu.vector_load %arg12[%parallel_loop3A_203, %parallel_loop3A_204, %parallel_loop3A_205] {strides = array<i32>} : memref<10x16x128xf32, #tpu.memory_space<vmem>>, vector<16xf32>,
          tpu.vector_store %arg12[%parallel_loop3A_203, %parallel_loop3A_204, %parallel_loop3A_205], %parallel_loop3A_201 {strides = array<i32>} : memref<10x16x128xf32, #tpu.memory_space<vmem>>, vector<16xf32>,
          %parallel_loop3A_207 = arith.constant 160 : i32
          %parallel_loop3A_208 = vector.broadcast %parallel_loop3A_207 : i32 to vector<16xi32>
          %parallel_loop3A_209 = arith.addi %parallel_loop3A_114, %parallel_loop3A_208 : vector<16xi32>
          %parallel_loop3A_210 = tpu.vector_load_idx %arg7[%parallel_loop3A_209] : memref<16896xf32, #tpu.memory_space<vmem>>[vector<16xi32>], vector<16xf32>,
          %parallel_loop3A_211 = arith.constant 10 : i32
          %parallel_loop3A_212 = arith.index_cast %parallel_loop3A_116 : i32 to index
          %parallel_loop3A_213 = arith.index_cast %parallel_loop3A_211 : i32 to index
          %parallel_loop3A_214 = arith.index_cast %parallel_loop3A_98 : i32 to index
          %parallel_loop3A_215 = tpu.vector_load %arg12[%parallel_loop3A_212, %parallel_loop3A_213, %parallel_loop3A_214] {strides = array<i32>} : memref<10x16x128xf32, #tpu.memory_space<vmem>>, vector<16xf32>,
          tpu.vector_store %arg12[%parallel_loop3A_212, %parallel_loop3A_213, %parallel_loop3A_214], %parallel_loop3A_210 {strides = array<i32>} : memref<10x16x128xf32, #tpu.memory_space<vmem>>, vector<16xf32>,
          %parallel_loop3A_216 = arith.constant 176 : i32
          %parallel_loop3A_217 = vector.broadcast %parallel_loop3A_216 : i32 to vector<16xi32>
          %parallel_loop3A_218 = arith.addi %parallel_loop3A_114, %parallel_loop3A_217 : vector<16xi32>
          %parallel_loop3A_219 = tpu.vector_load_idx %arg7[%parallel_loop3A_218] : memref<16896xf32, #tpu.memory_space<vmem>>[vector<16xi32>], vector<16xf32>,
          %parallel_loop3A_220 = arith.constant 11 : i32
          %parallel_loop3A_221 = arith.index_cast %parallel_loop3A_116 : i32 to index
          %parallel_loop3A_222 = arith.index_cast %parallel_loop3A_220 : i32 to index
          %parallel_loop3A_223 = arith.index_cast %parallel_loop3A_98 : i32 to index
          %parallel_loop3A_224 = tpu.vector_load %arg12[%parallel_loop3A_221, %parallel_loop3A_222, %parallel_loop3A_223] {strides = array<i32>} : memref<10x16x128xf32, #tpu.memory_space<vmem>>, vector<16xf32>,
          tpu.vector_store %arg12[%parallel_loop3A_221, %parallel_loop3A_222, %parallel_loop3A_223], %parallel_loop3A_219 {strides = array<i32>} : memref<10x16x128xf32, #tpu.memory_space<vmem>>, vector<16xf32>,
          %parallel_loop3A_225 = arith.constant 192 : i32
          %parallel_loop3A_226 = vector.broadcast %parallel_loop3A_225 : i32 to vector<16xi32>
          %parallel_loop3A_227 = arith.addi %parallel_loop3A_114, %parallel_loop3A_226 : vector<16xi32>
          %parallel_loop3A_228 = tpu.vector_load_idx %arg7[%parallel_loop3A_227] : memref<16896xf32, #tpu.memory_space<vmem>>[vector<16xi32>], vector<16xf32>,
          %parallel_loop3A_229 = arith.constant 12 : i32
          %parallel_loop3A_230 = arith.index_cast %parallel_loop3A_116 : i32 to index
          %parallel_loop3A_231 = arith.index_cast %parallel_loop3A_229 : i32 to index
          %parallel_loop3A_232 = arith.index_cast %parallel_loop3A_98 : i32 to index
          %parallel_loop3A_233 = tpu.vector_load %arg12[%parallel_loop3A_230, %parallel_loop3A_231, %parallel_loop3A_232] {strides = array<i32>} : memref<10x16x128xf32, #tpu.memory_space<vmem>>, vector<16xf32>,
          tpu.vector_store %arg12[%parallel_loop3A_230, %parallel_loop3A_231, %parallel_loop3A_232], %parallel_loop3A_228 {strides = array<i32>} : memref<10x16x128xf32, #tpu.memory_space<vmem>>, vector<16xf32>,
          %parallel_loop3A_234 = arith.constant 208 : i32
          %parallel_loop3A_235 = vector.broadcast %parallel_loop3A_234 : i32 to vector<16xi32>
          %parallel_loop3A_236 = arith.addi %parallel_loop3A_114, %parallel_loop3A_235 : vector<16xi32>
          %parallel_loop3A_237 = tpu.vector_load_idx %arg7[%parallel_loop3A_236] : memref<16896xf32, #tpu.memory_space<vmem>>[vector<16xi32>], vector<16xf32>,
          %parallel_loop3A_238 = arith.constant 13 : i32
          %parallel_loop3A_239 = arith.index_cast %parallel_loop3A_116 : i32 to index
          %parallel_loop3A_240 = arith.index_cast %parallel_loop3A_238 : i32 to index
          %parallel_loop3A_241 = arith.index_cast %parallel_loop3A_98 : i32 to index
          %parallel_loop3A_242 = tpu.vector_load %arg12[%parallel_loop3A_239, %parallel_loop3A_240, %parallel_loop3A_241] {strides = array<i32>} : memref<10x16x128xf32, #tpu.memory_space<vmem>>, vector<16xf32>,
          tpu.vector_store %arg12[%parallel_loop3A_239, %parallel_loop3A_240, %parallel_loop3A_241], %parallel_loop3A_237 {strides = array<i32>} : memref<10x16x128xf32, #tpu.memory_space<vmem>>, vector<16xf32>,
          %parallel_loop3A_243 = arith.constant 224 : i32
          %parallel_loop3A_244 = vector.broadcast %parallel_loop3A_243 : i32 to vector<16xi32>
          %parallel_loop3A_245 = arith.addi %parallel_loop3A_114, %parallel_loop3A_244 : vector<16xi32>
          %parallel_loop3A_246 = tpu.vector_load_idx %arg7[%parallel_loop3A_245] : memref<16896xf32, #tpu.memory_space<vmem>>[vector<16xi32>], vector<16xf32>,
          %parallel_loop3A_247 = arith.constant 14 : i32
          %parallel_loop3A_248 = arith.index_cast %parallel_loop3A_116 : i32 to index
          %parallel_loop3A_249 = arith.index_cast %parallel_loop3A_247 : i32 to index
          %parallel_loop3A_250 = arith.index_cast %parallel_loop3A_98 : i32 to index
          %parallel_loop3A_251 = tpu.vector_load %arg12[%parallel_loop3A_248, %parallel_loop3A_249, %parallel_loop3A_250] {strides = array<i32>} : memref<10x16x128xf32, #tpu.memory_space<vmem>>, vector<16xf32>,
          tpu.vector_store %arg12[%parallel_loop3A_248, %parallel_loop3A_249, %parallel_loop3A_250], %parallel_loop3A_246 {strides = array<i32>} : memref<10x16x128xf32, #tpu.memory_space<vmem>>, vector<16xf32>,
          %parallel_loop3A_252 = arith.constant 240 : i32
          %parallel_loop3A_253 = vector.broadcast %parallel_loop3A_252 : i32 to vector<16xi32>
          %parallel_loop3A_254 = arith.addi %parallel_loop3A_114, %parallel_loop3A_253 : vector<16xi32>
          %parallel_loop3A_255 = tpu.vector_load_idx %arg7[%parallel_loop3A_254] : memref<16896xf32, #tpu.memory_space<vmem>>[vector<16xi32>], vector<16xf32>,
          %parallel_loop3A_256 = arith.constant 15 : i32
          %parallel_loop3A_257 = arith.index_cast %parallel_loop3A_116 : i32 to index
          %parallel_loop3A_258 = arith.index_cast %parallel_loop3A_256 : i32 to index
          %parallel_loop3A_259 = arith.index_cast %parallel_loop3A_98 : i32 to index
          %parallel_loop3A_260 = tpu.vector_load %arg12[%parallel_loop3A_257, %parallel_loop3A_258, %parallel_loop3A_259] {strides = array<i32>} : memref<10x16x128xf32, #tpu.memory_space<vmem>>, vector<16xf32>,
          tpu.vector_store %arg12[%parallel_loop3A_257, %parallel_loop3A_258, %parallel_loop3A_259], %parallel_loop3A_255 {strides = array<i32>} : memref<10x16x128xf32, #tpu.memory_space<vmem>>, vector<16xf32>,
        } {sc.loop_unroll_factor = 4 : i64, sc.parallel_access}
        %mul3A_62 = arith.constant 10 : i32
        %mul3A_63 = arith.muli %add3A_54, %mul3A_62 : i32
        %mul3A_64 = arith.constant 128 : i32
        %mul3A_65 = arith.muli %add3A_15, %mul3A_64 : i32
        %dma_start3A = arith.constant 0 : i32
        %dma_start3A_66 = tpu.memref_slice %arg5[%mul3A_63, %dma_start3A, %mul3A_65] : memref<200x16x16384xf32, #tpu.memory_space<hbm>> -> memref<10x16x128xf32, #tpu.memory_space<hbm>>
        %dma_start3A_67 = arith.constant 0 : i32
        %dma_start3A_68 = tpu.memref_slice %arg5[%mul3A_63, %dma_start3A_67, %mul3A_65] : memref<200x16x16384xf32, #tpu.memory_space<hbm>> -> memref<10x16x128xf32, #tpu.memory_space<hbm>>
        tpu.enqueue_dma source(%arg12 : memref<10x16x128xf32, #tpu.memory_space<vmem>>) target(%dma_start3A_68 : memref<10x16x128xf32, #tpu.memory_space<hbm>>) target_semaphore(%arg14 : memref<!tpu.dma_semaphore, #tpu.memory_space<semaphore_mem>>)
        %mul3A_69 = arith.constant 2 : i32
        %mul3A_70 = arith.muli %scan3A_50, %mul3A_69 : i32
        %add3A_71 = arith.constant 1 : i32
        %add3A_72 = arith.addi %mul3A_70, %add3A_71 : i32
        %mul3A_73 = arith.constant 10 : i32
        %mul3A_74 = arith.muli %add3A_72, %mul3A_73 : i32
        %gt3A_75 = arith.constant 0 : i32
        %gt3A_76 = arith.cmpi sgt, %scan3A_50, %gt3A_75 : i32
        %convert_element_type3A_77 = arith.extui %gt3A_76 : i1 to i32
        %cond3A_78 = arith.constant 0 : i32
        %cond3A_79 = arith.cmpi ne, %convert_element_type3A_77, %cond3A_78 : i32
        scf.if %cond3A_79 {
          %sub3A = arith.constant 2 : i32
          %sub3A_91 = arith.subi %add3A_72, %sub3A : i32
          %mul3A_92 = arith.constant 10 : i32
          %mul3A_93 = arith.muli %sub3A_91, %mul3A_92 : i32
          %mul3A_94 = arith.constant 128 : i32
          %mul3A_95 = arith.muli %add3A_15, %mul3A_94 : i32
          %dma_wait3A_96 = arith.constant 0 : i32
          %dma_wait3A_97 = tpu.memref_slice %arg5[%mul3A_93, %dma_wait3A_96, %mul3A_95] : memref<200x16x16384xf32, #tpu.memory_space<hbm>> -> memref<10x16x128xf32, #tpu.memory_space<hbm>>
          %dma_wait3A_98 = arith.constant 0 : i32
          %dma_wait3A_99 = tpu.memref_slice %arg5[%mul3A_93, %dma_wait3A_98, %mul3A_95] : memref<200x16x16384xf32, #tpu.memory_space<hbm>> -> memref<10x16x128xf32, #tpu.memory_space<hbm>>
          tpu.wait_dma2 semaphore(%arg15 : memref<!tpu.dma_semaphore, #tpu.memory_space<semaphore_mem>>) src(%arg13 : memref<10x16x128xf32, #tpu.memory_space<vmem>>) dst(%dma_wait3A_99 : memref<10x16x128xf32, #tpu.memory_space<hbm>>)
        } else {
        }
        %parallel_loop3A_80 = arith.constant 0 : i32
        %parallel_loop3A_81 = arith.constant 80 : i32
        %parallel_loop3A_82 = arith.constant 1 : i32
        scf.for %parallel_loop3A_91 = %parallel_loop3A_80 to %parallel_loop3A_81 step %parallel_loop3A_82  : i32 {
          %parallel_loop3A_92 = arith.constant 3 : i32
          %parallel_loop3A_93 = arith.shrsi %parallel_loop3A_91, %parallel_loop3A_92 : i32
          %parallel_loop3A_94 = arith.addi %mul3A_74, %parallel_loop3A_93 : i32
          %parallel_loop3A_95 = arith.constant 7 : i32
          %parallel_loop3A_96 = arith.andi %parallel_loop3A_91, %parallel_loop3A_95 : i32
          %parallel_loop3A_97 = arith.constant 16 : i32
          %parallel_loop3A_98 = arith.muli %parallel_loop3A_96, %parallel_loop3A_97 : i32
          %parallel_loop3A_99 = vector.broadcast %parallel_loop3A_98 : i32 to vector<16xi32>
          %parallel_loop3A_100 = arith.addi %parallel_loop3A_99, %iota3A : vector<16xi32>
          %parallel_loop3A_101 = arith.constant 7 : i32
          %parallel_loop3A_102 = arith.shli %parallel_loop3A_94, %parallel_loop3A_101 : i32
          %parallel_loop3A_103 = vector.broadcast %parallel_loop3A_94 : i32 to vector<16xi32>
          %parallel_loop3A_104 = arith.addi %parallel_loop3A_100, %parallel_loop3A_103 : vector<16xi32>
          %parallel_loop3A_105 = arith.constant 127 : i32
          %parallel_loop3A_106 = vector.broadcast %parallel_loop3A_105 : i32 to vector<16xi32>
          %parallel_loop3A_107 = arith.andi %parallel_loop3A_104, %parallel_loop3A_106 : vector<16xi32>
          %parallel_loop3A_108 = vector.broadcast %parallel_loop3A_102 : i32 to vector<16xi32>
          %parallel_loop3A_109 = arith.addi %parallel_loop3A_108, %parallel_loop3A_107 : vector<16xi32>
          %parallel_loop3A_110 = tpu.vector_load_idx %arg11[%parallel_loop3A_109] : memref<25600xi32, #tpu.memory_space<vmem>>[vector<16xi32>], vector<16xi32>,
          %parallel_loop3A_111 = arith.constant 8 : i32
          %parallel_loop3A_112 = vector.broadcast %parallel_loop3A_111 : i32 to vector<16xi32>
          %parallel_loop3A_113 = arith.shli %parallel_loop3A_110, %parallel_loop3A_112 : vector<16xi32>
          %parallel_loop3A_114 = arith.addi %parallel_loop3A_113, %add3A_28 : vector<16xi32>
          %parallel_loop3A_115 = arith.constant 3 : i32
          %parallel_loop3A_116 = arith.shrsi %parallel_loop3A_91, %parallel_loop3A_115 : i32
          %parallel_loop3A_117 = arith.constant 0 : i32
          %parallel_loop3A_118 = vector.broadcast %parallel_loop3A_117 : i32 to vector<16xi32>
          %parallel_loop3A_119 = arith.addi %parallel_loop3A_114, %parallel_loop3A_118 : vector<16xi32>
          %parallel_loop3A_120 = tpu.vector_load_idx %arg7[%parallel_loop3A_119] : memref<16896xf32, #tpu.memory_space<vmem>>[vector<16xi32>], vector<16xf32>,
          %parallel_loop3A_121 = arith.constant 0 : i32
          %parallel_loop3A_122 = arith.index_cast %parallel_loop3A_116 : i32 to index
          %parallel_loop3A_123 = arith.index_cast %parallel_loop3A_121 : i32 to index
          %parallel_loop3A_124 = arith.index_cast %parallel_loop3A_98 : i32 to index
          %parallel_loop3A_125 = tpu.vector_load %arg13[%parallel_loop3A_122, %parallel_loop3A_123, %parallel_loop3A_124] {strides = array<i32>} : memref<10x16x128xf32, #tpu.memory_space<vmem>>, vector<16xf32>,
          tpu.vector_store %arg13[%parallel_loop3A_122, %parallel_loop3A_123, %parallel_loop3A_124], %parallel_loop3A_120 {strides = array<i32>} : memref<10x16x128xf32, #tpu.memory_space<vmem>>, vector<16xf32>,
          %parallel_loop3A_126 = arith.constant 16 : i32
          %parallel_loop3A_127 = vector.broadcast %parallel_loop3A_126 : i32 to vector<16xi32>
          %parallel_loop3A_128 = arith.addi %parallel_loop3A_114, %parallel_loop3A_127 : vector<16xi32>
          %parallel_loop3A_129 = tpu.vector_load_idx %arg7[%parallel_loop3A_128] : memref<16896xf32, #tpu.memory_space<vmem>>[vector<16xi32>], vector<16xf32>,
          %parallel_loop3A_130 = arith.constant 1 : i32
          %parallel_loop3A_131 = arith.index_cast %parallel_loop3A_116 : i32 to index
          %parallel_loop3A_132 = arith.index_cast %parallel_loop3A_130 : i32 to index
          %parallel_loop3A_133 = arith.index_cast %parallel_loop3A_98 : i32 to index
          %parallel_loop3A_134 = tpu.vector_load %arg13[%parallel_loop3A_131, %parallel_loop3A_132, %parallel_loop3A_133] {strides = array<i32>} : memref<10x16x128xf32, #tpu.memory_space<vmem>>, vector<16xf32>,
          tpu.vector_store %arg13[%parallel_loop3A_131, %parallel_loop3A_132, %parallel_loop3A_133], %parallel_loop3A_129 {strides = array<i32>} : memref<10x16x128xf32, #tpu.memory_space<vmem>>, vector<16xf32>,
          %parallel_loop3A_135 = arith.constant 32 : i32
          %parallel_loop3A_136 = vector.broadcast %parallel_loop3A_135 : i32 to vector<16xi32>
          %parallel_loop3A_137 = arith.addi %parallel_loop3A_114, %parallel_loop3A_136 : vector<16xi32>
          %parallel_loop3A_138 = tpu.vector_load_idx %arg7[%parallel_loop3A_137] : memref<16896xf32, #tpu.memory_space<vmem>>[vector<16xi32>], vector<16xf32>,
          %parallel_loop3A_139 = arith.constant 2 : i32
          %parallel_loop3A_140 = arith.index_cast %parallel_loop3A_116 : i32 to index
          %parallel_loop3A_141 = arith.index_cast %parallel_loop3A_139 : i32 to index
          %parallel_loop3A_142 = arith.index_cast %parallel_loop3A_98 : i32 to index
          %parallel_loop3A_143 = tpu.vector_load %arg13[%parallel_loop3A_140, %parallel_loop3A_141, %parallel_loop3A_142] {strides = array<i32>} : memref<10x16x128xf32, #tpu.memory_space<vmem>>, vector<16xf32>,
          tpu.vector_store %arg13[%parallel_loop3A_140, %parallel_loop3A_141, %parallel_loop3A_142], %parallel_loop3A_138 {strides = array<i32>} : memref<10x16x128xf32, #tpu.memory_space<vmem>>, vector<16xf32>,
          %parallel_loop3A_144 = arith.constant 48 : i32
          %parallel_loop3A_145 = vector.broadcast %parallel_loop3A_144 : i32 to vector<16xi32>
          %parallel_loop3A_146 = arith.addi %parallel_loop3A_114, %parallel_loop3A_145 : vector<16xi32>
          %parallel_loop3A_147 = tpu.vector_load_idx %arg7[%parallel_loop3A_146] : memref<16896xf32, #tpu.memory_space<vmem>>[vector<16xi32>], vector<16xf32>,
          %parallel_loop3A_148 = arith.constant 3 : i32
          %parallel_loop3A_149 = arith.index_cast %parallel_loop3A_116 : i32 to index
          %parallel_loop3A_150 = arith.index_cast %parallel_loop3A_148 : i32 to index
          %parallel_loop3A_151 = arith.index_cast %parallel_loop3A_98 : i32 to index
          %parallel_loop3A_152 = tpu.vector_load %arg13[%parallel_loop3A_149, %parallel_loop3A_150, %parallel_loop3A_151] {strides = array<i32>} : memref<10x16x128xf32, #tpu.memory_space<vmem>>, vector<16xf32>,
          tpu.vector_store %arg13[%parallel_loop3A_149, %parallel_loop3A_150, %parallel_loop3A_151], %parallel_loop3A_147 {strides = array<i32>} : memref<10x16x128xf32, #tpu.memory_space<vmem>>, vector<16xf32>,
          %parallel_loop3A_153 = arith.constant 64 : i32
          %parallel_loop3A_154 = vector.broadcast %parallel_loop3A_153 : i32 to vector<16xi32>
          %parallel_loop3A_155 = arith.addi %parallel_loop3A_114, %parallel_loop3A_154 : vector<16xi32>
          %parallel_loop3A_156 = tpu.vector_load_idx %arg7[%parallel_loop3A_155] : memref<16896xf32, #tpu.memory_space<vmem>>[vector<16xi32>], vector<16xf32>,
          %parallel_loop3A_157 = arith.constant 4 : i32
          %parallel_loop3A_158 = arith.index_cast %parallel_loop3A_116 : i32 to index
          %parallel_loop3A_159 = arith.index_cast %parallel_loop3A_157 : i32 to index
          %parallel_loop3A_160 = arith.index_cast %parallel_loop3A_98 : i32 to index
          %parallel_loop3A_161 = tpu.vector_load %arg13[%parallel_loop3A_158, %parallel_loop3A_159, %parallel_loop3A_160] {strides = array<i32>} : memref<10x16x128xf32, #tpu.memory_space<vmem>>, vector<16xf32>,
          tpu.vector_store %arg13[%parallel_loop3A_158, %parallel_loop3A_159, %parallel_loop3A_160], %parallel_loop3A_156 {strides = array<i32>} : memref<10x16x128xf32, #tpu.memory_space<vmem>>, vector<16xf32>,
          %parallel_loop3A_162 = arith.constant 80 : i32
          %parallel_loop3A_163 = vector.broadcast %parallel_loop3A_162 : i32 to vector<16xi32>
          %parallel_loop3A_164 = arith.addi %parallel_loop3A_114, %parallel_loop3A_163 : vector<16xi32>
          %parallel_loop3A_165 = tpu.vector_load_idx %arg7[%parallel_loop3A_164] : memref<16896xf32, #tpu.memory_space<vmem>>[vector<16xi32>], vector<16xf32>,
          %parallel_loop3A_166 = arith.constant 5 : i32
          %parallel_loop3A_167 = arith.index_cast %parallel_loop3A_116 : i32 to index
          %parallel_loop3A_168 = arith.index_cast %parallel_loop3A_166 : i32 to index
          %parallel_loop3A_169 = arith.index_cast %parallel_loop3A_98 : i32 to index
          %parallel_loop3A_170 = tpu.vector_load %arg13[%parallel_loop3A_167, %parallel_loop3A_168, %parallel_loop3A_169] {strides = array<i32>} : memref<10x16x128xf32, #tpu.memory_space<vmem>>, vector<16xf32>,
          tpu.vector_store %arg13[%parallel_loop3A_167, %parallel_loop3A_168, %parallel_loop3A_169], %parallel_loop3A_165 {strides = array<i32>} : memref<10x16x128xf32, #tpu.memory_space<vmem>>, vector<16xf32>,
          %parallel_loop3A_171 = arith.constant 96 : i32
          %parallel_loop3A_172 = vector.broadcast %parallel_loop3A_171 : i32 to vector<16xi32>
          %parallel_loop3A_173 = arith.addi %parallel_loop3A_114, %parallel_loop3A_172 : vector<16xi32>
          %parallel_loop3A_174 = tpu.vector_load_idx %arg7[%parallel_loop3A_173] : memref<16896xf32, #tpu.memory_space<vmem>>[vector<16xi32>], vector<16xf32>,
          %parallel_loop3A_175 = arith.constant 6 : i32
          %parallel_loop3A_176 = arith.index_cast %parallel_loop3A_116 : i32 to index
          %parallel_loop3A_177 = arith.index_cast %parallel_loop3A_175 : i32 to index
          %parallel_loop3A_178 = arith.index_cast %parallel_loop3A_98 : i32 to index
          %parallel_loop3A_179 = tpu.vector_load %arg13[%parallel_loop3A_176, %parallel_loop3A_177, %parallel_loop3A_178] {strides = array<i32>} : memref<10x16x128xf32, #tpu.memory_space<vmem>>, vector<16xf32>,
          tpu.vector_store %arg13[%parallel_loop3A_176, %parallel_loop3A_177, %parallel_loop3A_178], %parallel_loop3A_174 {strides = array<i32>} : memref<10x16x128xf32, #tpu.memory_space<vmem>>, vector<16xf32>,
          %parallel_loop3A_180 = arith.constant 112 : i32
          %parallel_loop3A_181 = vector.broadcast %parallel_loop3A_180 : i32 to vector<16xi32>
          %parallel_loop3A_182 = arith.addi %parallel_loop3A_114, %parallel_loop3A_181 : vector<16xi32>
          %parallel_loop3A_183 = tpu.vector_load_idx %arg7[%parallel_loop3A_182] : memref<16896xf32, #tpu.memory_space<vmem>>[vector<16xi32>], vector<16xf32>,
          %parallel_loop3A_184 = arith.constant 7 : i32
          %parallel_loop3A_185 = arith.index_cast %parallel_loop3A_116 : i32 to index
          %parallel_loop3A_186 = arith.index_cast %parallel_loop3A_184 : i32 to index
          %parallel_loop3A_187 = arith.index_cast %parallel_loop3A_98 : i32 to index
          %parallel_loop3A_188 = tpu.vector_load %arg13[%parallel_loop3A_185, %parallel_loop3A_186, %parallel_loop3A_187] {strides = array<i32>} : memref<10x16x128xf32, #tpu.memory_space<vmem>>, vector<16xf32>,
          tpu.vector_store %arg13[%parallel_loop3A_185, %parallel_loop3A_186, %parallel_loop3A_187], %parallel_loop3A_183 {strides = array<i32>} : memref<10x16x128xf32, #tpu.memory_space<vmem>>, vector<16xf32>,
          %parallel_loop3A_189 = arith.constant 128 : i32
          %parallel_loop3A_190 = vector.broadcast %parallel_loop3A_189 : i32 to vector<16xi32>
          %parallel_loop3A_191 = arith.addi %parallel_loop3A_114, %parallel_loop3A_190 : vector<16xi32>
          %parallel_loop3A_192 = tpu.vector_load_idx %arg7[%parallel_loop3A_191] : memref<16896xf32, #tpu.memory_space<vmem>>[vector<16xi32>], vector<16xf32>,
          %parallel_loop3A_193 = arith.constant 8 : i32
          %parallel_loop3A_194 = arith.index_cast %parallel_loop3A_116 : i32 to index
          %parallel_loop3A_195 = arith.index_cast %parallel_loop3A_193 : i32 to index
          %parallel_loop3A_196 = arith.index_cast %parallel_loop3A_98 : i32 to index
          %parallel_loop3A_197 = tpu.vector_load %arg13[%parallel_loop3A_194, %parallel_loop3A_195, %parallel_loop3A_196] {strides = array<i32>} : memref<10x16x128xf32, #tpu.memory_space<vmem>>, vector<16xf32>,
          tpu.vector_store %arg13[%parallel_loop3A_194, %parallel_loop3A_195, %parallel_loop3A_196], %parallel_loop3A_192 {strides = array<i32>} : memref<10x16x128xf32, #tpu.memory_space<vmem>>, vector<16xf32>,
          %parallel_loop3A_198 = arith.constant 144 : i32
          %parallel_loop3A_199 = vector.broadcast %parallel_loop3A_198 : i32 to vector<16xi32>
          %parallel_loop3A_200 = arith.addi %parallel_loop3A_114, %parallel_loop3A_199 : vector<16xi32>
          %parallel_loop3A_201 = tpu.vector_load_idx %arg7[%parallel_loop3A_200] : memref<16896xf32, #tpu.memory_space<vmem>>[vector<16xi32>], vector<16xf32>,
          %parallel_loop3A_202 = arith.constant 9 : i32
          %parallel_loop3A_203 = arith.index_cast %parallel_loop3A_116 : i32 to index
          %parallel_loop3A_204 = arith.index_cast %parallel_loop3A_202 : i32 to index
          %parallel_loop3A_205 = arith.index_cast %parallel_loop3A_98 : i32 to index
          %parallel_loop3A_206 = tpu.vector_load %arg13[%parallel_loop3A_203, %parallel_loop3A_204, %parallel_loop3A_205] {strides = array<i32>} : memref<10x16x128xf32, #tpu.memory_space<vmem>>, vector<16xf32>,
          tpu.vector_store %arg13[%parallel_loop3A_203, %parallel_loop3A_204, %parallel_loop3A_205], %parallel_loop3A_201 {strides = array<i32>} : memref<10x16x128xf32, #tpu.memory_space<vmem>>, vector<16xf32>,
          %parallel_loop3A_207 = arith.constant 160 : i32
          %parallel_loop3A_208 = vector.broadcast %parallel_loop3A_207 : i32 to vector<16xi32>
          %parallel_loop3A_209 = arith.addi %parallel_loop3A_114, %parallel_loop3A_208 : vector<16xi32>
          %parallel_loop3A_210 = tpu.vector_load_idx %arg7[%parallel_loop3A_209] : memref<16896xf32, #tpu.memory_space<vmem>>[vector<16xi32>], vector<16xf32>,
          %parallel_loop3A_211 = arith.constant 10 : i32
          %parallel_loop3A_212 = arith.index_cast %parallel_loop3A_116 : i32 to index
          %parallel_loop3A_213 = arith.index_cast %parallel_loop3A_211 : i32 to index
          %parallel_loop3A_214 = arith.index_cast %parallel_loop3A_98 : i32 to index
          %parallel_loop3A_215 = tpu.vector_load %arg13[%parallel_loop3A_212, %parallel_loop3A_213, %parallel_loop3A_214] {strides = array<i32>} : memref<10x16x128xf32, #tpu.memory_space<vmem>>, vector<16xf32>,
          tpu.vector_store %arg13[%parallel_loop3A_212, %parallel_loop3A_213, %parallel_loop3A_214], %parallel_loop3A_210 {strides = array<i32>} : memref<10x16x128xf32, #tpu.memory_space<vmem>>, vector<16xf32>,
          %parallel_loop3A_216 = arith.constant 176 : i32
          %parallel_loop3A_217 = vector.broadcast %parallel_loop3A_216 : i32 to vector<16xi32>
          %parallel_loop3A_218 = arith.addi %parallel_loop3A_114, %parallel_loop3A_217 : vector<16xi32>
          %parallel_loop3A_219 = tpu.vector_load_idx %arg7[%parallel_loop3A_218] : memref<16896xf32, #tpu.memory_space<vmem>>[vector<16xi32>], vector<16xf32>,
          %parallel_loop3A_220 = arith.constant 11 : i32
          %parallel_loop3A_221 = arith.index_cast %parallel_loop3A_116 : i32 to index
          %parallel_loop3A_222 = arith.index_cast %parallel_loop3A_220 : i32 to index
          %parallel_loop3A_223 = arith.index_cast %parallel_loop3A_98 : i32 to index
          %parallel_loop3A_224 = tpu.vector_load %arg13[%parallel_loop3A_221, %parallel_loop3A_222, %parallel_loop3A_223] {strides = array<i32>} : memref<10x16x128xf32, #tpu.memory_space<vmem>>, vector<16xf32>,
          tpu.vector_store %arg13[%parallel_loop3A_221, %parallel_loop3A_222, %parallel_loop3A_223], %parallel_loop3A_219 {strides = array<i32>} : memref<10x16x128xf32, #tpu.memory_space<vmem>>, vector<16xf32>,
          %parallel_loop3A_225 = arith.constant 192 : i32
          %parallel_loop3A_226 = vector.broadcast %parallel_loop3A_225 : i32 to vector<16xi32>
          %parallel_loop3A_227 = arith.addi %parallel_loop3A_114, %parallel_loop3A_226 : vector<16xi32>
          %parallel_loop3A_228 = tpu.vector_load_idx %arg7[%parallel_loop3A_227] : memref<16896xf32, #tpu.memory_space<vmem>>[vector<16xi32>], vector<16xf32>,
          %parallel_loop3A_229 = arith.constant 12 : i32
          %parallel_loop3A_230 = arith.index_cast %parallel_loop3A_116 : i32 to index
          %parallel_loop3A_231 = arith.index_cast %parallel_loop3A_229 : i32 to index
          %parallel_loop3A_232 = arith.index_cast %parallel_loop3A_98 : i32 to index
          %parallel_loop3A_233 = tpu.vector_load %arg13[%parallel_loop3A_230, %parallel_loop3A_231, %parallel_loop3A_232] {strides = array<i32>} : memref<10x16x128xf32, #tpu.memory_space<vmem>>, vector<16xf32>,
          tpu.vector_store %arg13[%parallel_loop3A_230, %parallel_loop3A_231, %parallel_loop3A_232], %parallel_loop3A_228 {strides = array<i32>} : memref<10x16x128xf32, #tpu.memory_space<vmem>>, vector<16xf32>,
          %parallel_loop3A_234 = arith.constant 208 : i32
          %parallel_loop3A_235 = vector.broadcast %parallel_loop3A_234 : i32 to vector<16xi32>
          %parallel_loop3A_236 = arith.addi %parallel_loop3A_114, %parallel_loop3A_235 : vector<16xi32>
          %parallel_loop3A_237 = tpu.vector_load_idx %arg7[%parallel_loop3A_236] : memref<16896xf32, #tpu.memory_space<vmem>>[vector<16xi32>], vector<16xf32>,
          %parallel_loop3A_238 = arith.constant 13 : i32
          %parallel_loop3A_239 = arith.index_cast %parallel_loop3A_116 : i32 to index
          %parallel_loop3A_240 = arith.index_cast %parallel_loop3A_238 : i32 to index
          %parallel_loop3A_241 = arith.index_cast %parallel_loop3A_98 : i32 to index
          %parallel_loop3A_242 = tpu.vector_load %arg13[%parallel_loop3A_239, %parallel_loop3A_240, %parallel_loop3A_241] {strides = array<i32>} : memref<10x16x128xf32, #tpu.memory_space<vmem>>, vector<16xf32>,
          tpu.vector_store %arg13[%parallel_loop3A_239, %parallel_loop3A_240, %parallel_loop3A_241], %parallel_loop3A_237 {strides = array<i32>} : memref<10x16x128xf32, #tpu.memory_space<vmem>>, vector<16xf32>,
          %parallel_loop3A_243 = arith.constant 224 : i32
          %parallel_loop3A_244 = vector.broadcast %parallel_loop3A_243 : i32 to vector<16xi32>
          %parallel_loop3A_245 = arith.addi %parallel_loop3A_114, %parallel_loop3A_244 : vector<16xi32>
          %parallel_loop3A_246 = tpu.vector_load_idx %arg7[%parallel_loop3A_245] : memref<16896xf32, #tpu.memory_space<vmem>>[vector<16xi32>], vector<16xf32>,
          %parallel_loop3A_247 = arith.constant 14 : i32
          %parallel_loop3A_248 = arith.index_cast %parallel_loop3A_116 : i32 to index
          %parallel_loop3A_249 = arith.index_cast %parallel_loop3A_247 : i32 to index
          %parallel_loop3A_250 = arith.index_cast %parallel_loop3A_98 : i32 to index
          %parallel_loop3A_251 = tpu.vector_load %arg13[%parallel_loop3A_248, %parallel_loop3A_249, %parallel_loop3A_250] {strides = array<i32>} : memref<10x16x128xf32, #tpu.memory_space<vmem>>, vector<16xf32>,
          tpu.vector_store %arg13[%parallel_loop3A_248, %parallel_loop3A_249, %parallel_loop3A_250], %parallel_loop3A_246 {strides = array<i32>} : memref<10x16x128xf32, #tpu.memory_space<vmem>>, vector<16xf32>,
          %parallel_loop3A_252 = arith.constant 240 : i32
          %parallel_loop3A_253 = vector.broadcast %parallel_loop3A_252 : i32 to vector<16xi32>
          %parallel_loop3A_254 = arith.addi %parallel_loop3A_114, %parallel_loop3A_253 : vector<16xi32>
          %parallel_loop3A_255 = tpu.vector_load_idx %arg7[%parallel_loop3A_254] : memref<16896xf32, #tpu.memory_space<vmem>>[vector<16xi32>], vector<16xf32>,
          %parallel_loop3A_256 = arith.constant 15 : i32
          %parallel_loop3A_257 = arith.index_cast %parallel_loop3A_116 : i32 to index
          %parallel_loop3A_258 = arith.index_cast %parallel_loop3A_256 : i32 to index
          %parallel_loop3A_259 = arith.index_cast %parallel_loop3A_98 : i32 to index
          %parallel_loop3A_260 = tpu.vector_load %arg13[%parallel_loop3A_257, %parallel_loop3A_258, %parallel_loop3A_259] {strides = array<i32>} : memref<10x16x128xf32, #tpu.memory_space<vmem>>, vector<16xf32>,
          tpu.vector_store %arg13[%parallel_loop3A_257, %parallel_loop3A_258, %parallel_loop3A_259], %parallel_loop3A_255 {strides = array<i32>} : memref<10x16x128xf32, #tpu.memory_space<vmem>>, vector<16xf32>,
        } {sc.loop_unroll_factor = 4 : i64, sc.parallel_access}
        %mul3A_83 = arith.constant 10 : i32
        %mul3A_84 = arith.muli %add3A_72, %mul3A_83 : i32
        %mul3A_85 = arith.constant 128 : i32
        %mul3A_86 = arith.muli %add3A_15, %mul3A_85 : i32
        %dma_start3A_87 = arith.constant 0 : i32
        %dma_start3A_88 = tpu.memref_slice %arg5[%mul3A_84, %dma_start3A_87, %mul3A_86] : memref<200x16x16384xf32, #tpu.memory_space<hbm>> -> memref<10x16x128xf32, #tpu.memory_space<hbm>>
        %dma_start3A_89 = arith.constant 0 : i32
        %dma_start3A_90 = tpu.memref_slice %arg5[%mul3A_84, %dma_start3A_89, %mul3A_86] : memref<200x16x16384xf32, #tpu.memory_space<hbm>> -> memref<10x16x128xf32, #tpu.memory_space<hbm>>
        tpu.enqueue_dma source(%arg13 : memref<10x16x128xf32, #tpu.memory_space<vmem>>) target(%dma_start3A_90 : memref<10x16x128xf32, #tpu.memory_space<hbm>>) target_semaphore(%arg15 : memref<!tpu.dma_semaphore, #tpu.memory_space<semaphore_mem>>)
      }
      %scan3A_34 = arith.constant 10 : i32
      %mul3A_35 = arith.constant 128 : i32
      %mul3A_36 = arith.muli %add3A_15, %mul3A_35 : i32
      %dma_wait3A = arith.constant 180 : i32
      %dma_wait3A_37 = arith.constant 0 : i32
      %dma_wait3A_38 = tpu.memref_slice %arg5[%dma_wait3A, %dma_wait3A_37, %mul3A_36] : memref<200x16x16384xf32, #tpu.memory_space<hbm>> -> memref<10x16x128xf32, #tpu.memory_space<hbm>>
      %dma_wait3A_39 = arith.constant 180 : i32
      %dma_wait3A_40 = arith.constant 0 : i32
      %dma_wait3A_41 = tpu.memref_slice %arg5[%dma_wait3A_39, %dma_wait3A_40, %mul3A_36] : memref<200x16x16384xf32, #tpu.memory_space<hbm>> -> memref<10x16x128xf32, #tpu.memory_space<hbm>>
      tpu.wait_dma2 semaphore(%arg14 : memref<!tpu.dma_semaphore, #tpu.memory_space<semaphore_mem>>) src(%arg12 : memref<10x16x128xf32, #tpu.memory_space<vmem>>) dst(%dma_wait3A_41 : memref<10x16x128xf32, #tpu.memory_space<hbm>>)
      %mul3A_42 = arith.constant 128 : i32
      %mul3A_43 = arith.muli %add3A_15, %mul3A_42 : i32
      %dma_wait3A_44 = arith.constant 190 : i32
      %dma_wait3A_45 = arith.constant 0 : i32
      %dma_wait3A_46 = tpu.memref_slice %arg5[%dma_wait3A_44, %dma_wait3A_45, %mul3A_43] : memref<200x16x16384xf32, #tpu.memory_space<hbm>> -> memref<10x16x128xf32, #tpu.memory_space<hbm>>
      %dma_wait3A_47 = arith.constant 190 : i32
      %dma_wait3A_48 = arith.constant 0 : i32
      %dma_wait3A_49 = tpu.memref_slice %arg5[%dma_wait3A_47, %dma_wait3A_48, %mul3A_43] : memref<200x16x16384xf32, #tpu.memory_space<hbm>> -> memref<10x16x128xf32, #tpu.memory_space<hbm>>
      tpu.wait_dma2 semaphore(%arg15 : memref<!tpu.dma_semaphore, #tpu.memory_space<semaphore_mem>>) src(%arg13 : memref<10x16x128xf32, #tpu.memory_space<vmem>>) dst(%dma_wait3A_49 : memref<10x16x128xf32, #tpu.memory_space<hbm>>)
    }
    %scan3A_11 = arith.constant 4 : i32
    return
  }
}

</mosaic_0001>

<sc_bundles>
// kernel: kernel.3.cloned.1.call-start
scs
__scs_entry_jumppad:
0x0: {  	(pc) =	sbr.rel $0x88, $3  }
0x1: {  	(tag) =	ssettag $0x0;
	lr =	simm.s32 $0x1  }
0x2: {  	[smem:$0x3F9E] =	sst lr;
	_ =	strace $0xD0000000  }
0x3: {  	_ = 	snop  }
0x4: {  	_ = 	snop  }
0x5: {  	_ = 	snop  }
0x6: {  	_ = 	snop  }
0x7: {  	_ = 	snop  }
__scs_overlays_trampoline_lowered:
0x8: {  	[smem:$0x3FAD] =	sst s0  }
0x9: {  	[smem:$0x3FAE] =	sst s1  }
0xa: {  	[smem:$0x3FAF] =	sst s2  }
0xb: {  	[smem:$0x3FB0] =	sst s3  }
0xc: {  	[smem:$0x3FB1] =	sst s4  }
0xd: {  	[smem:$0x3FB2] =	sst s5  }
0xe: {  	[smem:$0x3FB3] =	sst s6  }
0xf: {  	[smem:$0x3FB4] =	sst s7  }
0x10: {  	[smem:$0x3FB5] =	sst s8  }
0x11: {  	[smem:$0x3FB6] =	sst s9;
	s0 =	simm.s32 @!p0 $0x0  }
0x12: {  	s1 =	sld [smem:$0x3F9C];
	s0 =	simm.s32 @p0 $0x1  }
0x13: {  	[smem:$0x3FB7] =	sst s0;
	s0 =	simm.s32 @!p1 $0x0  }
0x14: {  	s2 =	sld [smem:$0x3F9B];
	s0 =	simm.s32 @p1 $0x1  }
0x15: {  	[smem:$0x3FB8] =	sst s0;
	s0 =	simm.s32 @!p2 $0x0  }
0x16: {  	s3 =	sld [smem:$0x3FDB];
	s0 =	simm.s32 @p2 $0x1  }
0x17: {  	s4 =	simm.s32 $0x1BF5;
	[smem:$0x3FBA] =	sst s0  }
0x18: {  	s0 =	sld [smem:$0x3F9D];
	_ =	swait.ge [sflag:s4], $0x0  }
0x19: {  	s7 =	sld [smem:$0x3F9E]  }
0x1a: {  	s8 =	sadd.s32 $0xFFFFE003, lr  }
0x1b: {  	s9 =	sadd.s32 $0xFFFFFEF7, lr;
	s5 =	simm.s32 $0xFFFFFFFF;
	p2 =	slt.u32 s8, $0xFFFFF086  }
0x1c: {  	p1 =	slt.u32 s9, $0xF7A;
	s5 =	simm.s32 @!p2 $0x0  }
0x1d: {  	s5 =	simm.s32 @p1 $0x1;
	p0 =	seq.s32 s7, s2  }
0x1e: {  	s7 =	smul.u32 @!p0 $0xF7A, s2;
	p2 =	seq.s32 @!p0 s5, $0x0  }
0x1f: {  	s9 =	smul.u32 $0xF7A, s1;
	s8 =	simm.s32 @!p0 $0x1BF5;
	p2 =	por !p2, p0  }
0x20: {  	[sflag:s8] =	ssyncset.s32 @!p0 $0xFFFFF086;
	s6 =	sadd.s32 @!p0 s3, s7;
	s7 =	simm.s32 @!p0 $0x108  }
0x21: {  	s3 =	sadd.s32 s3, s9;
	s6 =	sadd.s32 @!p0 $0x88, s6;
	s7 =	simm.s32 @p2 $0x1082  }
0x22: {  	[simem:s7], [sflag:s8] =	dma.local @!p0 [hbm:s6], $0xF7A  }
0x23: {  	s9 =	sor.u32 $0xD0000000, s2;
	s6 =	simm.s32 $0x108;
	_ =	swait.ge @!p0 [sflag:s8], $0x0  }
0x24: {  	s3 =	sadd.s32 $0x88, s3;
	s6 =	simm.s32 @!p1 $0x1082;
	[sflag:s4] =	ssyncset.s32 $0xFFFFF086  }
0x25: {  	[simem:s6], [sflag:s4] =	dma.local [hbm:s3], $0xF7A  }
0x26: {  	[smem:$0x3F9E] =	sst s1;
	(tag) =	ssettag s2;
	_ =	strace s9  }
0x27: {  	s1 =	sld [smem:$0x3FAE]  }
0x28: {  	s2 =	sld [smem:$0x3FAF]  }
0x29: {  	s4 =	sld [smem:$0x3FB1]  }
0x2a: {  	p0 =	seq.s32 s5, $0x0;
	s5 =	sld [smem:$0x3FB2]  }
0x2b: {  	s6 =	sld [smem:$0x3FB3]  }
0x2c: {  	s7 =	sld [smem:$0x3FB4]  }
0x2d: {  	s3 =	simm.s32 $0x108;
	s8 =	sld [smem:$0x3FB5]  }
0x2e: {  	s3 =	simm.s32 @!p0 $0x1082;
	s9 =	sld [smem:$0x3FB6]  }
0x2f: {  	lr =	sadd.s32 s0, s3;
	s0 =	sld [smem:$0x3FAD]  }
0x30: {  	s3 =	sld [smem:$0x3FB0]  }
0x31: {  	[smem:$0x3FB9] =	sst s10  }
0x32: {  	s10 =	sld [smem:$0x3FB7];
	_ =	sdelay $0x3  }
0x33: {  	p0 =	seq.s32 s10, $0x1;
	s10 =	sld [smem:$0x3FB9];
	_ =	sdelay $0x3  }
0x34: {  	[smem:$0x3FB9] =	sst s10  }
0x35: {  	s10 =	sld [smem:$0x3FB8];
	_ =	sdelay $0x3  }
0x36: {  	p1 =	seq.s32 s10, $0x1;
	s10 =	sld [smem:$0x3FB9];
	_ =	sdelay $0x3  }
0x37: {  	[smem:$0x3FB9] =	sst s10  }
0x38: {  	s10 =	sld [smem:$0x3FBA]  }
0x39: {  	_ = 	snop;
	(pc) =	sbr.ind lr, $3  }
0x3a: {  	_ = 	snop  }
0x3b: {  	_ = 	snop  }
0x3c: {  	p2 =	seq.s32 s10, $0x1;
	s10 =	sld [smem:$0x3FB9]  }
0x3d: {  	_ =	shalt  }
0x3e: {  	_ =	shalt  }
0x3f: {  	_ =	shalt  }
0x40: {  	_ =	shalt  }
0x41: {  	_ =	shalt  }
0x42: {  	_ =	shalt  }
0x43: {  	_ =	shalt  }
0x44: {  	_ =	shalt  }
0x45: {  	_ =	shalt  }
0x46: {  	_ =	shalt  }
0x47: {  	_ =	shalt  }
0x48: {  	_ =	shalt  }
0x49: {  	_ =	shalt  }
0x4a: {  	_ =	shalt  }
0x4b: {  	_ =	shalt  }
0x4c: {  	_ =	shalt  }
0x4d: {  	_ =	shalt  }
0x4e: {  	_ =	shalt  }
0x4f: {  	_ =	shalt  }
0x50: {  	_ =	shalt  }
0x51: {  	_ =	shalt  }
0x52: {  	_ =	shalt  }
0x53: {  	_ =	shalt  }
0x54: {  	_ =	shalt  }
0x55: {  	_ =	shalt  }
0x56: {  	_ =	shalt  }
0x57: {  	_ =	shalt  }
0x58: {  	_ =	shalt  }
0x59: {  	_ =	shalt  }
0x5a: {  	_ =	shalt  }
0x5b: {  	_ =	shalt  }
0x5c: {  	_ =	shalt  }
0x5d: {  	_ =	shalt  }
0x5e: {  	_ =	shalt  }
0x5f: {  	_ =	shalt  }
0x60: {  	_ =	shalt  }
0x61: {  	_ =	shalt  }
0x62: {  	_ =	shalt  }
0x63: {  	_ =	shalt  }
0x64: {  	_ =	shalt  }
0x65: {  	_ =	shalt  }
0x66: {  	_ =	shalt  }
0x67: {  	_ =	shalt  }
0x68: {  	_ =	shalt  }
0x69: {  	_ =	shalt  }
0x6a: {  	_ =	shalt  }
0x6b: {  	_ =	shalt  }
0x6c: {  	_ =	shalt  }
0x6d: {  	_ =	shalt  }
0x6e: {  	_ =	shalt  }
0x6f: {  	_ =	shalt  }
0x70: {  	_ =	shalt  }
0x71: {  	_ =	shalt  }
0x72: {  	_ =	shalt  }
0x73: {  	_ =	shalt  }
0x74: {  	_ =	shalt  }
0x75: {  	_ =	shalt  }
0x76: {  	_ =	shalt  }
0x77: {  	_ =	shalt  }
0x78: {  	_ =	shalt  }
0x79: {  	_ =	shalt  }
0x7a: {  	_ =	shalt  }
0x7b: {  	_ =	shalt  }
0x7c: {  	_ =	shalt  }
0x7d: {  	_ =	shalt  }
0x7e: {  	_ =	shalt  }
0x7f: {  	_ =	shalt  }
0x80: {  	_ =	shalt  }
0x81: {  	_ =	shalt  }
0x82: {  	_ =	shalt  }
0x83: {  	_ =	shalt  }
0x84: {  	_ =	shalt  }
0x85: {  	_ =	shalt  }
0x86: {  	_ =	shalt  }
0x87: {  	_ =	shalt  }
.Lfunc_end0:
.L_simem_size_0:
called_computation_lowered:
.L_overlay_start_0:
0x88: {  	s2 =	sld [smem:$0x3FD9]  }
0x89: {  	s3 =	sld [smem:$0x3FFE];
	_ =	sdelay $0x1  }
0x8a: {  	s1 =	srdreg.scid  }
0x8b: {  	s0 =	sand.u32 $0x1, s1  }
0x8c: {  	s17 =	sshll.u32 s0, $0xA;
	s2 =	sadd.s32 s3, s2  }
0x8d: {  	s2 =	sadd.s32 s2, s17  }
0x8e: {  	[smem:$0x3FC5] =	sst s2  }
0x8f: {  	_ = 	snop  }
0x90: {  	s2 =	sld [smem:$0x3FC9]  }
0x91: {  	s18 =	sld [smem:$0x3FD0];
	(tm) =	ssettm $0x1  }
0x92: {  	s4 =	sld [smem:$0x3FFB];
	_ =	sdelay $0x3  }
0x93: {  	_ =	strace s4  }
0x94: {  	s4 =	sld [smem:$0x3FFC];
	_ =	sdelay $0x3  }
0x95: {  	_ =	strace s4  }
0x96: {  	s4 =	sld [smem:$0x3FFD];
	_ =	sdelay $0x3  }
0x97: {  	_ =	strace s4  }
0x98: {  	_ =	strace $0x8FFFFFFF  }
0x99: {  	s19 =	sld [smem:$0x3FDB];
	_ =	sdelay $0x1  }
0x9a: {  	s5 =	simm.s32 $_scs_section_size  }
0x9b: {  	s6 =	simm.s32 $_size__tile_overlayer_lowered;
	s7 =	simm.s32 $_tile_overlayer_lowered  }
0x9c: {  	s22 =	simm.s32 $0x1BFF;
	s21 =	sshll.u32 s7, $0x1;
	s4 =	sadd.s32 s5, s19  }
0x9d: {  	s8 =	simm.s32 $0x0;
	s20 =	sshll.u32 s6, $0x1;
	s6 =	sadd.s32 s21, s4  }
0x9e: {  	[timem:s8], [sflag:s22] =	dma.local [hbm:s6], s20  }
0x9f: {  	_ =	swait.ge [sflag:s22], s20  }
0xa0: {  	s5 =	ssub.s32 $0x0, s20;
	[sflag:s22] =	ssyncset.done $0x0  }
0xa1: {  	[sflag:s22] =	ssyncadd.s32 s5;
	_ =	sdelay $0x1  }
0xa2: {  	s23 =	simm.s32 $0x1B8B  }
0xa3: {  	_ =	swait.ge [sflag:s23], $0x1  }
0xa4: {  	[sflag:s23] =	ssyncset.done $0x0  }
0xa5: {  	s25 =	simm.s32 $0x1B8E;
	s24 =	sld [smem:$0x3FFE];
	[sflag:s23] =	ssyncadd.s32 $0xFFFFFFFF  }
0xa6: {  	s26 =	simm.s32 $execute0_lowered;
	[smem:$0x3FD2] =	sst s25  }
0xa7: {  	s6 =	sshll.u32 s26, $0x1;
	_ =	strace $0x80000046;
	[dreg:$0x1] =	wrdreg $0xFFFFFFFF  }
0xa8: {  	s28 =	simm.s32 $_size_execute0_lowered;
	s4 =	sadd.s32 s4, s6;
	[dreg:$0x0] =	wrdreg $0x0  }
0xa9: {  	s6 =	sshll.u32 s28, $0x1;
	[dreg:$0x2] =	wrdreg s4  }
0xaa: {  	[dreg:$0x3] =	wrdreg s6  }
0xab: {  	[dreg:$0x4] =	wrdreg $0xC0  }
0xac: {  	_ =	task [dreg:s8], $0x5FFFF  }
0xad: {  	[dreg:$0x1] =	wrdreg $0xFFFFFFFF  }
0xae: {  	[dreg:$0x0] =	wrdreg $0x60  }
0xaf: {  	[dreg:$0x2] =	wrdreg s2  }
0xb0: {  	[dreg:$0x3] =	wrdreg s24  }
0xb1: {  	[dreg:$0x4] =	wrdreg s18  }
0xb2: {  	[dreg:$0x5] =	wrdreg $0x9  }
0xb3: {  	_ =	task.clear_ibuf [dreg:s8], $0x6FFFF;
	_ =	strace $0x90000046  }
0xb4: {  	s29 =	simm.s32 $0x9;
	_ =	strace $0x80000048  }
0xb5: {  	_ =	swait.ge [sflag:s29], $0x1  }
0xb6: {  	[sflag:s29] =	ssyncadd.s32 $0xFFFFFFFF  }
0xb7: {  	_ =	strace $0x90000048  }
0xb8: {  	_ =	sfence  }
0xb9: {  	s30 =	sld [smem:$0x0];
	_ =	sdelay $0x2  }
0xba: {  	s31 =	sshll.u32 s1, $0xD;
	s1 =	sshrl.u32 s1, $0x2  }
0xbb: {  	s3 =	sand.u32 $0x4000, s31;
	s1 =	sadd.s32 s1, s30  }
0xbc: {  	s0 =	sor.u32 s3, s0;
	s1 =	sshll.u32 s1, $0x11  }
0xbd: {  	s0 =	sor.u32 s1, s0  }
0xbe: {  	s0 =	sadd.s32 $0x8F2B, s0  }
0xbf: {  	[sflag:s0] =	ssyncadd.remote.s32 $0x1  }
0xc0: {  	_ =	sfence.sel $0xFFFF  }
0xc1: {  	[dreg:$0x0] =	wrdreg $0xFFFFFFFF;
	(pc) =	sbr.abs _section_cstart, $3  }
0xc2: {  	[dreg:$0x1] =	wrdreg $0xFFFFFFFF  }
0xc3: {  	_ =	task.clear_ibuf [dreg:s8], $0x2FFFF;
	_ =	strace $0x9FFFFFFF  }
0xc4: {  	(tm) =	ssettm $0x7FFFFFFF  }
0xc5: {  	_ =	shalt  }
tec
execute0_lowered:
.L_overlay_start_1:
0x0: {  	(tag) =	ssettag $0x1  }
0x1: {  	s0 =	rddreg [dreg:$0x1];
	v34 =	vlaneseq.u32;
	s3 =	simm.s32 $0x0  }
0x2: {  	[smem:$0x7FF] =	sst s3;
	v0 =	vor.u32 $0x10, v34  }
0x3: {  	s2 =	rddreg [dreg:$0x2];
	v63 =	vor.u32 $0x20, v34;
	_ =	strace $0x80000047;
	[tilespmem:$0x1FED0] =	vst v0  }
0x4: {  	v42 =	vor.u32 $0x90, v34;
	[tilespmem:$0x1FEE0] =	vst v63  }
0x5: {  	v44 =	vor.u32 $0xA0, v34;
	[tilespmem:$0x1FF80] =	vst v42  }
0x6: {  	v46 =	vor.u32 $0xB0, v34;
	[tilespmem:$0x1FFA0] =	vst v44  }
0x7: {  	v23 =	vmul.u32 $0x80, v34;
	v48 =	vadd.s32 $0xB8, v34;
	[tilespmem:$0x1FFC0] =	vst v46  }
0x8: {  	[tilespmem:$0x1FFE0] =	vst v48  }
0x9: {  	v24 =	vor.u32 $0x800, v23;
	[tilespmem:$0x1FEF0] =	vst v23  }
0xa: {  	v35 =	vor.u32 $0x1000, v23;
	[tilespmem:$0x1FF00] =	vst v24  }
0xb: {  	v36 =	vor.u32 $0x1800, v23;
	[tilespmem:$0x1FF10] =	vst v35  }
0xc: {  	v37 =	vor.u32 $0x2000, v23;
	[tilespmem:$0x1FF20] =	vst v36  }
0xd: {  	v38 =	vor.u32 $0x2800, v23;
	[tilespmem:$0x1FF30] =	vst v37  }
0xe: {  	s1 =	srdreg.scid;
	s5 =	stileid.u32;
	s12 =	simm.s32 $0xEE80;
	v39 =	vor.u32 $0x3000, v23;
	[tilespmem:$0x1FF40] =	vst v38  }
0xf: {  	s13 =	simm.s32 $0x2400;
	s14 =	simm.s32 $0x400;
	s15 =	simm.s32 $0x20000;
	v40 =	vor.u32 $0x3800, v23;
	[tilespmem:$0x1FF50] =	vst v39  }
0x10: {  	s1 =	sand.u32 $0x1, s1;
	s4 =	sadd.s32 $0xA00, s0;
	s29 =	sshll.u32 s5, $0x3;
	v41 =	vor.u32 $0x4000, v23;
	[tilespmem:$0x1FF60] =	vst v40  }
.Ltmp0:
0x11: {  	s0 =	sadd.s32 $0x400, s0;
	s26 =	ssub.s32 $0x2, s1;
	v43 =	vor.u32 $0x4800, v23;
	[tilespmem:$0x1FF70] =	vst v41;
	(pc) =	sbr.rel .LBB2_1-.Ltmp0, $4  }
0x12: {  	[dreg:$0x4] =	wrdreg s4;
	s1 =	sshll.u32 s1, $0x2;
	s28 =	sshrl.u32 s26, $0x1;
	v45 =	vor.u32 $0x5000, v23;
	[tilespmem:$0x1FF90] =	vst v43  }
0x13: {  	[dreg:$0x5] =	wrdreg s0;
	s30 =	sor.u32 s1, s29;
	v47 =	vor.u32 $0x5800, v23;
	s3 =	ssub.s32 s26, s28;
	[tilespmem:$0x1FFB0] =	vst v45  }
0x14: {  	s16 =	simm.s32 $0x15280;
	v6 =	vor.u32 $0x30, v34;
	v8 =	vor.u32 $0x40, v34;
	v49 =	vadd.s32 $0x5C00, v23;
	[dreg:$0x6] =	wrdreg s30;
	[tilespmem:$0x1FFD0] =	vst v47;
	s31 =	smax.u32 s3, $0x1  }
0x15: {  	s17 =	simm.s32 $0x1A280;
	v10 =	vor.u32 $0x50, v34;
	v12 =	vor.u32 $0x60, v34;
	v14 =	vor.u32 $0x70, v34;
	s1 =	simm.s32 $0x0;
	[tilespmem:$0x1FFF0] =	vst v49;
	[dreg:$0x7] =	wrdreg s31  }
.LBB2_18:
0x16: {  	s1 =	rddreg [dreg:$0x8]  }
0x17: {  	s0 =	rddreg [dreg:$0x7];
	s1 =	sadd.s32 $0x1, s1  }
0x18: {  	p0 =	sne.s32 s1, s0  }
.Ltmp1:
0x19: {  	_ = 	snop;
	(pc) =	sbr.rel @!p0 .LBB2_19-.Ltmp1, $1  }
0x1a: {  	_ =	sdelay $0x3  }
.LBB2_1:
0x1b: {  	[dreg:$0x8] =	wrdreg s1  }
0x1c: {  	s0 =	simm.s32 $0x0;
	s29 =	rddreg [dreg:$0x5];
	s30 =	simm.s32 $0x3  }
0x1d: {  	[tilespmem:s0], [sflag:$0x3] =	stream.linear.gather [hbm4b:s29+s0], $0x2100, $0x38;
	[tilespmem:$0x1F280] =	vst v63  }
0x1e: {  	_ =	swait.ge [sflag:s30], $0x2100  }
0x1f: {  	[sflag:s30] =	ssyncset.done $0x0  }
0x20: {  	s31 =	simm.s32 $0x0;
	[sflag:s30] =	ssyncadd.s32 $0xFFFFDF00  }
0x21: {  	v0 =	vld [tilespmem:s31+$0x0];
	_ =	sdelay $0x4  }
0x22: {  	v1 =	vbroadcast v0, $0x0  }
0x23: {  	s0 =	simm.s32 $0x2480;
	v3 =	vbroadcast v0, $0x1  }
0x24: {  	v5 =	vbroadcast v0, $0x2;
	[tilespmem:s0+$0xFFFFFF80] =	vst v1  }
0x25: {  	v56 =	vbroadcast v0, $0x3;
	[tilespmem:s0+$0xFFFFFF90] =	vst v3  }
0x26: {  	v57 =	vbroadcast v0, $0x4;
	[tilespmem:s0+$0xFFFFFFA0] =	vst v5  }
0x27: {  	v58 =	vbroadcast v0, $0x6;
	[tilespmem:s0+$0xFFFFFFB0] =	vst v56  }
0x28: {  	v59 =	vbroadcast v0, $0x7;
	[tilespmem:s0+$0xFFFFFFC0] =	vst v57  }
0x29: {  	v60 =	vbroadcast v0, $0x9;
	[tilespmem:s0+$0xFFFFFFE0] =	vst v58  }
0x2a: {  	v5 =	vbroadcast v0, $0x5;
	[tilespmem:s0+$0xFFFFFFF0] =	vst v59  }
0x2b: {  	v61 =	vbroadcast v0, $0xA;
	[tilespmem:s0+$0x10] =	vst v60  }
0x2c: {  	[tilespmem:s0+$0xFFFFFFD0] =	vst v5;
	v5 =	vbroadcast v0, $0x8  }
0x2d: {  	v62 =	vbroadcast v0, $0xC;
	[tilespmem:s0+$0x20] =	vst v61  }
0x2e: {  	[tilespmem:s0+$0x0] =	vst v5;
	v5 =	vbroadcast v0, $0xB  }
0x2f: {  	v63 =	vbroadcast v0, $0xD;
	[tilespmem:s0+$0x40] =	vst v62  }
0x30: {  	[tilespmem:s0+$0x30] =	vst v5;
	v5 =	vbroadcast v0, $0xE  }
0x31: {  	[tilespmem:s0+$0x50] =	vst v63;
	v0 =	vbroadcast v0, $0xF  }
0x32: {  	[tilespmem:s0+$0x60] =	vst v5  }
0x33: {  	s3 =	simm.s32 $0x80;
	s1 =	simm.s32 $0x400;
	[tilespmem:s0+$0x70] =	vst v0  }
.LBB2_2:
0x34: {  	p0 =	sne.s32 s1, $0x8200;
	v0 =	vld [tilespmem:s3+$0x0];
	_ =	sdelay $0x4  }
0x35: {  	v1 =	vbroadcast v0, $0x0;
	v3 =	vbroadcast v0, $0x1  }
0x36: {  	s0 =	sadd.s32 $0x100, s0;
	v5 =	vbroadcast v0, $0x2;
	v7 =	vbroadcast v0, $0x3  }
0x37: {  	v9 =	vbroadcast v0, $0x5;
	[tilespmem:s0+$0xFFFFFF80] =	vst v1;
	v1 =	vbroadcast v0, $0x4  }
0x38: {  	v11 =	vbroadcast v0, $0x7;
	[tilespmem:s0+$0xFFFFFF90] =	vst v3;
	v3 =	vbroadcast v0, $0x6  }
0x39: {  	v13 =	vbroadcast v0, $0x9;
	[tilespmem:s0+$0xFFFFFFA0] =	vst v5;
	v5 =	vbroadcast v0, $0x8  }
0x3a: {  	v15 =	vbroadcast v0, $0xB;
	[tilespmem:s0+$0xFFFFFFB0] =	vst v7;
	v7 =	vbroadcast v0, $0xA  }
0x3b: {  	v16 =	vbroadcast v0, $0xD;
	[tilespmem:s0+$0xFFFFFFC0] =	vst v1;
	v1 =	vbroadcast v0, $0xC  }
0x3c: {  	[tilespmem:s0+$0xFFFFFFD0] =	vst v9;
	v9 =	vbroadcast v0, $0xE;
	v0 =	vbroadcast v0, $0xF  }
0x3d: {  	[tilespmem:s0+$0xFFFFFFE0] =	vst v3  }
0x3e: {  	[tilespmem:s0+$0xFFFFFFF0] =	vst v11  }
0x3f: {  	[tilespmem:s0+$0x0] =	vst v5  }
0x40: {  	[tilespmem:s0+$0x10] =	vst v13  }
0x41: {  	[tilespmem:s0+$0x20] =	vst v7  }
.Ltmp2:
0x42: {  	[tilespmem:s0+$0x30] =	vst v15;
	(pc) =	sbr.rel @p0 .LBB2_2-.Ltmp2, $4  }
0x43: {  	[tilespmem:s0+$0x40] =	vst v1  }
0x44: {  	[tilespmem:s0+$0x50] =	vst v16  }
0x45: {  	[tilespmem:s0+$0x60] =	vst v9  }
0x46: {  	s3 =	sshra.s32 s1, $0x2;
	s1 =	sadd.s32 $0x200, s1;
	[tilespmem:s0+$0x70] =	vst v0  }
0x47: {  	v0 =	vld [tilespmem:s3+$0x0];
	_ =	sdelay $0x4  }
0x48: {  	v1 =	vbroadcast v0, $0x0  }
0x49: {  	s0 =	sadd.s32 $0x100, s0;
	v3 =	vbroadcast v0, $0x1  }
0x4a: {  	v5 =	vbroadcast v0, $0x2;
	[tilespmem:s0+$0xFFFFFF80] =	vst v1  }
0x4b: {  	v56 =	vbroadcast v0, $0x3;
	[tilespmem:s0+$0xFFFFFF90] =	vst v3  }
0x4c: {  	v57 =	vbroadcast v0, $0x4;
	[tilespmem:s0+$0xFFFFFFA0] =	vst v5  }
0x4d: {  	v58 =	vbroadcast v0, $0x6;
	[tilespmem:s0+$0xFFFFFFB0] =	vst v56  }
0x4e: {  	v59 =	vbroadcast v0, $0x7;
	[tilespmem:s0+$0xFFFFFFC0] =	vst v57  }
0x4f: {  	v60 =	vbroadcast v0, $0x9;
	[tilespmem:s0+$0xFFFFFFE0] =	vst v58  }
0x50: {  	v5 =	vbroadcast v0, $0x5;
	[tilespmem:s0+$0xFFFFFFF0] =	vst v59  }
0x51: {  	v61 =	vbroadcast v0, $0xA;
	[tilespmem:s0+$0x10] =	vst v60  }
0x52: {  	[tilespmem:s0+$0xFFFFFFD0] =	vst v5;
	v5 =	vbroadcast v0, $0x8  }
0x53: {  	v62 =	vbroadcast v0, $0xC;
	[tilespmem:s0+$0x20] =	vst v61  }
0x54: {  	[tilespmem:s0+$0x0] =	vst v5;
	v5 =	vbroadcast v0, $0xB  }
0x55: {  	v63 =	vbroadcast v0, $0xD;
	[tilespmem:s0+$0x40] =	vst v62  }
0x56: {  	[tilespmem:s0+$0x30] =	vst v5;
	v5 =	vbroadcast v0, $0xE  }
0x57: {  	[tilespmem:s0+$0x50] =	vst v63;
	v0 =	vbroadcast v0, $0xF  }
0x58: {  	[tilespmem:s0+$0x60] =	vst v5  }
0x59: {  	s5 =	simm.s32 $0x0;
	[tilespmem:s0+$0x70] =	vst v0  }
.LBB2_4:
0x5a: {  	s0 =	rddreg [dreg:$0x6]  }
0x5b: {  	s23 =	sadd.s32 s0, s5  }
0x5c: {  	s1 =	rddreg [dreg:$0x0];
	s28 =	simm.s32 $0x6600;
	s0 =	sshll.u32 s23, $0x4  }
0x5d: {  	s4 =	simm.s32 $0x0;
	s3 =	simm.s32 $0x3;
	s0 =	sadd.s32 s1, s0  }
0x5e: {  	[tilespmem:s28], [sflag:$0x3] =	stream.linear.gather [hbm4b:s0+s4], $0x80, $0x38;
	[tilespmem:$0x1F280] =	vst v63  }
0x5f: {  	s31 =	simm.s32 $0x6E80;
	p1 =	por $0x0, $0x0;
	_ =	swait.ge [sflag:s3], $0x80  }
0x60: {  	s29 =	sshll.u32 s23, $0xC;
	[sflag:s3] =	ssyncset.done $0x0;
	s30 =	rddreg [dreg:$0x4]  }
.Ltmp3:
0x61: {  	[sflag:s3] =	ssyncadd.s32 $0xFFFFFF80;
	s0 =	sadd.s32 s30, s29;
	(pc) =	sbr.rel @p1 .LBB2_5-.Ltmp3, $4  }
0x62: {  	[tilespmem:s31], [sflag:$0x3] =	stream.linear.gather [hbm4b:s0+s4], $0x8000, $0x38;
	[tilespmem:$0x1F280] =	vst v63  }
0x63: {  	_ =	swait.ge [sflag:s3], $0x8000  }
0x64: {  	p0 =	por $0x0, $0x0;
	s0 =	simm.s32 $0x6700;
	[sflag:s3] =	ssyncset.done $0x0  }
0x65: {  	s4 =	simm.s32 $0x0;
	[dreg:$0x9] =	wrdreg s5;
	[sflag:s3] =	ssyncadd.s32 $0xFFFF8000  }
0x66: {  	v0 =	vld [tilespmem:s4+$0x6600];
	_ =	sdelay $0x4  }
0x67: {  	v1 =	vbroadcast v0, $0x0  }
0x68: {  	v3 =	vbroadcast v0, $0x1  }
0x69: {  	v5 =	vbroadcast v0, $0x2;
	[tilespmem:s0+$0xFFFFFF80] =	vst v1  }
0x6a: {  	v56 =	vbroadcast v0, $0x3;
	[tilespmem:s0+$0xFFFFFF90] =	vst v3  }
0x6b: {  	v57 =	vbroadcast v0, $0x4;
	[tilespmem:s0+$0xFFFFFFA0] =	vst v5  }
0x6c: {  	v58 =	vbroadcast v0, $0x6;
	[tilespmem:s0+$0xFFFFFFB0] =	vst v56  }
0x6d: {  	v59 =	vbroadcast v0, $0x7;
	[tilespmem:s0+$0xFFFFFFC0] =	vst v57  }
0x6e: {  	v60 =	vbroadcast v0, $0x9;
	[tilespmem:s0+$0xFFFFFFE0] =	vst v58  }
0x6f: {  	v5 =	vbroadcast v0, $0x5;
	[tilespmem:s0+$0xFFFFFFF0] =	vst v59  }
0x70: {  	v61 =	vbroadcast v0, $0xA;
	[tilespmem:s0+$0x10] =	vst v60  }
0x71: {  	[tilespmem:s0+$0xFFFFFFD0] =	vst v5;
	v5 =	vbroadcast v0, $0x8  }
0x72: {  	v62 =	vbroadcast v0, $0xC;
	[tilespmem:s0+$0x20] =	vst v61  }
0x73: {  	p1 =	por $0x0, $0x0;
	[tilespmem:s0+$0x0] =	vst v5;
	v5 =	vbroadcast v0, $0xB  }
.Ltmp4:
0x74: {  	v63 =	vbroadcast v0, $0xD;
	[tilespmem:s0+$0x40] =	vst v62;
	(pc) =	sbr.rel @p1 .LBB2_7-.Ltmp4, $4  }
0x75: {  	[tilespmem:s0+$0x30] =	vst v5;
	v5 =	vbroadcast v0, $0xE  }
0x76: {  	[tilespmem:s0+$0x50] =	vst v63;
	v0 =	vbroadcast v0, $0xF  }
0x77: {  	s4 =	simm.s32 $0x10;
	[tilespmem:s0+$0x60] =	vst v5  }
0x78: {  	s3 =	simm.s32 $0x80;
	p0 =	por $0x1, $0x1;
	s1 =	simm.s32 $0x6700;
	[tilespmem:s0+$0x70] =	vst v0  }
.LBB2_8:
0x79: {  	p1 =	seq.s32 s3, $0x1C0;
	v0 =	vld [tilespmem:s4+$0x6600];
	_ =	sdelay $0x4  }
0x7a: {  	v1 =	vbroadcast v0, $0x0;
	v3 =	vbroadcast v0, $0x1  }
0x7b: {  	s1 =	sadd.s32 $0x100, s1;
	v5 =	vbroadcast v0, $0x2;
	v7 =	vbroadcast v0, $0x3  }
0x7c: {  	v9 =	vbroadcast v0, $0x5;
	[tilespmem:s1+$0xFFFFFF80] =	vst v1;
	v1 =	vbroadcast v0, $0x4  }
0x7d: {  	v11 =	vbroadcast v0, $0x7;
	[tilespmem:s1+$0xFFFFFF90] =	vst v3;
	v3 =	vbroadcast v0, $0x6  }
0x7e: {  	v13 =	vbroadcast v0, $0x9;
	[tilespmem:s1+$0xFFFFFFA0] =	vst v5;
	v5 =	vbroadcast v0, $0x8  }
0x7f: {  	v15 =	vbroadcast v0, $0xB;
	[tilespmem:s1+$0xFFFFFFB0] =	vst v7;
	v7 =	vbroadcast v0, $0xA  }
0x80: {  	v16 =	vbroadcast v0, $0xD;
	[tilespmem:s1+$0xFFFFFFC0] =	vst v1;
	v1 =	vbroadcast v0, $0xC  }
0x81: {  	[tilespmem:s1+$0xFFFFFFD0] =	vst v9;
	v9 =	vbroadcast v0, $0xE;
	v0 =	vbroadcast v0, $0xF  }
0x82: {  	[tilespmem:s1+$0xFFFFFFE0] =	vst v3  }
0x83: {  	[tilespmem:s1+$0xFFFFFFF0] =	vst v11  }
0x84: {  	[tilespmem:s1+$0x0] =	vst v5  }
0x85: {  	[tilespmem:s1+$0x10] =	vst v13  }
0x86: {  	[tilespmem:s1+$0x20] =	vst v7  }
.Ltmp5:
0x87: {  	[tilespmem:s1+$0x30] =	vst v15;
	(pc) =	sbr.rel @!p1 .LBB2_8-.Ltmp5, $4  }
0x88: {  	[tilespmem:s1+$0x40] =	vst v1  }
0x89: {  	[tilespmem:s1+$0x50] =	vst v16  }
0x8a: {  	[tilespmem:s1+$0x60] =	vst v9  }
0x8b: {  	s4 =	sshra.s32 s3, $0x2;
	s3 =	sadd.s32 $0x40, s3;
	[tilespmem:s1+$0x70] =	vst v0  }
.LBB2_9:
0x8c: {  	v0 =	vld [tilespmem:s4+$0x6600];
	_ =	sdelay $0x4  }
0x8d: {  	s1 =	sadd.s32 @p0 $0x100, s1;
	v1 =	vbroadcast v0, $0x0  }
0x8e: {  	s0 =	smov.u32 @p0 s1;
	v3 =	vbroadcast v0, $0x1  }
0x8f: {  	v5 =	vbroadcast v0, $0x2;
	[tilespmem:s0+$0xFFFFFF80] =	vst v1  }
0x90: {  	v1 =	vbroadcast v0, $0x3;
	[tilespmem:s0+$0xFFFFFF90] =	vst v3  }
0x91: {  	v3 =	vbroadcast v0, $0x4;
	[tilespmem:s0+$0xFFFFFFA0] =	vst v5  }
0x92: {  	v5 =	vbroadcast v0, $0x5;
	[tilespmem:s0+$0xFFFFFFB0] =	vst v1  }
0x93: {  	v1 =	vbroadcast v0, $0x6;
	[tilespmem:s0+$0xFFFFFFC0] =	vst v3  }
0x94: {  	v3 =	vbroadcast v0, $0x7;
	[tilespmem:s0+$0xFFFFFFD0] =	vst v5  }
0x95: {  	v5 =	vbroadcast v0, $0x8;
	[tilespmem:s0+$0xFFFFFFE0] =	vst v1  }
0x96: {  	v1 =	vbroadcast v0, $0x9;
	[tilespmem:s0+$0xFFFFFFF0] =	vst v3  }
0x97: {  	v3 =	vbroadcast v0, $0xA;
	[tilespmem:s0+$0x0] =	vst v5  }
0x98: {  	v5 =	vbroadcast v0, $0xB;
	[tilespmem:s0+$0x10] =	vst v1  }
0x99: {  	v1 =	vbroadcast v0, $0xC;
	[tilespmem:s0+$0x20] =	vst v3  }
0x9a: {  	v3 =	vbroadcast v0, $0xD;
	[tilespmem:s0+$0x30] =	vst v5  }
0x9b: {  	v5 =	vbroadcast v0, $0xE;
	[tilespmem:s0+$0x40] =	vst v1  }
0x9c: {  	s5 =	simm.s32 $0x0;
	v0 =	vbroadcast v0, $0xF;
	[tilespmem:s0+$0x50] =	vst v3  }
0x9d: {  	s24 =	simm.s32 $0x80;
	s3 =	sand.u32 $0x7800, s5;
	[tilespmem:s0+$0x60] =	vst v5  }
0x9e: {  	s25 =	simm.s32 $0x6690;
	s1 =	sand.u32 $0x380, s24;
	s3 =	sadd.s32 $0x6E80, s3;
	[tilespmem:s0+$0x70] =	vst v0  }
0x9f: {  	s1 =	sadd.s32 s1, s3;
	v28 =	vld [tilespmem:s25+$0x0]  }
0xa0: {  	v0 =	vld [tilespmem:s1+$0x0];
	_ =	sdelay $0x1  }
0xa1: {  	s24 =	simm.s32 $0x1  }
0xa2: {  	v1 =	vadd.s32 s24, v34  }
0xa3: {  	s26 =	simm.s32 $0x0;
	v1 =	vand.u32 $0x7F, v1  }
0xa4: {  	s4 =	sand.u32 $0x300, s26;
	v7 =	vor.u32 v23, v1;
	v0 =	vsub.s32 v0, v28  }
0xa5: {  	s0 =	sadd.s32 s4, s3;
	v25 =	vld [tilespmem:s25+$0xFFFFFFF0];
	vm0 =	vgt.s32 v0, $0xFFFFFFE0  }
0xa6: {  	v5 =	vld [tilespmem:s0+$0x0];
	v0 =	vnsel vm0, $0xFFFFFFE0, v0  }
0xa7: {  	vm0 =	vlt.s32 v0, $0x20  }
0xa8: {  	v0 =	vnsel vm0, $0x20, v0  }
0xa9: {  	v3 =	vadd.s32 s5, v34;
	[tilespmem:v7+s12+$0x0] =	vst.idx.msk $0xffff, v0  }
0xaa: {  	v3 =	vand.u32 $0x7F, v3;
	v2 =	vld [tilespmem:$0x1FED0]  }
0xab: {  	v9 =	vor.u32 v23, v3;
	v5 =	vsub.s32 v5, v25  }
0xac: {  	vm0 =	vgt.s32 v5, $0xFFFFFFE0;
	v0 =	vld [tilespmem:s1+$0x10]  }
0xad: {  	v5 =	vnsel vm0, $0xFFFFFFE0, v5  }
0xae: {  	vm0 =	vlt.s32 v5, $0x20  }
0xaf: {  	v5 =	vnsel vm0, $0x20, v5;
	v7 =	vadd.s32 s24, v2  }
0xb0: {  	[tilespmem:v9+s12+$0x0] =	vst.idx.msk $0xffff, v5;
	v5 =	vand.u32 $0x7F, v7  }
0xb1: {  	v0 =	vsub.s32 v0, v28;
	v5 =	vor.u32 v24, v5  }
0xb2: {  	vm0 =	vgt.s32 v0, $0xFFFFFFE0  }
0xb3: {  	v7 =	vld [tilespmem:s0+$0x10];
	v0 =	vnsel vm0, $0xFFFFFFE0, v0  }
0xb4: {  	vm0 =	vlt.s32 v0, $0x20  }
0xb5: {  	v0 =	vnsel vm0, $0x20, v0  }
0xb6: {  	v9 =	vadd.s32 s5, v2;
	[tilespmem:v5+s12+$0x0] =	vst.idx.msk $0xffff, v0  }
0xb7: {  	v9 =	vand.u32 $0x7F, v9;
	v4 =	vld [tilespmem:$0x1FEE0]  }
0xb8: {  	v9 =	vor.u32 v24, v9;
	v7 =	vsub.s32 v7, v25  }
0xb9: {  	vm0 =	vgt.s32 v7, $0xFFFFFFE0;
	v0 =	vld [tilespmem:s1+$0x20]  }
0xba: {  	v5 =	vnsel vm0, $0xFFFFFFE0, v7  }
0xbb: {  	vm0 =	vlt.s32 v5, $0x20  }
0xbc: {  	v5 =	vnsel vm0, $0x20, v5;
	v7 =	vadd.s32 s24, v4  }
0xbd: {  	[tilespmem:v9+s12+$0x0] =	vst.idx.msk $0xffff, v5;
	v5 =	vand.u32 $0x7F, v7  }
0xbe: {  	v0 =	vsub.s32 v0, v28;
	v7 =	vld [tilespmem:s0+$0x20];
	v5 =	vor.u32 v35, v5  }
0xbf: {  	vm0 =	vgt.s32 v0, $0xFFFFFFE0  }
0xc0: {  	v0 =	vnsel vm0, $0xFFFFFFE0, v0  }
0xc1: {  	v9 =	vadd.s32 s5, v4;
	vm0 =	vlt.s32 v0, $0x20  }
0xc2: {  	v9 =	vand.u32 $0x7F, v9;
	v0 =	vnsel vm0, $0x20, v0  }
0xc3: {  	v9 =	vor.u32 v35, v9;
	v7 =	vsub.s32 v7, v25;
	[tilespmem:v5+s12+$0x0] =	vst.idx.msk $0xffff, v0  }
0xc4: {  	vm0 =	vgt.s32 v7, $0xFFFFFFE0;
	v0 =	vld [tilespmem:s1+$0x30]  }
0xc5: {  	v5 =	vnsel vm0, $0xFFFFFFE0, v7  }
0xc6: {  	vm0 =	vlt.s32 v5, $0x20  }
0xc7: {  	v7 =	vadd.s32 s24, v6;
	v5 =	vnsel vm0, $0x20, v5  }
0xc8: {  	[tilespmem:v9+s12+$0x0] =	vst.idx.msk $0xffff, v5;
	v5 =	vand.u32 $0x7F, v7  }
0xc9: {  	v7 =	vld [tilespmem:s0+$0x30];
	v5 =	vor.u32 v36, v5;
	v0 =	vsub.s32 v0, v28  }
0xca: {  	vm0 =	vgt.s32 v0, $0xFFFFFFE0  }
0xcb: {  	v0 =	vnsel vm0, $0xFFFFFFE0, v0  }
0xcc: {  	v9 =	vadd.s32 s5, v6;
	vm0 =	vlt.s32 v0, $0x20  }
0xcd: {  	v9 =	vand.u32 $0x7F, v9;
	v0 =	vnsel vm0, $0x20, v0  }
0xce: {  	v9 =	vor.u32 v36, v9;
	v7 =	vsub.s32 v7, v25;
	[tilespmem:v5+s12+$0x0] =	vst.idx.msk $0xffff, v0  }
0xcf: {  	vm0 =	vgt.s32 v7, $0xFFFFFFE0;
	v0 =	vld [tilespmem:s1+$0x40]  }
0xd0: {  	v5 =	vnsel vm0, $0xFFFFFFE0, v7  }
0xd1: {  	vm0 =	vlt.s32 v5, $0x20  }
0xd2: {  	v7 =	vadd.s32 s24, v8;
	v5 =	vnsel vm0, $0x20, v5  }
0xd3: {  	[tilespmem:v9+s12+$0x0] =	vst.idx.msk $0xffff, v5;
	v5 =	vand.u32 $0x7F, v7  }
0xd4: {  	v7 =	vld [tilespmem:s0+$0x40];
	v5 =	vor.u32 v37, v5;
	v0 =	vsub.s32 v0, v28  }
0xd5: {  	vm0 =	vgt.s32 v0, $0xFFFFFFE0  }
0xd6: {  	v0 =	vnsel vm0, $0xFFFFFFE0, v0  }
0xd7: {  	v9 =	vadd.s32 s5, v8;
	vm0 =	vlt.s32 v0, $0x20  }
0xd8: {  	v9 =	vand.u32 $0x7F, v9;
	v0 =	vnsel vm0, $0x20, v0  }
0xd9: {  	v9 =	vor.u32 v37, v9;
	v7 =	vsub.s32 v7, v25;
	[tilespmem:v5+s12+$0x0] =	vst.idx.msk $0xffff, v0  }
0xda: {  	vm0 =	vgt.s32 v7, $0xFFFFFFE0;
	v0 =	vld [tilespmem:s1+$0x50]  }
0xdb: {  	v5 =	vnsel vm0, $0xFFFFFFE0, v7  }
0xdc: {  	vm0 =	vlt.s32 v5, $0x20  }
0xdd: {  	v7 =	vadd.s32 s24, v10;
	v5 =	vnsel vm0, $0x20, v5  }
0xde: {  	[tilespmem:v9+s12+$0x0] =	vst.idx.msk $0xffff, v5;
	v5 =	vand.u32 $0x7F, v7  }
0xdf: {  	v7 =	vld [tilespmem:s0+$0x50];
	v5 =	vor.u32 v38, v5;
	v0 =	vsub.s32 v0, v28  }
0xe0: {  	vm0 =	vgt.s32 v0, $0xFFFFFFE0  }
0xe1: {  	v0 =	vnsel vm0, $0xFFFFFFE0, v0  }
0xe2: {  	v9 =	vadd.s32 s5, v10;
	vm0 =	vlt.s32 v0, $0x20  }
0xe3: {  	s28 =	simm.s32 $0x200;
	s6 =	simm.s32 $0x66B0;
	v9 =	vand.u32 $0x7F, v9;
	v0 =	vnsel vm0, $0x20, v0  }
0xe4: {  	s29 =	simm.s32 $0x180;
	s3 =	sand.u32 $0x7800, s28;
	v27 =	vld [tilespmem:s6+$0x0];
	v9 =	vor.u32 v38, v9;
	v7 =	vsub.s32 v7, v25;
	[tilespmem:v5+s12+$0x0] =	vst.idx.msk $0xffff, v0  }
0xe5: {  	s31 =	simm.s32 $0x100;
	s30 =	sand.u32 $0x380, s29;
	s7 =	sadd.s32 $0x6E80, s3;
	vm0 =	vgt.s32 v7, $0xFFFFFFE0;
	v0 =	vld [tilespmem:s1+$0x60]  }
0xe6: {  	s4 =	sand.u32 $0x300, s31;
	s3 =	simm.s32 $0x2;
	v26 =	vld [tilespmem:s6+$0xFFFFFFF0];
	s8 =	sadd.s32 s30, s7;
	v5 =	vnsel vm0, $0xFFFFFFE0, v7  }
0xe7: {  	v15 =	vadd.s32 s24, v12;
	v13 =	vadd.s32 s3, v34;
	s6 =	sadd.s32 s4, s7;
	s4 =	simm.s32 $0x3;
	v11 =	vld [tilespmem:s8+$0x0];
	vm0 =	vlt.s32 v5, $0x20  }
0xe8: {  	v29 =	vand.u32 $0x7F, v13;
	v13 =	vadd.s32 s4, v34;
	v5 =	vnsel vm0, $0x20, v5  }
0xe9: {  	v30 =	vand.u32 $0x7F, v13;
	[tilespmem:v9+s12+$0x0] =	vst.idx.msk $0xffff, v5;
	v5 =	vld [tilespmem:s6+$0x0];
	v9 =	vand.u32 $0x7F, v15  }
0xea: {  	v16 =	vor.u32 v23, v29;
	v15 =	vld [tilespmem:s0+$0x60];
	v9 =	vor.u32 v39, v9;
	v0 =	vsub.s32 v0, v28  }
0xeb: {  	v13 =	vor.u32 v23, v30;
	v7 =	vadd.s32 s5, v12;
	vm0 =	vgt.s32 v0, $0xFFFFFFE0  }
0xec: {  	v11 =	vsub.s32 v11, v27;
	v7 =	vand.u32 $0x7F, v7;
	v0 =	vnsel vm0, $0xFFFFFFE0, v0  }
0xed: {  	v7 =	vor.u32 v39, v7;
	vm0 =	vgt.s32 v11, $0xFFFFFFE0;
	vm1 =	vlt.s32 v0, $0x20  }
0xee: {  	v5 =	vsub.s32 v5, v26;
	v11 =	vnsel vm0, $0xFFFFFFE0, v11;
	v0 =	vnsel vm1, $0x20, v0  }
0xef: {  	vm0 =	vgt.s32 v5, $0xFFFFFFE0;
	vm1 =	vlt.s32 v11, $0x20;
	v15 =	vsub.s32 v15, v25;
	[tilespmem:v9+s12+$0x0] =	vst.idx.msk $0xffff, v0  }
0xf0: {  	v0 =	vnsel vm0, $0xFFFFFFE0, v5;
	v5 =	vnsel vm1, $0x20, v11;
	vm0 =	vgt.s32 v15, $0xFFFFFFE0;
	v9 =	vld [tilespmem:s1+$0x70]  }
0xf1: {  	vm1 =	vlt.s32 v0, $0x20;
	[tilespmem:v13+s12+$0x0] =	vst.idx.msk $0xffff, v5;
	v5 =	vnsel vm0, $0xFFFFFFE0, v15  }
0xf2: {  	v11 =	vadd.s32 s5, v14;
	v0 =	vnsel vm1, $0x20, v0;
	v13 =	vld [tilespmem:s8+$0x10];
	vm0 =	vlt.s32 v5, $0x20  }
0xf3: {  	v15 =	vadd.s32 s3, v2;
	[tilespmem:v16+s12+$0x0] =	vst.idx.msk $0xffff, v0;
	v0 =	vnsel vm0, $0x20, v5;
	v5 =	vadd.s32 s24, v14  }
0xf4: {  	v11 =	vand.u32 $0x7F, v11;
	v15 =	vand.u32 $0x7F, v15;
	v16 =	vld [tilespmem:s6+$0x10];
	[tilespmem:v7+s12+$0x0] =	vst.idx.msk $0xffff, v0;
	v0 =	vand.u32 $0x7F, v5  }
0xf5: {  	v5 =	vadd.s32 s4, v2;
	v7 =	vld [tilespmem:s0+$0x70];
	v0 =	vor.u32 v40, v0;
	v9 =	vsub.s32 v9, v28  }
0xf6: {  	v11 =	vor.u32 v40, v11;
	v5 =	vand.u32 $0x7F, v5;
	vm0 =	vgt.s32 v9, $0xFFFFFFE0  }
0xf7: {  	v5 =	vor.u32 v24, v5;
	v13 =	vsub.s32 v13, v27;
	v9 =	vnsel vm0, $0xFFFFFFE0, v9  }
0xf8: {  	v15 =	vor.u32 v24, v15;
	vm0 =	vgt.s32 v13, $0xFFFFFFE0;
	vm1 =	vlt.s32 v9, $0x20  }
0xf9: {  	v16 =	vsub.s32 v16, v26;
	v13 =	vnsel vm0, $0xFFFFFFE0, v13;
	v9 =	vnsel vm1, $0x20, v9  }
0xfa: {  	vm0 =	vgt.s32 v16, $0xFFFFFFE0;
	vm1 =	vlt.s32 v13, $0x20;
	v7 =	vsub.s32 v7, v25;
	[tilespmem:v0+s12+$0x0] =	vst.idx.msk $0xffff, v9  }
0xfb: {  	v0 =	vnsel vm0, $0xFFFFFFE0, v16;
	v9 =	vnsel vm1, $0x20, v13;
	vm0 =	vgt.s32 v7, $0xFFFFFFE0;
	v13 =	vld [tilespmem:s1+$0x400]  }
0xfc: {  	v18 =	vadd.s32 s3, v14;
	vm1 =	vlt.s32 v0, $0x20;
	[tilespmem:v5+s12+$0x0] =	vst.idx.msk $0xffff, v9;
	v5 =	vnsel vm0, $0xFFFFFFE0, v7  }
0xfd: {  	v1 =	vor.u32 v41, v1;
	v0 =	vnsel vm1, $0x20, v0;
	v9 =	vld [tilespmem:s8+$0x20];
	vm0 =	vlt.s32 v5, $0x20  }
0xfe: {  	v3 =	vor.u32 v41, v3;
	v33 =	vand.u32 $0x7F, v18;
	[tilespmem:v15+s12+$0x0] =	vst.idx.msk $0xffff, v0;
	v5 =	vnsel vm0, $0x20, v5  }
0xff: {  	v16 =	vadd.s32 s5, v46;
	v7 =	vadd.s32 s5, v48;
	v0 =	vadd.s32 s3, v4;
	v17 =	vld [tilespmem:s6+$0x20];
	[tilespmem:v11+s12+$0x0] =	vst.idx.msk $0xffff, v5  }
0x100: {  	v15 =	vadd.s32 s5, v44;
	v11 =	vadd.s32 s4, v4;
	v19 =	vld [tilespmem:s0+$0x400];
	v13 =	vsub.s32 v13, v28  }
0x101: {  	v0 =	vand.u32 $0x7F, v0;
	v11 =	vand.u32 $0x7F, v11;
	vm0 =	vgt.s32 v13, $0xFFFFFFE0  }
0x102: {  	v11 =	vor.u32 v35, v11;
	v9 =	vsub.s32 v9, v27;
	v13 =	vnsel vm0, $0xFFFFFFE0, v13  }
0x103: {  	v0 =	vor.u32 v35, v0;
	vm0 =	vgt.s32 v9, $0xFFFFFFE0;
	vm1 =	vlt.s32 v13, $0x20  }
0x104: {  	v17 =	vsub.s32 v17, v26;
	v9 =	vnsel vm0, $0xFFFFFFE0, v9;
	v13 =	vnsel vm1, $0x20, v13  }
0x105: {  	vm0 =	vgt.s32 v17, $0xFFFFFFE0;
	vm1 =	vlt.s32 v9, $0x20;
	v19 =	vsub.s32 v19, v25;
	[tilespmem:v1+s12+$0x0] =	vst.idx.msk $0xffff, v13  }
0x106: {  	v1 =	vnsel vm0, $0xFFFFFFE0, v17;
	v9 =	vnsel vm1, $0x20, v9;
	vm0 =	vgt.s32 v19, $0xFFFFFFE0;
	v13 =	vld [tilespmem:s1+$0x410]  }
0x107: {  	v5 =	vadd.s32 s5, v42;
	vm1 =	vlt.s32 v1, $0x20;
	[tilespmem:v11+s12+$0x0] =	vst.idx.msk $0xffff, v9;
	v9 =	vnsel vm0, $0xFFFFFFE0, v19  }
0x108: {  	v17 =	vadd.s32 s3, v12;
	v1 =	vnsel vm1, $0x20, v1;
	v19 =	vld [tilespmem:s8+$0x30];
	vm0 =	vlt.s32 v9, $0x20  }
0x109: {  	[tilespmem:v0+s12+$0x0] =	vst.idx.msk $0xffff, v1;
	v0 =	vadd.s32 s3, v6;
	v1 =	vnsel vm0, $0x20, v9;
	v9 =	vadd.s32 s24, v42  }
0x10a: {  	v20 =	vld [tilespmem:s6+$0x30];
	v0 =	vand.u32 $0x7F, v0;
	[tilespmem:v3+s12+$0x0] =	vst.idx.msk $0xffff, v1;
	v1 =	vand.u32 $0x7F, v5;
	v3 =	vand.u32 $0x7F, v9  }
0x10b: {  	v5 =	vadd.s32 s4, v6;
	v9 =	vld [tilespmem:s0+$0x410];
	v3 =	vor.u32 v43, v3;
	v13 =	vsub.s32 v13, v28  }
0x10c: {  	v5 =	vand.u32 $0x7F, v5;
	v1 =	vor.u32 v43, v1;
	vm0 =	vgt.s32 v13, $0xFFFFFFE0  }
0x10d: {  	v5 =	vor.u32 v36, v5;
	v19 =	vsub.s32 v19, v27;
	v13 =	vnsel vm0, $0xFFFFFFE0, v13  }
0x10e: {  	v21 =	vor.u32 v36, v0;
	vm0 =	vgt.s32 v19, $0xFFFFFFE0;
	vm1 =	vlt.s32 v13, $0x20  }
0x10f: {  	v0 =	vsub.s32 v20, v26;
	v19 =	vnsel vm0, $0xFFFFFFE0, v19;
	v13 =	vnsel vm1, $0x20, v13  }
0x110: {  	vm0 =	vgt.s32 v0, $0xFFFFFFE0;
	vm1 =	vlt.s32 v19, $0x20;
	v9 =	vsub.s32 v9, v25;
	[tilespmem:v3+s12+$0x0] =	vst.idx.msk $0xffff, v13  }
0x111: {  	v0 =	vnsel vm0, $0xFFFFFFE0, v0;
	v3 =	vnsel vm1, $0x20, v19;
	vm0 =	vgt.s32 v9, $0xFFFFFFE0;
	v13 =	vld [tilespmem:s1+$0x420]  }
0x112: {  	v11 =	vadd.s32 s3, v10;
	vm1 =	vlt.s32 v0, $0x20;
	[tilespmem:v5+s12+$0x0] =	vst.idx.msk $0xffff, v3;
	v3 =	vnsel vm0, $0xFFFFFFE0, v9  }
0x113: {  	v11 =	vand.u32 $0x7F, v11;
	v5 =	vnsel vm1, $0x20, v0;
	v20 =	vld [tilespmem:s8+$0x40];
	vm0 =	vlt.s32 v3, $0x20  }
0x114: {  	v19 =	vadd.s32 s3, v8;
	[tilespmem:v21+s12+$0x0] =	vst.idx.msk $0xffff, v5;
	v3 =	vnsel vm0, $0x20, v3;
	v5 =	vadd.s32 s24, v44  }
0x115: {  	v19 =	vand.u32 $0x7F, v19;
	v21 =	vld [tilespmem:s6+$0x40];
	[tilespmem:v1+s12+$0x0] =	vst.idx.msk $0xffff, v3;
	v1 =	vand.u32 $0x7F, v15;
	v3 =	vand.u32 $0x7F, v5  }
0x116: {  	v5 =	vadd.s32 s4, v8;
	v15 =	vld [tilespmem:s0+$0x420];
	v3 =	vor.u32 v45, v3;
	v13 =	vsub.s32 v13, v28  }
0x117: {  	v19 =	vor.u32 v37, v19;
	v5 =	vand.u32 $0x7F, v5;
	vm0 =	vgt.s32 v13, $0xFFFFFFE0  }
0x118: {  	v5 =	vor.u32 v37, v5;
	v20 =	vsub.s32 v20, v27;
	v13 =	vnsel vm0, $0xFFFFFFE0, v13  }
0x119: {  	v1 =	vor.u32 v45, v1;
	vm0 =	vgt.s32 v20, $0xFFFFFFE0;
	vm1 =	vlt.s32 v13, $0x20  }
0x11a: {  	v21 =	vsub.s32 v21, v26;
	v20 =	vnsel vm0, $0xFFFFFFE0, v20;
	v13 =	vnsel vm1, $0x20, v13  }
0x11b: {  	vm0 =	vgt.s32 v21, $0xFFFFFFE0;
	vm1 =	vlt.s32 v20, $0x20;
	v15 =	vsub.s32 v15, v25;
	[tilespmem:v3+s12+$0x0] =	vst.idx.msk $0xffff, v13  }
0x11c: {  	s25 =	simm.s32 $0x4;
	v13 =	vnsel vm0, $0xFFFFFFE0, v21;
	v3 =	vnsel vm1, $0x20, v20;
	vm0 =	vgt.s32 v15, $0xFFFFFFE0;
	v20 =	vld [tilespmem:s1+$0x430]  }
0x11d: {  	v9 =	vadd.s32 s25, v2;
	vm1 =	vlt.s32 v13, $0x20;
	[tilespmem:v5+s12+$0x0] =	vst.idx.msk $0xffff, v3;
	v5 =	vnsel vm0, $0xFFFFFFE0, v15  }
0x11e: {  	v3 =	vand.u32 $0x7F, v7;
	v7 =	vnsel vm1, $0x20, v13;
	v13 =	vld [tilespmem:s8+$0x50];
	vm0 =	vlt.s32 v5, $0x20  }
0x11f: {  	v15 =	vand.u32 $0x7F, v16;
	v16 =	vadd.s32 s24, v46;
	[tilespmem:v19+s12+$0x0] =	vst.idx.msk $0xffff, v7;
	v5 =	vnsel vm0, $0x20, v5  }
0x120: {  	v0 =	vadd.s32 s25, v34;
	v7 =	vand.u32 $0x7F, v17;
	v18 =	vld [tilespmem:s6+$0x50];
	[tilespmem:v1+s12+$0x0] =	vst.idx.msk $0xffff, v5;
	v1 =	vand.u32 $0x7F, v16  }
0x121: {  	v5 =	vadd.s32 s4, v10;
	v16 =	vld [tilespmem:s0+$0x430];
	v19 =	vor.u32 v47, v1;
	v17 =	vsub.s32 v20, v28  }
0x122: {  	v5 =	vand.u32 $0x7F, v5;
	v1 =	vor.u32 v47, v15;
	vm0 =	vgt.s32 v17, $0xFFFFFFE0  }
0x123: {  	v20 =	vor.u32 v38, v5;
	v13 =	vsub.s32 v13, v27;
	v5 =	vnsel vm0, $0xFFFFFFE0, v17  }
0x124: {  	v15 =	vor.u32 v38, v11;
	vm0 =	vgt.s32 v13, $0xFFFFFFE0;
	vm1 =	vlt.s32 v5, $0x20  }
0x125: {  	v11 =	vsub.s32 v18, v26;
	v13 =	vnsel vm0, $0xFFFFFFE0, v13;
	v5 =	vnsel vm1, $0x20, v5  }
0x126: {  	s10 =	simm.s32 $0x400;
	vm0 =	vgt.s32 v11, $0xFFFFFFE0;
	vm1 =	vlt.s32 v13, $0x20;
	v18 =	vsub.s32 v16, v25  }
0x127: {  	s7 =	sand.u32 $0x7800, s10;
	[tilespmem:v19+s12+$0x0] =	vst.idx.msk $0xffff, v5;
	v17 =	vnsel vm0, $0xFFFFFFE0, v11;
	v11 =	vnsel vm1, $0x20, v13;
	vm1 =	vgt.s32 v18, $0xFFFFFFE0  }
0x128: {  	s11 =	simm.s32 $0x6;
	s5 =	simm.s32 $0x280;
	v16 =	vand.u32 $0x7F, v9;
	v5 =	vld [tilespmem:s1+$0x438];
	vm0 =	vlt.s32 v17, $0x20;
	[tilespmem:v20+s12+$0x0] =	vst.idx.msk $0xffff, v11;
	s1 =	simm.s32 $0x66D0;
	v13 =	vnsel vm1, $0xFFFFFFE0, v18  }
.LBB2_10:
0x129: {  	s7 =	sadd.s32 $0x6E80, s7;
	v0 =	vand.u32 $0x7F, v0;
	s18 =	sand.u32 $0x380, s5;
	v9 =	vnsel vm0, $0x20, v17;
	v11 =	vld [tilespmem:s8+$0x60];
	vm0 =	vlt.s32 v13, $0x20  }
0x12a: {  	s21 =	sadd.s32 $0xFFFFFF80, s5;
	v17 =	vld [tilespmem:s1+$0x0];
	v3 =	vor.u32 v49, v3;
	s20 =	sadd.s32 s18, s7;
	[tilespmem:v15+s12+$0x0] =	vst.idx.msk $0xffff, v9;
	v9 =	vnsel vm0, $0x20, v13;
	v13 =	vadd.s32 s24, v48;
	s24 =	smov.u32 s4  }
0x12b: {  	v7 =	vor.u32 v39, v7;
	s31 =	sand.u32 $0x300, s21;
	s4 =	sadd.s32 $0x1, s25;
	v15 =	vld [tilespmem:s20+$0x0];
	v18 =	vadd.s32 s24, v12;
	[tilespmem:v1+s12+$0x0] =	vst.idx.msk $0xffff, v9;
	v1 =	vand.u32 $0x7F, v13  }
0x12c: {  	s7 =	sadd.s32 s31, s7;
	v13 =	vadd.s32 s4, v34;
	v9 =	vld [tilespmem:s1+$0xFFFFFFF0];
	v1 =	vor.u32 v49, v1;
	v18 =	vand.u32 $0x7F, v18  }
0x12d: {  	v19 =	vld [tilespmem:s7+$0x0];
	v13 =	vand.u32 $0x7F, v13;
	v5 =	vsub.s32 v5, v28;
	v28 =	vmovc v27;
	v18 =	vor.u32 v39, v18  }
0x12e: {  	v20 =	vld [tilespmem:s6+$0x60];
	v21 =	vor.u32 v23, v13;
	vm0 =	vgt.s32 v5, $0xFFFFFFE0;
	v11 =	vsub.s32 v11, v28  }
0x12f: {  	v27 =	vmovc v17;
	v17 =	vor.u32 v23, v0;
	v5 =	vnsel vm0, $0xFFFFFFE0, v5;
	vm0 =	vgt.s32 v11, $0xFFFFFFE0  }
0x130: {  	v22 =	vld [tilespmem:s0+$0x438];
	vm1 =	vlt.s32 v5, $0x20;
	v15 =	vsub.s32 v15, v27;
	v11 =	vnsel vm0, $0xFFFFFFE0, v11  }
0x131: {  	v5 =	vnsel vm1, $0x20, v5;
	vm0 =	vgt.s32 v15, $0xFFFFFFE0;
	vm1 =	vlt.s32 v11, $0x20  }
0x132: {  	[tilespmem:v1+s12+$0x0] =	vst.idx.msk $0xffff, v5;
	v1 =	vsub.s32 v19, v9;
	v5 =	vnsel vm0, $0xFFFFFFE0, v15;
	v11 =	vnsel vm1, $0x20, v11  }
0x133: {  	v2 =	vld [tilespmem:$0x1FED0];
	v15 =	vsub.s32 v20, v26;
	vm0 =	vgt.s32 v1, $0xFFFFFFE0;
	vm1 =	vlt.s32 v5, $0x20;
	[tilespmem:v18+s12+$0x0] =	vst.idx.msk $0xffff, v11  }
0x134: {  	v1 =	vnsel vm0, $0xFFFFFFE0, v1;
	v5 =	vnsel vm1, $0x20, v5;
	vm0 =	vgt.s32 v15, $0xFFFFFFE0;
	v11 =	vld [tilespmem:s8+$0x70]  }
0x135: {  	vm1 =	vlt.s32 v1, $0x20;
	[tilespmem:v21+s12+$0x0] =	vst.idx.msk $0xffff, v5;
	v5 =	vnsel vm0, $0xFFFFFFE0, v15;
	v15 =	vsub.s32 v22, v25  }
0x136: {  	v1 =	vnsel vm1, $0x20, v1;
	v18 =	vld [tilespmem:s20+$0x10];
	vm0 =	vlt.s32 v5, $0x20;
	vm1 =	vgt.s32 v15, $0xFFFFFFE0  }
0x137: {  	s0 =	smov.u32 s6;
	s6 =	smov.u32 s7;
	v25 =	vmovc v26;
	v26 =	vmovc v9;
	[tilespmem:v17+s12+$0x0] =	vst.idx.msk $0xffff, v1;
	v1 =	vnsel vm0, $0x20, v5;
	v5 =	vadd.s32 s24, v14;
	v9 =	vnsel vm1, $0xFFFFFFE0, v15  }
0x138: {  	v15 =	vld [tilespmem:s6+$0x10];
	[tilespmem:v7+s12+$0x0] =	vst.idx.msk $0xffff, v1;
	v7 =	vor.u32 v40, v33;
	v1 =	vand.u32 $0x7F, v5;
	vm0 =	vlt.s32 v9, $0x20  }
0x139: {  	v5 =	vadd.s32 s4, v2;
	v17 =	vld [tilespmem:s0+$0x70];
	v11 =	vsub.s32 v11, v28;
	v1 =	vor.u32 v40, v1  }
0x13a: {  	v5 =	vand.u32 $0x7F, v5;
	v9 =	vnsel vm0, $0x20, v9;
	vm1 =	vgt.s32 v11, $0xFFFFFFE0  }
0x13b: {  	v5 =	vor.u32 v24, v5;
	v18 =	vsub.s32 v18, v27;
	v11 =	vnsel vm1, $0xFFFFFFE0, v11  }
0x13c: {  	[tilespmem:v3+s12+$0x0] =	vst.idx.msk $0xffff, v9;
	v9 =	vor.u32 v24, v16;
	vm0 =	vgt.s32 v18, $0xFFFFFFE0;
	vm1 =	vlt.s32 v11, $0x20  }
0x13d: {  	v3 =	vsub.s32 v15, v26;
	v15 =	vnsel vm0, $0xFFFFFFE0, v18;
	v11 =	vnsel vm1, $0x20, v11  }
0x13e: {  	v4 =	vld [tilespmem:$0x1FEE0];
	vm0 =	vgt.s32 v3, $0xFFFFFFE0;
	vm1 =	vlt.s32 v15, $0x20;
	v16 =	vsub.s32 v17, v25;
	[tilespmem:v1+s12+$0x0] =	vst.idx.msk $0xffff, v11  }
0x13f: {  	v1 =	vnsel vm0, $0xFFFFFFE0, v3;
	v3 =	vnsel vm1, $0x20, v15;
	vm0 =	vgt.s32 v16, $0xFFFFFFE0;
	v11 =	vld [tilespmem:s8+$0x400]  }
0x140: {  	v20 =	vor.u32 v41, v30;
	vm1 =	vlt.s32 v1, $0x20;
	[tilespmem:v5+s12+$0x0] =	vst.idx.msk $0xffff, v3;
	v5 =	vnsel vm0, $0xFFFFFFE0, v16  }
0x141: {  	v17 =	vadd.s32 s3, v44;
	v15 =	vnsel vm1, $0x20, v1;
	v16 =	vld [tilespmem:s20+$0x20];
	vm0 =	vlt.s32 v5, $0x20  }
0x142: {  	v3 =	vadd.s32 s3, v48;
	v1 =	vadd.s32 s3, v46;
	[tilespmem:v9+s12+$0x0] =	vst.idx.msk $0xffff, v15;
	v15 =	vnsel vm0, $0x20, v5  }
0x143: {  	v3 =	vand.u32 $0x7F, v3;
	v9 =	vadd.s32 s25, v4;
	v5 =	vadd.s32 s25, v14;
	v18 =	vld [tilespmem:s6+$0x20];
	[tilespmem:v7+s12+$0x0] =	vst.idx.msk $0xffff, v15  }
0x144: {  	v9 =	vand.u32 $0x7F, v9;
	v15 =	vadd.s32 s4, v4;
	v19 =	vld [tilespmem:s0+$0x400];
	v11 =	vsub.s32 v11, v28  }
0x145: {  	v30 =	vmovc v13;
	v13 =	vand.u32 $0x7F, v15;
	v15 =	vor.u32 v41, v29;
	vm0 =	vgt.s32 v11, $0xFFFFFFE0  }
0x146: {  	v29 =	vmovc v0;
	v13 =	vor.u32 v35, v13;
	v0 =	vsub.s32 v16, v27;
	v11 =	vnsel vm0, $0xFFFFFFE0, v11  }
0x147: {  	v9 =	vor.u32 v35, v9;
	vm0 =	vgt.s32 v0, $0xFFFFFFE0;
	vm1 =	vlt.s32 v11, $0x20  }
0x148: {  	v16 =	vsub.s32 v18, v26;
	v0 =	vnsel vm0, $0xFFFFFFE0, v0;
	v11 =	vnsel vm1, $0x20, v11  }
0x149: {  	vm0 =	vgt.s32 v16, $0xFFFFFFE0;
	vm1 =	vlt.s32 v0, $0x20;
	v18 =	vsub.s32 v19, v25;
	[tilespmem:v20+s12+$0x0] =	vst.idx.msk $0xffff, v11  }
0x14a: {  	v11 =	vnsel vm0, $0xFFFFFFE0, v16;
	v0 =	vnsel vm1, $0x20, v0;
	vm0 =	vgt.s32 v18, $0xFFFFFFE0;
	v16 =	vld [tilespmem:s8+$0x410]  }
0x14b: {  	v1 =	vand.u32 $0x7F, v1;
	vm1 =	vlt.s32 v11, $0x20;
	[tilespmem:v13+s12+$0x0] =	vst.idx.msk $0xffff, v0;
	v0 =	vnsel vm0, $0xFFFFFFE0, v18  }
0x14c: {  	v7 =	vadd.s32 s3, v42;
	s3 =	smov.u32 s25;
	v11 =	vnsel vm1, $0x20, v11;
	v18 =	vld [tilespmem:s20+$0x30];
	vm0 =	vlt.s32 v0, $0x20  }
0x14d: {  	[tilespmem:v9+s12+$0x0] =	vst.idx.msk $0xffff, v11;
	v9 =	vadd.s32 s3, v6;
	v0 =	vnsel vm0, $0x20, v0;
	v11 =	vadd.s32 s24, v42  }
0x14e: {  	v20 =	vld [tilespmem:s6+$0x30];
	v9 =	vand.u32 $0x7F, v9;
	[tilespmem:v15+s12+$0x0] =	vst.idx.msk $0xffff, v0;
	v0 =	vand.u32 $0x7F, v7;
	v7 =	vand.u32 $0x7F, v11  }
0x14f: {  	v11 =	vadd.s32 s4, v6;
	v15 =	vld [tilespmem:s0+$0x410];
	v16 =	vsub.s32 v16, v28;
	v7 =	vor.u32 v43, v7  }
0x150: {  	v11 =	vand.u32 $0x7F, v11;
	v21 =	vor.u32 v43, v0;
	vm0 =	vgt.s32 v16, $0xFFFFFFE0  }
0x151: {  	v11 =	vor.u32 v36, v11;
	v0 =	vsub.s32 v18, v27;
	v16 =	vnsel vm0, $0xFFFFFFE0, v16  }
0x152: {  	v9 =	vor.u32 v36, v9;
	vm0 =	vgt.s32 v0, $0xFFFFFFE0;
	vm1 =	vlt.s32 v16, $0x20  }
0x153: {  	v18 =	vsub.s32 v20, v26;
	v0 =	vnsel vm0, $0xFFFFFFE0, v0;
	v16 =	vnsel vm1, $0x20, v16  }
0x154: {  	vm0 =	vgt.s32 v18, $0xFFFFFFE0;
	vm1 =	vlt.s32 v0, $0x20;
	v15 =	vsub.s32 v15, v25;
	[tilespmem:v7+s12+$0x0] =	vst.idx.msk $0xffff, v16  }
0x155: {  	v7 =	vnsel vm0, $0xFFFFFFE0, v18;
	v0 =	vnsel vm1, $0x20, v0;
	vm0 =	vgt.s32 v15, $0xFFFFFFE0;
	v16 =	vld [tilespmem:s8+$0x420]  }
0x156: {  	v33 =	vand.u32 $0x7F, v5;
	vm1 =	vlt.s32 v7, $0x20;
	[tilespmem:v11+s12+$0x0] =	vst.idx.msk $0xffff, v0;
	v11 =	vnsel vm0, $0xFFFFFFE0, v15  }
0x157: {  	v1 =	vor.u32 v47, v1;
	v7 =	vnsel vm1, $0x20, v7;
	v15 =	vld [tilespmem:s20+$0x40];
	vm0 =	vlt.s32 v11, $0x20  }
0x158: {  	v18 =	vadd.s32 s3, v8;
	[tilespmem:v9+s12+$0x0] =	vst.idx.msk $0xffff, v7;
	v7 =	vnsel vm0, $0x20, v11;
	v9 =	vadd.s32 s24, v44  }
0x159: {  	v18 =	vand.u32 $0x7F, v18;
	v11 =	vld [tilespmem:s6+$0x40];
	[tilespmem:v21+s12+$0x0] =	vst.idx.msk $0xffff, v7;
	v7 =	vand.u32 $0x7F, v17;
	v9 =	vand.u32 $0x7F, v9  }
0x15a: {  	v17 =	vadd.s32 s4, v8;
	v21 =	vld [tilespmem:s0+$0x420];
	v16 =	vsub.s32 v16, v28;
	v9 =	vor.u32 v45, v9  }
0x15b: {  	v17 =	vand.u32 $0x7F, v17;
	v22 =	vor.u32 v45, v7;
	vm0 =	vgt.s32 v16, $0xFFFFFFE0  }
0x15c: {  	v7 =	vsub.s32 v15, v27;
	v15 =	vor.u32 v37, v17;
	v16 =	vnsel vm0, $0xFFFFFFE0, v16  }
0x15d: {  	v17 =	vor.u32 v37, v18;
	vm0 =	vgt.s32 v7, $0xFFFFFFE0;
	vm1 =	vlt.s32 v16, $0x20  }
0x15e: {  	v11 =	vsub.s32 v11, v26;
	v7 =	vnsel vm0, $0xFFFFFFE0, v7;
	v16 =	vnsel vm1, $0x20, v16  }
0x15f: {  	vm0 =	vgt.s32 v11, $0xFFFFFFE0;
	vm1 =	vlt.s32 v7, $0x20;
	v18 =	vsub.s32 v21, v25;
	[tilespmem:v9+s12+$0x0] =	vst.idx.msk $0xffff, v16  }
0x160: {  	v9 =	vnsel vm0, $0xFFFFFFE0, v11;
	v7 =	vnsel vm1, $0x20, v7;
	vm0 =	vgt.s32 v18, $0xFFFFFFE0;
	v11 =	vld [tilespmem:s8+$0x430]  }
0x161: {  	v19 =	vadd.s32 s3, v12;
	vm1 =	vlt.s32 v9, $0x20;
	[tilespmem:v15+s12+$0x0] =	vst.idx.msk $0xffff, v7;
	v7 =	vnsel vm0, $0xFFFFFFE0, v18  }
0x162: {  	v13 =	vadd.s32 s3, v10;
	v9 =	vnsel vm1, $0x20, v9;
	v15 =	vld [tilespmem:s20+$0x50];
	vm0 =	vlt.s32 v7, $0x20  }
0x163: {  	v13 =	vand.u32 $0x7F, v13;
	v20 =	vadd.s32 s11, v2;
	[tilespmem:v17+s12+$0x0] =	vst.idx.msk $0xffff, v9;
	v5 =	vnsel vm0, $0x20, v7  }
0x164: {  	v0 =	vadd.s32 s11, v34;
	v9 =	vadd.s32 s24, v46;
	v7 =	vand.u32 $0x7F, v19;
	v16 =	vld [tilespmem:s6+$0x50];
	[tilespmem:v22+s12+$0x0] =	vst.idx.msk $0xffff, v5  }
0x165: {  	v5 =	vand.u32 $0x7F, v9;
	v9 =	vadd.s32 s4, v10;
	v17 =	vld [tilespmem:s0+$0x430];
	v11 =	vsub.s32 v11, v28  }
0x166: {  	v5 =	vor.u32 v47, v5;
	v9 =	vand.u32 $0x7F, v9;
	vm0 =	vgt.s32 v11, $0xFFFFFFE0  }
0x167: {  	p0 =	slt.u32 s11, $0x7E;
	v9 =	vor.u32 v38, v9;
	v18 =	vsub.s32 v15, v27;
	v11 =	vnsel vm0, $0xFFFFFFE0, v11  }
.Ltmp6:
0x168: {  	v15 =	vor.u32 v38, v13;
	vm0 =	vgt.s32 v18, $0xFFFFFFE0;
	vm1 =	vlt.s32 v11, $0x20;
	(pc) =	sbr.rel @p0 .LBB2_10-.Ltmp6, $4  }
0x169: {  	v13 =	vsub.s32 v16, v26;
	v16 =	vnsel vm0, $0xFFFFFFE0, v18;
	v11 =	vnsel vm1, $0x20, v11  }
0x16a: {  	s10 =	sadd.s32 $0x200, s10;
	vm0 =	vgt.s32 v13, $0xFFFFFFE0;
	vm1 =	vlt.s32 v16, $0x20;
	v18 =	vsub.s32 v17, v25  }
0x16b: {  	s5 =	sadd.s32 $0x100, s5;
	s7 =	sand.u32 $0x7800, s10;
	s1 =	sadd.s32 $0x20, s1;
	[tilespmem:v5+s12+$0x0] =	vst.idx.msk $0xffff, v11;
	v17 =	vnsel vm0, $0xFFFFFFE0, v13;
	v11 =	vnsel vm1, $0x20, v16;
	vm1 =	vgt.s32 v18, $0xFFFFFFE0  }
0x16c: {  	s25 =	smov.u32 s11;
	s11 =	sadd.s32 $0x2, s11;
	v5 =	vld [tilespmem:s8+$0x438];
	s8 =	smov.u32 s20;
	v16 =	vand.u32 $0x7F, v20;
	vm0 =	vlt.s32 v17, $0x20;
	[tilespmem:v9+s12+$0x0] =	vst.idx.msk $0xffff, v11;
	v13 =	vnsel vm1, $0xFFFFFFE0, v18  }
0x16d: {  	s7 =	sadd.s32 $0x6E80, s7;
	s10 =	sand.u32 $0x380, s5;
	s30 =	sadd.s32 $0xFFFFFF80, s5;
	v32 =	vld [tilespmem:s1+$0x0]  }
0x16e: {  	v31 =	vld [tilespmem:s1+$0xFFFFFFF0];
	s10 =	sadd.s32 s10, s7;
	s5 =	sand.u32 $0x300, s30  }
0x16f: {  	v18 =	vld [tilespmem:s10+$0x0];
	s5 =	sadd.s32 s5, s7  }
0x170: {  	v19 =	vld [tilespmem:s5+$0x0]  }
0x171: {  	s31 =	sadd.s32 $0x1, s25  }
0x172: {  	v9 =	vadd.s32 s31, v34  }
0x173: {  	v11 =	vand.u32 $0x7F, v9  }
0x174: {  	v9 =	vand.u32 $0x7F, v0;
	v63 =	vor.u32 v23, v11;
	v18 =	vsub.s32 v18, v32  }
0x175: {  	v20 =	vor.u32 v23, v9;
	vm1 =	vgt.s32 v18, $0xFFFFFFE0;
	v19 =	vsub.s32 v19, v31  }
0x176: {  	v18 =	vnsel vm1, $0xFFFFFFE0, v18;
	vm13 =	vgt.s32 v19, $0xFFFFFFE0  }
0x177: {  	v19 =	vnsel vm13, $0xFFFFFFE0, v19;
	vm14 =	vlt.s32 v18, $0x20  }
0x178: {  	v18 =	vnsel vm14, $0x20, v18;
	vm15 =	vlt.s32 v19, $0x20  }
0x179: {  	[tilespmem:v63+s12+$0x0] =	vst.idx.msk $0xffff, v18;
	v22 =	vnsel vm15, $0x20, v19  }
0x17a: {  	[tilespmem:v20+s12+$0x0] =	vst.idx.msk $0xffff, v22  }
0x17b: {  	v2 =	vld [tilespmem:$0x1FED0]  }
0x17c: {  	v0 =	vld [tilespmem:s5+$0x10]  }
0x17d: {  	v18 =	vld [tilespmem:s10+$0x10];
	_ =	sdelay $0x2  }
0x17e: {  	v23 =	vadd.s32 s31, v2  }
0x17f: {  	v16 =	vor.u32 v24, v16;
	v0 =	vsub.s32 v0, v31;
	v19 =	vand.u32 $0x7F, v23  }
0x180: {  	v18 =	vsub.s32 v18, v32;
	vm5 =	vgt.s32 v0, $0xFFFFFFE0;
	v19 =	vor.u32 v24, v19  }
0x181: {  	vm4 =	vgt.s32 v18, $0xFFFFFFE0;
	v0 =	vnsel vm5, $0xFFFFFFE0, v0  }
0x182: {  	v18 =	vnsel vm4, $0xFFFFFFE0, v18;
	vm7 =	vlt.s32 v0, $0x20  }
0x183: {  	vm6 =	vlt.s32 v18, $0x20;
	v0 =	vnsel vm7, $0x20, v0  }
0x184: {  	v18 =	vnsel vm6, $0x20, v18;
	[tilespmem:v16+s12+$0x0] =	vst.idx.msk $0xffff, v0  }
0x185: {  	[tilespmem:v19+s12+$0x0] =	vst.idx.msk $0xffff, v18  }
0x186: {  	v50 =	vld [tilespmem:$0x1FEE0];
	_ =	sdelay $0x1  }
0x187: {  	v18 =	vld [tilespmem:s10+$0x20]  }
0x188: {  	v0 =	vld [tilespmem:s5+$0x20];
	_ =	sdelay $0x1  }
0x189: {  	v51 =	vadd.s32 s31, v50  }
0x18a: {  	v52 =	vadd.s32 s25, v50;
	v16 =	vand.u32 $0x7F, v51  }
0x18b: {  	v18 =	vsub.s32 v18, v32;
	v19 =	vand.u32 $0x7F, v52;
	v16 =	vor.u32 v35, v16  }
0x18c: {  	v0 =	vsub.s32 v0, v31;
	vm8 =	vgt.s32 v18, $0xFFFFFFE0;
	v19 =	vor.u32 v35, v19  }
0x18d: {  	vm9 =	vgt.s32 v0, $0xFFFFFFE0;
	v18 =	vnsel vm8, $0xFFFFFFE0, v18  }
0x18e: {  	v0 =	vnsel vm9, $0xFFFFFFE0, v0;
	vm10 =	vlt.s32 v18, $0x20  }
0x18f: {  	vm11 =	vlt.s32 v0, $0x20;
	v18 =	vnsel vm10, $0x20, v18  }
0x190: {  	v0 =	vnsel vm11, $0x20, v0;
	[tilespmem:v16+s12+$0x0] =	vst.idx.msk $0xffff, v18  }
0x191: {  	[tilespmem:v19+s12+$0x0] =	vst.idx.msk $0xffff, v0;
	v16 =	vld [tilespmem:s10+$0x30]  }
0x192: {  	v0 =	vld [tilespmem:s5+$0x30];
	_ =	sdelay $0x1  }
0x193: {  	v53 =	vadd.s32 s31, v6  }
0x194: {  	v54 =	vadd.s32 s25, v6;
	v18 =	vand.u32 $0x7F, v53  }
0x195: {  	v19 =	vand.u32 $0x7F, v54;
	v18 =	vor.u32 v36, v18;
	v16 =	vsub.s32 v16, v32  }
0x196: {  	v19 =	vor.u32 v36, v19;
	v0 =	vsub.s32 v0, v31;
	vm12 =	vgt.s32 v16, $0xFFFFFFE0  }
0x197: {  	vm13 =	vgt.s32 v0, $0xFFFFFFE0;
	v16 =	vnsel vm12, $0xFFFFFFE0, v16  }
0x198: {  	v0 =	vnsel vm13, $0xFFFFFFE0, v0;
	vm14 =	vlt.s32 v16, $0x20  }
0x199: {  	vm15 =	vlt.s32 v0, $0x20;
	v16 =	vnsel vm14, $0x20, v16  }
0x19a: {  	v0 =	vnsel vm15, $0x20, v0;
	[tilespmem:v18+s12+$0x0] =	vst.idx.msk $0xffff, v16  }
0x19b: {  	[tilespmem:v19+s12+$0x0] =	vst.idx.msk $0xffff, v0;
	v16 =	vld [tilespmem:s10+$0x40]  }
0x19c: {  	v0 =	vld [tilespmem:s5+$0x40];
	_ =	sdelay $0x1  }
0x19d: {  	v55 =	vadd.s32 s31, v8  }
0x19e: {  	v56 =	vadd.s32 s25, v8;
	v18 =	vand.u32 $0x7F, v55  }
0x19f: {  	v19 =	vand.u32 $0x7F, v56;
	v18 =	vor.u32 v37, v18;
	v16 =	vsub.s32 v16, v32  }
0x1a0: {  	v19 =	vor.u32 v37, v19;
	v0 =	vsub.s32 v0, v31;
	vm4 =	vgt.s32 v16, $0xFFFFFFE0  }
0x1a1: {  	vm5 =	vgt.s32 v0, $0xFFFFFFE0;
	v16 =	vnsel vm4, $0xFFFFFFE0, v16  }
0x1a2: {  	v0 =	vnsel vm5, $0xFFFFFFE0, v0;
	vm6 =	vlt.s32 v16, $0x20  }
0x1a3: {  	vm7 =	vlt.s32 v0, $0x20;
	v16 =	vnsel vm6, $0x20, v16  }
0x1a4: {  	v0 =	vnsel vm7, $0x20, v0;
	[tilespmem:v18+s12+$0x0] =	vst.idx.msk $0xffff, v16  }
0x1a5: {  	[tilespmem:v19+s12+$0x0] =	vst.idx.msk $0xffff, v0;
	v16 =	vld [tilespmem:s10+$0x50]  }
0x1a6: {  	v0 =	vld [tilespmem:s5+$0x50];
	_ =	sdelay $0x1  }
0x1a7: {  	v57 =	vadd.s32 s31, v10  }
0x1a8: {  	v17 =	vnsel vm0, $0x20, v17;
	v58 =	vadd.s32 s25, v10;
	v18 =	vand.u32 $0x7F, v57  }
0x1a9: {  	v59 =	vld [tilespmem:s8+$0x60];
	[tilespmem:v15+s12+$0x0] =	vst.idx.msk $0xffff, v17;
	v15 =	vand.u32 $0x7F, v58;
	v60 =	vor.u32 v38, v18;
	v16 =	vsub.s32 v16, v32  }
0x1aa: {  	v61 =	vld [tilespmem:s6+$0x60];
	v15 =	vor.u32 v38, v15;
	v0 =	vsub.s32 v0, v31;
	vm8 =	vgt.s32 v16, $0xFFFFFFE0  }
0x1ab: {  	vm9 =	vgt.s32 v0, $0xFFFFFFE0;
	v16 =	vnsel vm8, $0xFFFFFFE0, v16  }
0x1ac: {  	v62 =	vadd.s32 s4, v12;
	v0 =	vnsel vm9, $0xFFFFFFE0, v0;
	vm10 =	vlt.s32 v16, $0x20  }
0x1ad: {  	v19 =	vand.u32 $0x7F, v62;
	vm0 =	vlt.s32 v0, $0x20;
	v16 =	vnsel vm10, $0x20, v16  }
0x1ae: {  	v20 =	vsub.s32 v59, v27;
	v19 =	vor.u32 v39, v19;
	v0 =	vnsel vm0, $0x20, v0;
	[tilespmem:v60+s12+$0x0] =	vst.idx.msk $0xffff, v16  }
0x1af: {  	v7 =	vor.u32 v39, v7;
	v63 =	vsub.s32 v61, v26;
	vm11 =	vgt.s32 v20, $0xFFFFFFE0;
	[tilespmem:v15+s12+$0x0] =	vst.idx.msk $0xffff, v0;
	v17 =	vld [tilespmem:s10+$0x60]  }
0x1b0: {  	v21 =	vnsel vm11, $0xFFFFFFE0, v20;
	vm12 =	vgt.s32 v63, $0xFFFFFFE0;
	v15 =	vld [tilespmem:s5+$0x60]  }
0x1b1: {  	vm13 =	vlt.s32 v21, $0x20;
	v16 =	vnsel vm12, $0xFFFFFFE0, v63  }
0x1b2: {  	v22 =	vadd.s32 s31, v12;
	v0 =	vnsel vm13, $0x20, v21;
	vm0 =	vlt.s32 v16, $0x20  }
0x1b3: {  	v24 =	vadd.s32 s25, v12;
	v18 =	vand.u32 $0x7F, v22;
	[tilespmem:v19+s12+$0x0] =	vst.idx.msk $0xffff, v0;
	v23 =	vnsel vm0, $0x20, v16  }
0x1b4: {  	v35 =	vand.u32 $0x7F, v24;
	v36 =	vor.u32 v39, v18;
	v19 =	vld [tilespmem:s8+$0x70];
	[tilespmem:v7+s12+$0x0] =	vst.idx.msk $0xffff, v23;
	v7 =	vsub.s32 v17, v32  }
0x1b5: {  	v0 =	vor.u32 v39, v35;
	v37 =	vld [tilespmem:s6+$0x70];
	v15 =	vsub.s32 v15, v31;
	vm14 =	vgt.s32 v7, $0xFFFFFFE0  }
0x1b6: {  	vm15 =	vgt.s32 v15, $0xFFFFFFE0;
	v7 =	vnsel vm14, $0xFFFFFFE0, v7  }
0x1b7: {  	v38 =	vadd.s32 s4, v14;
	v15 =	vnsel vm15, $0xFFFFFFE0, v15;
	vm4 =	vlt.s32 v7, $0x20  }
0x1b8: {  	v18 =	vand.u32 $0x7F, v38;
	vm0 =	vlt.s32 v15, $0x20;
	v7 =	vnsel vm4, $0x20, v7  }
0x1b9: {  	v18 =	vor.u32 v40, v18;
	v19 =	vsub.s32 v19, v27;
	[tilespmem:v36+s12+$0x0] =	vst.idx.msk $0xffff, v7;
	v7 =	vnsel vm0, $0x20, v15  }
0x1ba: {  	vm5 =	vgt.s32 v19, $0xFFFFFFE0;
	v39 =	vsub.s32 v37, v26;
	v15 =	vor.u32 v40, v33;
	v50 =	vld [tilespmem:s10+$0x70];
	[tilespmem:v0+s12+$0x0] =	vst.idx.msk $0xffff, v7  }
0x1bb: {  	v51 =	vnsel vm5, $0xFFFFFFE0, v19;
	vm6 =	vgt.s32 v39, $0xFFFFFFE0;
	v7 =	vld [tilespmem:s5+$0x70]  }
0x1bc: {  	v52 =	vadd.s32 s31, v14;
	vm8 =	vlt.s32 v51, $0x20;
	v16 =	vnsel vm6, $0xFFFFFFE0, v39  }
0x1bd: {  	v55 =	vand.u32 $0x7F, v52;
	v0 =	vnsel vm8, $0x20, v51;
	vm9 =	vlt.s32 v16, $0x20  }
0x1be: {  	v54 =	vadd.s32 s25, v14;
	v58 =	vor.u32 v40, v55;
	[tilespmem:v18+s12+$0x0] =	vst.idx.msk $0xffff, v0;
	v53 =	vnsel vm9, $0x20, v16  }
0x1bf: {  	vm7 =	vlt.s32 v13, $0x20;
	v57 =	vand.u32 $0x7F, v54;
	v56 =	vld [tilespmem:s8+$0x400];
	[tilespmem:v15+s12+$0x0] =	vst.idx.msk $0xffff, v53;
	v15 =	vsub.s32 v50, v32  }
0x1c0: {  	v60 =	vor.u32 v40, v57;
	v59 =	vld [tilespmem:s6+$0x400];
	vm10 =	vgt.s32 v15, $0xFFFFFFE0;
	v7 =	vsub.s32 v7, v31  }
0x1c1: {  	v13 =	vnsel vm7, $0x20, v13;
	v15 =	vnsel vm10, $0xFFFFFFE0, v15;
	vm11 =	vgt.s32 v7, $0xFFFFFFE0  }
0x1c2: {  	v62 =	vor.u32 v41, v30;
	vm12 =	vlt.s32 v15, $0x20;
	v61 =	vnsel vm11, $0xFFFFFFE0, v7  }
0x1c3: {  	[tilespmem:v1+s12+$0x0] =	vst.idx.msk $0xffff, v13;
	v0 =	vor.u32 v49, v3;
	v15 =	vnsel vm12, $0x20, v15;
	vm0 =	vlt.s32 v61, $0x20  }
0x1c4: {  	v13 =	vld [tilespmem:s0+$0x438];
	v19 =	vsub.s32 v56, v27;
	v7 =	vadd.s32 s24, v48;
	[tilespmem:v58+s12+$0x0] =	vst.idx.msk $0xffff, v15;
	v3 =	vnsel vm0, $0x20, v61  }
0x1c5: {  	vm13 =	vgt.s32 v19, $0xFFFFFFE0;
	v15 =	vor.u32 v41, v29;
	v63 =	vsub.s32 v59, v26;
	v21 =	vld [tilespmem:s10+$0x400];
	[tilespmem:v60+s12+$0x0] =	vst.idx.msk $0xffff, v3  }
0x1c6: {  	v22 =	vand.u32 $0x7F, v7;
	v7 =	vnsel vm13, $0xFFFFFFE0, v19;
	vm14 =	vgt.s32 v63, $0xFFFFFFE0;
	v18 =	vld [tilespmem:s5+$0x400]  }
0x1c7: {  	v11 =	vor.u32 v41, v11;
	vm15 =	vlt.s32 v7, $0x20;
	v16 =	vnsel vm14, $0xFFFFFFE0, v63  }
0x1c8: {  	v9 =	vor.u32 v41, v9;
	v7 =	vnsel vm15, $0x20, v7;
	vm5 =	vlt.s32 v16, $0x20  }
0x1c9: {  	v5 =	vsub.s32 v5, v28;
	v13 =	vsub.s32 v13, v25;
	[tilespmem:v62+s12+$0x0] =	vst.idx.msk $0xffff, v7;
	v7 =	vnsel vm5, $0x20, v16  }
0x1ca: {  	v35 =	vadd.s32 s31, v42;
	v23 =	vadd.s32 s3, v42;
	v24 =	vld [tilespmem:s8+$0x410];
	[tilespmem:v15+s12+$0x0] =	vst.idx.msk $0xffff, v7;
	v7 =	vsub.s32 v21, v32  }
0x1cb: {  	vm4 =	vgt.s32 v5, $0xFFFFFFE0;
	v15 =	vld [tilespmem:s6+$0x410];
	vm6 =	vgt.s32 v7, $0xFFFFFFE0;
	v28 =	vsub.s32 v18, v31  }
0x1cc: {  	v29 =	vadd.s32 s4, v42;
	v7 =	vnsel vm6, $0xFFFFFFE0, v7;
	vm7 =	vgt.s32 v28, $0xFFFFFFE0  }
0x1cd: {  	v16 =	vand.u32 $0x7F, v23;
	vm8 =	vlt.s32 v7, $0x20;
	v17 =	vnsel vm7, $0xFFFFFFE0, v28  }
0x1ce: {  	v18 =	vand.u32 $0x7F, v29;
	v7 =	vnsel vm8, $0x20, v7;
	vm0 =	vlt.s32 v17, $0x20  }
0x1cf: {  	v19 =	vsub.s32 v24, v27;
	v18 =	vor.u32 v43, v18;
	[tilespmem:v11+s12+$0x0] =	vst.idx.msk $0xffff, v7;
	v7 =	vnsel vm0, $0x20, v17  }
0x1d0: {  	vm9 =	vgt.s32 v19, $0xFFFFFFE0;
	v11 =	vor.u32 v43, v16;
	v15 =	vsub.s32 v15, v26;
	v30 =	vld [tilespmem:s10+$0x410];
	[tilespmem:v9+s12+$0x0] =	vst.idx.msk $0xffff, v7  }
0x1d1: {  	v5 =	vnsel vm4, $0xFFFFFFE0, v5;
	v7 =	vnsel vm9, $0xFFFFFFE0, v19;
	vm11 =	vgt.s32 v15, $0xFFFFFFE0;
	v9 =	vld [tilespmem:s5+$0x410]  }
0x1d2: {  	v33 =	vadd.s32 s3, v44;
	v15 =	vnsel vm11, $0xFFFFFFE0, v15;
	vm12 =	vlt.s32 v7, $0x20  }
0x1d3: {  	v36 =	vand.u32 $0x7F, v35;
	v7 =	vnsel vm12, $0x20, v7;
	vm13 =	vlt.s32 v15, $0x20  }
0x1d4: {  	v39 =	vadd.s32 s4, v44;
	[tilespmem:v18+s12+$0x0] =	vst.idx.msk $0xffff, v7;
	v7 =	vnsel vm13, $0x20, v15;
	v15 =	vadd.s32 s25, v42  }
0x1d5: {  	v37 =	vld [tilespmem:s8+$0x420];
	[tilespmem:v11+s12+$0x0] =	vst.idx.msk $0xffff, v7;
	v7 =	vand.u32 $0x7F, v15;
	v15 =	vor.u32 v43, v36;
	v11 =	vsub.s32 v30, v32  }
0x1d6: {  	v38 =	vld [tilespmem:s6+$0x420];
	v7 =	vor.u32 v43, v7;
	vm14 =	vgt.s32 v11, $0xFFFFFFE0;
	v9 =	vsub.s32 v9, v31  }
0x1d7: {  	v1 =	vand.u32 $0x7F, v39;
	v11 =	vnsel vm14, $0xFFFFFFE0, v11;
	vm15 =	vgt.s32 v9, $0xFFFFFFE0  }
0x1d8: {  	v51 =	vadd.s32 s4, v46;
	v9 =	vnsel vm15, $0xFFFFFFE0, v9;
	vm4 =	vlt.s32 v11, $0x20  }
0x1d9: {  	v1 =	vor.u32 v45, v1;
	v11 =	vnsel vm4, $0x20, v11;
	vm5 =	vlt.s32 v9, $0x20  }
0x1da: {  	v17 =	vand.u32 $0x7F, v33;
	v40 =	vsub.s32 v37, v27;
	[tilespmem:v15+s12+$0x0] =	vst.idx.msk $0xffff, v11;
	v9 =	vnsel vm5, $0x20, v9  }
0x1db: {  	v11 =	vor.u32 v45, v17;
	vm6 =	vgt.s32 v40, $0xFFFFFFE0;
	v15 =	vsub.s32 v38, v26;
	v41 =	vld [tilespmem:s10+$0x420];
	[tilespmem:v7+s12+$0x0] =	vst.idx.msk $0xffff, v9  }
0x1dc: {  	v53 =	vadd.s32 s31, v46;
	v7 =	vnsel vm6, $0xFFFFFFE0, v40;
	vm7 =	vgt.s32 v15, $0xFFFFFFE0;
	v9 =	vld [tilespmem:s5+$0x420]  }
0x1dd: {  	vm10 =	vlt.s32 v5, $0x20;
	vm1 =	vlt.s32 v7, $0x20;
	v15 =	vnsel vm7, $0xFFFFFFE0, v15  }
0x1de: {  	v42 =	vadd.s32 s31, v44;
	v7 =	vnsel vm1, $0x20, v7;
	vm0 =	vlt.s32 v15, $0x20  }
0x1df: {  	[tilespmem:v1+s12+$0x0] =	vst.idx.msk $0xffff, v7;
	v43 =	vnsel vm0, $0x20, v15;
	v7 =	vadd.s32 s25, v44;
	v15 =	vand.u32 $0x7F, v42  }
0x1e0: {  	v44 =	vld [tilespmem:s8+$0x430];
	[tilespmem:v11+s12+$0x0] =	vst.idx.msk $0xffff, v43;
	v50 =	vand.u32 $0x7F, v7;
	v11 =	vor.u32 v45, v15;
	v7 =	vsub.s32 v41, v32  }
0x1e1: {  	v15 =	vld [tilespmem:s6+$0x430];
	v1 =	vor.u32 v45, v50;
	vm8 =	vgt.s32 v7, $0xFFFFFFE0;
	v9 =	vsub.s32 v9, v31  }
0x1e2: {  	v5 =	vnsel vm10, $0x20, v5;
	v7 =	vnsel vm8, $0xFFFFFFE0, v7;
	vm10 =	vgt.s32 v9, $0xFFFFFFE0  }
0x1e3: {  	v54 =	vand.u32 $0x7F, v53;
	v9 =	vnsel vm10, $0xFFFFFFE0, v9;
	vm11 =	vlt.s32 v7, $0x20  }
0x1e4: {  	v16 =	vand.u32 $0x7F, v51;
	v7 =	vnsel vm11, $0x20, v7;
	vm12 =	vlt.s32 v9, $0x20  }
0x1e5: {  	v16 =	vor.u32 v47, v16;
	v17 =	vsub.s32 v44, v27;
	[tilespmem:v11+s12+$0x0] =	vst.idx.msk $0xffff, v7;
	v7 =	vnsel vm12, $0x20, v9  }
0x1e6: {  	v9 =	vadd.s32 s3, v46;
	vm13 =	vgt.s32 v17, $0xFFFFFFE0;
	v11 =	vsub.s32 v15, v26;
	v15 =	vld [tilespmem:s10+$0x430];
	[tilespmem:v1+s12+$0x0] =	vst.idx.msk $0xffff, v7  }
0x1e7: {  	v52 =	vand.u32 $0x7F, v9;
	v7 =	vnsel vm13, $0xFFFFFFE0, v17;
	vm14 =	vgt.s32 v11, $0xFFFFFFE0;
	v9 =	vld [tilespmem:s5+$0x430]  }
0x1e8: {  	v59 =	vadd.s32 s31, v48;
	v11 =	vnsel vm14, $0xFFFFFFE0, v11;
	vm15 =	vlt.s32 v7, $0x20  }
0x1e9: {  	v3 =	vor.u32 v49, v22;
	v7 =	vnsel vm15, $0x20, v7;
	vm4 =	vlt.s32 v11, $0x20  }
0x1ea: {  	v1 =	vor.u32 v47, v52;
	[tilespmem:v16+s12+$0x0] =	vst.idx.msk $0xffff, v7;
	v7 =	vnsel vm4, $0x20, v11;
	v11 =	vadd.s32 s25, v46  }
0x1eb: {  	v16 =	vor.u32 v47, v54;
	v11 =	vand.u32 $0x7F, v11;
	v15 =	vsub.s32 v15, v32  }
0x1ec: {  	v11 =	vor.u32 v47, v11;
	vm5 =	vgt.s32 v15, $0xFFFFFFE0;
	v9 =	vsub.s32 v9, v31  }
0x1ed: {  	v60 =	vadd.s32 s25, v48;
	v55 =	vld [tilespmem:s8+$0x438];
	v56 =	vnsel vm5, $0xFFFFFFE0, v15;
	vm6 =	vgt.s32 v9, $0xFFFFFFE0  }
0x1ee: {  	vm9 =	vgt.s32 v13, $0xFFFFFFE0;
	v9 =	vnsel vm6, $0xFFFFFFE0, v9;
	vm8 =	vlt.s32 v56, $0x20  }
0x1ef: {  	v13 =	vnsel vm9, $0xFFFFFFE0, v13;
	[tilespmem:v1+s12+$0x0] =	vst.idx.msk $0xffff, v7;
	v1 =	vnsel vm8, $0x20, v56;
	vm9 =	vlt.s32 v9, $0x20  }
0x1f0: {  	v18 =	vand.u32 $0x7F, v60;
	v7 =	vld [tilespmem:s6+$0x438];
	v15 =	vadd.s32 s3, v48;
	[tilespmem:v16+s12+$0x0] =	vst.idx.msk $0xffff, v1;
	v57 =	vnsel vm9, $0x20, v9  }
0x1f1: {  	vm7 =	vlt.s32 v13, $0x20;
	v9 =	vand.u32 $0x7F, v15;
	v15 =	vadd.s32 s4, v48;
	v16 =	vld [tilespmem:s10+$0x438];
	[tilespmem:v11+s12+$0x0] =	vst.idx.msk $0xffff, v57  }
0x1f2: {  	v17 =	vsub.s32 v55, v27;
	v58 =	vor.u32 v49, v9;
	v9 =	vand.u32 $0x7F, v15;
	v15 =	vld [tilespmem:s5+$0x438]  }
0x1f3: {  	v61 =	vor.u32 v49, v18;
	v13 =	vnsel vm7, $0x20, v13;
	vm10 =	vgt.s32 v17, $0xFFFFFFE0  }
0x1f4: {  	v11 =	vnsel vm10, $0xFFFFFFE0, v17;
	v17 =	vand.u32 $0x7F, v59;
	v9 =	vor.u32 v49, v9  }
0x1f5: {  	vm0 =	vlt.s32 v11, $0x20;
	v7 =	vsub.s32 v7, v26;
	v17 =	vor.u32 v49, v17  }
0x1f6: {  	v11 =	vnsel vm0, $0x20, v11;
	vm11 =	vgt.s32 v7, $0xFFFFFFE0;
	v16 =	vsub.s32 v16, v32  }
0x1f7: {  	[tilespmem:v3+s12+$0x0] =	vst.idx.msk $0xffff, v5;
	v7 =	vnsel vm11, $0xFFFFFFE0, v7;
	vm12 =	vgt.s32 v16, $0xFFFFFFE0;
	v5 =	vsub.s32 v15, v31  }
0x1f8: {  	[tilespmem:v0+s12+$0x0] =	vst.idx.msk $0xffff, v13;
	vm13 =	vlt.s32 v7, $0x20;
	v62 =	vnsel vm12, $0xFFFFFFE0, v16;
	vm14 =	vgt.s32 v5, $0xFFFFFFE0  }
0x1f9: {  	v7 =	vnsel vm13, $0x20, v7;
	[tilespmem:v9+s12+$0x0] =	vst.idx.msk $0xffff, v11;
	vm15 =	vlt.s32 v62, $0x20;
	v5 =	vnsel vm14, $0xFFFFFFE0, v5  }
0x1fa: {  	[tilespmem:v58+s12+$0x0] =	vst.idx.msk $0xffff, v7;
	v0 =	vnsel vm15, $0x20, v62;
	vm0 =	vlt.s32 v5, $0x20  }
0x1fb: {  	[tilespmem:v17+s12+$0x0] =	vst.idx.msk $0xffff, v0;
	v63 =	vnsel vm0, $0x20, v5  }
0x1fc: {  	s23 =	sshll.u32 s23, $0xA;
	s24 =	simm.s32 $0x0;
	s25 =	simm.s32 $0x0;
	[tilespmem:v61+s12+$0x0] =	vst.idx.msk $0xffff, v63  }
.LBB2_12:
0x1fd: {  	s26 =	smul.u32 $0x14, s25;
	_ =	sdelay $0x1  }
0x1fe: {  	s5 =	sadd.s32 $0x0, s26  }
0x1ff: {  	s0 =	sshll.u32 s5, $0x7  }
0x200: {  	s3 =	sand.u32 $0x40, s24;
	v0 =	vmov s0  }
0x201: {  	s4 =	sor.u32 $0x10, s3;
	v1 =	vmov s5;
	v0 =	vshrl.u32 v0, $0x7  }
0x202: {  	s10 =	sor.u32 $0x30, s3;
	s1 =	sadd.s32 s5, s4;
	v1 =	vadd.s32 s3, v1;
	v0 =	vshll.u32 v0, $0x7  }
0x203: {  	s11 =	sadd.s32 s5, s10;
	v3 =	vadd.s32 s1, v34;
	v1 =	vbroadcast v1, $0x0;
	v0 =	vbroadcast v0, $0x0  }
0x204: {  	v5 =	vadd.s32 s11, v34;
	v3 =	vand.u32 $0x7F, v3  }
0x205: {  	p0 =	seq.s32 s25, $0x0;
	v5 =	vand.u32 $0x7F, v5;
	v1 =	vadd.s32 v34, v1;
	v3 =	vor.u32 v0, v3  }
0x206: {  	s6 =	simm.s32 @!p0 $0x1;
	v1 =	vand.u32 $0x7F, v1;
	v5 =	vor.u32 v0, v5  }
0x207: {  	s18 =	sor.u32 $0x20, s3;
	_ =	swait.ge @!p0 [sflag:s6], $0x5000;
	v1 =	vor.u32 v1, v0  }
0x208: {  	s5 =	sadd.s32 s5, s18;
	[sflag:s6] =	ssyncset.done @!p0 $0x0  }
0x209: {  	v7 =	vadd.s32 s5, v34;
	[sflag:s6] =	ssyncadd.s32 @!p0 $0xFFFFB000  }
0x20a: {  	v7 =	vand.u32 $0x7F, v7;
	v3 =	vld.idx.msk [tilespmem:v3+s12+$0x0], $0xffff  }
0x20b: {  	v0 =	vor.u32 v0, v7;
	v5 =	vld.idx.msk [tilespmem:v5+s12+$0x0], $0xffff  }
0x20c: {  	v7 =	vld.idx.msk [tilespmem:v1+s12+$0x0], $0xffff  }
0x20d: {  	v2 =	vor.u32 $0x2160, v34;
	v39 =	vor.u32 $0x2170, v34  }
0x20e: {  	v51 =	vor.u32 $0x2180, v34;
	v48 =	vor.u32 $0x2100, v34;
	v61 =	vor.u32 $0x2120, v34  }
0x20f: {  	v29 =	vor.u32 $0x2140, v34;
	v63 =	vor.u32 $0x2110, v34;
	v1 =	vshll.u32 v3, $0x8  }
0x210: {  	v62 =	vor.u32 $0x2130, v34;
	v57 =	vor.u32 $0x2150, v34;
	v9 =	vld.idx.msk [tilespmem:v0+s12+$0x0], $0xffff;
	v3 =	vadd.s32 v48, v1  }
0x211: {  	v0 =	vshll.u32 v5, $0x8;
	v5 =	vshll.u32 v7, $0x8;
	v3 =	vand.u32 $0xFFFFFF00, v3  }
0x212: {  	v11 =	vadd.s32 v62, v1;
	v7 =	vadd.s32 v48, v0;
	v15 =	vor.u32 v34, v3  }
0x213: {  	v45 =	vld [tilespmem:$0x1FED0];
	v13 =	vadd.s32 v48, v5;
	v16 =	vadd.s32 v63, v5;
	v17 =	vadd.s32 v63, v1  }
0x214: {  	v18 =	vadd.s32 v62, v5;
	v21 =	vadd.s32 v61, v5;
	v22 =	vadd.s32 v61, v0  }
0x215: {  	v7 =	vand.u32 $0xFFFFFF00, v7;
	v13 =	vand.u32 $0xFFFFFF00, v13;
	v3 =	vshll.u32 v9, $0x8  }
0x216: {  	v4 =	vld [tilespmem:$0x1FEE0];
	v9 =	vor.u32 v34, v13;
	v13 =	vor.u32 v34, v7;
	v7 =	vadd.s32 v63, v0  }
0x217: {  	v25 =	vadd.s32 v57, v1;
	v27 =	vadd.s32 v29, v1;
	v7 =	vand.u32 $0xFFFFFF00, v7;
	v15 =	vld.idx.msk [tilespmem:v15+s13+$0x0], $0xffff  }
0x218: {  	s19 =	simm.s32 $0x0;
	v11 =	vand.u32 $0xFFFFFF00, v11;
	v19 =	vor.u32 v45, v7;
	v7 =	vand.u32 $0xFFFFFF00, v17  }
0x219: {  	s5 =	sand.u32 $0x3FFFF800, s19;
	v16 =	vand.u32 $0xFFFFFF00, v16;
	v21 =	vand.u32 $0xFFFFFF00, v21;
	v7 =	vor.u32 v45, v7  }
0x21a: {  	s20 =	sadd.s32 $0x15280, s5;
	v22 =	vand.u32 $0xFFFFFF00, v22;
	v16 =	vor.u32 v45, v16;
	v20 =	vadd.s32 v48, v3  }
0x21b: {  	s11 =	sor.u32 s4, s20;
	v21 =	vor.u32 v4, v21;
	v28 =	vor.u32 v4, v22;
	v20 =	vand.u32 $0xFFFFFF00, v20  }
0x21c: {  	v32 =	vand.u32 $0xFFFFFF00, v25;
	v22 =	vadd.s32 v29, v5;
	v20 =	vor.u32 v34, v20;
	v9 =	vld.idx.msk [tilespmem:v9+s13+$0x0], $0xffff;
	[tilespmem:s11+$0x0] =	vst v15  }
0x21d: {  	v11 =	vor.u32 v6, v11;
	v24 =	vadd.s32 v62, v3;
	v17 =	vand.u32 $0xFFFFFF00, v18;
	[tilespmem:$0x1FDD0] =	vst v29  }
0x21e: {  	v30 =	vmovc v29;
	v18 =	vadd.s32 v61, v1;
	v15 =	vand.u32 $0xFFFFFF00, v24;
	v24 =	vadd.s32 v29, v3;
	v29 =	vld.idx.msk [tilespmem:v7+s13+$0x0], $0xffff  }
0x21f: {  	v23 =	vadd.s32 v63, v3;
	v26 =	vand.u32 $0xFFFFFF00, v22;
	v18 =	vand.u32 $0xFFFFFF00, v18  }
0x220: {  	s5 =	sor.u32 s3, s20;
	v22 =	vadd.s32 v57, v5;
	v25 =	vadd.s32 v2, v3;
	v18 =	vor.u32 v4, v18  }
0x221: {  	v23 =	vand.u32 $0xFFFFFF00, v23;
	v31 =	vand.u32 $0xFFFFFF00, v22;
	v22 =	vadd.s32 v61, v3;
	[tilespmem:s5+$0x0] =	vst v9;
	v9 =	vld.idx.msk [tilespmem:v20+s13+$0x0], $0xffff  }
0x222: {  	v23 =	vor.u32 v45, v23;
	v33 =	vand.u32 $0xFFFFFF00, v24;
	v24 =	vadd.s32 v62, v0;
	v16 =	vld.idx.msk [tilespmem:v16+s13+$0x0], $0xffff  }
0x223: {  	v35 =	vand.u32 $0xFFFFFF00, v24;
	v24 =	vadd.s32 v2, v5;
	v20 =	vadd.s32 v2, v1;
	[tilespmem:s11+$0x80] =	vst v29  }
0x224: {  	v41 =	vand.u32 $0xFFFFFF00, v24;
	v42 =	vand.u32 $0xFFFFFF00, v20;
	v20 =	vadd.s32 v30, v0;
	[tilespmem:$0x1FE20] =	vst v2  }
0x225: {  	s3 =	sor.u32 s18, s20;
	v24 =	vadd.s32 v39, v1;
	v43 =	vand.u32 $0xFFFFFF00, v20;
	v20 =	vadd.s32 v51, v1;
	v18 =	vld.idx.msk [tilespmem:v18+s13+$0x0], $0xffff  }
0x226: {  	v44 =	vand.u32 $0xFFFFFF00, v24;
	v29 =	vand.u32 $0xFFFFFF80, v20;
	v20 =	vadd.s32 v39, v3;
	[tilespmem:s3+$0x0] =	vst v9  }
0x227: {  	v24 =	vand.u32 $0xFFFFFF00, v25;
	v25 =	vand.u32 $0xFFFFFF00, v20;
	[tilespmem:s5+$0x80] =	vst v16;
	v16 =	vld.idx.msk [tilespmem:v23+s13+$0x0], $0xffff;
	v23 =	vadd.s32 v39, v0  }
0x228: {  	v20 =	vadd.s32 v39, v5;
	v37 =	vld.idx.msk [tilespmem:v13+s13+$0x0], $0xffff;
	v13 =	vadd.s32 v2, v0;
	v2 =	vand.u32 $0xFFFFFF00, v23  }
0x229: {  	v22 =	vand.u32 $0xFFFFFF00, v22;
	v9 =	vand.u32 $0xFFFFFF00, v20;
	v20 =	vadd.s32 v51, v5;
	v21 =	vld.idx.msk [tilespmem:v21+s13+$0x0], $0xffff;
	[tilespmem:$0x1FDA0] =	vst v2  }
0x22a: {  	v40 =	vor.u32 v4, v22;
	v2 =	vand.u32 $0xFFFFFF80, v20;
	[tilespmem:s11+$0x100] =	vst v18  }
0x22b: {  	[tilespmem:$0x1FDB0] =	vst v2  }
0x22c: {  	s0 =	sor.u32 s10, s20;
	v17 =	vor.u32 v6, v17;
	v11 =	vld.idx.msk [tilespmem:v11+s13+$0x0], $0xffff  }
0x22d: {  	v27 =	vand.u32 $0xFFFFFF00, v27;
	[tilespmem:s0+$0x0] =	vst v37  }
0x22e: {  	v27 =	vor.u32 v8, v27;
	v30 =	vand.u32 $0xFFFFFF00, v13;
	v13 =	vor.u32 $0x2190, v34;
	[tilespmem:s3+$0x80] =	vst v16;
	v37 =	vld.idx.msk [tilespmem:v19+s13+$0x0], $0xffff  }
0x22f: {  	v36 =	vor.u32 $0x21A0, v34;
	[tilespmem:s5+$0x100] =	vst v21;
	v21 =	vadd.s32 v13, v0;
	v47 =	vld.idx.msk [tilespmem:v40+s13+$0x0], $0xffff  }
0x230: {  	v59 =	vor.u32 v6, v15;
	v15 =	vand.u32 $0xFFFFFF80, v21;
	v21 =	vadd.s32 v36, v5  }
0x231: {  	v49 =	vld.idx.msk [tilespmem:v17+s13+$0x0], $0xffff;
	[tilespmem:s11+$0x180] =	vst v11;
	v11 =	vand.u32 $0xFFFFFF80, v21  }
0x232: {  	v38 =	vor.u32 $0x21B0, v34;
	v32 =	vor.u32 v10, v32;
	v46 =	vor.u32 v8, v26;
	[tilespmem:$0x1FDC0] =	vst v11  }
0x233: {  	v54 =	vor.u32 $0x21D0, v34;
	v26 =	vadd.s32 v38, v1;
	v7 =	vadd.s32 v57, v3;
	v50 =	vld.idx.msk [tilespmem:v27+s13+$0x0], $0xffff;
	[tilespmem:s0+$0x80] =	vst v37  }
0x234: {  	v33 =	vor.u32 v8, v33;
	v56 =	vand.u32 $0xFFFFFF00, v7;
	v7 =	vadd.s32 v57, v0;
	[tilespmem:s3+$0x100] =	vst v47;
	v28 =	vld.idx.msk [tilespmem:v28+s13+$0x0], $0xffff  }
0x235: {  	v60 =	vor.u32 v6, v35;
	v35 =	vor.u32 $0x21F0, v34;
	v41 =	vor.u32 v12, v41;
	v2 =	vmovc v48;
	v48 =	vld.idx.msk [tilespmem:v59+s13+$0x0], $0xffff  }
0x236: {  	v43 =	vor.u32 v8, v43;
	v44 =	vor.u32 v14, v44;
	v29 =	vor.u32 v34, v29;
	[tilespmem:s5+$0x180] =	vst v49  }
0x237: {  	v22 =	vadd.s32 v13, v1;
	v30 =	vor.u32 v12, v30;
	v18 =	vadd.s32 v51, v3;
	v46 =	vld.idx.msk [tilespmem:v46+s13+$0x0], $0xffff  }
0x238: {  	v20 =	vadd.s32 v51, v0;
	v23 =	vand.u32 $0xFFFFFF80, v18;
	v47 =	vor.u32 v10, v31;
	[tilespmem:s11+$0x200] =	vst v50  }
0x239: {  	v18 =	vadd.s32 v13, v3;
	v17 =	vadd.s32 v36, v3;
	v40 =	vor.u32 $0x21C0, v34;
	v32 =	vld.idx.msk [tilespmem:v32+s13+$0x0], $0xffff;
	[tilespmem:s0+$0x100] =	vst v28  }
0x23a: {  	v7 =	vand.u32 $0xFFFFFF00, v7;
	v55 =	vadd.s32 v40, v3;
	v11 =	vmovc v54;
	v28 =	vor.u32 v12, v42;
	[tilespmem:s3+$0x180] =	vst v48  }
0x23b: {  	v16 =	vand.u32 $0xFFFFFF80, v18;
	v52 =	vand.u32 $0xFFFFFF80, v55;
	v55 =	vadd.s32 v40, v0;
	v37 =	vmovc v51;
	v51 =	vld.idx.msk [tilespmem:v60+s13+$0x0], $0xffff;
	[tilespmem:$0x1FE70] =	vst v11  }
0x23c: {  	v21 =	vadd.s32 v36, v0;
	v59 =	vor.u32 $0x21E0, v34;
	v42 =	vadd.s32 v11, v3;
	v33 =	vld.idx.msk [tilespmem:v33+s13+$0x0], $0xffff;
	[tilespmem:s5+$0x200] =	vst v46  }
0x23d: {  	v27 =	vadd.s32 v38, v3;
	v46 =	vand.u32 $0xFFFFFF80, v42;
	v42 =	vor.u32 v10, v56;
	v47 =	vld.idx.msk [tilespmem:v47+s13+$0x0], $0xffff;
	[tilespmem:$0x1FE90] =	vst v59  }
0x23e: {  	v58 =	vadd.s32 v11, v5;
	v50 =	vadd.s32 v38, v0;
	v48 =	vand.u32 $0xFFFFFF80, v55;
	[tilespmem:s11+$0x280] =	vst v32  }
0x23f: {  	v55 =	vand.u32 $0xFFFFFF80, v58;
	v60 =	vmovc v11;
	v11 =	vadd.s32 v59, v1;
	v56 =	vadd.s32 v59, v5;
	v58 =	vld.idx.msk [tilespmem:v28+s13+$0x0], $0xffff  }
0x240: {  	v32 =	vadd.s32 v59, v3;
	v3 =	vadd.s32 v35, v3;
	v28 =	vadd.s32 v59, v0;
	[tilespmem:s0+$0x180] =	vst v51  }
0x241: {  	v51 =	vadd.s32 v60, v0;
	v60 =	vor.u32 v10, v7;
	v3 =	vand.u32 $0xFFFFFF80, v3;
	[tilespmem:s3+$0x200] =	vst v33;
	v33 =	vld.idx.msk [tilespmem:v43+s13+$0x0], $0xffff  }
0x242: {  	v59 =	vld.idx.msk [tilespmem:v42+s13+$0x0], $0xffff;
	[tilespmem:s5+$0x280] =	vst v47;
	v42 =	vand.u32 $0xFFFFFF80, v28;
	v28 =	vadd.s32 v35, v0;
	v0 =	vor.u32 v14, v3  }
0x243: {  	v18 =	vadd.s32 v13, v5;
	v7 =	vand.u32 $0xFFFFFF80, v51;
	v47 =	vor.u32 v12, v24;
	v51 =	vld.idx.msk [tilespmem:v41+s13+$0x0], $0xffff;
	[tilespmem:$0x1FEA0] =	vst v0  }
0x244: {  	v19 =	vadd.s32 v36, v1;
	v53 =	vadd.s32 v40, v5;
	v0 =	vor.u32 v12, v42;
	[tilespmem:s11+$0x300] =	vst v58  }
0x245: {  	v31 =	vadd.s32 v38, v5;
	v49 =	vadd.s32 v40, v1;
	v54 =	vadd.s32 v54, v1;
	[tilespmem:$0x1FEC0] =	vst v0  }
0x246: {  	s8 =	sadd.s32 $0x0, s26;
	v1 =	vadd.s32 v35, v1;
	v5 =	vadd.s32 v35, v5;
	v0 =	vld.idx.msk [tilespmem:v44+s13+$0x0], $0xffff;
	[tilespmem:s0+$0x200] =	vst v33  }
0x247: {  	s21 =	sshll.u32 s8, $0x7;
	v1 =	vand.u32 $0xFFFFFF80, v1;
	v56 =	vand.u32 $0xFFFFFF80, v56;
	v5 =	vand.u32 $0xFFFFFF80, v5;
	[tilespmem:s3+$0x280] =	vst v59;
	v33 =	vld.idx.msk [tilespmem:v60+s13+$0x0], $0xffff  }
0x248: {  	s4 =	simm.s32 $0x40;
	v32 =	vand.u32 $0xFFFFFF80, v32;
	v42 =	vor.u32 v14, v5;
	v5 =	vmov s21;
	v60 =	vld.idx.msk [tilespmem:v47+s13+$0x0], $0xffff  }
0x249: {  	s22 =	sand.u32 $0x40, s4;
	v43 =	vor.u32 v10, v7;
	v3 =	vmov s8;
	v5 =	vshrl.u32 v5, $0x7  }
0x24a: {  	s28 =	sor.u32 $0x10, s22;
	s10 =	sor.u32 $0x30, s22;
	v7 =	vor.u32 v12, v56;
	v3 =	vadd.s32 s22, v3;
	v5 =	vshll.u32 v5, $0x7;
	[tilespmem:s5+$0x300] =	vst v51  }
0x24b: {  	s7 =	sadd.s32 s8, s28;
	s29 =	sadd.s32 s8, s10;
	v3 =	vbroadcast v3, $0x0;
	v58 =	vbroadcast v5, $0x0;
	v5 =	vor.u32 v14, v9;
	[tilespmem:s11+$0x380] =	vst v0  }
0x24c: {  	v56 =	vor.u32 v14, v25;
	v41 =	vadd.s32 s7, v34;
	v0 =	vadd.s32 s29, v34;
	[tilespmem:s0+$0x280] =	vst v33  }
0x24d: {  	v3 =	vadd.s32 v34, v3;
	v9 =	vand.u32 $0x7F, v41;
	v0 =	vand.u32 $0x7F, v0;
	[tilespmem:s3+$0x300] =	vst v60  }
0x24e: {  	v47 =	vor.u32 v58, v9;
	v9 =	vor.u32 v12, v32;
	v32 =	vor.u32 v58, v0;
	v0 =	vld [tilespmem:$0x1FDA0]  }
0x24f: {  	v41 =	vor.u32 v14, v1;
	v1 =	vand.u32 $0xFFFFFF80, v11;
	v3 =	vand.u32 $0x7F, v3  }
0x250: {  	v51 =	vor.u32 v3, v58;
	v3 =	vor.u32 v12, v1;
	v1 =	vor.u32 v10, v46;
	v46 =	vld.idx.msk [tilespmem:v5+s13+$0x0], $0xffff  }
0x251: {  	v30 =	vld.idx.msk [tilespmem:v30+s13+$0x0], $0xffff  }
0x252: {  	v33 =	vld.idx.msk [tilespmem:v56+s13+$0x0], $0xffff  }
0x253: {  	v44 =	vor.u32 v14, v0;
	v0 =	vld [tilespmem:$0x1FDB0]  }
0x254: {  	v29 =	vld.idx.msk [tilespmem:v29+s13+$0x0], $0xffff  }
0x255: {  	s30 =	sor.u32 $0x20, s22;
	v22 =	vand.u32 $0xFFFFFF80, v22;
	v60 =	vor.u32 v10, v55;
	v55 =	vor.u32 v34, v23;
	v47 =	vld.idx.msk [tilespmem:v47+s12+$0x0], $0xffff  }
0x256: {  	s8 =	sadd.s32 s8, s30;
	v59 =	vor.u32 v45, v22  }
0x257: {  	v24 =	vadd.s32 s8, v34;
	v51 =	vld.idx.msk [tilespmem:v51+s12+$0x0], $0xffff;
	[tilespmem:s0+$0x300] =	vst v30  }
0x258: {  	v24 =	vand.u32 $0x7F, v24;
	v5 =	vor.u32 v8, v48;
	v32 =	vld.idx.msk [tilespmem:v32+s12+$0x0], $0xffff;
	[tilespmem:s3+$0x380] =	vst v33;
	v48 =	vor.u32 v34, v0  }
0x259: {  	v20 =	vand.u32 $0xFFFFFF80, v20;
	v56 =	vor.u32 v58, v24;
	[tilespmem:s5+$0x380] =	vst v46;
	v33 =	vld.idx.msk [tilespmem:v44+s13+$0x0], $0xffff  }
0x25a: {  	v20 =	vor.u32 v34, v20;
	v19 =	vand.u32 $0xFFFFFF80, v19;
	[tilespmem:s11+$0x400] =	vst v29;
	v46 =	vld.idx.msk [tilespmem:v55+s13+$0x0], $0xffff;
	v44 =	vshll.u32 v47, $0x8  }
0x25b: {  	v30 =	vand.u32 $0xFFFFFF80, v49;
	v29 =	vor.u32 v45, v16;
	v49 =	vld.idx.msk [tilespmem:v59+s13+$0x0], $0xffff;
	v16 =	vadd.s32 v2, v44  }
0x25c: {  	v19 =	vor.u32 v4, v19;
	v58 =	vand.u32 $0xFFFFFF00, v16  }
0x25d: {  	v18 =	vand.u32 $0xFFFFFF80, v18;
	v55 =	vor.u32 v34, v58;
	v47 =	vld.idx.msk [tilespmem:v48+s13+$0x0], $0xffff  }
0x25e: {  	v15 =	vor.u32 v45, v15;
	v59 =	vld.idx.msk [tilespmem:v56+s12+$0x0], $0xffff;
	v48 =	vor.u32 v45, v18;
	v18 =	vshll.u32 v51, $0x8;
	[tilespmem:s0+$0x380] =	vst v33  }
0x25f: {  	v54 =	vand.u32 $0xFFFFFF80, v54;
	v25 =	vand.u32 $0xFFFFFF80, v50;
	[tilespmem:s3+$0x400] =	vst v46;
	v50 =	vadd.s32 v2, v18;
	v20 =	vld.idx.msk [tilespmem:v20+s13+$0x0], $0xffff  }
0x260: {  	v23 =	vor.u32 v10, v54;
	[tilespmem:s11+$0x480] =	vst v49;
	v16 =	vshll.u32 v32, $0x8;
	v29 =	vld.idx.msk [tilespmem:v29+s13+$0x0], $0xffff;
	v54 =	vand.u32 $0xFFFFFF00, v50  }
0x261: {  	v49 =	vld.idx.msk [tilespmem:v19+s13+$0x0], $0xffff;
	v56 =	vadd.s32 v2, v16;
	v32 =	vor.u32 v34, v54  }
0x262: {  	v26 =	vand.u32 $0xFFFFFF80, v26;
	v58 =	vand.u32 $0xFFFFFF00, v56;
	v33 =	vld.idx.msk [tilespmem:v55+s13+$0x0], $0xffff;
	[tilespmem:s5+$0x400] =	vst v47  }
0x263: {  	v26 =	vor.u32 v6, v26;
	v17 =	vand.u32 $0xFFFFFF80, v17;
	v46 =	vor.u32 v34, v58;
	v47 =	vld.idx.msk [tilespmem:v48+s13+$0x0], $0xffff  }
0x264: {  	s31 =	simm.s32 $0x400;
	v53 =	vand.u32 $0xFFFFFF80, v53;
	v17 =	vor.u32 v4, v17;
	v56 =	vadd.s32 v63, v44;
	v0 =	vld [tilespmem:$0x1FDC0];
	[tilespmem:s0+$0x400] =	vst v20  }
0x265: {  	s8 =	sand.u32 $0x3FFFF800, s31;
	v22 =	vor.u32 v8, v53;
	v24 =	vor.u32 v8, v52;
	v51 =	vand.u32 $0xFFFFFF00, v56;
	v15 =	vld.idx.msk [tilespmem:v15+s13+$0x0], $0xffff  }
0x266: {  	s18 =	sadd.s32 $0x15280, s8;
	v58 =	vadd.s32 v63, v18;
	v51 =	vor.u32 v45, v51;
	[tilespmem:s3+$0x480] =	vst v29;
	v32 =	vld.idx.msk [tilespmem:v32+s13+$0x0], $0xffff  }
0x267: {  	s6 =	sor.u32 s28, s18;
	v19 =	vshll.u32 v59, $0x8;
	v59 =	vadd.s32 v63, v16;
	v20 =	vand.u32 $0xFFFFFF00, v58;
	[tilespmem:s11+$0x500] =	vst v49  }
0x268: {  	v50 =	vand.u32 $0xFFFFFF00, v59;
	v59 =	vadd.s32 v2, v19;
	v46 =	vld.idx.msk [tilespmem:v46+s13+$0x0], $0xffff;
	v53 =	vor.u32 v45, v20;
	[tilespmem:s6+$0x0] =	vst v33  }
0x269: {  	v58 =	vadd.s32 v61, v18;
	v17 =	vld.idx.msk [tilespmem:v17+s13+$0x0], $0xffff;
	v11 =	vor.u32 v4, v0;
	[tilespmem:s5+$0x480] =	vst v47  }
0x26a: {  	s8 =	sor.u32 s22, s18;
	v52 =	vand.u32 $0xFFFFFF00, v59;
	v26 =	vld.idx.msk [tilespmem:v26+s13+$0x0], $0xffff;
	v47 =	vor.u32 v45, v50;
	v50 =	vand.u32 $0xFFFFFF00, v58;
	[tilespmem:s0+$0x480] =	vst v15  }
0x26b: {  	v20 =	vand.u32 $0xFFFFFF80, v28;
	v28 =	vor.u32 v34, v52;
	v49 =	vor.u32 v4, v50;
	v50 =	vld.idx.msk [tilespmem:v51+s13+$0x0], $0xffff;
	[tilespmem:s8+$0x0] =	vst v32  }
0x26c: {  	v21 =	vand.u32 $0xFFFFFF80, v21;
	s1 =	sor.u32 s10, s18;
	v0 =	vld [tilespmem:$0x1FDD0]  }
0x26d: {  	v21 =	vor.u32 v4, v21;
	v27 =	vand.u32 $0xFFFFFF80, v27;
	v51 =	vld.idx.msk [tilespmem:v53+s13+$0x0], $0xffff;
	[tilespmem:s1+$0x0] =	vst v46  }
0x26e: {  	v27 =	vor.u32 v6, v27;
	v11 =	vld.idx.msk [tilespmem:v11+s13+$0x0], $0xffff;
	[tilespmem:$0x1FDE0] =	vst v63  }
0x26f: {  	v31 =	vand.u32 $0xFFFFFF80, v31;
	v30 =	vor.u32 v8, v30;
	v56 =	vadd.s32 v61, v44;
	[tilespmem:s3+$0x500] =	vst v17  }
0x270: {  	v31 =	vor.u32 v6, v31;
	v59 =	vand.u32 $0xFFFFFF00, v56;
	v28 =	vld.idx.msk [tilespmem:v28+s13+$0x0], $0xffff;
	[tilespmem:$0x1FDF0] =	vst v61  }
0x271: {  	v32 =	vor.u32 v4, v59;
	[tilespmem:s11+$0x580] =	vst v26  }
0x272: {  	v58 =	vadd.s32 v63, v19;
	v21 =	vld.idx.msk [tilespmem:v21+s13+$0x0], $0xffff;
	[tilespmem:s6+$0x80] =	vst v50  }
0x273: {  	v25 =	vor.u32 v6, v25;
	v56 =	vadd.s32 v57, v18;
	v59 =	vand.u32 $0xFFFFFF00, v58;
	v58 =	vld.idx.msk [tilespmem:v27+s13+$0x0], $0xffff;
	[tilespmem:s8+$0x80] =	vst v51  }
0x274: {  	v48 =	vadd.s32 v62, v44;
	v30 =	vld.idx.msk [tilespmem:v30+s13+$0x0], $0xffff;
	[tilespmem:s5+$0x500] =	vst v11;
	v11 =	vor.u32 v45, v59  }
0x275: {  	s10 =	sor.u32 s30, s18;
	v29 =	vadd.s32 v62, v18;
	v48 =	vand.u32 $0xFFFFFF00, v48;
	v52 =	vadd.s32 v61, v16;
	v31 =	vld.idx.msk [tilespmem:v31+s13+$0x0], $0xffff;
	[tilespmem:$0x1FE00] =	vst v62  }
0x276: {  	v54 =	vand.u32 $0xFFFFFF00, v52;
	v48 =	vor.u32 v6, v48;
	v55 =	vadd.s32 v0, v18;
	v32 =	vld.idx.msk [tilespmem:v32+s13+$0x0], $0xffff;
	[tilespmem:s10+$0x0] =	vst v28  }
0x277: {  	v15 =	vand.u32 $0xFFFFFF00, v29;
	v29 =	vor.u32 v4, v54;
	v33 =	vand.u32 $0xFFFFFF00, v55;
	[tilespmem:$0x1FE10] =	vst v57;
	v55 =	vld [tilespmem:$0x1FE20]  }
0x278: {  	v15 =	vor.u32 v6, v15;
	v63 =	vadd.s32 v61, v19;
	v49 =	vld.idx.msk [tilespmem:v49+s13+$0x0], $0xffff;
	[tilespmem:s0+$0x500] =	vst v21  }
0x279: {  	v17 =	vand.u32 $0xFFFFFF00, v56;
	v46 =	vand.u32 $0xFFFFFF00, v63;
	v56 =	vadd.s32 v62, v19;
	[tilespmem:s3+$0x580] =	vst v58;
	v11 =	vld.idx.msk [tilespmem:v11+s13+$0x0], $0xffff  }
0x27a: {  	v46 =	vor.u32 v4, v46;
	v26 =	vadd.s32 v57, v44;
	[tilespmem:s11+$0x600] =	vst v30;
	v25 =	vld.idx.msk [tilespmem:v25+s13+$0x0], $0xffff  }
0x27b: {  	v27 =	vadd.s32 v0, v19;
	v54 =	vand.u32 $0xFFFFFF00, v26;
	v26 =	vadd.s32 v57, v19;
	[tilespmem:s5+$0x580] =	vst v31  }
0x27c: {  	v63 =	vand.u32 $0xFFFFFF00, v27;
	v59 =	vadd.s32 v0, v44;
	v27 =	vand.u32 $0xFFFFFF00, v26;
	v24 =	vld.idx.msk [tilespmem:v24+s13+$0x0], $0xffff;
	[tilespmem:s6+$0x100] =	vst v32  }
0x27d: {  	v26 =	vadd.s32 v57, v16;
	v50 =	vand.u32 $0xFFFFFF00, v59;
	v59 =	vadd.s32 v37, v44;
	v22 =	vld.idx.msk [tilespmem:v22+s13+$0x0], $0xffff;
	[tilespmem:s8+$0x100] =	vst v49  }
0x27e: {  	v58 =	vadd.s32 v39, v44;
	v23 =	vld.idx.msk [tilespmem:v23+s13+$0x0], $0xffff;
	v28 =	vadd.s32 v55, v18;
	[tilespmem:s10+$0x80] =	vst v11  }
0x27f: {  	v30 =	vadd.s32 v55, v19;
	v48 =	vld.idx.msk [tilespmem:v48+s13+$0x0], $0xffff;
	v61 =	vand.u32 $0xFFFFFF00, v28;
	v28 =	vadd.s32 v0, v16;
	[tilespmem:s0+$0x580] =	vst v25  }
0x280: {  	v0 =	vand.u32 $0xFFFFFF00, v28;
	v28 =	vand.u32 $0xFFFFFF00, v30;
	v30 =	vadd.s32 v39, v19;
	v15 =	vld.idx.msk [tilespmem:v15+s13+$0x0], $0xffff;
	[tilespmem:$0x1FE30] =	vst v39  }
0x281: {  	v32 =	vand.u32 $0xFFFFFF00, v58;
	v11 =	vadd.s32 v39, v18;
	v51 =	vand.u32 $0xFFFFFF00, v30;
	v30 =	vld.idx.msk [tilespmem:v47+s13+$0x0], $0xffff;
	[tilespmem:s3+$0x600] =	vst v24  }
0x282: {  	v58 =	vand.u32 $0xFFFFFF80, v59;
	v59 =	vand.u32 $0xFFFFFF00, v11;
	v11 =	vor.u32 v8, v50;
	[tilespmem:s5+$0x600] =	vst v22  }
0x283: {  	v57 =	vadd.s32 v55, v44;
	v25 =	vadd.s32 v39, v16;
	v39 =	vld.idx.msk [tilespmem:v46+s13+$0x0], $0xffff;
	[tilespmem:s11+$0x680] =	vst v23  }
0x284: {  	v47 =	vand.u32 $0xFFFFFF00, v25;
	v25 =	vor.u32 v8, v33;
	v22 =	vadd.s32 v37, v19;
	v5 =	vld.idx.msk [tilespmem:v5+s13+$0x0], $0xffff;
	[tilespmem:s6+$0x180] =	vst v48  }
0x285: {  	v31 =	vand.u32 $0xFFFFFF00, v57;
	v50 =	vand.u32 $0xFFFFFF80, v22;
	v22 =	vadd.s32 v13, v19;
	v57 =	vld.idx.msk [tilespmem:v60+s13+$0x0], $0xffff;
	[tilespmem:s8+$0x180] =	vst v15  }
0x286: {  	v52 =	vand.u32 $0xFFFFFF00, v56;
	v48 =	vand.u32 $0xFFFFFF80, v22;
	v22 =	vld.idx.msk [tilespmem:v1+s13+$0x0], $0xffff;
	[tilespmem:s1+$0x80] =	vst v30  }
0x287: {  	v23 =	vor.u32 v6, v52;
	v11 =	vld.idx.msk [tilespmem:v11+s13+$0x0], $0xffff;
	[tilespmem:$0x1FE40] =	vst v13  }
0x288: {  	v15 =	vadd.s32 v36, v44;
	[tilespmem:s10+$0x100] =	vst v39  }
0x289: {  	v53 =	vand.u32 $0xFFFFFF80, v15;
	v15 =	vld.idx.msk [tilespmem:v25+s13+$0x0], $0xffff;
	[tilespmem:s0+$0x600] =	vst v5  }
0x28a: {  	v30 =	vld.idx.msk [tilespmem:v3+s13+$0x0], $0xffff;
	[tilespmem:s5+$0x680] =	vst v57  }
0x28b: {  	v25 =	vor.u32 v10, v54;
	v29 =	vld.idx.msk [tilespmem:v29+s13+$0x0], $0xffff;
	[tilespmem:s3+$0x680] =	vst v22  }
0x28c: {  	v62 =	vadd.s32 v62, v16;
	v5 =	vor.u32 v10, v17;
	v17 =	vld.idx.msk [tilespmem:v23+s13+$0x0], $0xffff;
	[tilespmem:$0x1FE50] =	vst v36  }
0x28d: {  	v21 =	vand.u32 $0xFFFFFF00, v62;
	v62 =	vadd.s32 v55, v16;
	v24 =	vadd.s32 v37, v18;
	[tilespmem:s6+$0x200] =	vst v11  }
0x28e: {  	v56 =	vand.u32 $0xFFFFFF00, v62;
	v3 =	vadd.s32 v36, v19;
	v23 =	vadd.s32 v38, v44;
	v39 =	vld.idx.msk [tilespmem:v7+s13+$0x0], $0xffff;
	[tilespmem:s8+$0x200] =	vst v15  }
0x28f: {  	v62 =	vand.u32 $0xFFFFFF80, v3;
	v3 =	vand.u32 $0xFFFFFF80, v23;
	v23 =	vor.u32 v8, v63;
	v45 =	vld.idx.msk [tilespmem:v9+s13+$0x0], $0xffff;
	[tilespmem:s11+$0x700] =	vst v30  }
0x290: {  	v21 =	vor.u32 v6, v21;
	v46 =	vand.u32 $0xFFFFFF80, v24;
	v24 =	vadd.s32 v13, v44;
	v25 =	vld.idx.msk [tilespmem:v25+s13+$0x0], $0xffff;
	[tilespmem:$0x1FE60] =	vst v38  }
0x291: {  	v49 =	vand.u32 $0xFFFFFF80, v24;
	v24 =	vadd.s32 v37, v16;
	v30 =	vld.idx.msk [tilespmem:v5+s13+$0x0], $0xffff;
	[tilespmem:s10+$0x180] =	vst v17  }
0x292: {  	v1 =	vadd.s32 v13, v18;
	v52 =	vand.u32 $0xFFFFFF80, v24;
	v24 =	vadd.s32 v13, v16;
	v13 =	vld.idx.msk [tilespmem:v41+s13+$0x0], $0xffff;
	[tilespmem:s1+$0x100] =	vst v29  }
0x293: {  	v4 =	vld [tilespmem:$0x1FE70];
	[tilespmem:s5+$0x700] =	vst v39  }
0x294: {  	v57 =	vld.idx.msk [tilespmem:v23+s13+$0x0], $0xffff;
	[tilespmem:$0x1FE80] =	vst v40  }
0x295: {  	v33 =	vld.idx.msk [tilespmem:v21+s13+$0x0], $0xffff;
	[tilespmem:s3+$0x700] =	vst v45  }
0x296: {  	[tilespmem:s6+$0x280] =	vst v25;
	v43 =	vld.idx.msk [tilespmem:v43+s13+$0x0], $0xffff  }
0x297: {  	v55 =	vand.u32 $0xFFFFFF80, v24;
	v24 =	vadd.s32 v36, v18;
	[tilespmem:s8+$0x280] =	vst v30;
	v30 =	vld.idx.msk [tilespmem:v42+s13+$0x0], $0xffff  }
0x298: {  	v60 =	vand.u32 $0xFFFFFF80, v24;
	v24 =	vadd.s32 v38, v19;
	v29 =	vor.u32 v12, v61;
	v61 =	vld [tilespmem:$0x1FE90];
	[tilespmem:s11+$0x780] =	vst v13  }
0x299: {  	v31 =	vor.u32 v12, v31;
	v22 =	vadd.s32 v36, v16;
	v63 =	vand.u32 $0xFFFFFF80, v24;
	[tilespmem:s10+$0x200] =	vst v57  }
0x29a: {  	v11 =	vadd.s32 v38, v18;
	v7 =	vand.u32 $0xFFFFFF80, v22;
	v5 =	vadd.s32 v40, v18;
	[tilespmem:s1+$0x180] =	vst v33  }
0x29b: {  	v22 =	vadd.s32 v38, v16;
	v24 =	vand.u32 $0xFFFFFF80, v5;
	v5 =	vadd.s32 v40, v16;
	[tilespmem:s0+$0x680] =	vst v43  }
0x29c: {  	v21 =	vand.u32 $0xFFFFFF80, v5;
	v17 =	vadd.s32 v4, v44;
	v5 =	vadd.s32 v4, v18;
	[tilespmem:s5+$0x780] =	vst v30  }
0x29d: {  	v38 =	vadd.s32 v4, v16;
	v23 =	vand.u32 $0xFFFFFF80, v17;
	v17 =	vadd.s32 v4, v19;
	v4 =	vld [tilespmem:$0x1FEA0];
	_ =	sdelay $0x1  }
0x29e: {  	v39 =	vor.u32 v10, v27;
	v31 =	vld.idx.msk [tilespmem:v31+s13+$0x0], $0xffff;
	_ =	sdelay $0x1  }
0x29f: {  	v0 =	vor.u32 v8, v0;
	v57 =	vld.idx.msk [tilespmem:v29+s13+$0x0], $0xffff;
	_ =	sdelay $0x2  }
0x2a0: {  	v29 =	vadd.s32 v35, v44;
	v30 =	vld.idx.msk [tilespmem:v39+s13+$0x0], $0xffff;
	[tilespmem:s6+$0x300] =	vst v31  }
0x2a1: {  	v36 =	vadd.s32 v35, v18;
	v25 =	vadd.s32 v61, v18;
	v18 =	vand.u32 $0xFFFFFF80, v29;
	v29 =	vld.idx.msk [tilespmem:v4+s13+$0x0], $0xffff;
	[tilespmem:$0x1FEB0] =	vst v35  }
0x2a2: {  	v26 =	vand.u32 $0xFFFFFF00, v26;
	[tilespmem:s8+$0x300] =	vst v57;
	v31 =	vld.idx.msk [tilespmem:v0+s13+$0x0], $0xffff  }
0x2a3: {  	v26 =	vor.u32 v10, v26;
	v32 =	vor.u32 v14, v32;
	v1 =	vand.u32 $0xFFFFFF80, v1;
	v0 =	vld [tilespmem:$0x1FEC0]  }
0x2a4: {  	v9 =	vand.u32 $0xFFFFFF80, v11;
	v11 =	vadd.s32 v40, v44;
	v15 =	vadd.s32 v40, v19  }
0x2a5: {  	v22 =	vand.u32 $0xFFFFFF80, v22;
	v11 =	vand.u32 $0xFFFFFF80, v11;
	v15 =	vand.u32 $0xFFFFFF80, v15  }
0x2a6: {  	v5 =	vand.u32 $0xFFFFFF80, v5;
	v17 =	vand.u32 $0xFFFFFF80, v17;
	v33 =	vand.u32 $0xFFFFFF80, v36  }
0x2a7: {  	v13 =	vadd.s32 v61, v44;
	v44 =	vor.u32 v14, v33;
	v54 =	vand.u32 $0xFFFFFF80, v25  }
0x2a8: {  	v25 =	vand.u32 $0xFFFFFF80, v13;
	v13 =	vadd.s32 v61, v19;
	v19 =	vadd.s32 v35, v19  }
0x2a9: {  	v27 =	vand.u32 $0xFFFFFF80, v13;
	v13 =	vadd.s32 v61, v16;
	v61 =	vand.u32 $0xFFFFFF80, v38  }
0x2aa: {  	v39 =	vand.u32 $0xFFFFFF80, v13;
	v13 =	vadd.s32 v35, v16;
	v16 =	vand.u32 $0xFFFFFF80, v19  }
0x2ab: {  	v35 =	vand.u32 $0xFFFFFF80, v13;
	v13 =	vor.u32 v14, v20;
	v20 =	vor.u32 v12, v28;
	v19 =	vld.idx.msk [tilespmem:v0+s13+$0x0], $0xffff  }
0x2ac: {  	s5 =	simm.s32 $0x4;
	v45 =	vor.u32 v10, v61;
	v43 =	vor.u32 v14, v16;
	v38 =	vor.u32 v12, v39;
	v0 =	vld.idx.msk [tilespmem:v32+s13+$0x0], $0xffff  }
.LBB2_13:
0x2ad: {  	s5 =	sadd.s32 $0x4, s5  }
0x2ae: {  	s11 =	sshrl.u32 s5, $0x3  }
0x2af: {  	v61 =	vor.u32 v12, v54;
	v54 =	vor.u32 v14, v18;
	s4 =	sadd.s32 $0x40, s4;
	v16 =	vor.u32 v10, v5;
	s20 =	sadd.s32 s26, s11;
	[tilespmem:s10+$0x280] =	vst v30  }
0x2b0: {  	v18 =	vor.u32 v34, v58;
	v5 =	vor.u32 v12, v25;
	s7 =	sand.u32 $0x40, s4;
	[tilespmem:s1+$0x200] =	vst v31;
	s21 =	sshll.u32 s20, $0x7;
	v25 =	vmov s20;
	v20 =	vld.idx.msk [tilespmem:v20+s13+$0x0], $0xffff  }
0x2b1: {  	v26 =	vld.idx.msk [tilespmem:v26+s13+$0x0], $0xffff;
	[tilespmem:s0+$0x700] =	vst v19;
	v19 =	vadd.s32 s7, v25;
	v25 =	vmov s21  }
0x2b2: {  	v57 =	vor.u32 v12, v27;
	s31 =	sor.u32 $0x10, s7;
	v25 =	vshrl.u32 v25, $0x7  }
0x2b3: {  	v28 =	vor.u32 v12, v56;
	v32 =	vor.u32 v14, v51;
	v39 =	vld [tilespmem:$0x1FEE0];
	s30 =	sor.u32 $0x30, s7;
	s28 =	sor.u32 $0x20, s7;
	s29 =	sadd.s32 s20, s31;
	[tilespmem:s6+$0x380] =	vst v0;
	v0 =	vshll.u32 v25, $0x7  }
0x2b4: {  	s9 =	sadd.s32 s20, s28;
	s20 =	sadd.s32 s20, s30;
	v30 =	vadd.s32 s29, v34;
	v13 =	vld.idx.msk [tilespmem:v13+s13+$0x0], $0xffff;
	v19 =	vbroadcast v19, $0x0;
	v0 =	vbroadcast v0, $0x0  }
0x2b5: {  	v27 =	vor.u32 v14, v59;
	[tilespmem:s3+$0x780] =	vst v29;
	s3 =	smov.u32 s10;
	v18 =	vld.idx.msk [tilespmem:v18+s13+$0x0], $0xffff;
	v29 =	vand.u32 $0x7F, v30;
	v25 =	vadd.s32 s20, v34  }
0x2b6: {  	v4 =	vmovc v38;
	v38 =	vld [tilespmem:$0x1FED0];
	v19 =	vadd.s32 v34, v19;
	v25 =	vand.u32 $0x7F, v25;
	[tilespmem:s3+$0x300] =	vst v20;
	v20 =	vor.u32 v0, v29  }
0x2b7: {  	v41 =	vld [tilespmem:$0x1FDE0];
	v19 =	vand.u32 $0x7F, v19;
	[tilespmem:s1+$0x280] =	vst v26;
	v26 =	vor.u32 v0, v25  }
0x2b8: {  	v31 =	vadd.s32 s9, v34;
	v19 =	vor.u32 v19, v0;
	v25 =	vor.u32 v6, v9;
	v28 =	vld.idx.msk [tilespmem:v28+s13+$0x0], $0xffff  }
0x2b9: {  	v30 =	vand.u32 $0x7F, v31;
	v9 =	vor.u32 v8, v11;
	v11 =	vor.u32 v14, v47;
	[tilespmem:s0+$0x780] =	vst v13;
	v13 =	vld.idx.msk [tilespmem:v32+s13+$0x0], $0xffff  }
0x2ba: {  	v29 =	vor.u32 v0, v30;
	[tilespmem:s6+$0x400] =	vst v18;
	v18 =	vld.idx.msk [tilespmem:v27+s13+$0x0], $0xffff  }
0x2bb: {  	v59 =	vor.u32 v34, v46;
	v27 =	vor.u32 v6, v3;
	v3 =	vor.u32 v39, v7;
	v7 =	vld.idx.msk [tilespmem:v20+s12+$0x0], $0xffff  }
0x2bc: {  	s0 =	smov.u32 s1;
	v26 =	vld.idx.msk [tilespmem:v26+s12+$0x0], $0xffff  }
0x2bd: {  	v30 =	vor.u32 v39, v60;
	v20 =	vor.u32 v34, v50;
	v19 =	vld.idx.msk [tilespmem:v19+s12+$0x0], $0xffff;
	[tilespmem:s0+$0x300] =	vst v28  }
0x2be: {  	v60 =	vor.u32 v38, v1;
	v1 =	vor.u32 v38, v49;
	[tilespmem:s3+$0x380] =	vst v13;
	v11 =	vld.idx.msk [tilespmem:v11+s13+$0x0], $0xffff  }
0x2bf: {  	[tilespmem:s8+$0x380] =	vst v18;
	v29 =	vld.idx.msk [tilespmem:v29+s12+$0x0], $0xffff  }
0x2c0: {  	v31 =	vor.u32 v39, v62;
	v62 =	vor.u32 v34, v52;
	v32 =	vld.idx.msk [tilespmem:v59+s13+$0x0], $0xffff  }
0x2c1: {  	v56 =	vld [tilespmem:$0x1FE00];
	v33 =	vor.u32 v39, v53;
	v0 =	vor.u32 v6, v63;
	v28 =	vor.u32 v38, v48  }
0x2c2: {  	v63 =	vld.idx.msk [tilespmem:v20+s13+$0x0], $0xffff;
	v18 =	vshll.u32 v7, $0x8;
	v13 =	vshll.u32 v26, $0x8;
	v20 =	vshll.u32 v19, $0x8  }
0x2c3: {  	v26 =	vld.idx.msk [tilespmem:v1+s13+$0x0], $0xffff;
	v36 =	vadd.s32 v2, v18;
	v19 =	vadd.s32 v2, v20;
	v42 =	vadd.s32 v41, v18  }
0x2c4: {  	v40 =	vadd.s32 v41, v20;
	v50 =	vand.u32 $0xFFFFFF00, v36;
	[tilespmem:s0+$0x380] =	vst v11;
	v59 =	vand.u32 $0xFFFFFF00, v42;
	v42 =	vld [tilespmem:$0x1FE10]  }
0x2c5: {  	v11 =	vand.u32 $0xFFFFFF00, v19;
	v19 =	vshll.u32 v29, $0x8;
	[tilespmem:s8+$0x400] =	vst v32;
	v50 =	vor.u32 v34, v50;
	v29 =	vld.idx.msk [tilespmem:v62+s13+$0x0], $0xffff  }
0x2c6: {  	v1 =	vadd.s32 v2, v13;
	v11 =	vor.u32 v34, v11;
	v47 =	vld.idx.msk [tilespmem:v60+s13+$0x0], $0xffff  }
0x2c7: {  	v46 =	vor.u32 v38, v55;
	v1 =	vand.u32 $0xFFFFFF00, v1;
	v55 =	vand.u32 $0xFFFFFF00, v40;
	v40 =	vmovc v35;
	v35 =	vld [tilespmem:$0x1FDF0];
	[tilespmem:s3+$0x400] =	vst v63  }
0x2c8: {  	v48 =	vor.u32 v34, v1;
	[tilespmem:s6+$0x480] =	vst v26;
	v28 =	vld.idx.msk [tilespmem:v28+s13+$0x0], $0xffff  }
0x2c9: {  	v33 =	vld.idx.msk [tilespmem:v33+s13+$0x0], $0xffff  }
0x2ca: {  	v50 =	vld.idx.msk [tilespmem:v50+s13+$0x0], $0xffff  }
0x2cb: {  	v53 =	vld.idx.msk [tilespmem:v11+s13+$0x0], $0xffff;
	[tilespmem:s0+$0x400] =	vst v29  }
0x2cc: {  	v17 =	vor.u32 v10, v17;
	s18 =	sshll.u32 s5, $0x8;
	v32 =	vor.u32 v38, v59;
	v62 =	vadd.s32 v2, v19;
	v46 =	vld.idx.msk [tilespmem:v46+s13+$0x0], $0xffff  }
0x2cd: {  	s18 =	sand.u32 $0x3FFFF800, s18;
	[tilespmem:s8+$0x480] =	vst v47;
	v11 =	vadd.s32 v35, v20;
	v63 =	vadd.s32 v35, v13;
	v48 =	vld.idx.msk [tilespmem:v48+s13+$0x0], $0xffff  }
0x2ce: {  	s19 =	sadd.s32 $0x15280, s18;
	v26 =	vor.u32 v38, v55;
	v59 =	vld.idx.msk [tilespmem:v30+s13+$0x0], $0xffff;
	v11 =	vand.u32 $0xFFFFFF00, v11;
	v36 =	vand.u32 $0xFFFFFF00, v63;
	[tilespmem:s3+$0x480] =	vst v28  }
0x2cf: {  	s22 =	sor.u32 s31, s19;
	v60 =	vadd.s32 v35, v18;
	v55 =	vor.u32 v39, v11;
	v11 =	vor.u32 v39, v36;
	v36 =	vld [tilespmem:$0x1FDD0];
	[tilespmem:s6+$0x500] =	vst v33  }
0x2d0: {  	v23 =	vor.u32 v10, v23;
	s31 =	sor.u32 s7, s19;
	v52 =	vand.u32 $0xFFFFFF00, v62;
	v51 =	vand.u32 $0xFFFFFF00, v60;
	v47 =	vld.idx.msk [tilespmem:v31+s13+$0x0], $0xffff;
	[tilespmem:s22+$0x0] =	vst v50  }
0x2d1: {  	v29 =	vor.u32 v39, v51;
	v51 =	vor.u32 v34, v52;
	[tilespmem:s31+$0x0] =	vst v53;
	v50 =	vld.idx.msk [tilespmem:v27+s13+$0x0], $0xffff  }
0x2d2: {  	v24 =	vor.u32 v8, v24;
	v15 =	vor.u32 v8, v15;
	s1 =	sor.u32 s30, s19;
	v32 =	vld.idx.msk [tilespmem:v32+s13+$0x0], $0xffff;
	[tilespmem:s0+$0x480] =	vst v46  }
0x2d3: {  	v7 =	vadd.s32 v56, v18;
	v1 =	vadd.s32 v41, v13;
	v26 =	vld.idx.msk [tilespmem:v26+s13+$0x0], $0xffff;
	[tilespmem:s1+$0x0] =	vst v48  }
0x2d4: {  	v22 =	vor.u32 v6, v22;
	v7 =	vand.u32 $0xFFFFFF00, v7;
	v1 =	vand.u32 $0xFFFFFF00, v1;
	[tilespmem:s8+$0x500] =	vst v59;
	v3 =	vld.idx.msk [tilespmem:v3+s13+$0x0], $0xffff  }
0x2d5: {  	v58 =	vadd.s32 v56, v20;
	v7 =	vor.u32 v6, v7;
	v1 =	vor.u32 v38, v1;
	v59 =	vld.idx.msk [tilespmem:v25+s13+$0x0], $0xffff  }
0x2d6: {  	v31 =	vadd.s32 v41, v19;
	v28 =	vadd.s32 v36, v20;
	v46 =	vld.idx.msk [tilespmem:v51+s13+$0x0], $0xffff;
	[tilespmem:s3+$0x500] =	vst v47  }
0x2d7: {  	v27 =	vadd.s32 v56, v19;
	v60 =	vand.u32 $0xFFFFFF00, v28;
	v28 =	vadd.s32 v42, v20;
	v47 =	vld.idx.msk [tilespmem:v0+s13+$0x0], $0xffff;
	[tilespmem:s6+$0x580] =	vst v50  }
0x2d8: {  	v30 =	vand.u32 $0xFFFFFF00, v28;
	v28 =	vand.u32 $0xFFFFFF00, v31;
	v31 =	vadd.s32 v35, v19;
	v35 =	vld [tilespmem:$0x1FE20];
	[tilespmem:s22+$0x80] =	vst v32  }
0x2d9: {  	v63 =	vand.u32 $0xFFFFFF00, v27;
	v27 =	vadd.s32 v36, v19;
	v53 =	vor.u32 v38, v28;
	v9 =	vld.idx.msk [tilespmem:v9+s13+$0x0], $0xffff  }
0x2da: {  	v49 =	vand.u32 $0xFFFFFF00, v58;
	v41 =	vadd.s32 v36, v18;
	v28 =	vadd.s32 v42, v18;
	[tilespmem:s31+$0x80] =	vst v26;
	v50 =	vld.idx.msk [tilespmem:v29+s13+$0x0], $0xffff  }
0x2db: {  	v62 =	vand.u32 $0xFFFFFF00, v31;
	v34 =	vand.u32 $0xFFFFFF00, v28;
	v28 =	vadd.s32 v56, v13;
	v52 =	vld.idx.msk [tilespmem:v55+s13+$0x0], $0xffff;
	[tilespmem:s0+$0x500] =	vst v3  }
0x2dc: {  	s10 =	sor.u32 s28, s19;
	v31 =	vand.u32 $0xFFFFFF00, v27;
	[tilespmem:s8+$0x580] =	vst v59;
	v33 =	vand.u32 $0xFFFFFF00, v28;
	v28 =	vadd.s32 v42, v13;
	v22 =	vld.idx.msk [tilespmem:v22+s13+$0x0], $0xffff  }
0x2dd: {  	v27 =	vadd.s32 v42, v19;
	[tilespmem:s10+$0x0] =	vst v46;
	v0 =	vand.u32 $0xFFFFFF00, v28;
	v28 =	vadd.s32 v36, v13;
	v36 =	vld [tilespmem:$0x1FE30]  }
0x2de: {  	v48 =	vand.u32 $0xFFFFFF00, v41;
	v3 =	vor.u32 v6, v49;
	v42 =	vadd.s32 v35, v20;
	v53 =	vld.idx.msk [tilespmem:v53+s13+$0x0], $0xffff;
	[tilespmem:s3+$0x580] =	vst v47  }
0x2df: {  	v24 =	vld.idx.msk [tilespmem:v24+s13+$0x0], $0xffff;
	v38 =	vadd.s32 v35, v18;
	v25 =	vand.u32 $0xFFFFFF00, v42;
	v42 =	vadd.s32 v37, v18;
	[tilespmem:s6+$0x600] =	vst v9  }
0x2e0: {  	v41 =	vadd.s32 v35, v19;
	v58 =	vand.u32 $0xFFFFFF80, v42;
	v15 =	vld.idx.msk [tilespmem:v15+s13+$0x0], $0xffff;
	v42 =	vor.u32 v39, v62;
	[tilespmem:s22+$0x100] =	vst v50  }
0x2e1: {  	v29 =	vand.u32 $0xFFFFFF00, v28;
	v35 =	vadd.s32 v35, v13;
	v32 =	vand.u32 $0xFFFFFF00, v38;
	[tilespmem:s31+$0x100] =	vst v52;
	v23 =	vld.idx.msk [tilespmem:v23+s13+$0x0], $0xffff  }
0x2e2: {  	v7 =	vld.idx.msk [tilespmem:v7+s13+$0x0], $0xffff;
	v26 =	vadd.s32 v36, v18;
	v56 =	vadd.s32 v36, v19;
	v38 =	vadd.s32 v36, v20  }
0x2e3: {  	v3 =	vld.idx.msk [tilespmem:v3+s13+$0x0], $0xffff;
	v28 =	vand.u32 $0xFFFFFF00, v26;
	v26 =	vand.u32 $0xFFFFFF00, v41;
	v51 =	vand.u32 $0xFFFFFF00, v56  }
0x2e4: {  	v56 =	vand.u32 $0xFFFFFF00, v35;
	v41 =	vadd.s32 v36, v13;
	v35 =	vadd.s32 v37, v19;
	v36 =	vld [tilespmem:$0x1FE40];
	[tilespmem:s10+$0x80] =	vst v53  }
0x2e5: {  	v50 =	vand.u32 $0xFFFFFF80, v35;
	v35 =	vld.idx.msk [tilespmem:v42+s13+$0x0], $0xffff  }
0x2e6: {  	v21 =	vor.u32 v8, v21;
	[tilespmem:s8+$0x600] =	vst v24;
	v42 =	vld [tilespmem:$0x1FE50]  }
0x2e7: {  	v9 =	vadd.s32 v37, v20;
	v39 =	vadd.s32 v37, v13;
	v16 =	vld.idx.msk [tilespmem:v16+s13+$0x0], $0xffff;
	[tilespmem:s3+$0x600] =	vst v15  }
0x2e8: {  	v46 =	vand.u32 $0xFFFFFF80, v9;
	v52 =	vand.u32 $0xFFFFFF80, v39;
	v59 =	vand.u32 $0xFFFFFF00, v38;
	v38 =	vmovc v37;
	v37 =	vld [tilespmem:$0x1FE70];
	[tilespmem:s6+$0x680] =	vst v23  }
0x2e9: {  	v47 =	vand.u32 $0xFFFFFF00, v41;
	v41 =	vor.u32 v8, v48;
	[tilespmem:s22+$0x180] =	vst v7;
	v17 =	vld.idx.msk [tilespmem:v17+s13+$0x0], $0xffff;
	v9 =	vadd.s32 v36, v18  }
0x2ea: {  	v5 =	vld.idx.msk [tilespmem:v5+s13+$0x0], $0xffff;
	v39 =	vadd.s32 v36, v13;
	v49 =	vand.u32 $0xFFFFFF80, v9;
	v9 =	vadd.s32 v36, v19  }
0x2eb: {  	v48 =	vand.u32 $0xFFFFFF80, v9;
	v9 =	vld.idx.msk [tilespmem:v1+s13+$0x0], $0xffff;
	[tilespmem:s0+$0x580] =	vst v22;
	v22 =	vor.u32 v8, v60;
	v15 =	vadd.s32 v42, v18  }
0x2ec: {  	v55 =	vand.u32 $0xFFFFFF80, v39;
	v39 =	vld [tilespmem:$0x1FE60];
	v53 =	vand.u32 $0xFFFFFF80, v15;
	v15 =	vor.u32 v6, v63  }
0x2ed: {  	v23 =	vadd.s32 v42, v20;
	v21 =	vld.idx.msk [tilespmem:v21+s13+$0x0], $0xffff  }
0x2ee: {  	[tilespmem:s31+$0x180] =	vst v3;
	v60 =	vand.u32 $0xFFFFFF80, v23;
	v23 =	vld.idx.msk [tilespmem:v41+s13+$0x0], $0xffff  }
0x2ef: {  	[tilespmem:s10+$0x100] =	vst v35;
	v41 =	vld [tilespmem:$0x1FE80]  }
0x2f0: {  	v30 =	vor.u32 v10, v30;
	v24 =	vor.u32 v10, v34;
	v22 =	vld.idx.msk [tilespmem:v22+s13+$0x0], $0xffff;
	[tilespmem:s1+$0x80] =	vst v9  }
0x2f1: {  	v33 =	vor.u32 v6, v33;
	v32 =	vor.u32 v12, v32;
	[tilespmem:s8+$0x680] =	vst v16;
	v34 =	vld.idx.msk [tilespmem:v15+s13+$0x0], $0xffff  }
0x2f2: {  	v28 =	vor.u32 v14, v28;
	v16 =	vor.u32 v8, v31;
	[tilespmem:s0+$0x600] =	vst v21;
	v31 =	vld.idx.msk [tilespmem:v61+s13+$0x0], $0xffff  }
0x2f3: {  	v7 =	vadd.s32 v42, v19;
	v9 =	vadd.s32 v42, v13;
	[tilespmem:s3+$0x680] =	vst v17;
	v42 =	vld.idx.msk [tilespmem:v11+s13+$0x0], $0xffff  }
0x2f4: {  	v15 =	vadd.s32 v41, v18;
	v21 =	vadd.s32 v41, v19;
	[tilespmem:s22+$0x200] =	vst v23;
	v57 =	vld.idx.msk [tilespmem:v57+s13+$0x0], $0xffff  }
0x2f5: {  	v17 =	vadd.s32 v39, v13;
	v11 =	vand.u32 $0xFFFFFF80, v15;
	v15 =	vand.u32 $0xFFFFFF80, v21;
	v61 =	vld.idx.msk [tilespmem:v24+s13+$0x0], $0xffff  }
0x2f6: {  	v21 =	vadd.s32 v41, v20;
	[tilespmem:s31+$0x200] =	vst v22;
	v22 =	vand.u32 $0xFFFFFF80, v17;
	v17 =	vadd.s32 v41, v13;
	v41 =	vld [tilespmem:$0x1FEB0]  }
0x2f7: {  	v27 =	vand.u32 $0xFFFFFF00, v27;
	v1 =	vadd.s32 v36, v20;
	v36 =	vor.u32 v12, v25;
	[tilespmem:s6+$0x700] =	vst v5;
	v30 =	vld.idx.msk [tilespmem:v30+s13+$0x0], $0xffff  }
0x2f8: {  	v25 =	vadd.s32 v37, v20;
	v62 =	vand.u32 $0xFFFFFF80, v7;
	v7 =	vadd.s32 v39, v19;
	[tilespmem:s10+$0x180] =	vst v34;
	v34 =	vld.idx.msk [tilespmem:v54+s13+$0x0], $0xffff  }
0x2f9: {  	v1 =	vand.u32 $0xFFFFFF80, v1;
	v3 =	vadd.s32 v39, v18;
	v63 =	vand.u32 $0xFFFFFF80, v7;
	[tilespmem:s1+$0x100] =	vst v42;
	v42 =	vld [tilespmem:$0x1FE90]  }
0x2fa: {  	v7 =	vand.u32 $0xFFFFFF80, v9;
	v9 =	vadd.s32 v39, v20;
	v23 =	vadd.s32 v37, v18;
	[tilespmem:s8+$0x700] =	vst v31;
	v16 =	vld.idx.msk [tilespmem:v16+s13+$0x0], $0xffff  }
0x2fb: {  	v3 =	vand.u32 $0xFFFFFF80, v3;
	v9 =	vand.u32 $0xFFFFFF80, v9;
	v23 =	vand.u32 $0xFFFFFF80, v23;
	v44 =	vld.idx.msk [tilespmem:v44+s13+$0x0], $0xffff  }
0x2fc: {  	v5 =	vadd.s32 v37, v19;
	v24 =	vand.u32 $0xFFFFFF80, v21;
	v21 =	vand.u32 $0xFFFFFF80, v17;
	[tilespmem:s3+$0x700] =	vst v57;
	v33 =	vld.idx.msk [tilespmem:v33+s13+$0x0], $0xffff  }
0x2fd: {  	v17 =	vand.u32 $0xFFFFFF80, v5;
	v31 =	vor.u32 v10, v27;
	[tilespmem:s22+$0x280] =	vst v61;
	v35 =	vld.idx.msk [tilespmem:v45+s13+$0x0], $0xffff;
	v45 =	vor.u32 v8, v29  }
0x2fe: {  	v5 =	vand.u32 $0xFFFFFF80, v25;
	v32 =	vld.idx.msk [tilespmem:v32+s13+$0x0], $0xffff;
	v29 =	vadd.s32 v37, v13;
	[tilespmem:s31+$0x280] =	vst v30;
	v25 =	vadd.s32 v42, v20  }
0x2ff: {  	[tilespmem:s6+$0x780] =	vst v34;
	v39 =	vadd.s32 v42, v18;
	v27 =	vadd.s32 v42, v19;
	v18 =	vadd.s32 v41, v18  }
0x300: {  	v42 =	vadd.s32 v42, v13;
	v20 =	vadd.s32 v41, v20;
	[tilespmem:s10+$0x200] =	vst v16;
	v16 =	vand.u32 $0xFFFFFF80, v29  }
0x301: {  	p1 =	slt.u32 s5, $0x4C;
	v36 =	vld.idx.msk [tilespmem:v36+s13+$0x0], $0xffff;
	v19 =	vadd.s32 v41, v19;
	[tilespmem:s8+$0x780] =	vst v44;
	v54 =	vand.u32 $0xFFFFFF80, v25;
	v25 =	vand.u32 $0xFFFFFF80, v39  }
.Ltmp7:
0x302: {  	s6 =	smov.u32 s22;
	v27 =	vand.u32 $0xFFFFFF80, v27;
	v18 =	vand.u32 $0xFFFFFF80, v18;
	v34 =	vand.u32 $0xFFFFFF80, v20;
	v29 =	vld.idx.msk [tilespmem:v43+s13+$0x0], $0xffff;
	[tilespmem:s1+$0x180] =	vst v33;
	(pc) =	sbr.rel @p1 .LBB2_13-.Ltmp7, $4  }
0x303: {  	v37 =	vmovc v38;
	v30 =	vld.idx.msk [tilespmem:v31+s13+$0x0], $0xffff;
	v57 =	vand.u32 $0xFFFFFF80, v42;
	v20 =	vadd.s32 v41, v13;
	v61 =	vand.u32 $0xFFFFFF80, v19;
	[tilespmem:s6+$0x300] =	vst v32  }
0x304: {  	v13 =	vor.u32 v14, v40;
	v31 =	vld.idx.msk [tilespmem:v45+s13+$0x0], $0xffff;
	[tilespmem:s0+$0x680] =	vst v35;
	v35 =	vand.u32 $0xFFFFFF80, v20;
	v20 =	vor.u32 v12, v26  }
0x305: {  	s8 =	smov.u32 s31;
	v43 =	vor.u32 v14, v61;
	v26 =	vor.u32 v10, v0;
	v38 =	vor.u32 v12, v57;
	v0 =	vld.idx.msk [tilespmem:v28+s13+$0x0], $0xffff  }
0x306: {  	v44 =	vor.u32 v14, v34;
	v34 =	vlaneseq.u32;
	v45 =	vor.u32 v10, v16;
	v19 =	vld.idx.msk [tilespmem:v4+s13+$0x0], $0xffff;
	[tilespmem:s8+$0x300] =	vst v36  }
0x307: {  	_ = 	snop  }
0x308: {  	v16 =	vor.u32 v34, v58;
	_ =	sdelay $0x1  }
0x309: {  	[tilespmem:s1+$0x200] =	vst v31  }
0x30a: {  	v26 =	vld.idx.msk [tilespmem:v26+s13+$0x0], $0xffff  }
0x30b: {  	v28 =	vor.u32 v12, v56;
	[tilespmem:s6+$0x380] =	vst v0  }
0x30c: {  	[tilespmem:s10+$0x280] =	vst v30;
	v0 =	vld.idx.msk [tilespmem:v16+s13+$0x0], $0xffff;
	v16 =	vor.u32 v14, v59  }
0x30d: {  	v20 =	vld.idx.msk [tilespmem:v20+s13+$0x0], $0xffff  }
0x30e: {  	[tilespmem:s0+$0x700] =	vst v19;
	v19 =	vor.u32 v14, v51  }
0x30f: {  	[tilespmem:s1+$0x280] =	vst v26  }
0x310: {  	v26 =	vld.idx.msk [tilespmem:v28+s13+$0x0], $0xffff  }
0x311: {  	v28 =	vor.u32 v14, v47;
	v16 =	vld.idx.msk [tilespmem:v16+s13+$0x0], $0xffff  }
0x312: {  	[tilespmem:s10+$0x300] =	vst v20  }
0x313: {  	v20 =	vor.u32 v34, v46;
	v19 =	vld.idx.msk [tilespmem:v19+s13+$0x0], $0xffff  }
0x314: {  	[tilespmem:s3+$0x780] =	vst v29  }
0x315: {  	[tilespmem:s1+$0x300] =	vst v26  }
0x316: {  	v28 =	vld.idx.msk [tilespmem:v28+s13+$0x0], $0xffff;
	[tilespmem:s8+$0x380] =	vst v16  }
0x317: {  	v40 =	vld [tilespmem:$0x1FED0]  }
0x318: {  	v26 =	vor.u32 v34, v50;
	[tilespmem:s10+$0x380] =	vst v19;
	v19 =	vld.idx.msk [tilespmem:v20+s13+$0x0], $0xffff;
	_ =	sdelay $0x1  }
0x319: {  	v29 =	vor.u32 v34, v52  }
0x31a: {  	[tilespmem:s6+$0x400] =	vst v0  }
0x31b: {  	[tilespmem:s1+$0x380] =	vst v28  }
0x31c: {  	v20 =	vld.idx.msk [tilespmem:v26+s13+$0x0], $0xffff;
	v16 =	vor.u32 v40, v49;
	[tilespmem:s8+$0x400] =	vst v19  }
0x31d: {  	v1 =	vor.u32 v40, v1;
	v4 =	vld [tilespmem:$0x1FEE0]  }
0x31e: {  	v26 =	vor.u32 v40, v48;
	v28 =	vld.idx.msk [tilespmem:v29+s13+$0x0], $0xffff  }
0x31f: {  	v29 =	vor.u32 v40, v55;
	_ =	sdelay $0x1  }
0x320: {  	v0 =	vld.idx.msk [tilespmem:v16+s13+$0x0], $0xffff  }
0x321: {  	[tilespmem:s10+$0x400] =	vst v20;
	v1 =	vld.idx.msk [tilespmem:v1+s13+$0x0], $0xffff;
	v16 =	vor.u32 v4, v53  }
0x322: {  	v20 =	vld.idx.msk [tilespmem:v26+s13+$0x0], $0xffff;
	[tilespmem:s1+$0x400] =	vst v28;
	v19 =	vor.u32 v4, v60  }
0x323: {  	v26 =	vor.u32 v4, v62;
	v28 =	vld.idx.msk [tilespmem:v29+s13+$0x0], $0xffff  }
0x324: {  	v7 =	vor.u32 v4, v7  }
0x325: {  	[tilespmem:s6+$0x480] =	vst v0  }
0x326: {  	[tilespmem:s8+$0x480] =	vst v1;
	v0 =	vld.idx.msk [tilespmem:v16+s13+$0x0], $0xffff  }
0x327: {  	v1 =	vor.u32 v6, v3;
	[tilespmem:s10+$0x480] =	vst v20;
	v3 =	vld.idx.msk [tilespmem:v19+s13+$0x0], $0xffff  }
0x328: {  	v9 =	vor.u32 v6, v9;
	v16 =	vld.idx.msk [tilespmem:v26+s13+$0x0], $0xffff;
	[tilespmem:s1+$0x480] =	vst v28  }
0x329: {  	v19 =	vor.u32 v6, v63;
	v7 =	vld.idx.msk [tilespmem:v7+s13+$0x0], $0xffff  }
0x32a: {  	v20 =	vor.u32 v6, v22  }
0x32b: {  	[tilespmem:s6+$0x500] =	vst v0  }
0x32c: {  	[tilespmem:s8+$0x500] =	vst v3;
	v0 =	vld.idx.msk [tilespmem:v1+s13+$0x0], $0xffff  }
0x32d: {  	[tilespmem:s10+$0x500] =	vst v16;
	v1 =	vor.u32 v8, v11;
	v3 =	vld.idx.msk [tilespmem:v9+s13+$0x0], $0xffff  }
0x32e: {  	v9 =	vor.u32 v8, v24;
	v11 =	vld.idx.msk [tilespmem:v19+s13+$0x0], $0xffff;
	[tilespmem:s1+$0x500] =	vst v7  }
0x32f: {  	v7 =	vor.u32 v8, v15;
	v15 =	vld.idx.msk [tilespmem:v20+s13+$0x0], $0xffff  }
0x330: {  	v16 =	vor.u32 v8, v21  }
0x331: {  	[tilespmem:s6+$0x580] =	vst v0  }
0x332: {  	[tilespmem:s8+$0x580] =	vst v3;
	v0 =	vld.idx.msk [tilespmem:v1+s13+$0x0], $0xffff  }
0x333: {  	[tilespmem:s10+$0x580] =	vst v11;
	v1 =	vor.u32 v10, v23;
	v3 =	vld.idx.msk [tilespmem:v9+s13+$0x0], $0xffff  }
0x334: {  	v5 =	vor.u32 v10, v5;
	v7 =	vld.idx.msk [tilespmem:v7+s13+$0x0], $0xffff;
	[tilespmem:s1+$0x580] =	vst v15  }
0x335: {  	v9 =	vor.u32 v10, v17;
	v11 =	vld.idx.msk [tilespmem:v16+s13+$0x0], $0xffff;
	_ =	sdelay $0x1  }
0x336: {  	v13 =	vld.idx.msk [tilespmem:v13+s13+$0x0], $0xffff;
	[tilespmem:s6+$0x600] =	vst v0  }
0x337: {  	[tilespmem:s8+$0x600] =	vst v3;
	v0 =	vld.idx.msk [tilespmem:v1+s13+$0x0], $0xffff  }
0x338: {  	[tilespmem:s10+$0x600] =	vst v7;
	v1 =	vor.u32 v12, v25;
	v3 =	vld.idx.msk [tilespmem:v5+s13+$0x0], $0xffff  }
0x339: {  	v5 =	vor.u32 v12, v54;
	v7 =	vld.idx.msk [tilespmem:v9+s13+$0x0], $0xffff;
	[tilespmem:s1+$0x600] =	vst v11  }
0x33a: {  	v9 =	vor.u32 v12, v27;
	v11 =	vld.idx.msk [tilespmem:v45+s13+$0x0], $0xffff;
	_ =	sdelay $0x1  }
0x33b: {  	[tilespmem:s6+$0x680] =	vst v0  }
0x33c: {  	[tilespmem:s8+$0x680] =	vst v3;
	v0 =	vld.idx.msk [tilespmem:v1+s13+$0x0], $0xffff  }
0x33d: {  	[tilespmem:s10+$0x680] =	vst v7;
	v1 =	vor.u32 v14, v18;
	v3 =	vld.idx.msk [tilespmem:v5+s13+$0x0], $0xffff  }
0x33e: {  	v5 =	vld.idx.msk [tilespmem:v9+s13+$0x0], $0xffff;
	[tilespmem:s1+$0x680] =	vst v11  }
0x33f: {  	v7 =	vld.idx.msk [tilespmem:v38+s13+$0x0], $0xffff  }
0x340: {  	v9 =	vor.u32 v14, v35  }
0x341: {  	[tilespmem:s6+$0x700] =	vst v0  }
0x342: {  	[tilespmem:s8+$0x700] =	vst v3;
	v0 =	vld.idx.msk [tilespmem:v1+s13+$0x0], $0xffff  }
0x343: {  	[tilespmem:s10+$0x700] =	vst v5;
	v1 =	vld.idx.msk [tilespmem:v44+s13+$0x0], $0xffff  }
0x344: {  	v3 =	vld.idx.msk [tilespmem:v43+s13+$0x0], $0xffff;
	[tilespmem:s1+$0x700] =	vst v7  }
0x345: {  	s26 =	sadd.s32 $0xA, s26;
	v5 =	vld.idx.msk [tilespmem:v9+s13+$0x0], $0xffff  }
0x346: {  	s20 =	smul.u32 $0x500000, s25;
	s7 =	sadd.s32 $0x0, s26;
	[tilespmem:s0+$0x780] =	vst v13  }
0x347: {  	s21 =	simm.s32 $0x0;
	s4 =	sshll.u32 s7, $0x7;
	[tilespmem:s6+$0x780] =	vst v0  }
0x348: {  	s3 =	sand.u32 $0x40, s21;
	s0 =	sadd.s32 s23, s20;
	[tilespmem:s8+$0x780] =	vst v1;
	v0 =	vmov s4  }
0x349: {  	s5 =	sor.u32 $0x30, s3;
	s0 =	sshrl.u32 s0, $0x3;
	[tilespmem:s10+$0x780] =	vst v3;
	v1 =	vmov s7;
	v0 =	vshrl.u32 v0, $0x7  }
0x34a: {  	s22 =	sadd.s32 s7, s5;
	s0 =	sadd.s32 s2, s0;
	[tilespmem:s1+$0x780] =	vst v5;
	v1 =	vadd.s32 s3, v1;
	v0 =	vshll.u32 v0, $0x7  }
0x34b: {  	v3 =	vadd.s32 s22, v34;
	[hbm4b:s0+s14] =	stream.strided.scatter [tilespmem:s16], [sflag:$0x1], $0x5000, s15, s14, $0x38;
	v1 =	vbroadcast v1, $0x0;
	v0 =	vbroadcast v0, $0x0;
	[tilespmem:$0x1F280] =	vst v63  }
0x34c: {  	v3 =	vand.u32 $0x7F, v3;
	s0 =	sor.u32 $0x10, s3  }
0x34d: {  	s9 =	sor.u32 $0x20, s3;
	s10 =	sadd.s32 s7, s0;
	v1 =	vadd.s32 v34, v1;
	v3 =	vor.u32 v0, v3  }
0x34e: {  	s6 =	simm.s32 @!p0 $0x2;
	s7 =	sadd.s32 s7, s9;
	v5 =	vadd.s32 s10, v34;
	v1 =	vand.u32 $0x7F, v1  }
0x34f: {  	_ =	swait.ge @!p0 [sflag:s6], $0x5000;
	v7 =	vadd.s32 s7, v34;
	v5 =	vand.u32 $0x7F, v5;
	v1 =	vor.u32 v1, v0  }
0x350: {  	[sflag:s6] =	ssyncset.done @!p0 $0x0;
	v7 =	vand.u32 $0x7F, v7;
	v5 =	vor.u32 v0, v5  }
0x351: {  	[sflag:s6] =	ssyncadd.s32 @!p0 $0xFFFFB000;
	v0 =	vor.u32 v0, v7  }
0x352: {  	v3 =	vld.idx.msk [tilespmem:v3+s12+$0x0], $0xffff;
	_ =	sdelay $0x1  }
0x353: {  	v1 =	vld.idx.msk [tilespmem:v1+s12+$0x0], $0xffff  }
0x354: {  	v5 =	vld.idx.msk [tilespmem:v5+s12+$0x0], $0xffff  }
0x355: {  	v0 =	vld.idx.msk [tilespmem:v0+s12+$0x0], $0xffff  }
0x356: {  	v41 =	vshll.u32 v3, $0x8  }
0x357: {  	v3 =	vadd.s32 v2, v41  }
0x358: {  	v47 =	vld [tilespmem:$0x1FDE0];
	v15 =	vshll.u32 v1, $0x8;
	v3 =	vand.u32 $0xFFFFFF00, v3  }
0x359: {  	v1 =	vshll.u32 v5, $0x8;
	v5 =	vadd.s32 v2, v15;
	v3 =	vor.u32 v34, v3  }
0x35a: {  	v13 =	vshll.u32 v0, $0x8;
	v7 =	vadd.s32 v2, v1;
	v0 =	vand.u32 $0xFFFFFF00, v5  }
0x35b: {  	v5 =	vand.u32 $0xFFFFFF00, v7;
	v0 =	vor.u32 v34, v0  }
0x35c: {  	v7 =	vadd.s32 v2, v13;
	v5 =	vor.u32 v34, v5  }
0x35d: {  	v11 =	vadd.s32 v47, v41;
	v7 =	vand.u32 $0xFFFFFF00, v7  }
0x35e: {  	v11 =	vand.u32 $0xFFFFFF00, v11;
	v7 =	vor.u32 v34, v7;
	v3 =	vld.idx.msk [tilespmem:v3+s13+$0x0], $0xffff  }
0x35f: {  	s11 =	simm.s32 $0x0;
	v60 =	vld [tilespmem:$0x1FDF0];
	v9 =	vadd.s32 v47, v15;
	v11 =	vor.u32 v40, v11  }
0x360: {  	s1 =	sand.u32 $0x3FFFF800, s11;
	v9 =	vand.u32 $0xFFFFFF00, v9;
	v0 =	vld.idx.msk [tilespmem:v0+s13+$0x0], $0xffff  }
0x361: {  	s18 =	sadd.s32 $0x1A280, s1;
	v16 =	vadd.s32 v47, v1;
	v9 =	vor.u32 v40, v9;
	v5 =	vld.idx.msk [tilespmem:v5+s13+$0x0], $0xffff  }
0x362: {  	s1 =	sor.u32 s5, s18;
	v17 =	vadd.s32 v47, v13;
	v16 =	vand.u32 $0xFFFFFF00, v16  }
0x363: {  	v17 =	vand.u32 $0xFFFFFF00, v17;
	v16 =	vor.u32 v40, v16;
	v7 =	vld.idx.msk [tilespmem:v7+s13+$0x0], $0xffff;
	[tilespmem:s1+$0x0] =	vst v3  }
0x364: {  	s8 =	sor.u32 s3, s18;
	v21 =	vadd.s32 v60, v41;
	v17 =	vor.u32 v40, v17;
	v11 =	vld.idx.msk [tilespmem:v11+s13+$0x0], $0xffff  }
0x365: {  	s6 =	sor.u32 s0, s18;
	v21 =	vand.u32 $0xFFFFFF00, v21;
	v61 =	vld [tilespmem:$0x1FE00];
	[tilespmem:s8+$0x0] =	vst v0  }
0x366: {  	v21 =	vor.u32 v4, v21;
	[tilespmem:s6+$0x0] =	vst v5;
	v9 =	vld.idx.msk [tilespmem:v9+s13+$0x0], $0xffff  }
0x367: {  	s28 =	sor.u32 s9, s18;
	v18 =	vadd.s32 v60, v15;
	v62 =	vld [tilespmem:$0x1FDD0]  }
0x368: {  	v19 =	vadd.s32 v60, v1;
	v18 =	vand.u32 $0xFFFFFF00, v18;
	v16 =	vld.idx.msk [tilespmem:v16+s13+$0x0], $0xffff;
	[tilespmem:s28+$0x0] =	vst v7  }
0x369: {  	v20 =	vadd.s32 v60, v13;
	v19 =	vand.u32 $0xFFFFFF00, v19;
	v18 =	vor.u32 v4, v18;
	v17 =	vld.idx.msk [tilespmem:v17+s13+$0x0], $0xffff;
	[tilespmem:s1+$0x80] =	vst v11  }
0x36a: {  	v20 =	vand.u32 $0xFFFFFF00, v20;
	v19 =	vor.u32 v4, v19;
	v63 =	vld [tilespmem:$0x1FE10]  }
0x36b: {  	v20 =	vor.u32 v4, v20;
	v3 =	vadd.s32 v61, v15;
	v22 =	vadd.s32 v61, v1;
	v21 =	vld.idx.msk [tilespmem:v21+s13+$0x0], $0xffff  }
0x36c: {  	v0 =	vadd.s32 v61, v13;
	v25 =	vadd.s32 v61, v41;
	v23 =	vadd.s32 v62, v1;
	[tilespmem:s8+$0x80] =	vst v9  }
0x36d: {  	v24 =	vadd.s32 v62, v13;
	[tilespmem:s6+$0x80] =	vst v16;
	v7 =	vand.u32 $0xFFFFFF00, v23;
	v23 =	vand.u32 $0xFFFFFF00, v25  }
0x36e: {  	v3 =	vand.u32 $0xFFFFFF00, v3;
	v24 =	vand.u32 $0xFFFFFF00, v24;
	v18 =	vld.idx.msk [tilespmem:v18+s13+$0x0], $0xffff;
	[tilespmem:s28+$0x80] =	vst v17;
	v23 =	vor.u32 v6, v23  }
0x36f: {  	v22 =	vand.u32 $0xFFFFFF00, v22;
	v3 =	vor.u32 v6, v3;
	v11 =	vor.u32 v8, v24;
	v38 =	vld [tilespmem:$0x1FE20]  }
0x370: {  	v0 =	vand.u32 $0xFFFFFF00, v0;
	v20 =	vld.idx.msk [tilespmem:v20+s13+$0x0], $0xffff;
	v24 =	vadd.s32 v63, v15;
	v25 =	vadd.s32 v63, v1;
	[tilespmem:s1+$0x100] =	vst v21  }
0x371: {  	v9 =	vand.u32 $0xFFFFFF00, v24;
	v24 =	vand.u32 $0xFFFFFF00, v25;
	v25 =	vadd.s32 v63, v13;
	v39 =	vld [tilespmem:$0x1FE30]  }
0x372: {  	v0 =	vor.u32 v6, v0;
	v19 =	vld.idx.msk [tilespmem:v19+s13+$0x0], $0xffff;
	v16 =	vand.u32 $0xFFFFFF00, v25;
	v25 =	vadd.s32 v62, v41  }
0x373: {  	v22 =	vor.u32 v6, v22;
	v21 =	vld.idx.msk [tilespmem:v23+s13+$0x0], $0xffff;
	v25 =	vand.u32 $0xFFFFFF00, v25  }
0x374: {  	[tilespmem:s8+$0x100] =	vst v18;
	v25 =	vor.u32 v8, v25  }
0x375: {  	v5 =	vadd.s32 v62, v15;
	v3 =	vld.idx.msk [tilespmem:v3+s13+$0x0], $0xffff  }
0x376: {  	v5 =	vand.u32 $0xFFFFFF00, v5;
	[tilespmem:s28+$0x100] =	vst v20;
	v23 =	vadd.s32 v39, v15  }
0x377: {  	v5 =	vor.u32 v8, v5;
	v29 =	vadd.s32 v63, v41;
	[tilespmem:s6+$0x100] =	vst v19;
	v0 =	vld.idx.msk [tilespmem:v0+s13+$0x0], $0xffff;
	v23 =	vand.u32 $0xFFFFFF00, v23  }
0x378: {  	v19 =	vand.u32 $0xFFFFFF00, v29;
	v17 =	vadd.s32 v38, v15;
	[tilespmem:s1+$0x180] =	vst v21;
	v29 =	vor.u32 v14, v23;
	v23 =	vld.idx.msk [tilespmem:v22+s13+$0x0], $0xffff  }
0x379: {  	v7 =	vor.u32 v8, v7;
	v27 =	vadd.s32 v38, v13;
	v17 =	vand.u32 $0xFFFFFF00, v17;
	v25 =	vld.idx.msk [tilespmem:v25+s13+$0x0], $0xffff  }
0x37a: {  	v9 =	vor.u32 v10, v9;
	v28 =	vor.u32 v12, v17;
	v17 =	vand.u32 $0xFFFFFF00, v27;
	[tilespmem:s8+$0x180] =	vst v3  }
0x37b: {  	v24 =	vor.u32 v10, v24;
	v27 =	vor.u32 v12, v17;
	v17 =	vadd.s32 v39, v1;
	v49 =	vld [tilespmem:$0x1FE40]  }
0x37c: {  	v19 =	vor.u32 v10, v19;
	v18 =	vadd.s32 v39, v13;
	v17 =	vand.u32 $0xFFFFFF00, v17;
	[tilespmem:s28+$0x180] =	vst v0  }
0x37d: {  	v20 =	vadd.s32 v37, v15;
	v18 =	vand.u32 $0xFFFFFF00, v18;
	v30 =	vor.u32 v14, v17;
	[tilespmem:s6+$0x180] =	vst v23  }
0x37e: {  	v31 =	vor.u32 v14, v18;
	v17 =	vadd.s32 v37, v1;
	v18 =	vand.u32 $0xFFFFFF80, v20;
	v5 =	vld.idx.msk [tilespmem:v5+s13+$0x0], $0xffff;
	[tilespmem:s1+$0x200] =	vst v25  }
0x37f: {  	v20 =	vadd.s32 v37, v13;
	v17 =	vand.u32 $0xFFFFFF80, v17;
	v32 =	vor.u32 v34, v18;
	v53 =	vld [tilespmem:$0x1FE50]  }
0x380: {  	v18 =	vand.u32 $0xFFFFFF80, v20;
	v11 =	vld.idx.msk [tilespmem:v11+s13+$0x0], $0xffff;
	v33 =	vor.u32 v34, v17;
	v17 =	vadd.s32 v49, v1  }
0x381: {  	v16 =	vor.u32 v10, v16;
	v22 =	vor.u32 v34, v18;
	v7 =	vld.idx.msk [tilespmem:v7+s13+$0x0], $0xffff;
	v17 =	vand.u32 $0xFFFFFF80, v17  }
0x382: {  	v18 =	vadd.s32 v38, v41;
	v3 =	vadd.s32 v49, v15;
	v21 =	vor.u32 v40, v17;
	v17 =	vld.idx.msk [tilespmem:v19+s13+$0x0], $0xffff  }
0x383: {  	v26 =	vadd.s32 v38, v1;
	v0 =	vand.u32 $0xFFFFFF00, v18;
	v3 =	vand.u32 $0xFFFFFF80, v3;
	[tilespmem:s8+$0x200] =	vst v5  }
0x384: {  	v20 =	vadd.s32 v49, v13;
	v23 =	vor.u32 v40, v3;
	v52 =	vld [tilespmem:$0x1FE60];
	v3 =	vadd.s32 v53, v1  }
0x385: {  	v42 =	vor.u32 v12, v0;
	v18 =	vand.u32 $0xFFFFFF80, v20;
	[tilespmem:s28+$0x200] =	vst v11;
	v3 =	vand.u32 $0xFFFFFF80, v3  }
0x386: {  	v20 =	vor.u32 v40, v18;
	[tilespmem:s6+$0x200] =	vst v7;
	v18 =	vor.u32 v4, v3;
	v3 =	vld.idx.msk [tilespmem:v9+s13+$0x0], $0xffff  }
0x387: {  	v26 =	vand.u32 $0xFFFFFF00, v26;
	v43 =	vld.idx.msk [tilespmem:v16+s13+$0x0], $0xffff;
	[tilespmem:s1+$0x280] =	vst v17  }
0x388: {  	v26 =	vor.u32 v12, v26;
	v0 =	vadd.s32 v53, v15;
	v25 =	vadd.s32 v53, v13;
	v54 =	vld [tilespmem:$0x1FE80]  }
0x389: {  	v24 =	vld.idx.msk [tilespmem:v24+s13+$0x0], $0xffff;
	v0 =	vand.u32 $0xFFFFFF80, v0;
	v5 =	vadd.s32 v52, v15;
	v7 =	vadd.s32 v52, v1  }
0x38a: {  	v19 =	vor.u32 v4, v0;
	v9 =	vadd.s32 v39, v41;
	v7 =	vand.u32 $0xFFFFFF80, v7  }
0x38b: {  	v0 =	vand.u32 $0xFFFFFF80, v25;
	v9 =	vand.u32 $0xFFFFFF00, v9;
	v16 =	vor.u32 v6, v7;
	v7 =	vld.idx.msk [tilespmem:v42+s13+$0x0], $0xffff;
	[tilespmem:s8+$0x280] =	vst v3  }
0x38c: {  	v25 =	vadd.s32 v52, v13;
	v5 =	vand.u32 $0xFFFFFF80, v5;
	v9 =	vor.u32 v14, v9;
	v28 =	vld.idx.msk [tilespmem:v28+s13+$0x0], $0xffff  }
0x38d: {  	[tilespmem:s28+$0x280] =	vst v43;
	v17 =	vor.u32 v6, v5;
	v5 =	vand.u32 $0xFFFFFF80, v25;
	v25 =	vadd.s32 v54, v15  }
0x38e: {  	s21 =	simm.s32 $0x40;
	v27 =	vld.idx.msk [tilespmem:v27+s13+$0x0], $0xffff;
	[tilespmem:s6+$0x280] =	vst v24;
	v3 =	vand.u32 $0xFFFFFF80, v25;
	v25 =	vadd.s32 v54, v13  }
0x38f: {  	s19 =	sadd.s32 $0x0, s26;
	s0 =	sand.u32 $0x40, s21;
	v46 =	vor.u32 v8, v3;
	v3 =	vand.u32 $0xFFFFFF80, v25;
	v25 =	vld.idx.msk [tilespmem:v26+s13+$0x0], $0xffff  }
0x390: {  	s20 =	sshll.u32 s19, $0x7;
	s22 =	sor.u32 $0x30, s0;
	v59 =	vld [tilespmem:$0x1FE70];
	[tilespmem:s1+$0x300] =	vst v7  }
0x391: {  	v58 =	vlaneseq.u32;
	v50 =	vmov s20;
	s9 =	sadd.s32 s19, s22;
	v9 =	vld.idx.msk [tilespmem:v9+s13+$0x0], $0xffff;
	[tilespmem:s8+$0x300] =	vst v28  }
0x392: {  	v56 =	vadd.s32 s9, v58;
	v34 =	vshrl.u32 v50, $0x7;
	v29 =	vld.idx.msk [tilespmem:v29+s13+$0x0], $0xffff  }
0x393: {  	v24 =	vmov s19;
	v51 =	vor.u32 v8, v3;
	v3 =	vadd.s32 v37, v41  }
0x394: {  	s3 =	sor.u32 $0x10, s0;
	v34 =	vshll.u32 v34, $0x7;
	v24 =	vadd.s32 s0, v24;
	[tilespmem:s28+$0x300] =	vst v27;
	v3 =	vand.u32 $0xFFFFFF80, v3  }
0x395: {  	s11 =	sadd.s32 s19, s3;
	v24 =	vbroadcast v24, $0x0;
	v3 =	vor.u32 v58, v3;
	v28 =	vbroadcast v34, $0x0;
	[tilespmem:s6+$0x300] =	vst v25  }
0x396: {  	v36 =	vadd.s32 s11, v58;
	v34 =	vand.u32 $0x7F, v56;
	[tilespmem:s1+$0x380] =	vst v9  }
0x397: {  	s18 =	sor.u32 $0x20, s0;
	v36 =	vand.u32 $0x7F, v36;
	v24 =	vadd.s32 v58, v24;
	v34 =	vor.u32 v28, v34;
	[tilespmem:s8+$0x380] =	vst v29  }
0x398: {  	s7 =	sadd.s32 s19, s18;
	v27 =	vadd.s32 v49, v41;
	v24 =	vand.u32 $0x7F, v24;
	v26 =	vadd.s32 v59, v15;
	v45 =	vld [tilespmem:$0x1FE90]  }
0x399: {  	v7 =	vadd.s32 v59, v1;
	v25 =	vadd.s32 s7, v58;
	v30 =	vld.idx.msk [tilespmem:v30+s13+$0x0], $0xffff;
	v24 =	vor.u32 v24, v28  }
0x39a: {  	v55 =	vadd.s32 v59, v13;
	v9 =	vand.u32 $0x7F, v25;
	v25 =	vand.u32 $0xFFFFFF80, v27;
	v27 =	vld.idx.msk [tilespmem:v3+s13+$0x0], $0xffff  }
0x39b: {  	v31 =	vld.idx.msk [tilespmem:v31+s13+$0x0], $0xffff;
	v26 =	vand.u32 $0xFFFFFF80, v26;
	v36 =	vor.u32 v28, v36;
	v28 =	vor.u32 v28, v9  }
0x39c: {  	v9 =	vor.u32 v10, v26;
	v3 =	vand.u32 $0xFFFFFF80, v7;
	v29 =	vand.u32 $0xFFFFFF80, v55;
	v26 =	vld.idx.msk [tilespmem:v34+s12+$0x0], $0xffff  }
0x39d: {  	v7 =	vor.u32 v10, v3;
	v3 =	vor.u32 v10, v29;
	v29 =	vld.idx.msk [tilespmem:v32+s13+$0x0], $0xffff;
	v42 =	vadd.s32 v45, v1  }
0x39e: {  	v44 =	vadd.s32 v53, v41;
	[tilespmem:s6+$0x380] =	vst v30;
	v24 =	vld.idx.msk [tilespmem:v24+s12+$0x0], $0xffff;
	v32 =	vand.u32 $0xFFFFFF80, v42  }
0x39f: {  	v11 =	vor.u32 v6, v5;
	v33 =	vld.idx.msk [tilespmem:v33+s13+$0x0], $0xffff;
	[tilespmem:s1+$0x400] =	vst v27;
	v27 =	vor.u32 v12, v32  }
0x3a0: {  	v57 =	vadd.s32 v45, v15;
	v43 =	vadd.s32 v45, v13;
	[tilespmem:$0x1FC80] =	vst v27;
	v27 =	vand.u32 $0xFFFFFF80, v44;
	v44 =	vld [tilespmem:$0x1FEB0]  }
0x3a1: {  	v5 =	vadd.s32 v54, v1;
	v30 =	vand.u32 $0xFFFFFF80, v57;
	v34 =	vand.u32 $0xFFFFFF80, v43  }
0x3a2: {  	v25 =	vor.u32 v40, v25;
	v57 =	vor.u32 v12, v30;
	v34 =	vor.u32 v12, v34;
	v30 =	vld.idx.msk [tilespmem:v36+s12+$0x0], $0xffff  }
0x3a3: {  	v0 =	vor.u32 v4, v0;
	v5 =	vand.u32 $0xFFFFFF80, v5;
	v42 =	vshll.u32 v26, $0x8;
	[tilespmem:$0x1FC90] =	vst v34  }
0x3a4: {  	v5 =	vor.u32 v8, v5;
	v48 =	vadd.s32 v2, v42;
	v27 =	vor.u32 v4, v27;
	v26 =	vld.idx.msk [tilespmem:v28+s12+$0x0], $0xffff  }
0x3a5: {  	v15 =	vadd.s32 v44, v15;
	v1 =	vadd.s32 v44, v1;
	v13 =	vadd.s32 v44, v13  }
0x3a6: {  	v15 =	vand.u32 $0xFFFFFF80, v15;
	v28 =	vand.u32 $0xFFFFFF80, v1;
	v13 =	vand.u32 $0xFFFFFF80, v13  }
0x3a7: {  	v25 =	vld.idx.msk [tilespmem:v25+s13+$0x0], $0xffff;
	[tilespmem:s28+$0x380] =	vst v31;
	v43 =	vshll.u32 v30, $0x8;
	v1 =	vor.u32 v14, v15;
	v15 =	vand.u32 $0xFFFFFF00, v48  }
0x3a8: {  	v22 =	vld.idx.msk [tilespmem:v22+s13+$0x0], $0xffff;
	v28 =	vor.u32 v14, v28;
	v13 =	vor.u32 v14, v13;
	v48 =	vshll.u32 v24, $0x8  }
0x3a9: {  	v56 =	vshll.u32 v26, $0x8;
	v30 =	vadd.s32 v60, v43;
	v55 =	vadd.s32 v62, v43;
	[tilespmem:$0x1FCA0] =	vst v28  }
0x3aa: {  	[tilespmem:$0x1FD40] =	vst v13;
	v13 =	vor.u32 v58, v15;
	v15 =	vadd.s32 v52, v41;
	v24 =	vadd.s32 v2, v48  }
0x3ab: {  	v26 =	vadd.s32 v2, v56;
	v28 =	vadd.s32 v47, v42;
	[tilespmem:s8+$0x400] =	vst v29;
	v24 =	vand.u32 $0xFFFFFF00, v24  }
0x3ac: {  	v30 =	vand.u32 $0xFFFFFF00, v30;
	v31 =	vadd.s32 v60, v56;
	[tilespmem:s1+$0x480] =	vst v25;
	v23 =	vld.idx.msk [tilespmem:v23+s13+$0x0], $0xffff;
	v24 =	vor.u32 v58, v24  }
0x3ad: {  	v50 =	vadd.s32 v61, v56;
	v15 =	vand.u32 $0xFFFFFF80, v15;
	v25 =	vadd.s32 v2, v43;
	[tilespmem:s28+$0x400] =	vst v22;
	v27 =	vld.idx.msk [tilespmem:v27+s13+$0x0], $0xffff  }
0x3ae: {  	v36 =	vadd.s32 v62, v56;
	[tilespmem:s6+$0x400] =	vst v33;
	v15 =	vor.u32 v6, v15;
	v25 =	vand.u32 $0xFFFFFF00, v25;
	v20 =	vld.idx.msk [tilespmem:v20+s13+$0x0], $0xffff  }
0x3af: {  	v21 =	vld.idx.msk [tilespmem:v21+s13+$0x0], $0xffff;
	v22 =	vor.u32 v58, v25;
	v25 =	vand.u32 $0xFFFFFF00, v26;
	v26 =	vadd.s32 v47, v48  }
0x3b0: {  	v29 =	vadd.s32 v47, v43;
	v30 =	vor.u32 v4, v30;
	v26 =	vand.u32 $0xFFFFFF00, v26;
	v13 =	vld.idx.msk [tilespmem:v13+s13+$0x0], $0xffff  }
0x3b1: {  	v28 =	vand.u32 $0xFFFFFF00, v28;
	v25 =	vor.u32 v58, v25;
	v26 =	vor.u32 v40, v26;
	[tilespmem:s8+$0x480] =	vst v23;
	v24 =	vld.idx.msk [tilespmem:v24+s13+$0x0], $0xffff  }
0x3b2: {  	s19 =	simm.s32 $0x400;
	v23 =	vadd.s32 v47, v56;
	[tilespmem:s1+$0x500] =	vst v27;
	v27 =	vor.u32 v40, v28;
	v19 =	vld.idx.msk [tilespmem:v19+s13+$0x0], $0xffff  }
0x3b3: {  	s7 =	sand.u32 $0x3FFFF800, s19;
	v29 =	vand.u32 $0xFFFFFF00, v29;
	v28 =	vadd.s32 v54, v41;
	[tilespmem:s28+$0x480] =	vst v20;
	v20 =	vadd.s32 v61, v48;
	v15 =	vld.idx.msk [tilespmem:v15+s13+$0x0], $0xffff  }
0x3b4: {  	s7 =	sadd.s32 $0x1A280, s7;
	[tilespmem:s6+$0x480] =	vst v21;
	v21 =	vand.u32 $0xFFFFFF00, v23;
	v23 =	vand.u32 $0xFFFFFF80, v28;
	v28 =	vor.u32 v40, v29;
	v22 =	vld.idx.msk [tilespmem:v22+s13+$0x0], $0xffff  }
0x3b5: {  	s10 =	sor.u32 s22, s7;
	v18 =	vld.idx.msk [tilespmem:v18+s13+$0x0], $0xffff;
	v29 =	vadd.s32 v60, v48;
	v20 =	vand.u32 $0xFFFFFF00, v20;
	v23 =	vor.u32 v8, v23  }
0x3b6: {  	s31 =	sor.u32 s0, s7;
	v21 =	vor.u32 v40, v21;
	v25 =	vld.idx.msk [tilespmem:v25+s13+$0x0], $0xffff;
	[tilespmem:s10+$0x0] =	vst v13;
	v13 =	vand.u32 $0xFFFFFF00, v31;
	v31 =	vadd.s32 v60, v42  }
0x3b7: {  	v0 =	vld.idx.msk [tilespmem:v0+s13+$0x0], $0xffff;
	v29 =	vand.u32 $0xFFFFFF00, v29;
	v20 =	vor.u32 v6, v20;
	v31 =	vand.u32 $0xFFFFFF00, v31;
	[tilespmem:s31+$0x0] =	vst v24  }
0x3b8: {  	s30 =	sor.u32 s3, s7;
	v29 =	vor.u32 v4, v29;
	v27 =	vld.idx.msk [tilespmem:v27+s13+$0x0], $0xffff;
	v31 =	vor.u32 v4, v31;
	[tilespmem:s1+$0x580] =	vst v15  }
0x3b9: {  	v24 =	vadd.s32 v61, v43;
	v15 =	vadd.s32 v59, v41;
	v26 =	vld.idx.msk [tilespmem:v26+s13+$0x0], $0xffff;
	[tilespmem:s30+$0x0] =	vst v22  }
0x3ba: {  	s29 =	sor.u32 s18, s7;
	v13 =	vor.u32 v4, v13;
	v22 =	vand.u32 $0xFFFFFF00, v24;
	[tilespmem:s8+$0x500] =	vst v19;
	v23 =	vld.idx.msk [tilespmem:v23+s13+$0x0], $0xffff;
	v15 =	vand.u32 $0xFFFFFF80, v15  }
0x3bb: {  	v19 =	vand.u32 $0xFFFFFF00, v36;
	v36 =	vadd.s32 v62, v42;
	v24 =	vld.idx.msk [tilespmem:v28+s13+$0x0], $0xffff;
	[tilespmem:s29+$0x0] =	vst v25;
	v15 =	vor.u32 v10, v15  }
0x3bc: {  	[tilespmem:s6+$0x500] =	vst v18;
	v22 =	vor.u32 v6, v22;
	v28 =	vadd.s32 v62, v48;
	v21 =	vld.idx.msk [tilespmem:v21+s13+$0x0], $0xffff  }
0x3bd: {  	v25 =	vand.u32 $0xFFFFFF00, v50;
	v50 =	vadd.s32 v45, v41;
	v32 =	vld.idx.msk [tilespmem:v16+s13+$0x0], $0xffff;
	[tilespmem:s10+$0x80] =	vst v27;
	v27 =	vadd.s32 v61, v42  }
0x3be: {  	v19 =	vor.u32 v8, v19;
	v18 =	vand.u32 $0xFFFFFF00, v36;
	v31 =	vld.idx.msk [tilespmem:v31+s13+$0x0], $0xffff;
	v27 =	vand.u32 $0xFFFFFF00, v27;
	[tilespmem:s31+$0x80] =	vst v26  }
0x3bf: {  	[tilespmem:s1+$0x600] =	vst v23;
	v23 =	vand.u32 $0xFFFFFF00, v28;
	v28 =	vand.u32 $0xFFFFFF00, v55;
	v27 =	vor.u32 v6, v27;
	v29 =	vld.idx.msk [tilespmem:v29+s13+$0x0], $0xffff  }
0x3c0: {  	v16 =	vadd.s32 v44, v41;
	[tilespmem:s30+$0x80] =	vst v24;
	v15 =	vld.idx.msk [tilespmem:v15+s13+$0x0], $0xffff;
	v26 =	vor.u32 v8, v28;
	v28 =	vand.u32 $0xFFFFFF80, v50  }
0x3c1: {  	v25 =	vor.u32 v6, v25;
	v16 =	vand.u32 $0xFFFFFF80, v16;
	v30 =	vld.idx.msk [tilespmem:v30+s13+$0x0], $0xffff;
	[tilespmem:s29+$0x80] =	vst v21;
	v24 =	vor.u32 v12, v28  }
0x3c2: {  	v18 =	vor.u32 v8, v18;
	v16 =	vor.u32 v14, v16;
	v55 =	vadd.s32 v63, v56;
	v13 =	vld.idx.msk [tilespmem:v13+s13+$0x0], $0xffff  }
0x3c3: {  	v23 =	vor.u32 v8, v23;
	v21 =	vadd.s32 v63, v43;
	v28 =	vadd.s32 v63, v48;
	[tilespmem:s10+$0x100] =	vst v31  }
0x3c4: {  	v50 =	vadd.s32 v63, v42;
	v21 =	vand.u32 $0xFFFFFF00, v21;
	v28 =	vand.u32 $0xFFFFFF00, v28;
	v27 =	vld.idx.msk [tilespmem:v27+s13+$0x0], $0xffff;
	[tilespmem:s31+$0x100] =	vst v29  }
0x3c5: {  	v33 =	vor.u32 v10, v21;
	v28 =	vor.u32 v10, v28;
	[tilespmem:s1+$0x680] =	vst v15;
	v20 =	vld.idx.msk [tilespmem:v20+s13+$0x0], $0xffff  }
0x3c6: {  	v31 =	vand.u32 $0xFFFFFF00, v55;
	v29 =	vadd.s32 v38, v56;
	v15 =	vadd.s32 v38, v48;
	[tilespmem:s30+$0x100] =	vst v30;
	v21 =	vld.idx.msk [tilespmem:v24+s13+$0x0], $0xffff  }
0x3c7: {  	v17 =	vld.idx.msk [tilespmem:v17+s13+$0x0], $0xffff;
	v24 =	vadd.s32 v38, v43;
	v15 =	vand.u32 $0xFFFFFF00, v15;
	[tilespmem:s29+$0x100] =	vst v13;
	v13 =	vand.u32 $0xFFFFFF00, v29  }
0x3c8: {  	v30 =	vor.u32 v12, v15;
	v15 =	vld.idx.msk [tilespmem:v22+s13+$0x0], $0xffff;
	v29 =	vor.u32 v12, v13;
	v13 =	vadd.s32 v39, v43  }
0x3c9: {  	v22 =	vadd.s32 v39, v48;
	v25 =	vld.idx.msk [tilespmem:v25+s13+$0x0], $0xffff;
	v13 =	vand.u32 $0xFFFFFF00, v13;
	[tilespmem:s10+$0x180] =	vst v27;
	v27 =	vadd.s32 v39, v56  }
0x3ca: {  	v36 =	vor.u32 v14, v13;
	v55 =	vld.idx.msk [tilespmem:v18+s13+$0x0], $0xffff;
	v18 =	vand.u32 $0xFFFFFF00, v22;
	v22 =	vand.u32 $0xFFFFFF00, v50;
	[tilespmem:s31+$0x180] =	vst v20  }
0x3cb: {  	[tilespmem:s1+$0x700] =	vst v21;
	v34 =	vor.u32 v14, v18;
	v18 =	vand.u32 $0xFFFFFF00, v27;
	v27 =	vor.u32 v10, v22;
	v13 =	vld.idx.msk [tilespmem:v23+s13+$0x0], $0xffff  }
0x3cc: {  	[tilespmem:s28+$0x500] =	vst v0;
	v31 =	vor.u32 v10, v31;
	v24 =	vand.u32 $0xFFFFFF00, v24;
	v50 =	vld.idx.msk [tilespmem:v16+s13+$0x0], $0xffff;
	v16 =	vadd.s32 v37, v48  }
0x3cd: {  	v11 =	vld.idx.msk [tilespmem:v11+s13+$0x0], $0xffff;
	v20 =	vadd.s32 v38, v42;
	[tilespmem:s30+$0x180] =	vst v15;
	v15 =	vadd.s32 v37, v43;
	v16 =	vand.u32 $0xFFFFFF80, v16  }
0x3ce: {  	[tilespmem:s29+$0x180] =	vst v25;
	v25 =	vadd.s32 v49, v56;
	v23 =	vld.idx.msk [tilespmem:v26+s13+$0x0], $0xffff;
	v15 =	vand.u32 $0xFFFFFF80, v15;
	v22 =	vor.u32 v58, v16  }
0x3cf: {  	v20 =	vand.u32 $0xFFFFFF00, v20;
	v21 =	vor.u32 v58, v15;
	v15 =	vld.idx.msk [tilespmem:v19+s13+$0x0], $0xffff;
	v16 =	vadd.s32 v49, v48;
	[tilespmem:s10+$0x200] =	vst v55  }
0x3d0: {  	[tilespmem:s8+$0x580] =	vst v17;
	v25 =	vand.u32 $0xFFFFFF80, v25;
	v26 =	vor.u32 v12, v20;
	v16 =	vand.u32 $0xFFFFFF80, v16;
	v0 =	vld.idx.msk [tilespmem:v27+s13+$0x0], $0xffff  }
0x3d1: {  	[tilespmem:s31+$0x200] =	vst v13;
	v20 =	vor.u32 v40, v16;
	v16 =	vor.u32 v40, v25;
	v25 =	vadd.s32 v53, v48  }
0x3d2: {  	[tilespmem:s6+$0x580] =	vst v32;
	v24 =	vor.u32 v12, v24;
	v13 =	vld.idx.msk [tilespmem:v28+s13+$0x0], $0xffff;
	v25 =	vand.u32 $0xFFFFFF80, v25;
	v28 =	vadd.s32 v53, v56  }
0x3d3: {  	v32 =	vld.idx.msk [tilespmem:v46+s13+$0x0], $0xffff;
	[tilespmem:s30+$0x200] =	vst v23;
	v23 =	vadd.s32 v53, v43;
	v17 =	vor.u32 v4, v25;
	v25 =	vand.u32 $0xFFFFFF80, v28  }
0x3d4: {  	v28 =	vadd.s32 v52, v48;
	v27 =	vld.idx.msk [tilespmem:v33+s13+$0x0], $0xffff;
	v23 =	vand.u32 $0xFFFFFF80, v23;
	[tilespmem:s29+$0x200] =	vst v15;
	v33 =	vadd.s32 v52, v56  }
0x3d5: {  	[tilespmem:s28+$0x580] =	vst v11;
	v28 =	vand.u32 $0xFFFFFF80, v28;
	v15 =	vor.u32 v4, v23;
	v23 =	vld.idx.msk [tilespmem:v31+s13+$0x0], $0xffff;
	v31 =	vadd.s32 v52, v43  }
0x3d6: {  	v55 =	vld.idx.msk [tilespmem:v5+s13+$0x0], $0xffff;
	v5 =	vand.u32 $0xFFFFFF80, v33;
	[tilespmem:s10+$0x280] =	vst v0;
	v0 =	vor.u32 v4, v25;
	v25 =	vadd.s32 v39, v42  }
0x3d7: {  	v31 =	vand.u32 $0xFFFFFF80, v31;
	v26 =	vld.idx.msk [tilespmem:v26+s13+$0x0], $0xffff;
	v25 =	vand.u32 $0xFFFFFF00, v25;
	[tilespmem:s31+$0x280] =	vst v13;
	v13 =	vor.u32 v6, v28  }
0x3d8: {  	v11 =	vor.u32 v6, v31;
	v28 =	vld.idx.msk [tilespmem:v51+s13+$0x0], $0xffff;
	v31 =	vadd.s32 v54, v48;
	v51 =	vadd.s32 v54, v43  }
0x3d9: {  	v25 =	vor.u32 v14, v25;
	v30 =	vld.idx.msk [tilespmem:v30+s13+$0x0], $0xffff;
	v33 =	vand.u32 $0xFFFFFF80, v51;
	[tilespmem:s30+$0x280] =	vst v27;
	v27 =	vand.u32 $0xFFFFFF80, v31  }
0x3da: {  	v31 =	vadd.s32 v54, v56;
	[tilespmem:s29+$0x280] =	vst v23;
	v51 =	vor.u32 v8, v27;
	v27 =	vor.u32 v8, v33  }
0x3db: {  	v24 =	vld.idx.msk [tilespmem:v24+s13+$0x0], $0xffff;
	v23 =	vand.u32 $0xFFFFFF80, v31;
	[tilespmem:$0x1FCB0] =	vst v27  }
0x3dc: {  	s20 =	sadd.s32 $0x1, s26;
	v41 =	vor.u32 v14, v18;
	v18 =	vadd.s32 v37, v56;
	v23 =	vor.u32 v8, v23;
	[tilespmem:s10+$0x300] =	vst v26  }
0x3dd: {  	s21 =	sshll.u32 s20, $0x7;
	s22 =	simm.s32 $0x80;
	v18 =	vand.u32 $0xFFFFFF80, v18;
	v27 =	vld.idx.msk [tilespmem:v29+s13+$0x0], $0xffff;
	[tilespmem:$0x1FCC0] =	vst v23  }
0x3de: {  	s0 =	sand.u32 $0x40, s22;
	v18 =	vor.u32 v58, v18;
	v31 =	vmov s21;
	v23 =	vadd.s32 v37, v42;
	[tilespmem:s8+$0x600] =	vst v32  }
0x3df: {  	s4 =	sor.u32 $0x10, s0;
	v31 =	vshrl.u32 v31, $0x7;
	v26 =	vmov s20;
	v25 =	vld.idx.msk [tilespmem:v25+s13+$0x0], $0xffff;
	v23 =	vand.u32 $0xFFFFFF80, v23;
	[tilespmem:s6+$0x600] =	vst v55  }
0x3e0: {  	s18 =	sadd.s32 s20, s4;
	v29 =	vadd.s32 v59, v48;
	v26 =	vadd.s32 s0, v26;
	[tilespmem:s31+$0x300] =	vst v30;
	v23 =	vor.u32 v58, v23;
	v9 =	vld.idx.msk [tilespmem:v9+s13+$0x0], $0xffff  }
0x3e1: {  	s3 =	sor.u32 $0x30, s0;
	v32 =	vadd.s32 v59, v43;
	v55 =	vadd.s32 s18, v58;
	[tilespmem:s28+$0x600] =	vst v28;
	v30 =	vld.idx.msk [tilespmem:v7+s13+$0x0], $0xffff;
	v7 =	vbroadcast v26, $0x0  }
0x3e2: {  	s19 =	sor.u32 $0x20, s0;
	s9 =	sadd.s32 s20, s3;
	v26 =	vshll.u32 v31, $0x7;
	v31 =	vadd.s32 v59, v56;
	v33 =	vld.idx.msk [tilespmem:v34+s13+$0x0], $0xffff;
	[tilespmem:s30+$0x300] =	vst v24;
	v28 =	vand.u32 $0x7F, v55  }
0x3e3: {  	s7 =	sadd.s32 s20, s19;
	v46 =	vmovc v59;
	v24 =	vbroadcast v26, $0x0;
	v26 =	vadd.s32 s9, v58;
	v59 =	vld.idx.msk [tilespmem:v36+s13+$0x0], $0xffff;
	[tilespmem:s29+$0x300] =	vst v27;
	v7 =	vadd.s32 v58, v7  }
0x3e4: {  	v34 =	vld.idx.msk [tilespmem:v3+s13+$0x0], $0xffff;
	v26 =	vand.u32 $0x7F, v26;
	v27 =	vadd.s32 s7, v58;
	v7 =	vand.u32 $0x7F, v7;
	[tilespmem:s10+$0x380] =	vst v25  }
0x3e5: {  	v27 =	vand.u32 $0x7F, v27;
	v25 =	vor.u32 v24, v26;
	v26 =	vadd.s32 v49, v42;
	v23 =	vld.idx.msk [tilespmem:v23+s13+$0x0], $0xffff  }
0x3e6: {  	v36 =	vld.idx.msk [tilespmem:v41+s13+$0x0], $0xffff;
	v28 =	vor.u32 v24, v28;
	v55 =	vor.u32 v7, v24;
	v26 =	vand.u32 $0xFFFFFF80, v26;
	[tilespmem:s8+$0x680] =	vst v9  }
0x3e7: {  	v3 =	vand.u32 $0xFFFFFF80, v29;
	v24 =	vor.u32 v24, v27;
	[tilespmem:s31+$0x380] =	vst v33;
	v26 =	vor.u32 v40, v26;
	v27 =	vld.idx.msk [tilespmem:v57+s13+$0x0], $0xffff  }
0x3e8: {  	v29 =	vand.u32 $0xFFFFFF80, v31;
	v31 =	vadd.s32 v45, v48;
	v9 =	vor.u32 v10, v3;
	v22 =	vld.idx.msk [tilespmem:v22+s13+$0x0], $0xffff;
	[tilespmem:s30+$0x380] =	vst v59  }
0x3e9: {  	v3 =	vor.u32 v10, v29;
	v29 =	vand.u32 $0xFFFFFF80, v31;
	v31 =	vadd.s32 v45, v43;
	v21 =	vld.idx.msk [tilespmem:v21+s13+$0x0], $0xffff  }
0x3ea: {  	v19 =	vadd.s32 v49, v43;
	v57 =	vadd.s32 v45, v56;
	v25 =	vld.idx.msk [tilespmem:v25+s12+$0x0], $0xffff;
	[tilespmem:s10+$0x400] =	vst v23;
	v23 =	vand.u32 $0xFFFFFF80, v31  }
0x3eb: {  	v19 =	vand.u32 $0xFFFFFF80, v19;
	v41 =	vld.idx.msk [tilespmem:v55+s12+$0x0], $0xffff;
	v31 =	vand.u32 $0xFFFFFF80, v57;
	v23 =	vor.u32 v12, v23  }
0x3ec: {  	v19 =	vor.u32 v40, v19;
	v26 =	vld.idx.msk [tilespmem:v26+s13+$0x0], $0xffff;
	v31 =	vor.u32 v12, v31;
	[tilespmem:$0x1FCE0] =	vst v23  }
0x3ed: {  	v55 =	vor.u32 v12, v29;
	v29 =	vadd.s32 v44, v48;
	v28 =	vld.idx.msk [tilespmem:v28+s12+$0x0], $0xffff;
	[tilespmem:$0x1FCF0] =	vst v31  }
0x3ee: {  	v59 =	vadd.s32 v53, v42;
	v29 =	vand.u32 $0xFFFFFF80, v29;
	[tilespmem:s29+$0x380] =	vst v36;
	v24 =	vld.idx.msk [tilespmem:v24+s12+$0x0], $0xffff  }
0x3ef: {  	v29 =	vor.u32 v14, v29;
	v23 =	vand.u32 $0xFFFFFF80, v59;
	v31 =	vadd.s32 v44, v43;
	[tilespmem:s31+$0x400] =	vst v22;
	v18 =	vld.idx.msk [tilespmem:v18+s13+$0x0], $0xffff  }
0x3f0: {  	v59 =	vshll.u32 v25, $0x8;
	v22 =	vadd.s32 v44, v56;
	v25 =	vand.u32 $0xFFFFFF80, v31;
	v20 =	vld.idx.msk [tilespmem:v20+s13+$0x0], $0xffff;
	[tilespmem:$0x1FD00] =	vst v29  }
0x3f1: {  	v22 =	vand.u32 $0xFFFFFF80, v22;
	v25 =	vor.u32 v14, v25;
	[tilespmem:s30+$0x400] =	vst v21  }
0x3f2: {  	v22 =	vor.u32 v14, v22;
	v19 =	vld.idx.msk [tilespmem:v19+s13+$0x0], $0xffff;
	[tilespmem:$0x1FD30] =	vst v25  }
0x3f3: {  	[tilespmem:$0x1FC70] =	vst v22  }
0x3f4: {  	[tilespmem:s10+$0x480] =	vst v26  }
0x3f5: {  	[tilespmem:s6+$0x680] =	vst v30  }
0x3f6: {  	[tilespmem:s28+$0x680] =	vst v34  }
0x3f7: {  	v26 =	vld [tilespmem:$0x1FC80];
	[tilespmem:s8+$0x700] =	vst v27  }
0x3f8: {  	v43 =	vshll.u32 v24, $0x8;
	v24 =	vld [tilespmem:$0x1FC90];
	_ =	sdelay $0x6  }
0x3f9: {  	v23 =	vor.u32 v4, v23  }
0x3fa: {  	v24 =	vld.idx.msk [tilespmem:v24+s13+$0x0], $0xffff;
	_ =	sdelay $0x3  }
0x3fb: {  	v22 =	vld.idx.msk [tilespmem:v23+s13+$0x0], $0xffff  }
0x3fc: {  	v26 =	vld.idx.msk [tilespmem:v26+s13+$0x0], $0xffff;
	[tilespmem:$0x1FD10] =	vst v24  }
0x3fd: {  	v31 =	vadd.s32 v2, v59;
	v1 =	vld.idx.msk [tilespmem:v1+s13+$0x0], $0xffff  }
0x3fe: {  	v21 =	vand.u32 $0xFFFFFF00, v31  }
0x3ff: {  	v57 =	vshll.u32 v41, $0x8;
	v21 =	vor.u32 v58, v21;
	v23 =	vadd.s32 v52, v42  }
0x400: {  	v25 =	vadd.s32 v2, v57;
	v23 =	vand.u32 $0xFFFFFF80, v23  }
0x401: {  	v23 =	vor.u32 v6, v23;
	v24 =	vand.u32 $0xFFFFFF00, v25;
	[tilespmem:s29+$0x400] =	vst v18  }
0x402: {  	[tilespmem:$0x1FCD0] =	vst v1;
	v1 =	vor.u32 v58, v24;
	_ =	sdelay $0x1  }
0x403: {  	v48 =	vshll.u32 v28, $0x8;
	v21 =	vld.idx.msk [tilespmem:v21+s13+$0x0], $0xffff  }
0x404: {  	s20 =	simm.s32 $0x800;
	v28 =	vadd.s32 v2, v48;
	v16 =	vld.idx.msk [tilespmem:v16+s13+$0x0], $0xffff;
	[tilespmem:s10+$0x500] =	vst v22  }
0x405: {  	s7 =	sand.u32 $0x3FFFF800, s20;
	v29 =	vadd.s32 v60, v48;
	v25 =	vand.u32 $0xFFFFFF00, v28;
	[tilespmem:s30+$0x480] =	vst v19;
	v19 =	vld.idx.msk [tilespmem:v23+s13+$0x0], $0xffff  }
0x406: {  	s7 =	sadd.s32 $0x1A280, s7;
	v18 =	vor.u32 v58, v25;
	v25 =	vadd.s32 v47, v59;
	[tilespmem:s31+$0x480] =	vst v20;
	v1 =	vld.idx.msk [tilespmem:v1+s13+$0x0], $0xffff  }
0x407: {  	s5 =	sor.u32 s3, s7;
	v27 =	vadd.s32 v2, v43;
	v28 =	vadd.s32 v47, v43;
	v25 =	vand.u32 $0xFFFFFF00, v25;
	[tilespmem:s6+$0x700] =	vst v26  }
0x408: {  	v24 =	vand.u32 $0xFFFFFF00, v27;
	v27 =	vadd.s32 v47, v48;
	v22 =	vor.u32 v40, v25;
	[tilespmem:s5+$0x0] =	vst v21  }
0x409: {  	v25 =	vand.u32 $0xFFFFFF00, v27;
	v27 =	vand.u32 $0xFFFFFF00, v28;
	v28 =	vadd.s32 v60, v57;
	[tilespmem:s29+$0x480] =	vst v16  }
0x40a: {  	s0 =	sor.u32 s0, s7;
	v29 =	vand.u32 $0xFFFFFF00, v29;
	v30 =	vadd.s32 v60, v43;
	v28 =	vand.u32 $0xFFFFFF00, v28;
	[tilespmem:s10+$0x580] =	vst v19  }
0x40b: {  	v21 =	vor.u32 v4, v28;
	v28 =	vand.u32 $0xFFFFFF00, v30;
	v30 =	vadd.s32 v60, v59;
	[tilespmem:s0+$0x0] =	vst v1  }
0x40c: {  	v16 =	vor.u32 v4, v29;
	v29 =	vand.u32 $0xFFFFFF00, v30;
	v30 =	vld [tilespmem:$0x1FCA0];
	_ =	sdelay $0x4  }
0x40d: {  	v24 =	vor.u32 v58, v24;
	v23 =	vadd.s32 v54, v42  }
0x40e: {  	v18 =	vld.idx.msk [tilespmem:v18+s13+$0x0], $0xffff;
	v23 =	vand.u32 $0xFFFFFF80, v23  }
0x40f: {  	v17 =	vld.idx.msk [tilespmem:v17+s13+$0x0], $0xffff;
	v23 =	vor.u32 v8, v23  }
0x410: {  	v20 =	vadd.s32 v47, v57;
	v30 =	vld.idx.msk [tilespmem:v30+s13+$0x0], $0xffff  }
0x411: {  	v20 =	vand.u32 $0xFFFFFF00, v20;
	v15 =	vld.idx.msk [tilespmem:v15+s13+$0x0], $0xffff  }
0x412: {  	v20 =	vor.u32 v40, v20;
	v24 =	vld.idx.msk [tilespmem:v24+s13+$0x0], $0xffff  }
0x413: {  	v25 =	vor.u32 v40, v25;
	v22 =	vld.idx.msk [tilespmem:v22+s13+$0x0], $0xffff  }
0x414: {  	v5 =	vor.u32 v6, v5;
	v27 =	vor.u32 v40, v27;
	v23 =	vld.idx.msk [tilespmem:v23+s13+$0x0], $0xffff  }
0x415: {  	s3 =	sor.u32 s4, s7;
	v26 =	vadd.s32 v61, v57;
	v0 =	vld.idx.msk [tilespmem:v0+s13+$0x0], $0xffff;
	v19 =	vadd.s32 v46, v42;
	[tilespmem:$0x1FD50] =	vst v30  }
0x416: {  	s4 =	sor.u32 s19, s7;
	v28 =	vor.u32 v4, v28;
	v29 =	vor.u32 v4, v29;
	v19 =	vand.u32 $0xFFFFFF80, v19;
	[tilespmem:s3+$0x0] =	vst v18  }
0x417: {  	v26 =	vand.u32 $0xFFFFFF00, v26;
	v19 =	vor.u32 v10, v19;
	v1 =	vadd.s32 v61, v48;
	v20 =	vld.idx.msk [tilespmem:v20+s13+$0x0], $0xffff;
	[tilespmem:s4+$0x0] =	vst v24  }
0x418: {  	v30 =	vadd.s32 v61, v43;
	v18 =	vor.u32 v6, v26;
	[tilespmem:s5+$0x80] =	vst v22;
	v25 =	vld.idx.msk [tilespmem:v25+s13+$0x0], $0xffff  }
0x419: {  	v24 =	vand.u32 $0xFFFFFF00, v30;
	v26 =	vadd.s32 v62, v57;
	v22 =	vadd.s32 v61, v59;
	[tilespmem:s10+$0x600] =	vst v23;
	v27 =	vld.idx.msk [tilespmem:v27+s13+$0x0], $0xffff  }
0x41a: {  	v30 =	vadd.s32 v62, v48;
	[tilespmem:s31+$0x500] =	vst v17;
	v22 =	vand.u32 $0xFFFFFF00, v22;
	v23 =	vand.u32 $0xFFFFFF00, v26  }
0x41b: {  	[tilespmem:s1+$0x780] =	vst v50;
	v29 =	vld.idx.msk [tilespmem:v29+s13+$0x0], $0xffff;
	v26 =	vand.u32 $0xFFFFFF00, v30;
	v30 =	vadd.s32 v45, v42;
	v22 =	vor.u32 v6, v22  }
0x41c: {  	v17 =	vld.idx.msk [tilespmem:v19+s13+$0x0], $0xffff;
	[tilespmem:s0+$0x80] =	vst v20;
	v20 =	vor.u32 v8, v23;
	v23 =	vor.u32 v8, v26;
	v26 =	vand.u32 $0xFFFFFF80, v30  }
0x41d: {  	v31 =	vadd.s32 v62, v43;
	v1 =	vand.u32 $0xFFFFFF00, v1;
	v21 =	vld.idx.msk [tilespmem:v21+s13+$0x0], $0xffff;
	[tilespmem:s3+$0x80] =	vst v25;
	v25 =	vor.u32 v12, v26  }
0x41e: {  	v7 =	vand.u32 $0xFFFFFF80, v32;
	v1 =	vor.u32 v6, v1;
	[tilespmem:s4+$0x80] =	vst v27;
	v27 =	vadd.s32 v63, v48;
	v16 =	vld.idx.msk [tilespmem:v16+s13+$0x0], $0xffff  }
0x41f: {  	[tilespmem:s30+$0x500] =	vst v15;
	v24 =	vor.u32 v6, v24;
	v30 =	vadd.s32 v63, v43;
	v28 =	vld.idx.msk [tilespmem:v28+s13+$0x0], $0xffff;
	v27 =	vand.u32 $0xFFFFFF00, v27  }
0x420: {  	[tilespmem:s5+$0x100] =	vst v29;
	v29 =	vand.u32 $0xFFFFFF00, v30;
	v30 =	vadd.s32 v62, v59;
	v15 =	vor.u32 v10, v27  }
0x421: {  	[tilespmem:s10+$0x680] =	vst v17;
	v22 =	vld.idx.msk [tilespmem:v22+s13+$0x0], $0xffff;
	v27 =	vor.u32 v10, v29;
	v29 =	vand.u32 $0xFFFFFF00, v30;
	v30 =	vadd.s32 v44, v42  }
0x422: {  	v50 =	vadd.s32 v63, v59;
	v29 =	vor.u32 v8, v29;
	v30 =	vand.u32 $0xFFFFFF80, v30;
	v25 =	vld.idx.msk [tilespmem:v25+s13+$0x0], $0xffff;
	[tilespmem:s0+$0x100] =	vst v21  }
0x423: {  	v19 =	vand.u32 $0xFFFFFF00, v31;
	v31 =	vadd.s32 v38, v43;
	v18 =	vld.idx.msk [tilespmem:v18+s13+$0x0], $0xffff;
	[tilespmem:s3+$0x100] =	vst v16;
	v16 =	vor.u32 v14, v30  }
0x424: {  	v32 =	vand.u32 $0xFFFFFF00, v50;
	v19 =	vor.u32 v8, v19;
	v17 =	vadd.s32 v38, v57;
	[tilespmem:s4+$0x100] =	vst v28;
	v1 =	vld.idx.msk [tilespmem:v1+s13+$0x0], $0xffff  }
0x425: {  	[tilespmem:s29+$0x500] =	vst v0;
	v32 =	vor.u32 v10, v32;
	v17 =	vand.u32 $0xFFFFFF00, v17;
	v21 =	vadd.s32 v38, v48;
	v24 =	vld.idx.msk [tilespmem:v24+s13+$0x0], $0xffff  }
0x426: {  	v30 =	vor.u32 v12, v17;
	v17 =	vand.u32 $0xFFFFFF00, v31;
	[tilespmem:s5+$0x180] =	vst v22;
	v22 =	vadd.s32 v39, v43  }
0x427: {  	v21 =	vand.u32 $0xFFFFFF00, v21;
	v31 =	vor.u32 v12, v17;
	v17 =	vadd.s32 v39, v48;
	v29 =	vld.idx.msk [tilespmem:v29+s13+$0x0], $0xffff;
	[tilespmem:s10+$0x700] =	vst v25  }
0x428: {  	v28 =	vor.u32 v12, v21;
	v21 =	vadd.s32 v39, v57;
	v17 =	vand.u32 $0xFFFFFF00, v17;
	v0 =	vld.idx.msk [tilespmem:v16+s13+$0x0], $0xffff;
	[tilespmem:s0+$0x180] =	vst v18  }
0x429: {  	v21 =	vand.u32 $0xFFFFFF00, v21;
	v33 =	vor.u32 v14, v17;
	v17 =	vld.idx.msk [tilespmem:v20+s13+$0x0], $0xffff;
	[tilespmem:s3+$0x180] =	vst v1;
	v1 =	vadd.s32 v37, v48  }
0x42a: {  	v25 =	vor.u32 v14, v21;
	v21 =	vand.u32 $0xFFFFFF00, v22;
	[tilespmem:s4+$0x180] =	vst v24;
	v23 =	vld.idx.msk [tilespmem:v23+s13+$0x0], $0xffff;
	v1 =	vand.u32 $0xFFFFFF80, v1  }
0x42b: {  	v26 =	vadd.s32 v63, v57;
	v34 =	vor.u32 v14, v21;
	v21 =	vor.u32 v58, v1;
	v1 =	vld.idx.msk [tilespmem:v19+s13+$0x0], $0xffff  }
0x42c: {  	v13 =	vld.idx.msk [tilespmem:v13+s13+$0x0], $0xffff;
	v26 =	vand.u32 $0xFFFFFF00, v26;
	[tilespmem:s5+$0x200] =	vst v29  }
0x42d: {  	v26 =	vor.u32 v10, v26;
	v19 =	vadd.s32 v49, v48;
	v24 =	vld.idx.msk [tilespmem:v32+s13+$0x0], $0xffff;
	[tilespmem:s10+$0x780] =	vst v0  }
0x42e: {  	v0 =	vand.u32 $0xFFFFFF80, v19;
	[tilespmem:s0+$0x200] =	vst v17  }
0x42f: {  	v11 =	vld.idx.msk [tilespmem:v11+s13+$0x0], $0xffff;
	v19 =	vor.u32 v40, v0;
	v0 =	vadd.s32 v53, v57;
	[tilespmem:s3+$0x200] =	vst v23  }
0x430: {  	v5 =	vld.idx.msk [tilespmem:v5+s13+$0x0], $0xffff;
	v17 =	vadd.s32 v53, v48;
	v0 =	vand.u32 $0xFFFFFF80, v0;
	[tilespmem:s4+$0x200] =	vst v1;
	v1 =	vadd.s32 v53, v43  }
0x431: {  	[tilespmem:s31+$0x580] =	vst v13;
	v23 =	vld.idx.msk [tilespmem:v15+s13+$0x0], $0xffff;
	v15 =	vand.u32 $0xFFFFFF80, v17;
	v17 =	vor.u32 v4, v0;
	v0 =	vand.u32 $0xFFFFFF80, v1  }
0x432: {  	v13 =	vld.idx.msk [tilespmem:v26+s13+$0x0], $0xffff;
	[tilespmem:s5+$0x280] =	vst v24;
	v0 =	vor.u32 v4, v0  }
0x433: {  	v26 =	vld.idx.msk [tilespmem:v27+s13+$0x0], $0xffff;
	[tilespmem:$0x1FD20] =	vst v0  }
0x434: {  	[tilespmem:s30+$0x580] =	vst v11  }
0x435: {  	v20 =	vadd.s32 v38, v59;
	[tilespmem:s29+$0x580] =	vst v5  }
0x436: {  	v20 =	vand.u32 $0xFFFFFF00, v20;
	v0 =	vld [tilespmem:$0x1FCB0]  }
0x437: {  	v56 =	vor.u32 v12, v20  }
0x438: {  	v16 =	vadd.s32 v37, v57  }
0x439: {  	v16 =	vand.u32 $0xFFFFFF80, v16  }
0x43a: {  	v22 =	vor.u32 v58, v16;
	v16 =	vadd.s32 v49, v57;
	v1 =	vadd.s32 v39, v59  }
0x43b: {  	v50 =	vmovc v53;
	v29 =	vadd.s32 v49, v43;
	v24 =	vadd.s32 v52, v57;
	v1 =	vand.u32 $0xFFFFFF00, v1  }
0x43c: {  	v24 =	vand.u32 $0xFFFFFF80, v24;
	v53 =	vor.u32 v14, v1;
	v1 =	vadd.s32 v52, v43;
	v27 =	vld.idx.msk [tilespmem:v56+s13+$0x0], $0xffff;
	[tilespmem:s0+$0x280] =	vst v13  }
0x43d: {  	v16 =	vand.u32 $0xFFFFFF80, v16;
	v1 =	vand.u32 $0xFFFFFF80, v1;
	v13 =	vor.u32 v6, v24;
	v24 =	vld.idx.msk [tilespmem:v30+s13+$0x0], $0xffff  }
0x43e: {  	v29 =	vand.u32 $0xFFFFFF80, v29;
	[tilespmem:s3+$0x280] =	vst v23;
	v30 =	vadd.s32 v54, v57;
	v35 =	vld.idx.msk [tilespmem:v0+s13+$0x0], $0xffff;
	v0 =	vor.u32 v6, v1  }
0x43f: {  	v20 =	vor.u32 v40, v16;
	v16 =	vor.u32 v40, v29;
	v29 =	vld.idx.msk [tilespmem:v51+s13+$0x0], $0xffff;
	v1 =	vand.u32 $0xFFFFFF80, v30;
	[tilespmem:$0x1FD60] =	vst v0  }
0x440: {  	v0 =	vor.u32 v8, v1;
	v23 =	vld.idx.msk [tilespmem:v28+s13+$0x0], $0xffff;
	v28 =	vadd.s32 v54, v48;
	[tilespmem:s4+$0x280] =	vst v26  }
0x441: {  	[tilespmem:$0x1FD70] =	vst v0;
	v1 =	vand.u32 $0xFFFFFF80, v28  }
0x442: {  	[tilespmem:s5+$0x300] =	vst v27;
	v0 =	vor.u32 v8, v1  }
0x443: {  	v28 =	vld.idx.msk [tilespmem:v31+s13+$0x0], $0xffff;
	[tilespmem:$0x1FD80] =	vst v0  }
0x444: {  	[tilespmem:s31+$0x600] =	vst v29  }
0x445: {  	v0 =	vld [tilespmem:$0x1FCC0];
	_ =	sdelay $0x5  }
0x446: {  	v26 =	vadd.s32 v54, v43  }
0x447: {  	v7 =	vor.u32 v10, v7;
	v26 =	vand.u32 $0xFFFFFF80, v26  }
0x448: {  	v30 =	vadd.s32 v37, v59;
	v29 =	vld.idx.msk [tilespmem:v0+s13+$0x0], $0xffff;
	v0 =	vor.u32 v8, v26  }
0x449: {  	v27 =	vld.idx.msk [tilespmem:v53+s13+$0x0], $0xffff;
	v26 =	vand.u32 $0xFFFFFF80, v30;
	[tilespmem:$0x1FD90] =	vst v0  }
0x44a: {  	s18 =	sadd.s32 $0x1, s26;
	s20 =	simm.s32 $0xC0;
	v26 =	vor.u32 v58, v26;
	[tilespmem:s30+$0x600] =	vst v35  }
0x44b: {  	s21 =	sshll.u32 s18, $0x7;
	s1 =	sand.u32 $0x40, s20;
	v31 =	vmov s18;
	v9 =	vld.idx.msk [tilespmem:v9+s13+$0x0], $0xffff;
	[tilespmem:s0+$0x300] =	vst v24  }
0x44c: {  	v30 =	vmov s21;
	[tilespmem:s3+$0x300] =	vst v23;
	v23 =	vadd.s32 s1, v31;
	v7 =	vld.idx.msk [tilespmem:v7+s13+$0x0], $0xffff  }
0x44d: {  	v11 =	vadd.s32 v52, v48;
	v30 =	vshrl.u32 v30, $0x7;
	[tilespmem:s4+$0x300] =	vst v28;
	v25 =	vld.idx.msk [tilespmem:v25+s13+$0x0], $0xffff;
	v23 =	vbroadcast v23, $0x0  }
0x44e: {  	v56 =	vadd.s32 v49, v59;
	v24 =	vadd.s32 v46, v57;
	v30 =	vshll.u32 v30, $0x7;
	[tilespmem:s5+$0x380] =	vst v27;
	v33 =	vld.idx.msk [tilespmem:v33+s13+$0x0], $0xffff  }
0x44f: {  	s11 =	sor.u32 $0x30, s1;
	v35 =	vand.u32 $0xFFFFFF80, v56;
	v30 =	vbroadcast v30, $0x0;
	[tilespmem:s29+$0x600] =	vst v29;
	v23 =	vadd.s32 v58, v23;
	v26 =	vld.idx.msk [tilespmem:v26+s13+$0x0], $0xffff  }
0x450: {  	s9 =	sadd.s32 s18, s11;
	v34 =	vld.idx.msk [tilespmem:v34+s13+$0x0], $0xffff;
	v23 =	vand.u32 $0x7F, v23;
	[tilespmem:s31+$0x680] =	vst v9;
	v9 =	vand.u32 $0xFFFFFF80, v24;
	v24 =	vor.u32 v40, v35  }
0x451: {  	s7 =	sor.u32 $0x10, s1;
	s19 =	sor.u32 $0x20, s1;
	v5 =	vand.u32 $0xFFFFFF80, v11;
	v31 =	vadd.s32 s9, v58;
	v3 =	vld.idx.msk [tilespmem:v3+s13+$0x0], $0xffff;
	v23 =	vor.u32 v23, v30;
	[tilespmem:s30+$0x680] =	vst v7  }
0x452: {  	s22 =	sadd.s32 s18, s7;
	s18 =	sadd.s32 s18, s19;
	v31 =	vand.u32 $0x7F, v31;
	[tilespmem:s0+$0x380] =	vst v25;
	v25 =	vld.idx.msk [tilespmem:v55+s13+$0x0], $0xffff  }
0x453: {  	v18 =	vadd.s32 v37, v43;
	v27 =	vadd.s32 s18, v58;
	v31 =	vor.u32 v30, v31;
	[tilespmem:s3+$0x380] =	vst v33;
	v22 =	vld.idx.msk [tilespmem:v22+s13+$0x0], $0xffff  }
0x454: {  	v18 =	vand.u32 $0xFFFFFF80, v18;
	v11 =	vor.u32 v6, v5;
	v5 =	vmovc v54;
	v27 =	vand.u32 $0x7F, v27;
	v21 =	vld.idx.msk [tilespmem:v21+s13+$0x0], $0xffff;
	[tilespmem:s5+$0x400] =	vst v26  }
0x455: {  	v54 =	vadd.s32 s22, v58;
	v28 =	vadd.s32 v46, v48;
	v27 =	vor.u32 v30, v27;
	[tilespmem:s4+$0x380] =	vst v34;
	v24 =	vld.idx.msk [tilespmem:v24+s13+$0x0], $0xffff  }
0x456: {  	v18 =	vor.u32 v58, v18;
	v28 =	vand.u32 $0xFFFFFF80, v28;
	v7 =	vand.u32 $0x7F, v54;
	[tilespmem:s29+$0x680] =	vst v3;
	v3 =	vld.idx.msk [tilespmem:v23+s12+$0x0], $0xffff  }
0x457: {  	v56 =	vor.u32 v10, v9;
	v7 =	vor.u32 v30, v7;
	v30 =	vadd.s32 v45, v57;
	[tilespmem:s31+$0x700] =	vst v25  }
0x458: {  	v55 =	vor.u32 v10, v28;
	v9 =	vld.idx.msk [tilespmem:v31+s12+$0x0], $0xffff;
	v28 =	vand.u32 $0xFFFFFF80, v30;
	v26 =	vadd.s32 v45, v48;
	[tilespmem:s0+$0x400] =	vst v22  }
0x459: {  	v36 =	vmov v52;
	v52 =	vor.u32 v12, v28;
	v26 =	vand.u32 $0xFFFFFF80, v26;
	[tilespmem:s3+$0x400] =	vst v21  }
0x45a: {  	v32 =	vmov v44;
	v28 =	vadd.s32 v44, v57;
	v44 =	vor.u32 v12, v26;
	v26 =	vld.idx.msk [tilespmem:v27+s12+$0x0], $0xffff;
	[tilespmem:s5+$0x480] =	vst v24  }
0x45b: {  	v1 =	vmov v50;
	v30 =	vadd.s32 v50, v59;
	v50 =	vshll.u32 v3, $0x8;
	v3 =	vld [tilespmem:$0x1FCD0]  }
0x45c: {  	v7 =	vld.idx.msk [tilespmem:v7+s12+$0x0], $0xffff  }
0x45d: {  	v27 =	vadd.s32 v32, v48;
	v48 =	vshll.u32 v9, $0x8;
	v9 =	vld.idx.msk [tilespmem:v18+s13+$0x0], $0xffff  }
0x45e: {  	v29 =	vadd.s32 v46, v43  }
0x45f: {  	v29 =	vand.u32 $0xFFFFFF80, v29;
	v23 =	vand.u32 $0xFFFFFF80, v30  }
0x460: {  	v53 =	vor.u32 v10, v29;
	v29 =	vadd.s32 v45, v43;
	v23 =	vor.u32 v4, v23;
	[tilespmem:s8+$0x780] =	vst v3  }
0x461: {  	v41 =	vmovc v49;
	v18 =	vand.u32 $0xFFFFFF80, v27;
	v27 =	vadd.s32 v2, v48;
	v49 =	vshll.u32 v7, $0x8;
	v7 =	vld [tilespmem:$0x1FCE0]  }
0x462: {  	v34 =	vlaneseq.u32;
	v22 =	vand.u32 $0xFFFFFF80, v28;
	v21 =	vand.u32 $0xFFFFFF00, v27;
	v24 =	vld [tilespmem:$0x1FCF0];
	[tilespmem:s4+$0x400] =	vst v9  }
0x463: {  	v28 =	vadd.s32 v32, v43;
	v43 =	vor.u32 v14, v18;
	v18 =	vor.u32 v34, v21;
	v9 =	vld [tilespmem:$0x1FD00];
	_ =	sdelay $0x1  }
0x464: {  	v20 =	vld.idx.msk [tilespmem:v20+s13+$0x0], $0xffff  }
0x465: {  	v21 =	vld.idx.msk [tilespmem:v23+s13+$0x0], $0xffff  }
0x466: {  	v0 =	vmov v46;
	v46 =	vor.u32 v14, v22;
	v19 =	vld.idx.msk [tilespmem:v19+s13+$0x0], $0xffff;
	v22 =	vadd.s32 v36, v59  }
0x467: {  	v51 =	vshll.u32 v26, $0x8;
	v23 =	vadd.s32 v2, v49;
	v3 =	vand.u32 $0xFFFFFF80, v22;
	v18 =	vld.idx.msk [tilespmem:v18+s13+$0x0], $0xffff  }
0x468: {  	v23 =	vand.u32 $0xFFFFFF00, v23;
	v22 =	vadd.s32 v2, v50;
	v3 =	vor.u32 v6, v3;
	v7 =	vld.idx.msk [tilespmem:v7+s13+$0x0], $0xffff  }
0x469: {  	v23 =	vor.u32 v34, v23;
	v22 =	vand.u32 $0xFFFFFF00, v22;
	[tilespmem:s0+$0x480] =	vst v20;
	v57 =	vld.idx.msk [tilespmem:v24+s13+$0x0], $0xffff;
	v24 =	vadd.s32 v47, v48  }
0x46a: {  	s21 =	simm.s32 $0xC00;
	v22 =	vor.u32 v34, v22;
	[tilespmem:s5+$0x500] =	vst v21;
	v54 =	vld.idx.msk [tilespmem:v9+s13+$0x0], $0xffff;
	v9 =	vadd.s32 v2, v51;
	v24 =	vand.u32 $0xFFFFFF00, v24  }
0x46b: {  	s8 =	sand.u32 $0x3FFFF800, s21;
	v16 =	vld.idx.msk [tilespmem:v16+s13+$0x0], $0xffff;
	[tilespmem:s3+$0x480] =	vst v19;
	v9 =	vand.u32 $0xFFFFFF00, v9;
	v21 =	vor.u32 v40, v24  }
0x46c: {  	s22 =	sadd.s32 $0x1A280, s8;
	v19 =	vadd.s32 v5, v59;
	v24 =	vld [tilespmem:$0x1FD10];
	v9 =	vor.u32 v34, v9  }
0x46d: {  	s8 =	sor.u32 s11, s22;
	v19 =	vand.u32 $0xFFFFFF80, v19;
	v3 =	vld.idx.msk [tilespmem:v3+s13+$0x0], $0xffff  }
0x46e: {  	v15 =	vor.u32 v4, v15;
	v25 =	vand.u32 $0xFFFFFF80, v28;
	v19 =	vor.u32 v8, v19;
	v23 =	vld.idx.msk [tilespmem:v23+s13+$0x0], $0xffff;
	[tilespmem:s8+$0x0] =	vst v18  }
0x46f: {  	v42 =	vor.u32 v14, v25;
	v27 =	vadd.s32 v60, v48;
	[tilespmem:s30+$0x700] =	vst v7;
	v7 =	vld.idx.msk [tilespmem:v22+s13+$0x0], $0xffff  }
0x470: {  	v25 =	vadd.s32 v47, v49;
	v20 =	vadd.s32 v47, v50;
	[tilespmem:s4+$0x480] =	vst v16;
	v21 =	vld.idx.msk [tilespmem:v21+s13+$0x0], $0xffff  }
0x471: {  	v35 =	vmovc v5;
	v26 =	vadd.s32 v60, v49;
	v25 =	vand.u32 $0xFFFFFF00, v25;
	v20 =	vand.u32 $0xFFFFFF00, v20;
	[tilespmem:s28+$0x700] =	vst v24;
	v9 =	vld.idx.msk [tilespmem:v9+s13+$0x0], $0xffff  }
0x472: {  	v20 =	vor.u32 v40, v20;
	v22 =	vor.u32 v40, v25;
	v25 =	vadd.s32 v60, v50;
	v5 =	vld [tilespmem:$0x1FD20];
	[tilespmem:s5+$0x580] =	vst v3  }
0x473: {  	s11 =	sor.u32 s1, s22;
	v18 =	vand.u32 $0xFFFFFF00, v26;
	v26 =	vadd.s32 v60, v51;
	v25 =	vand.u32 $0xFFFFFF00, v25;
	v19 =	vld.idx.msk [tilespmem:v19+s13+$0x0], $0xffff  }
0x474: {  	s1 =	sor.u32 s7, s22;
	v16 =	vor.u32 v4, v25;
	v25 =	vand.u32 $0xFFFFFF00, v26;
	v26 =	vand.u32 $0xFFFFFF00, v27;
	[tilespmem:s11+$0x0] =	vst v7  }
0x475: {  	v3 =	vor.u32 v4, v18;
	v18 =	vor.u32 v4, v26;
	v26 =	vadd.s32 v0, v59;
	v0 =	vld [tilespmem:$0x1FD30];
	[tilespmem:s1+$0x0] =	vst v23  }
0x476: {  	s10 =	sor.u32 s19, s22;
	v24 =	vadd.s32 v47, v51;
	[tilespmem:s8+$0x80] =	vst v21  }
0x477: {  	v17 =	vld.idx.msk [tilespmem:v17+s13+$0x0], $0xffff;
	v24 =	vand.u32 $0xFFFFFF00, v24;
	[tilespmem:s10+$0x0] =	vst v9  }
0x478: {  	v15 =	vld.idx.msk [tilespmem:v15+s13+$0x0], $0xffff;
	v24 =	vor.u32 v40, v24;
	[tilespmem:s5+$0x600] =	vst v19  }
0x479: {  	v7 =	vand.u32 $0xFFFFFF80, v26;
	v19 =	vld [tilespmem:$0x1FD40]  }
0x47a: {  	v29 =	vand.u32 $0xFFFFFF80, v29;
	v20 =	vld.idx.msk [tilespmem:v20+s13+$0x0], $0xffff;
	v7 =	vor.u32 v10, v7  }
0x47b: {  	v31 =	vmov v45;
	v45 =	vor.u32 v12, v29;
	v22 =	vld.idx.msk [tilespmem:v22+s13+$0x0], $0xffff  }
0x47c: {  	v29 =	vadd.s32 v62, v51;
	v28 =	vadd.s32 v62, v49;
	v27 =	vadd.s32 v61, v50;
	v18 =	vld.idx.msk [tilespmem:v18+s13+$0x0], $0xffff  }
0x47d: {  	v25 =	vor.u32 v4, v25;
	v27 =	vand.u32 $0xFFFFFF00, v27;
	v26 =	vadd.s32 v61, v49;
	v24 =	vld.idx.msk [tilespmem:v24+s13+$0x0], $0xffff  }
0x47e: {  	v26 =	vand.u32 $0xFFFFFF00, v26;
	v9 =	vor.u32 v6, v27;
	v27 =	vadd.s32 v61, v48;
	v60 =	vld.idx.msk [tilespmem:v5+s13+$0x0], $0xffff  }
0x47f: {  	v23 =	vadd.s32 v61, v51;
	v26 =	vor.u32 v6, v26;
	v27 =	vand.u32 $0xFFFFFF00, v27;
	v7 =	vld.idx.msk [tilespmem:v7+s13+$0x0], $0xffff;
	[tilespmem:s11+$0x80] =	vst v20  }
0x480: {  	v21 =	vadd.s32 v62, v50;
	v27 =	vor.u32 v6, v27;
	[tilespmem:s0+$0x500] =	vst v17;
	v16 =	vld.idx.msk [tilespmem:v16+s13+$0x0], $0xffff  }
0x481: {  	[tilespmem:s1+$0x80] =	vst v22;
	v47 =	vld.idx.msk [tilespmem:v19+s13+$0x0], $0xffff;
	v19 =	vand.u32 $0xFFFFFF00, v21;
	v21 =	vand.u32 $0xFFFFFF00, v28;
	v28 =	vadd.s32 v31, v59  }
0x482: {  	v17 =	vand.u32 $0xFFFFFF00, v29;
	v3 =	vld.idx.msk [tilespmem:v3+s13+$0x0], $0xffff;
	[tilespmem:s8+$0x100] =	vst v18;
	v29 =	vor.u32 v8, v19;
	v19 =	vand.u32 $0xFFFFFF80, v28  }
0x483: {  	v23 =	vand.u32 $0xFFFFFF00, v23;
	v58 =	vld.idx.msk [tilespmem:v0+s13+$0x0], $0xffff;
	[tilespmem:s10+$0x80] =	vst v24;
	v28 =	vor.u32 v8, v17;
	v17 =	vor.u32 v12, v19  }
0x484: {  	v20 =	vadd.s32 v63, v49;
	v22 =	vadd.s32 v63, v51;
	v0 =	vld [tilespmem:$0x1FD50];
	v19 =	vadd.s32 v63, v50  }
0x485: {  	v18 =	vand.u32 $0xFFFFFF00, v20;
	v20 =	vld.idx.msk [tilespmem:v27+s13+$0x0], $0xffff;
	v30 =	vor.u32 v8, v21;
	v19 =	vand.u32 $0xFFFFFF00, v19  }
0x486: {  	[tilespmem:s3+$0x500] =	vst v15;
	v21 =	vld.idx.msk [tilespmem:v25+s13+$0x0], $0xffff;
	v24 =	vor.u32 v10, v19;
	v19 =	vand.u32 $0xFFFFFF00, v22;
	v22 =	vadd.s32 v62, v48  }
0x487: {  	v23 =	vor.u32 v6, v23;
	[tilespmem:s5+$0x680] =	vst v7;
	v31 =	vld.idx.msk [tilespmem:v11+s13+$0x0], $0xffff;
	v11 =	vadd.s32 v32, v59;
	v15 =	vand.u32 $0xFFFFFF00, v22  }
0x488: {  	v7 =	vadd.s32 v38, v50;
	[tilespmem:s11+$0x100] =	vst v16;
	v11 =	vand.u32 $0xFFFFFF80, v11;
	v15 =	vor.u32 v8, v15;
	v17 =	vld.idx.msk [tilespmem:v17+s13+$0x0], $0xffff  }
0x489: {  	v7 =	vand.u32 $0xFFFFFF00, v7;
	[tilespmem:s1+$0x100] =	vst v3;
	v3 =	vor.u32 v14, v11  }
0x48a: {  	[tilespmem:s4+$0x500] =	vst v60;
	v16 =	vadd.s32 v38, v49;
	v9 =	vld.idx.msk [tilespmem:v9+s13+$0x0], $0xffff;
	v59 =	vor.u32 v12, v7  }
0x48b: {  	v25 =	vor.u32 v10, v18;
	v18 =	vadd.s32 v38, v51;
	v7 =	vld.idx.msk [tilespmem:v26+s13+$0x0], $0xffff;
	[tilespmem:s10+$0x100] =	vst v21  }
0x48c: {  	v11 =	vand.u32 $0xFFFFFF00, v16;
	v16 =	vand.u32 $0xFFFFFF00, v18;
	[tilespmem:s8+$0x180] =	vst v20;
	v18 =	vadd.s32 v63, v48;
	v23 =	vld.idx.msk [tilespmem:v23+s13+$0x0], $0xffff  }
0x48d: {  	v20 =	vand.u32 $0xFFFFFF00, v18;
	v15 =	vld.idx.msk [tilespmem:v15+s13+$0x0], $0xffff;
	[tilespmem:s5+$0x700] =	vst v17  }
0x48e: {  	[tilespmem:s6+$0x780] =	vst v0;
	v26 =	vor.u32 v10, v20;
	v0 =	vld.idx.msk [tilespmem:v3+s13+$0x0], $0xffff  }
0x48f: {  	v13 =	vld.idx.msk [tilespmem:v13+s13+$0x0], $0xffff;
	[tilespmem:s11+$0x180] =	vst v9  }
0x490: {  	v9 =	vld.idx.msk [tilespmem:v29+s13+$0x0], $0xffff;
	[tilespmem:s1+$0x180] =	vst v7;
	v3 =	vadd.s32 v37, v50  }
0x491: {  	v29 =	vld.idx.msk [tilespmem:v30+s13+$0x0], $0xffff;
	[tilespmem:s10+$0x180] =	vst v23;
	v3 =	vand.u32 $0xFFFFFF80, v3  }
0x492: {  	v17 =	vor.u32 v34, v3;
	v3 =	vld.idx.msk [tilespmem:v28+s13+$0x0], $0xffff;
	[tilespmem:s8+$0x200] =	vst v15  }
0x493: {  	v28 =	vld.idx.msk [tilespmem:v26+s13+$0x0], $0xffff;
	[tilespmem:s5+$0x780] =	vst v0  }
0x494: {  	v0 =	vld [tilespmem:$0x1FD60];
	[tilespmem:s0+$0x580] =	vst v13  }
0x495: {  	[tilespmem:s11+$0x200] =	vst v9  }
0x496: {  	[tilespmem:s1+$0x200] =	vst v29  }
0x497: {  	v15 =	vadd.s32 v41, v49;
	[tilespmem:s3+$0x580] =	vst v31  }
0x498: {  	v5 =	vand.u32 $0xFFFFFF80, v15;
	[tilespmem:s10+$0x200] =	vst v3  }
0x499: {  	v13 =	vor.u32 v40, v5;
	[tilespmem:s8+$0x280] =	vst v28  }
0x49a: {  	v5 =	vadd.s32 v1, v50;
	v9 =	vadd.s32 v1, v49;
	v3 =	vadd.s32 v1, v51;
	v1 =	vld [tilespmem:$0x1FD70];
	_ =	sdelay $0x2  }
0x49b: {  	v0 =	vld.idx.msk [tilespmem:v0+s13+$0x0], $0xffff;
	_ =	sdelay $0x2  }
0x49c: {  	v27 =	vor.u32 v10, v19  }
0x49d: {  	v23 =	vadd.s32 v38, v48;
	v30 =	vld.idx.msk [tilespmem:v24+s13+$0x0], $0xffff;
	v5 =	vand.u32 $0xFFFFFF80, v5;
	v24 =	vand.u32 $0xFFFFFF80, v9  }
0x49e: {  	v9 =	vor.u32 v4, v5;
	v5 =	vor.u32 v4, v24;
	v24 =	vld.idx.msk [tilespmem:v1+s13+$0x0], $0xffff;
	[tilespmem:s4+$0x580] =	vst v0  }
0x49f: {  	v21 =	vor.u32 v12, v16;
	v16 =	vadd.s32 v39, v49;
	v23 =	vand.u32 $0xFFFFFF00, v23;
	v1 =	vld [tilespmem:$0x1FD80]  }
0x4a0: {  	v7 =	vadd.s32 v37, v49;
	v16 =	vand.u32 $0xFFFFFF00, v16;
	v23 =	vor.u32 v12, v23  }
0x4a1: {  	v7 =	vand.u32 $0xFFFFFF80, v7;
	v20 =	vor.u32 v14, v16  }
0x4a2: {  	v16 =	vor.u32 v34, v7;
	v7 =	vadd.s32 v41, v50;
	v26 =	vadd.s32 v41, v51  }
0x4a3: {  	v7 =	vand.u32 $0xFFFFFF80, v7;
	v26 =	vand.u32 $0xFFFFFF80, v26  }
0x4a4: {  	v15 =	vor.u32 v40, v7;
	v7 =	vor.u32 v40, v26;
	v26 =	vld.idx.msk [tilespmem:v27+s13+$0x0], $0xffff  }
0x4a5: {  	v27 =	vld.idx.msk [tilespmem:v23+s13+$0x0], $0xffff;
	v23 =	vadd.s32 v39, v48  }
0x4a6: {  	v29 =	vadd.s32 v36, v49;
	v28 =	vadd.s32 v36, v50;
	v23 =	vand.u32 $0xFFFFFF00, v23  }
0x4a7: {  	v0 =	vand.u32 $0xFFFFFF80, v28;
	v28 =	vand.u32 $0xFFFFFF80, v29;
	v29 =	vor.u32 v14, v23;
	[tilespmem:s11+$0x280] =	vst v30;
	v23 =	vld.idx.msk [tilespmem:v1+s13+$0x0], $0xffff  }
0x4a8: {  	v1 =	vor.u32 v6, v0;
	v0 =	vld [tilespmem:$0x1FD90]  }
0x4a9: {  	v22 =	vor.u32 v12, v11;
	v11 =	vadd.s32 v39, v50  }
0x4aa: {  	v19 =	vadd.s32 v39, v51;
	v11 =	vand.u32 $0xFFFFFF00, v11  }
0x4ab: {  	v18 =	vor.u32 v14, v11;
	v11 =	vand.u32 $0xFFFFFF00, v19;
	v25 =	vld.idx.msk [tilespmem:v25+s13+$0x0], $0xffff  }
0x4ac: {  	v19 =	vor.u32 v14, v11;
	v11 =	vadd.s32 v37, v51  }
0x4ad: {  	v11 =	vand.u32 $0xFFFFFF80, v11  }
0x4ae: {  	v11 =	vor.u32 v34, v11;
	v31 =	vadd.s32 v36, v51;
	v3 =	vand.u32 $0xFFFFFF80, v3  }
0x4af: {  	v3 =	vor.u32 v4, v3;
	v63 =	vor.u32 v6, v28;
	v30 =	vand.u32 $0xFFFFFF80, v31;
	v28 =	vld.idx.msk [tilespmem:v59+s13+$0x0], $0xffff  }
0x4b0: {  	s5 =	simm.s32 $0xC;
	v59 =	vor.u32 v6, v30;
	[tilespmem:s1+$0x280] =	vst v25;
	v25 =	vadd.s32 v35, v50;
	v0 =	vld.idx.msk [tilespmem:v0+s13+$0x0], $0xffff  }
.LBB2_15:
0x4b1: {  	v22 =	vld.idx.msk [tilespmem:v22+s13+$0x0], $0xffff  }
0x4b2: {  	v36 =	vld [tilespmem:$0x1FE80]  }
0x4b3: {  	v33 =	vld [tilespmem:$0x1FE70]  }
0x4b4: {  	v41 =	vld [tilespmem:$0x1FE40]  }
0x4b5: {  	v40 =	vld [tilespmem:$0x1FED0]  }
0x4b6: {  	s5 =	sadd.s32 $0x4, s5;
	v38 =	vld [tilespmem:$0x1FE50]  }
0x4b7: {  	v35 =	vld [tilespmem:$0x1FEB0];
	s6 =	sshrl.u32 s5, $0x3;
	[tilespmem:s10+$0x280] =	vst v26  }
0x4b8: {  	s20 =	sadd.s32 $0x40, s20;
	v4 =	vld [tilespmem:$0x1FEE0];
	s19 =	sadd.s32 s26, s6;
	[tilespmem:s8+$0x300] =	vst v27  }
0x4b9: {  	v25 =	vand.u32 $0xFFFFFF80, v25;
	s7 =	sand.u32 $0x40, s20;
	v21 =	vld.idx.msk [tilespmem:v21+s13+$0x0], $0xffff;
	s6 =	sshll.u32 s19, $0x7;
	v27 =	vmov s19;
	[tilespmem:s0+$0x600] =	vst v24  }
0x4ba: {  	v61 =	vor.u32 v8, v25;
	v24 =	vmov s6;
	v31 =	vld.idx.msk [tilespmem:v56+s13+$0x0], $0xffff;
	[tilespmem:s3+$0x600] =	vst v23;
	v23 =	vadd.s32 s7, v27  }
0x4bb: {  	[tilespmem:s11+$0x300] =	vst v28;
	v30 =	vadd.s32 v36, v49;
	v26 =	vadd.s32 v36, v51;
	v24 =	vshrl.u32 v24, $0x7;
	v28 =	vld.idx.msk [tilespmem:v55+s13+$0x0], $0xffff  }
0x4bc: {  	s18 =	sor.u32 $0x10, s7;
	s21 =	sor.u32 $0x30, s7;
	s6 =	sor.u32 $0x20, s7;
	v27 =	vadd.s32 v33, v51;
	v23 =	vbroadcast v23, $0x0;
	v18 =	vld.idx.msk [tilespmem:v18+s13+$0x0], $0xffff;
	[tilespmem:s1+$0x300] =	vst v22;
	v25 =	vand.u32 $0xFFFFFF80, v30  }
0x4bd: {  	s9 =	sadd.s32 s19, s18;
	s22 =	sadd.s32 s19, s6;
	s19 =	sadd.s32 s19, s21;
	v26 =	vand.u32 $0xFFFFFF80, v26;
	v24 =	vshll.u32 v24, $0x7;
	v20 =	vld.idx.msk [tilespmem:v20+s13+$0x0], $0xffff;
	v62 =	vor.u32 v8, v25  }
0x4be: {  	v32 =	vadd.s32 s19, v34;
	v60 =	vor.u32 v8, v26;
	v25 =	vld.idx.msk [tilespmem:v29+s13+$0x0], $0xffff;
	v26 =	vadd.s32 v37, v48;
	[tilespmem:s10+$0x300] =	vst v21  }
0x4bf: {  	v22 =	vbroadcast v24, $0x0;
	v24 =	vadd.s32 s9, v34;
	v32 =	vand.u32 $0x7F, v32;
	v19 =	vld.idx.msk [tilespmem:v19+s13+$0x0], $0xffff;
	[tilespmem:s4+$0x600] =	vst v0  }
0x4c0: {  	v39 =	vld [tilespmem:$0x1FE60];
	v26 =	vand.u32 $0xFFFFFF80, v26;
	v21 =	vadd.s32 v34, v23;
	v23 =	vadd.s32 s22, v34;
	[tilespmem:s0+$0x680] =	vst v31  }
0x4c1: {  	v26 =	vor.u32 v34, v26;
	v21 =	vand.u32 $0x7F, v21;
	v0 =	vand.u32 $0x7F, v24;
	v31 =	vld.idx.msk [tilespmem:v53+s13+$0x0], $0xffff;
	[tilespmem:s11+$0x380] =	vst v18  }
0x4c2: {  	v23 =	vand.u32 $0x7F, v23;
	v21 =	vor.u32 v21, v22;
	v0 =	vor.u32 v22, v0;
	[tilespmem:s3+$0x680] =	vst v28;
	v17 =	vld.idx.msk [tilespmem:v17+s13+$0x0], $0xffff  }
0x4c3: {  	[tilespmem:s8+$0x380] =	vst v25;
	v25 =	vor.u32 v22, v32;
	v22 =	vor.u32 v22, v23;
	v23 =	vand.u32 $0xFFFFFF80, v27;
	v27 =	vld.idx.msk [tilespmem:v52+s13+$0x0], $0xffff  }
0x4c4: {  	[tilespmem:s1+$0x380] =	vst v20;
	v32 =	vld [tilespmem:$0x1FE90]  }
0x4c5: {  	v56 =	vadd.s32 v41, v48;
	[tilespmem:s29+$0x700] =	vst v57;
	v16 =	vld.idx.msk [tilespmem:v16+s13+$0x0], $0xffff  }
0x4c6: {  	v24 =	vand.u32 $0xFFFFFF80, v56;
	v26 =	vld.idx.msk [tilespmem:v26+s13+$0x0], $0xffff;
	[tilespmem:s10+$0x380] =	vst v19  }
0x4c7: {  	v30 =	vadd.s32 v33, v49;
	v24 =	vor.u32 v40, v24;
	[tilespmem:s4+$0x680] =	vst v31;
	v21 =	vld.idx.msk [tilespmem:v21+s12+$0x0], $0xffff  }
0x4c8: {  	v18 =	vand.u32 $0xFFFFFF80, v30;
	v57 =	vld.idx.msk [tilespmem:v45+s13+$0x0], $0xffff  }
0x4c9: {  	v29 =	vadd.s32 v33, v50;
	v55 =	vor.u32 v10, v18;
	[tilespmem:s11+$0x400] =	vst v17;
	v18 =	vld.idx.msk [tilespmem:v25+s12+$0x0], $0xffff  }
0x4ca: {  	v28 =	vadd.s32 v35, v51;
	v20 =	vadd.s32 v32, v50;
	v22 =	vld.idx.msk [tilespmem:v22+s12+$0x0], $0xffff;
	[tilespmem:s0+$0x700] =	vst v27  }
0x4cb: {  	v53 =	vor.u32 v10, v23;
	v19 =	vand.u32 $0xFFFFFF80, v20;
	v20 =	vadd.s32 v32, v49;
	v15 =	vld.idx.msk [tilespmem:v15+s13+$0x0], $0xffff;
	[tilespmem:s8+$0x400] =	vst v26  }
0x4cc: {  	v23 =	vadd.s32 v32, v51;
	v25 =	vadd.s32 v38, v48;
	v20 =	vand.u32 $0xFFFFFF80, v20;
	v24 =	vld.idx.msk [tilespmem:v24+s13+$0x0], $0xffff  }
0x4cd: {  	[tilespmem:s31+$0x780] =	vst v54;
	v52 =	vor.u32 v12, v19;
	v19 =	vor.u32 v12, v20;
	v20 =	vand.u32 $0xFFFFFF80, v25;
	v25 =	vld.idx.msk [tilespmem:v0+s12+$0x0], $0xffff  }
0x4ce: {  	v23 =	vand.u32 $0xFFFFFF80, v23;
	v54 =	vld.idx.msk [tilespmem:v46+s13+$0x0], $0xffff;
	v0 =	vadd.s32 v35, v50;
	[tilespmem:s1+$0x400] =	vst v16;
	v20 =	vor.u32 v4, v20  }
0x4cf: {  	v26 =	vadd.s32 v35, v49;
	v17 =	vand.u32 $0xFFFFFF80, v0;
	v13 =	vld.idx.msk [tilespmem:v13+s13+$0x0], $0xffff;
	v0 =	vshll.u32 v18, $0x8  }
0x4d0: {  	v23 =	vor.u32 v12, v23;
	v18 =	vand.u32 $0xFFFFFF80, v26;
	v26 =	vld.idx.msk [tilespmem:v11+s13+$0x0], $0xffff;
	v27 =	vadd.s32 v2, v0  }
0x4d1: {  	v50 =	vshll.u32 v21, $0x8;
	v21 =	vadd.s32 v39, v48;
	[tilespmem:s28+$0x780] =	vst v47;
	v16 =	vand.u32 $0xFFFFFF00, v27;
	v27 =	vld [tilespmem:$0x1FDE0]  }
0x4d2: {  	v21 =	vand.u32 $0xFFFFFF80, v21;
	v17 =	vor.u32 v14, v17;
	[tilespmem:s8+$0x480] =	vst v24;
	v49 =	vshll.u32 v25, $0x8;
	v25 =	vld.idx.msk [tilespmem:v44+s13+$0x0], $0xffff  }
0x4d3: {  	v11 =	vand.u32 $0xFFFFFF80, v28;
	v21 =	vor.u32 v6, v21;
	v16 =	vor.u32 v34, v16;
	[tilespmem:s30+$0x780] =	vst v58;
	s30 =	smov.u32 s3;
	s3 =	smov.u32 s1;
	v20 =	vld.idx.msk [tilespmem:v20+s13+$0x0], $0xffff  }
0x4d4: {  	v51 =	vshll.u32 v22, $0x8;
	s28 =	smov.u32 s29;
	s29 =	smov.u32 s4;
	s4 =	smov.u32 s10;
	v28 =	vld [tilespmem:$0x1FDF0];
	v24 =	vadd.s32 v2, v50;
	v44 =	vmovc v19;
	v19 =	vadd.s32 v2, v49;
	[tilespmem:s3+$0x480] =	vst v13  }
0x4d5: {  	s31 =	smov.u32 s0;
	s0 =	smov.u32 s11;
	v45 =	vmovc v23;
	v22 =	vand.u32 $0xFFFFFF00, v24;
	v24 =	vadd.s32 v2, v51;
	v19 =	vand.u32 $0xFFFFFF00, v19;
	[tilespmem:s4+$0x400] =	vst v26;
	v5 =	vld.idx.msk [tilespmem:v5+s13+$0x0], $0xffff  }
0x4d6: {  	[tilespmem:s0+$0x480] =	vst v15;
	v22 =	vor.u32 v34, v22;
	v23 =	vand.u32 $0xFFFFFF00, v24;
	v19 =	vor.u32 v34, v19;
	v7 =	vld.idx.msk [tilespmem:v7+s13+$0x0], $0xffff  }
0x4d7: {  	v23 =	vor.u32 v34, v23;
	v15 =	vadd.s32 v27, v50;
	v24 =	vadd.s32 v27, v0;
	[tilespmem:s30+$0x700] =	vst v25  }
0x4d8: {  	v26 =	vadd.s32 v27, v49;
	v27 =	vadd.s32 v27, v51;
	v16 =	vld.idx.msk [tilespmem:v16+s13+$0x0], $0xffff;
	v24 =	vand.u32 $0xFFFFFF00, v24;
	[tilespmem:s8+$0x500] =	vst v20  }
0x4d9: {  	s11 =	sshll.u32 s5, $0x8;
	v25 =	vadd.s32 v28, v49;
	v20 =	vor.u32 v40, v24;
	v13 =	vld.idx.msk [tilespmem:v21+s13+$0x0], $0xffff;
	v21 =	vadd.s32 v36, v48  }
0x4da: {  	v46 =	vmovc v17;
	s1 =	sand.u32 $0x3FFFF800, s11;
	v24 =	vand.u32 $0xFFFFFF00, v26;
	v26 =	vand.u32 $0xFFFFFF00, v27;
	v21 =	vand.u32 $0xFFFFFF80, v21  }
0x4db: {  	s19 =	sadd.s32 $0x1A280, s1;
	v17 =	vld.idx.msk [tilespmem:v22+s13+$0x0], $0xffff;
	v22 =	vor.u32 v40, v24;
	v24 =	vadd.s32 v28, v50;
	v21 =	vor.u32 v8, v21  }
0x4dc: {  	s22 =	sor.u32 s21, s19;
	v25 =	vand.u32 $0xFFFFFF00, v25;
	v27 =	vadd.s32 v28, v51;
	v24 =	vand.u32 $0xFFFFFF00, v24  }
0x4dd: {  	v23 =	vld.idx.msk [tilespmem:v23+s13+$0x0], $0xffff;
	[tilespmem:s22+$0x0] =	vst v16;
	v16 =	vor.u32 v4, v24;
	v24 =	vand.u32 $0xFFFFFF00, v27;
	v27 =	vadd.s32 v28, v0  }
0x4de: {  	v29 =	vand.u32 $0xFFFFFF80, v29;
	[tilespmem:s4+$0x480] =	vst v7;
	v7 =	vor.u32 v4, v25;
	v20 =	vld.idx.msk [tilespmem:v20+s13+$0x0], $0xffff;
	v25 =	vand.u32 $0xFFFFFF00, v27  }
0x4df: {  	v56 =	vor.u32 v10, v29;
	v29 =	vld [tilespmem:$0x1FDD0];
	[tilespmem:s8+$0x580] =	vst v13;
	v25 =	vor.u32 v4, v25  }
0x4e0: {  	v15 =	vand.u32 $0xFFFFFF00, v15;
	v21 =	vld.idx.msk [tilespmem:v21+s13+$0x0], $0xffff  }
0x4e1: {  	v30 =	vld [tilespmem:$0x1FE00];
	v15 =	vor.u32 v40, v15  }
0x4e2: {  	v19 =	vld.idx.msk [tilespmem:v19+s13+$0x0], $0xffff  }
0x4e3: {  	v9 =	vld.idx.msk [tilespmem:v9+s13+$0x0], $0xffff;
	s11 =	sor.u32 s7, s19;
	[tilespmem:s22+$0x80] =	vst v20  }
0x4e4: {  	[tilespmem:s11+$0x0] =	vst v17;
	v25 =	vld.idx.msk [tilespmem:v25+s13+$0x0], $0xffff  }
0x4e5: {  	[tilespmem:s8+$0x600] =	vst v21;
	v21 =	vld [tilespmem:$0x1FC70]  }
0x4e6: {  	s1 =	sor.u32 s18, s19;
	v26 =	vor.u32 v40, v26;
	v15 =	vld.idx.msk [tilespmem:v15+s13+$0x0], $0xffff  }
0x4e7: {  	v18 =	vor.u32 v14, v18;
	v58 =	vld.idx.msk [tilespmem:v43+s13+$0x0], $0xffff;
	v27 =	vadd.s32 v33, v48;
	[tilespmem:s1+$0x0] =	vst v19  }
0x4e8: {  	s10 =	sor.u32 s6, s19;
	v43 =	vmov v18;
	v27 =	vand.u32 $0xFFFFFF80, v27;
	v18 =	vld.idx.msk [tilespmem:v22+s13+$0x0], $0xffff  }
0x4e9: {  	v3 =	vld.idx.msk [tilespmem:v3+s13+$0x0], $0xffff;
	v19 =	vor.u32 v10, v27;
	[tilespmem:s10+$0x0] =	vst v23  }
0x4ea: {  	v31 =	vld [tilespmem:$0x1FE10];
	v11 =	vor.u32 v14, v11;
	v28 =	vadd.s32 v30, v51;
	v13 =	vadd.s32 v30, v50;
	[tilespmem:s0+$0x500] =	vst v9  }
0x4eb: {  	v24 =	vor.u32 v4, v24;
	v17 =	vadd.s32 v30, v49;
	v13 =	vand.u32 $0xFFFFFF00, v13;
	v26 =	vld.idx.msk [tilespmem:v26+s13+$0x0], $0xffff;
	[tilespmem:s11+$0x80] =	vst v15  }
0x4ec: {  	v23 =	vadd.s32 v29, v50;
	v22 =	vand.u32 $0xFFFFFF00, v28;
	v28 =	vadd.s32 v30, v0;
	v16 =	vld.idx.msk [tilespmem:v16+s13+$0x0], $0xffff  }
0x4ed: {  	v17 =	vand.u32 $0xFFFFFF00, v17;
	v13 =	vor.u32 v6, v13;
	v28 =	vand.u32 $0xFFFFFF00, v28;
	[tilespmem:s1+$0x80] =	vst v18;
	v47 =	vld.idx.msk [tilespmem:v21+s13+$0x0], $0xffff;
	v21 =	vmovc v42  }
0x4ee: {  	v17 =	vor.u32 v6, v17;
	v23 =	vand.u32 $0xFFFFFF00, v23;
	v9 =	vld.idx.msk [tilespmem:v19+s13+$0x0], $0xffff;
	[tilespmem:$0x1FC70] =	vst v21;
	v21 =	vor.u32 v6, v28  }
0x4ef: {  	v27 =	vor.u32 v6, v22;
	v22 =	vadd.s32 v29, v51;
	v20 =	vadd.s32 v29, v49;
	v7 =	vld.idx.msk [tilespmem:v7+s13+$0x0], $0xffff  }
0x4f0: {  	v20 =	vand.u32 $0xFFFFFF00, v20;
	v15 =	vor.u32 v8, v23;
	v19 =	vadd.s32 v32, v48;
	v32 =	vld [tilespmem:$0x1FE20];
	[tilespmem:s10+$0x80] =	vst v26  }
0x4f1: {  	v23 =	vor.u32 v8, v20;
	v20 =	vadd.s32 v31, v49;
	[tilespmem:s3+$0x500] =	vst v5;
	v19 =	vand.u32 $0xFFFFFF80, v19;
	v24 =	vld.idx.msk [tilespmem:v24+s13+$0x0], $0xffff  }
0x4f2: {  	v1 =	vld.idx.msk [tilespmem:v1+s13+$0x0], $0xffff;
	v20 =	vand.u32 $0xFFFFFF00, v20;
	v18 =	vor.u32 v12, v19;
	v19 =	vadd.s32 v31, v50;
	[tilespmem:s22+$0x100] =	vst v25  }
0x4f3: {  	v5 =	vor.u32 v10, v20;
	v20 =	vadd.s32 v35, v48;
	v19 =	vand.u32 $0xFFFFFF00, v19;
	[tilespmem:s11+$0x100] =	vst v16;
	v26 =	vld.idx.msk [tilespmem:v21+s13+$0x0], $0xffff  }
0x4f4: {  	v42 =	vmovc v11;
	v11 =	vand.u32 $0xFFFFFF00, v22;
	v22 =	vadd.s32 v31, v51;
	v21 =	vadd.s32 v29, v0;
	v29 =	vld.idx.msk [tilespmem:v63+s13+$0x0], $0xffff  }
0x4f5: {  	v48 =	vmov v0;
	v25 =	vor.u32 v10, v19;
	v19 =	vand.u32 $0xFFFFFF00, v22;
	[tilespmem:s8+$0x680] =	vst v9;
	v0 =	vld.idx.msk [tilespmem:v13+s13+$0x0], $0xffff  }
0x4f6: {  	v20 =	vand.u32 $0xFFFFFF80, v20;
	v16 =	vadd.s32 v32, v49;
	v28 =	vor.u32 v10, v19;
	[tilespmem:s10+$0x100] =	vst v24;
	v63 =	vld [tilespmem:$0x1FE30]  }
0x4f7: {  	v9 =	vadd.s32 v32, v50;
	[tilespmem:s1+$0x100] =	vst v7;
	v7 =	vand.u32 $0xFFFFFF00, v16;
	v19 =	vand.u32 $0xFFFFFF00, v21;
	v24 =	vld.idx.msk [tilespmem:v27+s13+$0x0], $0xffff  }
0x4f8: {  	v18 =	vld.idx.msk [tilespmem:v18+s13+$0x0], $0xffff;
	v21 =	vadd.s32 v32, v51;
	v9 =	vand.u32 $0xFFFFFF00, v9;
	v19 =	vor.u32 v8, v19  }
0x4f9: {  	v22 =	vor.u32 v12, v7;
	v30 =	vor.u32 v12, v9;
	v9 =	vld.idx.msk [tilespmem:v17+s13+$0x0], $0xffff;
	v7 =	vand.u32 $0xFFFFFF00, v21  }
0x4fa: {  	v11 =	vor.u32 v8, v11;
	v13 =	vor.u32 v14, v20;
	v21 =	vor.u32 v12, v7;
	[tilespmem:s22+$0x180] =	vst v26  }
0x4fb: {  	v16 =	vadd.s32 v63, v50;
	v7 =	vadd.s32 v63, v49;
	v17 =	vadd.s32 v63, v51;
	[tilespmem:s11+$0x180] =	vst v0  }
0x4fc: {  	v0 =	vadd.s32 v37, v50;
	v16 =	vand.u32 $0xFFFFFF00, v16;
	v7 =	vand.u32 $0xFFFFFF00, v7;
	[tilespmem:s10+$0x180] =	vst v24  }
0x4fd: {  	v0 =	vand.u32 $0xFFFFFF80, v0;
	v24 =	vadd.s32 v32, v48;
	v26 =	vld.idx.msk [tilespmem:v19+s13+$0x0], $0xffff;
	v19 =	vadd.s32 v31, v48;
	[tilespmem:s8+$0x700] =	vst v18  }
0x4fe: {  	v18 =	vor.u32 v14, v16;
	v16 =	vand.u32 $0xFFFFFF00, v17;
	v20 =	vor.u32 v14, v7;
	v7 =	vld.idx.msk [tilespmem:v15+s13+$0x0], $0xffff;
	[tilespmem:s1+$0x180] =	vst v9  }
0x4ff: {  	v9 =	vadd.s32 v37, v49;
	v17 =	vor.u32 v34, v0;
	v19 =	vand.u32 $0xFFFFFF00, v19;
	v0 =	vld.idx.msk [tilespmem:v23+s13+$0x0], $0xffff  }
0x500: {  	[tilespmem:s4+$0x500] =	vst v3;
	v15 =	vadd.s32 v41, v49;
	v24 =	vand.u32 $0xFFFFFF00, v24;
	v3 =	vld.idx.msk [tilespmem:v13+s13+$0x0], $0xffff;
	v27 =	vor.u32 v10, v19  }
0x501: {  	v31 =	vld.idx.msk [tilespmem:v59+s13+$0x0], $0xffff;
	[tilespmem:s0+$0x580] =	vst v1;
	v13 =	vadd.s32 v37, v51;
	v9 =	vand.u32 $0xFFFFFF80, v9;
	v24 =	vor.u32 v12, v24  }
0x502: {  	v19 =	vor.u32 v14, v16;
	v13 =	vand.u32 $0xFFFFFF80, v13;
	v16 =	vor.u32 v34, v9;
	v9 =	vld.idx.msk [tilespmem:v11+s13+$0x0], $0xffff;
	[tilespmem:s22+$0x200] =	vst v26  }
0x503: {  	v11 =	vor.u32 v34, v13;
	v13 =	vadd.s32 v41, v50;
	v26 =	vadd.s32 v41, v51;
	[tilespmem:s11+$0x200] =	vst v7  }
0x504: {  	v13 =	vand.u32 $0xFFFFFF80, v13;
	v26 =	vand.u32 $0xFFFFFF80, v26;
	v1 =	vld.idx.msk [tilespmem:v25+s13+$0x0], $0xffff;
	[tilespmem:s1+$0x200] =	vst v0;
	v0 =	vadd.s32 v38, v49  }
0x505: {  	v25 =	vadd.s32 v38, v51;
	v23 =	vld.idx.msk [tilespmem:v27+s13+$0x0], $0xffff;
	[tilespmem:s8+$0x780] =	vst v3;
	v3 =	vand.u32 $0xFFFFFF80, v15;
	v15 =	vor.u32 v40, v13  }
0x506: {  	v0 =	vand.u32 $0xFFFFFF80, v0;
	v13 =	vor.u32 v40, v3;
	v3 =	vadd.s32 v38, v50  }
0x507: {  	v59 =	vld.idx.msk [tilespmem:v5+s13+$0x0], $0xffff;
	[tilespmem:s10+$0x200] =	vst v9;
	v5 =	vor.u32 v4, v0;
	v0 =	vand.u32 $0xFFFFFF80, v25;
	v3 =	vand.u32 $0xFFFFFF80, v3  }
0x508: {  	[tilespmem:s3+$0x580] =	vst v29;
	v9 =	vor.u32 v4, v3;
	v3 =	vor.u32 v4, v0;
	v0 =	vadd.s32 v63, v48  }
0x509: {  	p0 =	slt.u32 s5, $0x4C;
	s8 =	smov.u32 s22;
	v7 =	vor.u32 v40, v26;
	v26 =	vld.idx.msk [tilespmem:v28+s13+$0x0], $0xffff;
	[tilespmem:s4+$0x580] =	vst v31;
	v0 =	vand.u32 $0xFFFFFF00, v0  }
.Ltmp8:
0x50a: {  	[tilespmem:s8+$0x280] =	vst v23;
	v29 =	vor.u32 v14, v0;
	v0 =	vld.idx.msk [tilespmem:v60+s13+$0x0], $0xffff;
	(pc) =	sbr.rel @p0 .LBB2_15-.Ltmp8, $4  }
0x50b: {  	v28 =	vadd.s32 v39, v51;
	v27 =	vld.idx.msk [tilespmem:v24+s13+$0x0], $0xffff  }
0x50c: {  	v25 =	vadd.s32 v39, v49;
	v31 =	vand.u32 $0xFFFFFF80, v28;
	v23 =	vadd.s32 v39, v50;
	v24 =	vld.idx.msk [tilespmem:v61+s13+$0x0], $0xffff;
	[tilespmem:s11+$0x280] =	vst v1  }
0x50d: {  	v25 =	vand.u32 $0xFFFFFF80, v25;
	v63 =	vand.u32 $0xFFFFFF80, v23;
	v23 =	vld.idx.msk [tilespmem:v62+s13+$0x0], $0xffff;
	[tilespmem:s1+$0x280] =	vst v59;
	v59 =	vor.u32 v6, v31  }
0x50e: {  	v1 =	vor.u32 v6, v63;
	v63 =	vor.u32 v6, v25;
	v28 =	vld.idx.msk [tilespmem:v30+s13+$0x0], $0xffff;
	v25 =	vadd.s32 v36, v50  }
0x50f: {  	_ =	sdelay $0x2  }
0x510: {  	[tilespmem:s8+$0x300] =	vst v27  }
0x511: {  	v29 =	vld.idx.msk [tilespmem:v29+s13+$0x0], $0xffff;
	_ =	sdelay $0x3  }
0x512: {  	v2 =	vadd.s32 v37, v48;
	[tilespmem:s10+$0x280] =	vst v26  }
0x513: {  	v27 =	vand.u32 $0xFFFFFF80, v2;
	[tilespmem:s8+$0x380] =	vst v29  }
0x514: {  	v27 =	vor.u32 v34, v27;
	v26 =	vld [tilespmem:$0x1FE40]  }
0x515: {  	[tilespmem:s11+$0x300] =	vst v28  }
0x516: {  	v2 =	vld [tilespmem:$0x1FED0]  }
0x517: {  	v22 =	vld.idx.msk [tilespmem:v22+s13+$0x0], $0xffff  }
0x518: {  	v21 =	vld.idx.msk [tilespmem:v21+s13+$0x0], $0xffff  }
0x519: {  	v27 =	vld.idx.msk [tilespmem:v27+s13+$0x0], $0xffff;
	v26 =	vadd.s32 v26, v48  }
0x51a: {  	v26 =	vand.u32 $0xFFFFFF80, v26  }
0x51b: {  	v18 =	vld.idx.msk [tilespmem:v18+s13+$0x0], $0xffff;
	v26 =	vor.u32 v2, v26  }
0x51c: {  	[tilespmem:s1+$0x300] =	vst v22  }
0x51d: {  	[tilespmem:s10+$0x300] =	vst v21;
	v20 =	vld.idx.msk [tilespmem:v20+s13+$0x0], $0xffff  }
0x51e: {  	v19 =	vld.idx.msk [tilespmem:v19+s13+$0x0], $0xffff;
	[tilespmem:s8+$0x400] =	vst v27  }
0x51f: {  	v21 =	vld [tilespmem:$0x1FE50]  }
0x520: {  	[tilespmem:s11+$0x380] =	vst v18;
	v32 =	vld.idx.msk [tilespmem:v26+s13+$0x0], $0xffff  }
0x521: {  	v33 =	vld [tilespmem:$0x1FEE0];
	_ =	sdelay $0x1  }
0x522: {  	[tilespmem:s1+$0x380] =	vst v20  }
0x523: {  	[tilespmem:s10+$0x380] =	vst v19;
	v21 =	vadd.s32 v21, v48  }
0x524: {  	v21 =	vand.u32 $0xFFFFFF80, v21;
	[tilespmem:s8+$0x480] =	vst v32  }
0x525: {  	v35 =	vor.u32 v33, v21;
	v19 =	vld [tilespmem:$0x1FE60]  }
0x526: {  	v17 =	vld.idx.msk [tilespmem:v17+s13+$0x0], $0xffff  }
0x527: {  	v16 =	vld.idx.msk [tilespmem:v16+s13+$0x0], $0xffff;
	_ =	sdelay $0x1  }
0x528: {  	v11 =	vld.idx.msk [tilespmem:v11+s13+$0x0], $0xffff  }
0x529: {  	[tilespmem:s0+$0x600] =	vst v24;
	v18 =	vld.idx.msk [tilespmem:v35+s13+$0x0], $0xffff;
	v19 =	vadd.s32 v19, v48  }
0x52a: {  	[tilespmem:s11+$0x400] =	vst v17;
	v19 =	vand.u32 $0xFFFFFF80, v19  }
0x52b: {  	[tilespmem:s1+$0x400] =	vst v16;
	v15 =	vld.idx.msk [tilespmem:v15+s13+$0x0], $0xffff;
	v36 =	vor.u32 v6, v19  }
0x52c: {  	[tilespmem:s3+$0x600] =	vst v23;
	v13 =	vld.idx.msk [tilespmem:v13+s13+$0x0], $0xffff  }
0x52d: {  	[tilespmem:s10+$0x400] =	vst v11;
	v37 =	vld.idx.msk [tilespmem:v56+s13+$0x0], $0xffff  }
0x52e: {  	v7 =	vld.idx.msk [tilespmem:v7+s13+$0x0], $0xffff;
	[tilespmem:s8+$0x500] =	vst v18  }
0x52f: {  	v38 =	vld [tilespmem:$0x1FE80]  }
0x530: {  	[tilespmem:s4+$0x600] =	vst v0;
	v39 =	vld.idx.msk [tilespmem:v36+s13+$0x0], $0xffff  }
0x531: {  	[tilespmem:s11+$0x480] =	vst v15  }
0x532: {  	[tilespmem:s1+$0x480] =	vst v13  }
0x533: {  	[tilespmem:s0+$0x680] =	vst v37  }
0x534: {  	[tilespmem:s10+$0x480] =	vst v7;
	v11 =	vadd.s32 v38, v48  }
0x535: {  	v40 =	vld.idx.msk [tilespmem:v55+s13+$0x0], $0xffff;
	v11 =	vand.u32 $0xFFFFFF80, v11;
	[tilespmem:s8+$0x580] =	vst v39  }
0x536: {  	v11 =	vor.u32 v8, v11;
	v18 =	vld [tilespmem:$0x1FE70]  }
0x537: {  	v9 =	vld.idx.msk [tilespmem:v9+s13+$0x0], $0xffff  }
0x538: {  	v5 =	vld.idx.msk [tilespmem:v5+s13+$0x0], $0xffff  }
0x539: {  	v13 =	vld.idx.msk [tilespmem:v53+s13+$0x0], $0xffff  }
0x53a: {  	v3 =	vld.idx.msk [tilespmem:v3+s13+$0x0], $0xffff  }
0x53b: {  	[tilespmem:s3+$0x680] =	vst v40;
	v7 =	vld.idx.msk [tilespmem:v11+s13+$0x0], $0xffff;
	v41 =	vadd.s32 v18, v48  }
0x53c: {  	[tilespmem:s11+$0x500] =	vst v9;
	v0 =	vand.u32 $0xFFFFFF80, v41  }
0x53d: {  	v15 =	vld.idx.msk [tilespmem:v52+s13+$0x0], $0xffff;
	[tilespmem:s1+$0x500] =	vst v5;
	v0 =	vor.u32 v10, v0  }
0x53e: {  	v9 =	vand.u32 $0xFFFFFF80, v25;
	v11 =	vadd.s32 v38, v49;
	[tilespmem:s4+$0x680] =	vst v13;
	v1 =	vld.idx.msk [tilespmem:v1+s13+$0x0], $0xffff  }
0x53f: {  	v13 =	vadd.s32 v38, v51;
	[tilespmem:s10+$0x500] =	vst v3;
	v5 =	vor.u32 v8, v9;
	v9 =	vand.u32 $0xFFFFFF80, v11;
	v11 =	vld.idx.msk [tilespmem:v63+s13+$0x0], $0xffff  }
0x540: {  	v52 =	vand.u32 $0xFFFFFF80, v13;
	v13 =	vld.idx.msk [tilespmem:v59+s13+$0x0], $0xffff;
	[tilespmem:s8+$0x600] =	vst v7  }
0x541: {  	v17 =	vld [tilespmem:$0x1FE90]  }
0x542: {  	[tilespmem:s29+$0x700] =	vst v57;
	v0 =	vld.idx.msk [tilespmem:v0+s13+$0x0], $0xffff  }
0x543: {  	[tilespmem:s11+$0x580] =	vst v1  }
0x544: {  	[tilespmem:s1+$0x580] =	vst v11  }
0x545: {  	[tilespmem:s0+$0x700] =	vst v15  }
0x546: {  	v9 =	vor.u32 v8, v9;
	[tilespmem:s10+$0x580] =	vst v13  }
0x547: {  	v3 =	vor.u32 v8, v52;
	v7 =	vadd.s32 v17, v48;
	[tilespmem:s8+$0x680] =	vst v0  }
0x548: {  	v7 =	vand.u32 $0xFFFFFF80, v7;
	v56 =	vld [tilespmem:$0x1FEB0]  }
0x549: {  	v53 =	vadd.s32 v18, v50;
	v5 =	vld.idx.msk [tilespmem:v5+s13+$0x0], $0xffff;
	v7 =	vor.u32 v12, v7  }
0x54a: {  	v55 =	vadd.s32 v18, v49;
	v16 =	vand.u32 $0xFFFFFF80, v53  }
0x54b: {  	v1 =	vand.u32 $0xFFFFFF80, v55;
	v11 =	vor.u32 v10, v16;
	v9 =	vld.idx.msk [tilespmem:v9+s13+$0x0], $0xffff  }
0x54c: {  	v15 =	vadd.s32 v18, v51;
	v1 =	vor.u32 v10, v1;
	v3 =	vld.idx.msk [tilespmem:v3+s13+$0x0], $0xffff  }
0x54d: {  	v13 =	vand.u32 $0xFFFFFF80, v15;
	[tilespmem:s31+$0x780] =	vst v54;
	v57 =	vadd.s32 v56, v48  }
0x54e: {  	v13 =	vor.u32 v10, v13;
	v7 =	vld.idx.msk [tilespmem:v7+s13+$0x0], $0xffff;
	[tilespmem:s11+$0x600] =	vst v5;
	v0 =	vand.u32 $0xFFFFFF80, v57  }
0x54f: {  	v15 =	vadd.s32 v17, v50;
	[tilespmem:s30+$0x780] =	vst v58;
	v58 =	vld.idx.msk [tilespmem:v44+s13+$0x0], $0xffff;
	v0 =	vor.u32 v14, v0  }
0x550: {  	v5 =	vand.u32 $0xFFFFFF80, v15;
	v15 =	vadd.s32 v17, v49;
	[tilespmem:s1+$0x600] =	vst v9;
	v11 =	vld.idx.msk [tilespmem:v11+s13+$0x0], $0xffff  }
0x551: {  	[tilespmem:s10+$0x600] =	vst v3;
	v9 =	vand.u32 $0xFFFFFF80, v15;
	v1 =	vld.idx.msk [tilespmem:v1+s13+$0x0], $0xffff;
	v15 =	vadd.s32 v17, v51  }
0x552: {  	[tilespmem:s28+$0x780] =	vst v47;
	v59 =	vand.u32 $0xFFFFFF80, v15;
	v15 =	vld.idx.msk [tilespmem:v45+s13+$0x0], $0xffff  }
0x553: {  	v5 =	vor.u32 v12, v5;
	[tilespmem:s8+$0x700] =	vst v7;
	v7 =	vld.idx.msk [tilespmem:v13+s13+$0x0], $0xffff  }
0x554: {  	v9 =	vor.u32 v12, v9;
	[tilespmem:s3+$0x700] =	vst v58;
	v0 =	vld.idx.msk [tilespmem:v0+s13+$0x0], $0xffff  }
0x555: {  	[tilespmem:s11+$0x680] =	vst v11  }
0x556: {  	v3 =	vor.u32 v12, v59;
	[tilespmem:s1+$0x680] =	vst v1  }
0x557: {  	v13 =	vadd.s32 v56, v50;
	[tilespmem:s4+$0x700] =	vst v15  }
0x558: {  	v11 =	vand.u32 $0xFFFFFF80, v13;
	v13 =	vadd.s32 v56, v49;
	v60 =	vld.idx.msk [tilespmem:v5+s13+$0x0], $0xffff;
	[tilespmem:s10+$0x680] =	vst v7  }
0x559: {  	v5 =	vand.u32 $0xFFFFFF80, v13;
	v9 =	vld.idx.msk [tilespmem:v9+s13+$0x0], $0xffff;
	v13 =	vadd.s32 v56, v51;
	[tilespmem:s8+$0x780] =	vst v0  }
0x55a: {  	v11 =	vor.u32 v14, v11;
	v7 =	vand.u32 $0xFFFFFF80, v13;
	v13 =	vld [tilespmem:$0x1FC70]  }
0x55b: {  	v5 =	vor.u32 v14, v5;
	v62 =	vld.idx.msk [tilespmem:v3+s13+$0x0], $0xffff  }
0x55c: {  	v61 =	vld.idx.msk [tilespmem:v46+s13+$0x0], $0xffff;
	v63 =	vor.u32 v14, v7  }
0x55d: {  	v7 =	vld.idx.msk [tilespmem:v43+s13+$0x0], $0xffff;
	[tilespmem:s11+$0x700] =	vst v60  }
0x55e: {  	[tilespmem:s1+$0x700] =	vst v9;
	v9 =	vld.idx.msk [tilespmem:v42+s13+$0x0], $0xffff  }
0x55f: {  	v1 =	vld.idx.msk [tilespmem:v11+s13+$0x0], $0xffff  }
0x560: {  	[tilespmem:s10+$0x700] =	vst v62;
	v5 =	vld.idx.msk [tilespmem:v5+s13+$0x0], $0xffff  }
0x561: {  	[tilespmem:s0+$0x780] =	vst v61;
	v0 =	vld.idx.msk [tilespmem:v63+s13+$0x0], $0xffff  }
0x562: {  	s25 =	sadd.s32 $0x1, s25;
	[tilespmem:s3+$0x780] =	vst v7;
	v13 =	vld.idx.msk [tilespmem:v13+s13+$0x0], $0xffff  }
0x563: {  	p0 =	sne.s32 s25, $0xA;
	[tilespmem:s4+$0x780] =	vst v9  }
.Ltmp9:
0x564: {  	s31 =	sshll.u32 s26, $0x12;
	[tilespmem:s11+$0x780] =	vst v1;
	(pc) =	sbr.rel @p0 .LBB2_12-.Ltmp9, $4  }
0x565: {  	s0 =	sadd.s32 s23, s31;
	[tilespmem:s1+$0x780] =	vst v5  }
0x566: {  	s0 =	sshrl.u32 s0, $0x3;
	[tilespmem:s10+$0x780] =	vst v0  }
0x567: {  	s0 =	sadd.s32 s2, s0;
	[tilespmem:s29+$0x780] =	vst v13  }
0x568: {  	[hbm4b:s0+s14] =	stream.strided.scatter [tilespmem:s17], [sflag:$0x2], $0x5000, s15, s14, $0x38;
	[tilespmem:$0x1F280] =	vst v63  }
0x569: {  	s0 =	simm.s32 $0x1  }
0x56a: {  	_ =	swait.ge [sflag:s0], $0x5000  }
0x56b: {  	[sflag:s0] =	ssyncset.done $0x0  }
0x56c: {  	s31 =	simm.s32 $0x2;
	[sflag:s0] =	ssyncadd.s32 $0xFFFFB000  }
0x56d: {  	_ =	swait.ge [sflag:s31], $0x5000  }
0x56e: {  	v23 =	vld [tilespmem:$0x1FEF0]  }
0x56f: {  	v24 =	vld [tilespmem:$0x1FF00]  }
0x570: {  	v35 =	vld [tilespmem:$0x1FF10]  }
0x571: {  	v36 =	vld [tilespmem:$0x1FF20]  }
0x572: {  	v37 =	vld [tilespmem:$0x1FF30]  }
0x573: {  	v38 =	vld [tilespmem:$0x1FF40]  }
0x574: {  	v39 =	vld [tilespmem:$0x1FF50]  }
0x575: {  	v40 =	vld [tilespmem:$0x1FF60]  }
0x576: {  	v41 =	vld [tilespmem:$0x1FF70]  }
0x577: {  	s5 =	rddreg [dreg:$0x9];
	v42 =	vld [tilespmem:$0x1FF80]  }
0x578: {  	v43 =	vld [tilespmem:$0x1FF90];
	s5 =	sadd.s32 $0x1, s5  }
0x579: {  	v44 =	vld [tilespmem:$0x1FFA0];
	p0 =	sne.s32 s5, $0x4  }
.Ltmp10:
0x57a: {  	v45 =	vld [tilespmem:$0x1FFB0];
	(pc) =	sbr.rel @p0 .LBB2_4-.Ltmp10, $4  }
.Ltmp11:
0x57b: {  	v48 =	vld [tilespmem:$0x1FFE0];
	(pc) =	sbr.rel @!p0 .LBB2_18-.Ltmp11, $4  }
0x57c: {  	v49 =	vld [tilespmem:$0x1FFF0]  }
0x57d: {  	[sflag:s31] =	ssyncset.done $0x0;
	v46 =	vld [tilespmem:$0x1FFC0]  }
0x57e: {  	v47 =	vld [tilespmem:$0x1FFD0];
	[sflag:s31] =	ssyncadd.s32 $0xFFFFB000  }
0x57f: {  	_ = 	snop  }
.LBB2_5:
.Ltmp12:
0x580: {  	(pc) =	sbr.rel .LBB2_9-.Ltmp12, $2  }
0x581: {  	_ =	sdelay $0x2  }
0x582: {  	s1 =	simm.s32 $0x6700  }
.LBB2_7:
.Ltmp13:
0x583: {  	(pc) =	sbr.rel .LBB2_9-.Ltmp13, $2  }
0x584: {  	_ =	sdelay $0x2  }
0x585: {  	s1 =	simm.s32 $0x6700  }
.LBB2_19:
0x586: {  	_ =	sfence.sel $0x180000  }
0x587: {  	[bflag:$0x0] =	sbarrier.arrive $0xFFFF  }
0x588: {  	_ =	strace $0x90000047  }
0x589: {  	s0 =	stileid.u32;
	[bflag:$0x2] =	sbarrier.arrive $0xFFFF  }
0x58a: {  	p0 =	sne.s32 s0, $0x0;
	s0 =	rddreg [dreg:$0x3]  }
0x58b: {  	s0 =	sadd.s32 @!p0 $0x100000, s0  }
0x58c: {  	[sflag:s0] =	ssyncadd.tile.s32 @!p0 $0x1;
	_ =	shalt  }
.Lfunc_end2:
_tile_overlayer_lowered:
.L_overlay_start_2:
0x58d: {  	(tag) =	ssettag $0x2  }
0x58e: {  	s0 =	rddreg [dreg:$0x0];
	s2 =	stileid.u32  }
0x58f: {  	s1 =	rddreg [dreg:$0x1];
	p0 =	sne.s32 s2, $0x0  }
0x590: {  	s3 =	rddreg [dreg:$0x2];
	[bflag:$0x3] =	sbarrier.arrive $0xFFFF;
	s2 =	simm.s32 @!p0 $0x1C03  }
0x591: {  	[timem:s3], [sflag:s2] =	dma.local @!p0 [hbm:s0], s1  }
0x592: {  	s0 =	simm.s32 @!p0 $0x3  }
0x593: {  	_ =	swait.ge @!p0 [sflag:s0], s1  }
0x594: {  	s1 =	ssub.s32 @!p0 $0x0, s1;
	[sflag:s0] =	ssyncset.done @!p0 $0x0  }
0x595: {  	[sflag:s0] =	ssyncadd.s32 @!p0 s1  }
0x596: {  	[bflag:$0x3] =	sbarrier.arrive $0xFFFF  }
0x597: {  	_ =	shalt  }

</sc_bundles>
